<compile_context>
chip_gen: v7x
topology: tpu7x:2x2x1
jax: 0.10.2.dev20260603
libtpu: 0.0.44.dev20260713+nightly
codegen_flags: <defaults>
</compile_context>

<pallas_src>
import functools

import jax
import jax.numpy as jnp
from jax import lax
from jax.experimental import pallas as pl
from jax.experimental.pallas import tpu as pltpu
from jax.experimental.pallas import tpu_sc as plsc

_B = 16384
_F = 32
_NC = 2
_NS = 16
_NW = _NC * _NS
_BPW = _B // _NW
_CHUNK = 16
_NCH = _BPW // _CHUNK


def _make_mf():
    mesh = plsc.VectorSubcoreMesh(core_axis_name="c", subcore_axis_name="s")

    @functools.partial(
        pl.kernel,
        mesh=mesh,
        out_type=jax.ShapeDtypeStruct((_B,), jnp.float32),
        compiler_params=pltpu.CompilerParams(
            needs_layout_passes=False, use_tc_tiling_on_sc=True),
        scratch_types=[
            pltpu.VMEM((_BPW,), jnp.int32),
            pltpu.VMEM((_BPW,), jnp.int32),
            pltpu.VMEM((_BPW,), jnp.int32),
            pltpu.VMEM((_BPW,), jnp.int32),
            pltpu.VMEM((3, _CHUNK, 8, _F), jnp.float32),
            pltpu.VMEM((3, _CHUNK, 8, _F), jnp.float32),
            pltpu.VMEM((_BPW,), jnp.float32),
            pltpu.VMEM((_F,), jnp.float32),
            pltpu.VMEM((16,), jnp.float32),
            pltpu.SemaphoreType.DMA,
            pltpu.SemaphoreType.DMA,
        ],
    )
    def mf(u_hbm, i_hbm, ue_hbm, ie_hbm, w_hbm, b_hbm, out_hbm,
           uidx, iidx, su, si, ubuf, ibuf, outv, wv, bv,
           sem_u, sem_i):
        wid = lax.axis_index("s") * _NC + lax.axis_index("c")
        base = wid * _BPW
        pltpu.sync_copy(u_hbm.at[pl.ds(base, _BPW)], uidx)
        pltpu.sync_copy(i_hbm.at[pl.ds(base, _BPW)], iidx)
        pltpu.sync_copy(w_hbm, wv)
        pltpu.sync_copy(b_hbm, bv)

        iota = lax.iota(jnp.int32, 16)
        w_lo = wv[pl.ds(0, 16)]
        w_hi = wv[pl.ds(16, 16)]
        b0 = bv[pl.ds(0, 16)][0]

        def split(q, carry):
            o = q * 16
            su[pl.ds(o, 16)] = lax.bitwise_and(uidx[pl.ds(o, 16)], 7)
            si[pl.ds(o, 16)] = lax.bitwise_and(iidx[pl.ds(o, 16)], 7)
            return carry

        lax.fori_loop(0, _BPW // 16, split, 0, unroll=2)

        def fire(c, slot):
            o = c * _CHUNK
            tv_u = lax.shift_right_logical(uidx[pl.ds(o, 16)], 3)
            tv_i = lax.shift_right_logical(iidx[pl.ds(o, 16)], 3)
            for j in range(16):
                pltpu.async_copy(ue_hbm.at[tv_u[j]], ubuf.at[slot, j],
                                 sem_u)
                pltpu.async_copy(ie_hbm.at[tv_i[j]], ibuf.at[slot, j],
                                 sem_i)

        def drain(slot):
            pltpu.make_async_copy(ue_hbm.at[pl.ds(0, _CHUNK)],
                                  ubuf.at[slot], sem_u).wait()
            pltpu.make_async_copy(ie_hbm.at[pl.ds(0, _CHUNK)],
                                  ibuf.at[slot], sem_i).wait()

        fire(0, 0)
        fire(1, 1)

        def chunk(c, carry):
            slot = lax.rem(c, 3)

            @pl.when(c < _NCH - 2)
            def _():
                fire(c + 2, lax.rem(c + 2, 3))

            drain(slot)
            o = c * _CHUNK
            kvec = iota
            sv_u = su[pl.ds(o, 16)]
            sv_i = si[pl.ds(o, 16)]
            slot_v = jnp.full((16,), slot, jnp.int32)
            acc = jnp.zeros((16,), jnp.float32)
            for f in range(_F):
                fvec = jnp.full((16,), f, jnp.int32)
                cu = plsc.load_gather(ubuf, [slot_v, kvec, sv_u, fvec])
                ci = plsc.load_gather(ibuf, [slot_v, kvec, sv_i, fvec])
                wf = w_lo[f] if f < 16 else w_hi[f - 16]
                acc = acc + cu * ci * wf
            outv[pl.ds(o, 16)] = jnp.maximum(acc + b0, 0.0)
            return carry

        lax.fori_loop(0, _NCH, chunk, 0)

        pltpu.sync_copy(outv, out_hbm.at[pl.ds(base, _BPW)])

    return mf


_mf = _make_mf()


def kernel(u, i, users_emb, items_emb, W, b):
    ue3 = users_emb.reshape(-1, 8, _F)
    ie3 = items_emb.reshape(-1, 8, _F)
    w = W.reshape(_F)
    bp = jnp.pad(b, (0, 15))
    out = _mf(u, i, ue3, ie3, w, bp)
    return out.reshape(_B, 1)

# --- scband reference (transcript-rebuilt; emitter-appended) ---
"""Pipeline reference for scband-mf-68393059222200 (READ-ONLY COPY).

The authoritative reference and input builder live on the scoring server;
editing this copy changes nothing except your own understanding.
"""

import jax, jax.numpy as jnp
import numpy as np

N_USERS = 1000000
N_ITEMS = 100000
N_FACTORS = 32
BATCH = 16384


def setup_inputs(seed: int = 0) -> dict:
    key = jax.random.key(seed)
    k_u, k_i, k_ue, k_ie, k_w, k_b = jax.random.split(key, 6)
    u = jax.random.randint(k_u, (BATCH,), 0, N_USERS, dtype=jnp.int64 if jax.config.jax_enable_x64 else jnp.int32).astype(jnp.int32)
    i = jax.random.randint(k_i, (BATCH,), 0, N_ITEMS, dtype=jnp.int64 if jax.config.jax_enable_x64 else jnp.int32).astype(jnp.int32)
    users_emb = jax.random.normal(k_ue, (N_USERS, N_FACTORS), dtype=jnp.float32)
    items_emb = jax.random.normal(k_ie, (N_ITEMS, N_FACTORS), dtype=jnp.float32)
    # nn.Linear(in_features=n_factors, out_features=1): weight [1, n_factors], bias [1]
    bound = 1.0 / np.sqrt(N_FACTORS)
    W = jax.random.uniform(k_w, (1, N_FACTORS), minval=-bound, maxval=bound, dtype=jnp.float32)
    b = jax.random.uniform(k_b, (1,), minval=-bound, maxval=bound, dtype=jnp.float32)
    return {"u": u, "i": i, "users_emb": users_emb, "items_emb": items_emb, "W": W, "b": b}


def reference(u, i, users_emb, items_emb, W, b):
    # user_factor = users_emb(u); item_factor = items_emb(i)
    user_factor = jnp.take(users_emb, u, axis=0)   # [B, F]
    item_factor = jnp.take(items_emb, i, axis=0)   # [B, F]
    p = user_factor * item_factor                   # elementwise mul
    p = p @ W.T + b                                 # Linear(n_factors -> 1)
    return jax.nn.relu(p)                           # [B, 1]

if __name__ == "__main__":
    import jax
    _d = setup_inputs()
    print(jax.jit(kernel)(*tuple(_d.values())))

</pallas_src>

<mosaic_0001>
#map = affine_map<(d0, d1) -> (0)>
#map1 = affine_map<(d0, d1) -> (0, 0, 0)>
module attributes {stable_mosaic.version = 14 : i64} {
  func.func @mf(%arg0: i32, %arg1: i32, %arg2: memref<16384xi32, #tpu.memory_space<hbm>>, %arg3: memref<16384xi32, #tpu.memory_space<hbm>>, %arg4: memref<125000x8x32xf32, #tpu.memory_space<hbm>>, %arg5: memref<12500x8x32xf32, #tpu.memory_space<hbm>>, %arg6: memref<32xf32, #tpu.memory_space<hbm>>, %arg7: memref<16xf32, #tpu.memory_space<hbm>>, %arg8: memref<16384xf32, #tpu.memory_space<hbm>>, %arg9: memref<512xi32, #tpu.memory_space<vmem>>, %arg10: memref<512xi32, #tpu.memory_space<vmem>>, %arg11: memref<512xi32, #tpu.memory_space<vmem>>, %arg12: memref<512xi32, #tpu.memory_space<vmem>>, %arg13: memref<3x16x8x32xf32, #tpu.memory_space<vmem>>, %arg14: memref<3x16x8x32xf32, #tpu.memory_space<vmem>>, %arg15: memref<512xf32, #tpu.memory_space<vmem>>, %arg16: memref<32xf32, #tpu.memory_space<vmem>>, %arg17: memref<16xf32, #tpu.memory_space<vmem>>, %arg18: memref<!tpu.dma_semaphore, #tpu.memory_space<semaphore_mem>>, %arg19: memref<!tpu.dma_semaphore, #tpu.memory_space<semaphore_mem>>) attributes {dimension_semantics = [#tpu.dimension_semantics<core_parallel>, #tpu.dimension_semantics<subcore_parallel>], iteration_bounds = array<i64: 2, 16>, scalar_prefetch = 0 : i64, scratch_operands = 11 : i64, tpu.core_type = #tpu.core_type<sc_vector_subcore>, window_params = [{transform_indices = #map}, {transform_indices = #map}, {transform_indices = #map1}, {transform_indices = #map1}, {transform_indices = #map}, {transform_indices = #map}, {transform_indices = #map}]} {
    %mul3A = arith.constant 2 : i32
    %mul3A_0 = arith.muli %arg1, %mul3A : i32
    %add3A = arith.addi %mul3A_0, %arg0 : i32
    %mul3A_1 = arith.constant 512 : i32
    %mul3A_2 = arith.muli %add3A, %mul3A_1 : i32
    "tpu.region"() ({
      %run_scoped3A = tpu.sem_alloc : memref<!tpu.dma_semaphore, #tpu.memory_space<semaphore_mem>>
      %dma_start3A_1317 = tpu.memref_slice %arg2[%mul3A_2] : memref<16384xi32, #tpu.memory_space<hbm>> -> memref<512xi32, #tpu.memory_space<hbm>>
      %dma_start3A_1318 = tpu.memref_slice %arg2[%mul3A_2] : memref<16384xi32, #tpu.memory_space<hbm>> -> memref<512xi32, #tpu.memory_space<hbm>>
      tpu.enqueue_dma source(%dma_start3A_1318 : memref<512xi32, #tpu.memory_space<hbm>>) target(%arg9 : memref<512xi32, #tpu.memory_space<vmem>>) target_semaphore(%run_scoped3A : memref<!tpu.dma_semaphore, #tpu.memory_space<semaphore_mem>>)
      %dma_wait3A = tpu.memref_slice %arg2[%mul3A_2] : memref<16384xi32, #tpu.memory_space<hbm>> -> memref<512xi32, #tpu.memory_space<hbm>>
      %dma_wait3A_1319 = tpu.memref_slice %arg2[%mul3A_2] : memref<16384xi32, #tpu.memory_space<hbm>> -> memref<512xi32, #tpu.memory_space<hbm>>
      tpu.wait_dma2 semaphore(%run_scoped3A : memref<!tpu.dma_semaphore, #tpu.memory_space<semaphore_mem>>) src(%dma_wait3A_1319 : memref<512xi32, #tpu.memory_space<hbm>>) dst(%arg9 : memref<512xi32, #tpu.memory_space<vmem>>)
      tpu.yield
    }) : () -> ()
    "tpu.region"() ({
      %run_scoped3A = tpu.sem_alloc : memref<!tpu.dma_semaphore, #tpu.memory_space<semaphore_mem>>
      %dma_start3A_1317 = tpu.memref_slice %arg3[%mul3A_2] : memref<16384xi32, #tpu.memory_space<hbm>> -> memref<512xi32, #tpu.memory_space<hbm>>
      %dma_start3A_1318 = tpu.memref_slice %arg3[%mul3A_2] : memref<16384xi32, #tpu.memory_space<hbm>> -> memref<512xi32, #tpu.memory_space<hbm>>
      tpu.enqueue_dma source(%dma_start3A_1318 : memref<512xi32, #tpu.memory_space<hbm>>) target(%arg10 : memref<512xi32, #tpu.memory_space<vmem>>) target_semaphore(%run_scoped3A : memref<!tpu.dma_semaphore, #tpu.memory_space<semaphore_mem>>)
      %dma_wait3A = tpu.memref_slice %arg3[%mul3A_2] : memref<16384xi32, #tpu.memory_space<hbm>> -> memref<512xi32, #tpu.memory_space<hbm>>
      %dma_wait3A_1319 = tpu.memref_slice %arg3[%mul3A_2] : memref<16384xi32, #tpu.memory_space<hbm>> -> memref<512xi32, #tpu.memory_space<hbm>>
      tpu.wait_dma2 semaphore(%run_scoped3A : memref<!tpu.dma_semaphore, #tpu.memory_space<semaphore_mem>>) src(%dma_wait3A_1319 : memref<512xi32, #tpu.memory_space<hbm>>) dst(%arg10 : memref<512xi32, #tpu.memory_space<vmem>>)
      tpu.yield
    }) : () -> ()
    "tpu.region"() ({
      %run_scoped3A = tpu.sem_alloc : memref<!tpu.dma_semaphore, #tpu.memory_space<semaphore_mem>>
      tpu.enqueue_dma source(%arg6 : memref<32xf32, #tpu.memory_space<hbm>>) target(%arg16 : memref<32xf32, #tpu.memory_space<vmem>>) target_semaphore(%run_scoped3A : memref<!tpu.dma_semaphore, #tpu.memory_space<semaphore_mem>>)
      tpu.wait_dma2 semaphore(%run_scoped3A : memref<!tpu.dma_semaphore, #tpu.memory_space<semaphore_mem>>) src(%arg6 : memref<32xf32, #tpu.memory_space<hbm>>) dst(%arg16 : memref<32xf32, #tpu.memory_space<vmem>>)
      tpu.yield
    }) : () -> ()
    "tpu.region"() ({
      %run_scoped3A = tpu.sem_alloc : memref<!tpu.dma_semaphore, #tpu.memory_space<semaphore_mem>>
      tpu.enqueue_dma source(%arg7 : memref<16xf32, #tpu.memory_space<hbm>>) target(%arg17 : memref<16xf32, #tpu.memory_space<vmem>>) target_semaphore(%run_scoped3A : memref<!tpu.dma_semaphore, #tpu.memory_space<semaphore_mem>>)
      tpu.wait_dma2 semaphore(%run_scoped3A : memref<!tpu.dma_semaphore, #tpu.memory_space<semaphore_mem>>) src(%arg7 : memref<16xf32, #tpu.memory_space<hbm>>) dst(%arg17 : memref<16xf32, #tpu.memory_space<vmem>>)
      tpu.yield
    }) : () -> ()
    %iota3A = tpu.iota {dimensions = array<i32: 0>} : vector<16xi32>
    %get3A = arith.constant 0 : index
    %get3A_3 = tpu.vector_load %arg16[%get3A] {strides = array<i32>} : memref<32xf32, #tpu.memory_space<vmem>>, vector<16xf32>,
    %get3A_4 = arith.constant 16 : index
    %get3A_5 = tpu.vector_load %arg16[%get3A_4] {strides = array<i32>} : memref<32xf32, #tpu.memory_space<vmem>>, vector<16xf32>,
    %get3A_6 = arith.constant 0 : index
    %get3A_7 = tpu.vector_load %arg17[%get3A_6] {strides = array<i32>} : memref<16xf32, #tpu.memory_space<vmem>>, vector<16xf32>,
    %slice3A = vector.extract_strided_slice %get3A_7 {offsets = [0], sizes = [1], strides = [1]} : vector<16xf32> to vector<1xf32>
    %squeeze3A = vector.extract %slice3A[0] : f32 from vector<1xf32>
    %scan3A = arith.constant 0 : i32
    %scan3A_8 = arith.constant 0 : i32
    %scan3A_9 = arith.constant 32 : i32
    %scan3A_10 = arith.addi %scan3A_8, %scan3A_9 : i32
    %scan3A_11 = arith.constant 2 : i32
    scf.for %scan3A_1317 = %scan3A_8 to %scan3A_10 step %scan3A_11  : i32 {
      %mul3A_1318 = arith.constant 16 : i32
      %mul3A_1319 = arith.muli %scan3A_1317, %mul3A_1318 : i32
      %get3A_1320 = arith.index_cast %mul3A_1319 : i32 to index
      %get3A_1321 = tpu.vector_load %arg9[%get3A_1320] {strides = array<i32>} : memref<512xi32, #tpu.memory_space<vmem>>, vector<16xi32>,
      %and3A = arith.constant 7 : i32
      %and3A_1322 = vector.broadcast %and3A : i32 to vector<16xi32>
      %and3A_1323 = arith.andi %get3A_1321, %and3A_1322 : vector<16xi32>
      %swap3A = arith.index_cast %mul3A_1319 : i32 to index
      %swap3A_1324 = tpu.vector_load %arg11[%swap3A] {strides = array<i32>} : memref<512xi32, #tpu.memory_space<vmem>>, vector<16xi32>,
      tpu.vector_store %arg11[%swap3A], %and3A_1323 {strides = array<i32>} : memref<512xi32, #tpu.memory_space<vmem>>, vector<16xi32>,
      %get3A_1325 = arith.index_cast %mul3A_1319 : i32 to index
      %get3A_1326 = tpu.vector_load %arg10[%get3A_1325] {strides = array<i32>} : memref<512xi32, #tpu.memory_space<vmem>>, vector<16xi32>,
      %and3A_1327 = arith.constant 7 : i32
      %and3A_1328 = vector.broadcast %and3A_1327 : i32 to vector<16xi32>
      %and3A_1329 = arith.andi %get3A_1326, %and3A_1328 : vector<16xi32>
      %swap3A_1330 = arith.index_cast %mul3A_1319 : i32 to index
      %swap3A_1331 = tpu.vector_load %arg12[%swap3A_1330] {strides = array<i32>} : memref<512xi32, #tpu.memory_space<vmem>>, vector<16xi32>,
      tpu.vector_store %arg12[%swap3A_1330], %and3A_1329 {strides = array<i32>} : memref<512xi32, #tpu.memory_space<vmem>>, vector<16xi32>,
      %scan3A_1332 = arith.constant 1 : i32
      %scan3A_1333 = arith.addi %scan3A_1317, %scan3A_1332 : i32
      %mul3A_1334 = arith.constant 16 : i32
      %mul3A_1335 = arith.muli %scan3A_1333, %mul3A_1334 : i32
      %get3A_1336 = arith.index_cast %mul3A_1335 : i32 to index
      %get3A_1337 = tpu.vector_load %arg9[%get3A_1336] {strides = array<i32>} : memref<512xi32, #tpu.memory_space<vmem>>, vector<16xi32>,
      %and3A_1338 = arith.constant 7 : i32
      %and3A_1339 = vector.broadcast %and3A_1338 : i32 to vector<16xi32>
      %and3A_1340 = arith.andi %get3A_1337, %and3A_1339 : vector<16xi32>
      %swap3A_1341 = arith.index_cast %mul3A_1335 : i32 to index
      %swap3A_1342 = tpu.vector_load %arg11[%swap3A_1341] {strides = array<i32>} : memref<512xi32, #tpu.memory_space<vmem>>, vector<16xi32>,
      tpu.vector_store %arg11[%swap3A_1341], %and3A_1340 {strides = array<i32>} : memref<512xi32, #tpu.memory_space<vmem>>, vector<16xi32>,
      %get3A_1343 = arith.index_cast %mul3A_1335 : i32 to index
      %get3A_1344 = tpu.vector_load %arg10[%get3A_1343] {strides = array<i32>} : memref<512xi32, #tpu.memory_space<vmem>>, vector<16xi32>,
      %and3A_1345 = arith.constant 7 : i32
      %and3A_1346 = vector.broadcast %and3A_1345 : i32 to vector<16xi32>
      %and3A_1347 = arith.andi %get3A_1344, %and3A_1346 : vector<16xi32>
      %swap3A_1348 = arith.index_cast %mul3A_1335 : i32 to index
      %swap3A_1349 = tpu.vector_load %arg12[%swap3A_1348] {strides = array<i32>} : memref<512xi32, #tpu.memory_space<vmem>>, vector<16xi32>,
      tpu.vector_store %arg12[%swap3A_1348], %and3A_1347 {strides = array<i32>} : memref<512xi32, #tpu.memory_space<vmem>>, vector<16xi32>,
    }
    %scan3A_12 = arith.constant 32 : i32
    %get3A_13 = arith.constant 0 : index
    %get3A_14 = tpu.vector_load %arg9[%get3A_13] {strides = array<i32>} : memref<512xi32, #tpu.memory_space<vmem>>, vector<16xi32>,
    %shift_right_logical3A = arith.constant 3 : i32
    %shift_right_logical3A_15 = vector.broadcast %shift_right_logical3A : i32 to vector<16xi32>
    %shift_right_logical3A_16 = arith.shrui %get3A_14, %shift_right_logical3A_15 : vector<16xi32>
    %get3A_17 = arith.constant 0 : index
    %get3A_18 = tpu.vector_load %arg10[%get3A_17] {strides = array<i32>} : memref<512xi32, #tpu.memory_space<vmem>>, vector<16xi32>,
    %shift_right_logical3A_19 = arith.constant 3 : i32
    %shift_right_logical3A_20 = vector.broadcast %shift_right_logical3A_19 : i32 to vector<16xi32>
    %shift_right_logical3A_21 = arith.shrui %get3A_18, %shift_right_logical3A_20 : vector<16xi32>
    %slice3A_22 = vector.extract_strided_slice %shift_right_logical3A_16 {offsets = [0], sizes = [1], strides = [1]} : vector<16xi32> to vector<1xi32>
    %squeeze3A_23 = vector.extract %slice3A_22[0] : i32 from vector<1xi32>
    %dma_start3A = arith.constant 0 : i32
    %dma_start3A_24 = arith.constant 0 : i32
    %dma_start3A_25 = arith.constant 0 : i32
    %dma_start3A_26 = arith.constant 0 : i32
    %dma_start3A_27 = tpu.memref_slice %arg13[%dma_start3A, %dma_start3A_24, %dma_start3A_25, %dma_start3A_26] : memref<3x16x8x32xf32, #tpu.memory_space<vmem>> -> memref<1x1x8x32xf32, #tpu.memory_space<vmem>>
    %dma_start3A_28 = tpu.memref_squeeze %dma_start3A_27 : memref<1x1x8x32xf32, #tpu.memory_space<vmem>> -> memref<8x32xf32, #tpu.memory_space<vmem>>
    %dma_start3A_29 = arith.constant 0 : i32
    %dma_start3A_30 = arith.constant 0 : i32
    %dma_start3A_31 = tpu.memref_slice %arg4[%squeeze3A_23, %dma_start3A_29, %dma_start3A_30] : memref<125000x8x32xf32, #tpu.memory_space<hbm>> -> memref<1x8x32xf32, #tpu.memory_space<hbm>>
    %dma_start3A_32 = tpu.memref_squeeze %dma_start3A_31 : memref<1x8x32xf32, #tpu.memory_space<hbm>> -> memref<8x32xf32, #tpu.memory_space<hbm>>
    %dma_start3A_33 = arith.constant 0 : i32
    %dma_start3A_34 = arith.constant 0 : i32
    %dma_start3A_35 = tpu.memref_slice %arg13[%dma_start3A, %dma_start3A_24, %dma_start3A_33, %dma_start3A_34] : memref<3x16x8x32xf32, #tpu.memory_space<vmem>> -> memref<1x1x8x32xf32, #tpu.memory_space<vmem>>
    %dma_start3A_36 = tpu.memref_squeeze %dma_start3A_35 : memref<1x1x8x32xf32, #tpu.memory_space<vmem>> -> memref<8x32xf32, #tpu.memory_space<vmem>>
    %dma_start3A_37 = arith.constant 0 : i32
    %dma_start3A_38 = arith.constant 0 : i32
    %dma_start3A_39 = tpu.memref_slice %arg4[%squeeze3A_23, %dma_start3A_37, %dma_start3A_38] : memref<125000x8x32xf32, #tpu.memory_space<hbm>> -> memref<1x8x32xf32, #tpu.memory_space<hbm>>
    %dma_start3A_40 = tpu.memref_squeeze %dma_start3A_39 : memref<1x8x32xf32, #tpu.memory_space<hbm>> -> memref<8x32xf32, #tpu.memory_space<hbm>>
    tpu.enqueue_dma source(%dma_start3A_40 : memref<8x32xf32, #tpu.memory_space<hbm>>) target(%dma_start3A_36 : memref<8x32xf32, #tpu.memory_space<vmem>>) target_semaphore(%arg18 : memref<!tpu.dma_semaphore, #tpu.memory_space<semaphore_mem>>)
    %slice3A_41 = vector.extract_strided_slice %shift_right_logical3A_21 {offsets = [0], sizes = [1], strides = [1]} : vector<16xi32> to vector<1xi32>
    %squeeze3A_42 = vector.extract %slice3A_41[0] : i32 from vector<1xi32>
    %dma_start3A_43 = arith.constant 0 : i32
    %dma_start3A_44 = arith.constant 0 : i32
    %dma_start3A_45 = arith.constant 0 : i32
    %dma_start3A_46 = arith.constant 0 : i32
    %dma_start3A_47 = tpu.memref_slice %arg14[%dma_start3A_43, %dma_start3A_44, %dma_start3A_45, %dma_start3A_46] : memref<3x16x8x32xf32, #tpu.memory_space<vmem>> -> memref<1x1x8x32xf32, #tpu.memory_space<vmem>>
    %dma_start3A_48 = tpu.memref_squeeze %dma_start3A_47 : memref<1x1x8x32xf32, #tpu.memory_space<vmem>> -> memref<8x32xf32, #tpu.memory_space<vmem>>
    %dma_start3A_49 = arith.constant 0 : i32
    %dma_start3A_50 = arith.constant 0 : i32
    %dma_start3A_51 = tpu.memref_slice %arg5[%squeeze3A_42, %dma_start3A_49, %dma_start3A_50] : memref<12500x8x32xf32, #tpu.memory_space<hbm>> -> memref<1x8x32xf32, #tpu.memory_space<hbm>>
    %dma_start3A_52 = tpu.memref_squeeze %dma_start3A_51 : memref<1x8x32xf32, #tpu.memory_space<hbm>> -> memref<8x32xf32, #tpu.memory_space<hbm>>
    %dma_start3A_53 = arith.constant 0 : i32
    %dma_start3A_54 = arith.constant 0 : i32
    %dma_start3A_55 = tpu.memref_slice %arg14[%dma_start3A_43, %dma_start3A_44, %dma_start3A_53, %dma_start3A_54] : memref<3x16x8x32xf32, #tpu.memory_space<vmem>> -> memref<1x1x8x32xf32, #tpu.memory_space<vmem>>
    %dma_start3A_56 = tpu.memref_squeeze %dma_start3A_55 : memref<1x1x8x32xf32, #tpu.memory_space<vmem>> -> memref<8x32xf32, #tpu.memory_space<vmem>>
    %dma_start3A_57 = arith.constant 0 : i32
    %dma_start3A_58 = arith.constant 0 : i32
    %dma_start3A_59 = tpu.memref_slice %arg5[%squeeze3A_42, %dma_start3A_57, %dma_start3A_58] : memref<12500x8x32xf32, #tpu.memory_space<hbm>> -> memref<1x8x32xf32, #tpu.memory_space<hbm>>
    %dma_start3A_60 = tpu.memref_squeeze %dma_start3A_59 : memref<1x8x32xf32, #tpu.memory_space<hbm>> -> memref<8x32xf32, #tpu.memory_space<hbm>>
    tpu.enqueue_dma source(%dma_start3A_60 : memref<8x32xf32, #tpu.memory_space<hbm>>) target(%dma_start3A_56 : memref<8x32xf32, #tpu.memory_space<vmem>>) target_semaphore(%arg19 : memref<!tpu.dma_semaphore, #tpu.memory_space<semaphore_mem>>)
    %slice3A_61 = vector.extract_strided_slice %shift_right_logical3A_16 {offsets = [1], sizes = [1], strides = [1]} : vector<16xi32> to vector<1xi32>
    %squeeze3A_62 = vector.extract %slice3A_61[0] : i32 from vector<1xi32>
    %dma_start3A_63 = arith.constant 0 : i32
    %dma_start3A_64 = arith.constant 1 : i32
    %dma_start3A_65 = arith.constant 0 : i32
    %dma_start3A_66 = arith.constant 0 : i32
    %dma_start3A_67 = tpu.memref_slice %arg13[%dma_start3A_63, %dma_start3A_64, %dma_start3A_65, %dma_start3A_66] : memref<3x16x8x32xf32, #tpu.memory_space<vmem>> -> memref<1x1x8x32xf32, #tpu.memory_space<vmem>>
    %dma_start3A_68 = tpu.memref_squeeze %dma_start3A_67 : memref<1x1x8x32xf32, #tpu.memory_space<vmem>> -> memref<8x32xf32, #tpu.memory_space<vmem>>
    %dma_start3A_69 = arith.constant 0 : i32
    %dma_start3A_70 = arith.constant 0 : i32
    %dma_start3A_71 = tpu.memref_slice %arg4[%squeeze3A_62, %dma_start3A_69, %dma_start3A_70] : memref<125000x8x32xf32, #tpu.memory_space<hbm>> -> memref<1x8x32xf32, #tpu.memory_space<hbm>>
    %dma_start3A_72 = tpu.memref_squeeze %dma_start3A_71 : memref<1x8x32xf32, #tpu.memory_space<hbm>> -> memref<8x32xf32, #tpu.memory_space<hbm>>
    %dma_start3A_73 = arith.constant 0 : i32
    %dma_start3A_74 = arith.constant 0 : i32
    %dma_start3A_75 = tpu.memref_slice %arg13[%dma_start3A_63, %dma_start3A_64, %dma_start3A_73, %dma_start3A_74] : memref<3x16x8x32xf32, #tpu.memory_space<vmem>> -> memref<1x1x8x32xf32, #tpu.memory_space<vmem>>
    %dma_start3A_76 = tpu.memref_squeeze %dma_start3A_75 : memref<1x1x8x32xf32, #tpu.memory_space<vmem>> -> memref<8x32xf32, #tpu.memory_space<vmem>>
    %dma_start3A_77 = arith.constant 0 : i32
    %dma_start3A_78 = arith.constant 0 : i32
    %dma_start3A_79 = tpu.memref_slice %arg4[%squeeze3A_62, %dma_start3A_77, %dma_start3A_78] : memref<125000x8x32xf32, #tpu.memory_space<hbm>> -> memref<1x8x32xf32, #tpu.memory_space<hbm>>
    %dma_start3A_80 = tpu.memref_squeeze %dma_start3A_79 : memref<1x8x32xf32, #tpu.memory_space<hbm>> -> memref<8x32xf32, #tpu.memory_space<hbm>>
    tpu.enqueue_dma source(%dma_start3A_80 : memref<8x32xf32, #tpu.memory_space<hbm>>) target(%dma_start3A_76 : memref<8x32xf32, #tpu.memory_space<vmem>>) target_semaphore(%arg18 : memref<!tpu.dma_semaphore, #tpu.memory_space<semaphore_mem>>)
    %slice3A_81 = vector.extract_strided_slice %shift_right_logical3A_21 {offsets = [1], sizes = [1], strides = [1]} : vector<16xi32> to vector<1xi32>
    %squeeze3A_82 = vector.extract %slice3A_81[0] : i32 from vector<1xi32>
    %dma_start3A_83 = arith.constant 0 : i32
    %dma_start3A_84 = arith.constant 1 : i32
    %dma_start3A_85 = arith.constant 0 : i32
    %dma_start3A_86 = arith.constant 0 : i32
    %dma_start3A_87 = tpu.memref_slice %arg14[%dma_start3A_83, %dma_start3A_84, %dma_start3A_85, %dma_start3A_86] : memref<3x16x8x32xf32, #tpu.memory_space<vmem>> -> memref<1x1x8x32xf32, #tpu.memory_space<vmem>>
    %dma_start3A_88 = tpu.memref_squeeze %dma_start3A_87 : memref<1x1x8x32xf32, #tpu.memory_space<vmem>> -> memref<8x32xf32, #tpu.memory_space<vmem>>
    %dma_start3A_89 = arith.constant 0 : i32
    %dma_start3A_90 = arith.constant 0 : i32
    %dma_start3A_91 = tpu.memref_slice %arg5[%squeeze3A_82, %dma_start3A_89, %dma_start3A_90] : memref<12500x8x32xf32, #tpu.memory_space<hbm>> -> memref<1x8x32xf32, #tpu.memory_space<hbm>>
    %dma_start3A_92 = tpu.memref_squeeze %dma_start3A_91 : memref<1x8x32xf32, #tpu.memory_space<hbm>> -> memref<8x32xf32, #tpu.memory_space<hbm>>
    %dma_start3A_93 = arith.constant 0 : i32
    %dma_start3A_94 = arith.constant 0 : i32
    %dma_start3A_95 = tpu.memref_slice %arg14[%dma_start3A_83, %dma_start3A_84, %dma_start3A_93, %dma_start3A_94] : memref<3x16x8x32xf32, #tpu.memory_space<vmem>> -> memref<1x1x8x32xf32, #tpu.memory_space<vmem>>
    %dma_start3A_96 = tpu.memref_squeeze %dma_start3A_95 : memref<1x1x8x32xf32, #tpu.memory_space<vmem>> -> memref<8x32xf32, #tpu.memory_space<vmem>>
    %dma_start3A_97 = arith.constant 0 : i32
    %dma_start3A_98 = arith.constant 0 : i32
    %dma_start3A_99 = tpu.memref_slice %arg5[%squeeze3A_82, %dma_start3A_97, %dma_start3A_98] : memref<12500x8x32xf32, #tpu.memory_space<hbm>> -> memref<1x8x32xf32, #tpu.memory_space<hbm>>
    %dma_start3A_100 = tpu.memref_squeeze %dma_start3A_99 : memref<1x8x32xf32, #tpu.memory_space<hbm>> -> memref<8x32xf32, #tpu.memory_space<hbm>>
    tpu.enqueue_dma source(%dma_start3A_100 : memref<8x32xf32, #tpu.memory_space<hbm>>) target(%dma_start3A_96 : memref<8x32xf32, #tpu.memory_space<vmem>>) target_semaphore(%arg19 : memref<!tpu.dma_semaphore, #tpu.memory_space<semaphore_mem>>)
    %slice3A_101 = vector.extract_strided_slice %shift_right_logical3A_16 {offsets = [2], sizes = [1], strides = [1]} : vector<16xi32> to vector<1xi32>
    %squeeze3A_102 = vector.extract %slice3A_101[0] : i32 from vector<1xi32>
    %dma_start3A_103 = arith.constant 0 : i32
    %dma_start3A_104 = arith.constant 2 : i32
    %dma_start3A_105 = arith.constant 0 : i32
    %dma_start3A_106 = arith.constant 0 : i32
    %dma_start3A_107 = tpu.memref_slice %arg13[%dma_start3A_103, %dma_start3A_104, %dma_start3A_105, %dma_start3A_106] : memref<3x16x8x32xf32, #tpu.memory_space<vmem>> -> memref<1x1x8x32xf32, #tpu.memory_space<vmem>>
    %dma_start3A_108 = tpu.memref_squeeze %dma_start3A_107 : memref<1x1x8x32xf32, #tpu.memory_space<vmem>> -> memref<8x32xf32, #tpu.memory_space<vmem>>
    %dma_start3A_109 = arith.constant 0 : i32
    %dma_start3A_110 = arith.constant 0 : i32
    %dma_start3A_111 = tpu.memref_slice %arg4[%squeeze3A_102, %dma_start3A_109, %dma_start3A_110] : memref<125000x8x32xf32, #tpu.memory_space<hbm>> -> memref<1x8x32xf32, #tpu.memory_space<hbm>>
    %dma_start3A_112 = tpu.memref_squeeze %dma_start3A_111 : memref<1x8x32xf32, #tpu.memory_space<hbm>> -> memref<8x32xf32, #tpu.memory_space<hbm>>
    %dma_start3A_113 = arith.constant 0 : i32
    %dma_start3A_114 = arith.constant 0 : i32
    %dma_start3A_115 = tpu.memref_slice %arg13[%dma_start3A_103, %dma_start3A_104, %dma_start3A_113, %dma_start3A_114] : memref<3x16x8x32xf32, #tpu.memory_space<vmem>> -> memref<1x1x8x32xf32, #tpu.memory_space<vmem>>
    %dma_start3A_116 = tpu.memref_squeeze %dma_start3A_115 : memref<1x1x8x32xf32, #tpu.memory_space<vmem>> -> memref<8x32xf32, #tpu.memory_space<vmem>>
    %dma_start3A_117 = arith.constant 0 : i32
    %dma_start3A_118 = arith.constant 0 : i32
    %dma_start3A_119 = tpu.memref_slice %arg4[%squeeze3A_102, %dma_start3A_117, %dma_start3A_118] : memref<125000x8x32xf32, #tpu.memory_space<hbm>> -> memref<1x8x32xf32, #tpu.memory_space<hbm>>
    %dma_start3A_120 = tpu.memref_squeeze %dma_start3A_119 : memref<1x8x32xf32, #tpu.memory_space<hbm>> -> memref<8x32xf32, #tpu.memory_space<hbm>>
    tpu.enqueue_dma source(%dma_start3A_120 : memref<8x32xf32, #tpu.memory_space<hbm>>) target(%dma_start3A_116 : memref<8x32xf32, #tpu.memory_space<vmem>>) target_semaphore(%arg18 : memref<!tpu.dma_semaphore, #tpu.memory_space<semaphore_mem>>)
    %slice3A_121 = vector.extract_strided_slice %shift_right_logical3A_21 {offsets = [2], sizes = [1], strides = [1]} : vector<16xi32> to vector<1xi32>
    %squeeze3A_122 = vector.extract %slice3A_121[0] : i32 from vector<1xi32>
    %dma_start3A_123 = arith.constant 0 : i32
    %dma_start3A_124 = arith.constant 2 : i32
    %dma_start3A_125 = arith.constant 0 : i32
    %dma_start3A_126 = arith.constant 0 : i32
    %dma_start3A_127 = tpu.memref_slice %arg14[%dma_start3A_123, %dma_start3A_124, %dma_start3A_125, %dma_start3A_126] : memref<3x16x8x32xf32, #tpu.memory_space<vmem>> -> memref<1x1x8x32xf32, #tpu.memory_space<vmem>>
    %dma_start3A_128 = tpu.memref_squeeze %dma_start3A_127 : memref<1x1x8x32xf32, #tpu.memory_space<vmem>> -> memref<8x32xf32, #tpu.memory_space<vmem>>
    %dma_start3A_129 = arith.constant 0 : i32
    %dma_start3A_130 = arith.constant 0 : i32
    %dma_start3A_131 = tpu.memref_slice %arg5[%squeeze3A_122, %dma_start3A_129, %dma_start3A_130] : memref<12500x8x32xf32, #tpu.memory_space<hbm>> -> memref<1x8x32xf32, #tpu.memory_space<hbm>>
    %dma_start3A_132 = tpu.memref_squeeze %dma_start3A_131 : memref<1x8x32xf32, #tpu.memory_space<hbm>> -> memref<8x32xf32, #tpu.memory_space<hbm>>
    %dma_start3A_133 = arith.constant 0 : i32
    %dma_start3A_134 = arith.constant 0 : i32
    %dma_start3A_135 = tpu.memref_slice %arg14[%dma_start3A_123, %dma_start3A_124, %dma_start3A_133, %dma_start3A_134] : memref<3x16x8x32xf32, #tpu.memory_space<vmem>> -> memref<1x1x8x32xf32, #tpu.memory_space<vmem>>
    %dma_start3A_136 = tpu.memref_squeeze %dma_start3A_135 : memref<1x1x8x32xf32, #tpu.memory_space<vmem>> -> memref<8x32xf32, #tpu.memory_space<vmem>>
    %dma_start3A_137 = arith.constant 0 : i32
    %dma_start3A_138 = arith.constant 0 : i32
    %dma_start3A_139 = tpu.memref_slice %arg5[%squeeze3A_122, %dma_start3A_137, %dma_start3A_138] : memref<12500x8x32xf32, #tpu.memory_space<hbm>> -> memref<1x8x32xf32, #tpu.memory_space<hbm>>
    %dma_start3A_140 = tpu.memref_squeeze %dma_start3A_139 : memref<1x8x32xf32, #tpu.memory_space<hbm>> -> memref<8x32xf32, #tpu.memory_space<hbm>>
    tpu.enqueue_dma source(%dma_start3A_140 : memref<8x32xf32, #tpu.memory_space<hbm>>) target(%dma_start3A_136 : memref<8x32xf32, #tpu.memory_space<vmem>>) target_semaphore(%arg19 : memref<!tpu.dma_semaphore, #tpu.memory_space<semaphore_mem>>)
    %slice3A_141 = vector.extract_strided_slice %shift_right_logical3A_16 {offsets = [3], sizes = [1], strides = [1]} : vector<16xi32> to vector<1xi32>
    %squeeze3A_142 = vector.extract %slice3A_141[0] : i32 from vector<1xi32>
    %dma_start3A_143 = arith.constant 0 : i32
    %dma_start3A_144 = arith.constant 3 : i32
    %dma_start3A_145 = arith.constant 0 : i32
    %dma_start3A_146 = arith.constant 0 : i32
    %dma_start3A_147 = tpu.memref_slice %arg13[%dma_start3A_143, %dma_start3A_144, %dma_start3A_145, %dma_start3A_146] : memref<3x16x8x32xf32, #tpu.memory_space<vmem>> -> memref<1x1x8x32xf32, #tpu.memory_space<vmem>>
    %dma_start3A_148 = tpu.memref_squeeze %dma_start3A_147 : memref<1x1x8x32xf32, #tpu.memory_space<vmem>> -> memref<8x32xf32, #tpu.memory_space<vmem>>
    %dma_start3A_149 = arith.constant 0 : i32
    %dma_start3A_150 = arith.constant 0 : i32
    %dma_start3A_151 = tpu.memref_slice %arg4[%squeeze3A_142, %dma_start3A_149, %dma_start3A_150] : memref<125000x8x32xf32, #tpu.memory_space<hbm>> -> memref<1x8x32xf32, #tpu.memory_space<hbm>>
    %dma_start3A_152 = tpu.memref_squeeze %dma_start3A_151 : memref<1x8x32xf32, #tpu.memory_space<hbm>> -> memref<8x32xf32, #tpu.memory_space<hbm>>
    %dma_start3A_153 = arith.constant 0 : i32
    %dma_start3A_154 = arith.constant 0 : i32
    %dma_start3A_155 = tpu.memref_slice %arg13[%dma_start3A_143, %dma_start3A_144, %dma_start3A_153, %dma_start3A_154] : memref<3x16x8x32xf32, #tpu.memory_space<vmem>> -> memref<1x1x8x32xf32, #tpu.memory_space<vmem>>
    %dma_start3A_156 = tpu.memref_squeeze %dma_start3A_155 : memref<1x1x8x32xf32, #tpu.memory_space<vmem>> -> memref<8x32xf32, #tpu.memory_space<vmem>>
    %dma_start3A_157 = arith.constant 0 : i32
    %dma_start3A_158 = arith.constant 0 : i32
    %dma_start3A_159 = tpu.memref_slice %arg4[%squeeze3A_142, %dma_start3A_157, %dma_start3A_158] : memref<125000x8x32xf32, #tpu.memory_space<hbm>> -> memref<1x8x32xf32, #tpu.memory_space<hbm>>
    %dma_start3A_160 = tpu.memref_squeeze %dma_start3A_159 : memref<1x8x32xf32, #tpu.memory_space<hbm>> -> memref<8x32xf32, #tpu.memory_space<hbm>>
    tpu.enqueue_dma source(%dma_start3A_160 : memref<8x32xf32, #tpu.memory_space<hbm>>) target(%dma_start3A_156 : memref<8x32xf32, #tpu.memory_space<vmem>>) target_semaphore(%arg18 : memref<!tpu.dma_semaphore, #tpu.memory_space<semaphore_mem>>)
    %slice3A_161 = vector.extract_strided_slice %shift_right_logical3A_21 {offsets = [3], sizes = [1], strides = [1]} : vector<16xi32> to vector<1xi32>
    %squeeze3A_162 = vector.extract %slice3A_161[0] : i32 from vector<1xi32>
    %dma_start3A_163 = arith.constant 0 : i32
    %dma_start3A_164 = arith.constant 3 : i32
    %dma_start3A_165 = arith.constant 0 : i32
    %dma_start3A_166 = arith.constant 0 : i32
    %dma_start3A_167 = tpu.memref_slice %arg14[%dma_start3A_163, %dma_start3A_164, %dma_start3A_165, %dma_start3A_166] : memref<3x16x8x32xf32, #tpu.memory_space<vmem>> -> memref<1x1x8x32xf32, #tpu.memory_space<vmem>>
    %dma_start3A_168 = tpu.memref_squeeze %dma_start3A_167 : memref<1x1x8x32xf32, #tpu.memory_space<vmem>> -> memref<8x32xf32, #tpu.memory_space<vmem>>
    %dma_start3A_169 = arith.constant 0 : i32
    %dma_start3A_170 = arith.constant 0 : i32
    %dma_start3A_171 = tpu.memref_slice %arg5[%squeeze3A_162, %dma_start3A_169, %dma_start3A_170] : memref<12500x8x32xf32, #tpu.memory_space<hbm>> -> memref<1x8x32xf32, #tpu.memory_space<hbm>>
    %dma_start3A_172 = tpu.memref_squeeze %dma_start3A_171 : memref<1x8x32xf32, #tpu.memory_space<hbm>> -> memref<8x32xf32, #tpu.memory_space<hbm>>
    %dma_start3A_173 = arith.constant 0 : i32
    %dma_start3A_174 = arith.constant 0 : i32
    %dma_start3A_175 = tpu.memref_slice %arg14[%dma_start3A_163, %dma_start3A_164, %dma_start3A_173, %dma_start3A_174] : memref<3x16x8x32xf32, #tpu.memory_space<vmem>> -> memref<1x1x8x32xf32, #tpu.memory_space<vmem>>
    %dma_start3A_176 = tpu.memref_squeeze %dma_start3A_175 : memref<1x1x8x32xf32, #tpu.memory_space<vmem>> -> memref<8x32xf32, #tpu.memory_space<vmem>>
    %dma_start3A_177 = arith.constant 0 : i32
    %dma_start3A_178 = arith.constant 0 : i32
    %dma_start3A_179 = tpu.memref_slice %arg5[%squeeze3A_162, %dma_start3A_177, %dma_start3A_178] : memref<12500x8x32xf32, #tpu.memory_space<hbm>> -> memref<1x8x32xf32, #tpu.memory_space<hbm>>
    %dma_start3A_180 = tpu.memref_squeeze %dma_start3A_179 : memref<1x8x32xf32, #tpu.memory_space<hbm>> -> memref<8x32xf32, #tpu.memory_space<hbm>>
    tpu.enqueue_dma source(%dma_start3A_180 : memref<8x32xf32, #tpu.memory_space<hbm>>) target(%dma_start3A_176 : memref<8x32xf32, #tpu.memory_space<vmem>>) target_semaphore(%arg19 : memref<!tpu.dma_semaphore, #tpu.memory_space<semaphore_mem>>)
    %slice3A_181 = vector.extract_strided_slice %shift_right_logical3A_16 {offsets = [4], sizes = [1], strides = [1]} : vector<16xi32> to vector<1xi32>
    %squeeze3A_182 = vector.extract %slice3A_181[0] : i32 from vector<1xi32>
    %dma_start3A_183 = arith.constant 0 : i32
    %dma_start3A_184 = arith.constant 4 : i32
    %dma_start3A_185 = arith.constant 0 : i32
    %dma_start3A_186 = arith.constant 0 : i32
    %dma_start3A_187 = tpu.memref_slice %arg13[%dma_start3A_183, %dma_start3A_184, %dma_start3A_185, %dma_start3A_186] : memref<3x16x8x32xf32, #tpu.memory_space<vmem>> -> memref<1x1x8x32xf32, #tpu.memory_space<vmem>>
    %dma_start3A_188 = tpu.memref_squeeze %dma_start3A_187 : memref<1x1x8x32xf32, #tpu.memory_space<vmem>> -> memref<8x32xf32, #tpu.memory_space<vmem>>
    %dma_start3A_189 = arith.constant 0 : i32
    %dma_start3A_190 = arith.constant 0 : i32
    %dma_start3A_191 = tpu.memref_slice %arg4[%squeeze3A_182, %dma_start3A_189, %dma_start3A_190] : memref<125000x8x32xf32, #tpu.memory_space<hbm>> -> memref<1x8x32xf32, #tpu.memory_space<hbm>>
    %dma_start3A_192 = tpu.memref_squeeze %dma_start3A_191 : memref<1x8x32xf32, #tpu.memory_space<hbm>> -> memref<8x32xf32, #tpu.memory_space<hbm>>
    %dma_start3A_193 = arith.constant 0 : i32
    %dma_start3A_194 = arith.constant 0 : i32
    %dma_start3A_195 = tpu.memref_slice %arg13[%dma_start3A_183, %dma_start3A_184, %dma_start3A_193, %dma_start3A_194] : memref<3x16x8x32xf32, #tpu.memory_space<vmem>> -> memref<1x1x8x32xf32, #tpu.memory_space<vmem>>
    %dma_start3A_196 = tpu.memref_squeeze %dma_start3A_195 : memref<1x1x8x32xf32, #tpu.memory_space<vmem>> -> memref<8x32xf32, #tpu.memory_space<vmem>>
    %dma_start3A_197 = arith.constant 0 : i32
    %dma_start3A_198 = arith.constant 0 : i32
    %dma_start3A_199 = tpu.memref_slice %arg4[%squeeze3A_182, %dma_start3A_197, %dma_start3A_198] : memref<125000x8x32xf32, #tpu.memory_space<hbm>> -> memref<1x8x32xf32, #tpu.memory_space<hbm>>
    %dma_start3A_200 = tpu.memref_squeeze %dma_start3A_199 : memref<1x8x32xf32, #tpu.memory_space<hbm>> -> memref<8x32xf32, #tpu.memory_space<hbm>>
    tpu.enqueue_dma source(%dma_start3A_200 : memref<8x32xf32, #tpu.memory_space<hbm>>) target(%dma_start3A_196 : memref<8x32xf32, #tpu.memory_space<vmem>>) target_semaphore(%arg18 : memref<!tpu.dma_semaphore, #tpu.memory_space<semaphore_mem>>)
    %slice3A_201 = vector.extract_strided_slice %shift_right_logical3A_21 {offsets = [4], sizes = [1], strides = [1]} : vector<16xi32> to vector<1xi32>
    %squeeze3A_202 = vector.extract %slice3A_201[0] : i32 from vector<1xi32>
    %dma_start3A_203 = arith.constant 0 : i32
    %dma_start3A_204 = arith.constant 4 : i32
    %dma_start3A_205 = arith.constant 0 : i32
    %dma_start3A_206 = arith.constant 0 : i32
    %dma_start3A_207 = tpu.memref_slice %arg14[%dma_start3A_203, %dma_start3A_204, %dma_start3A_205, %dma_start3A_206] : memref<3x16x8x32xf32, #tpu.memory_space<vmem>> -> memref<1x1x8x32xf32, #tpu.memory_space<vmem>>
    %dma_start3A_208 = tpu.memref_squeeze %dma_start3A_207 : memref<1x1x8x32xf32, #tpu.memory_space<vmem>> -> memref<8x32xf32, #tpu.memory_space<vmem>>
    %dma_start3A_209 = arith.constant 0 : i32
    %dma_start3A_210 = arith.constant 0 : i32
    %dma_start3A_211 = tpu.memref_slice %arg5[%squeeze3A_202, %dma_start3A_209, %dma_start3A_210] : memref<12500x8x32xf32, #tpu.memory_space<hbm>> -> memref<1x8x32xf32, #tpu.memory_space<hbm>>
    %dma_start3A_212 = tpu.memref_squeeze %dma_start3A_211 : memref<1x8x32xf32, #tpu.memory_space<hbm>> -> memref<8x32xf32, #tpu.memory_space<hbm>>
    %dma_start3A_213 = arith.constant 0 : i32
    %dma_start3A_214 = arith.constant 0 : i32
    %dma_start3A_215 = tpu.memref_slice %arg14[%dma_start3A_203, %dma_start3A_204, %dma_start3A_213, %dma_start3A_214] : memref<3x16x8x32xf32, #tpu.memory_space<vmem>> -> memref<1x1x8x32xf32, #tpu.memory_space<vmem>>
    %dma_start3A_216 = tpu.memref_squeeze %dma_start3A_215 : memref<1x1x8x32xf32, #tpu.memory_space<vmem>> -> memref<8x32xf32, #tpu.memory_space<vmem>>
    %dma_start3A_217 = arith.constant 0 : i32
    %dma_start3A_218 = arith.constant 0 : i32
    %dma_start3A_219 = tpu.memref_slice %arg5[%squeeze3A_202, %dma_start3A_217, %dma_start3A_218] : memref<12500x8x32xf32, #tpu.memory_space<hbm>> -> memref<1x8x32xf32, #tpu.memory_space<hbm>>
    %dma_start3A_220 = tpu.memref_squeeze %dma_start3A_219 : memref<1x8x32xf32, #tpu.memory_space<hbm>> -> memref<8x32xf32, #tpu.memory_space<hbm>>
    tpu.enqueue_dma source(%dma_start3A_220 : memref<8x32xf32, #tpu.memory_space<hbm>>) target(%dma_start3A_216 : memref<8x32xf32, #tpu.memory_space<vmem>>) target_semaphore(%arg19 : memref<!tpu.dma_semaphore, #tpu.memory_space<semaphore_mem>>)
    %slice3A_221 = vector.extract_strided_slice %shift_right_logical3A_16 {offsets = [5], sizes = [1], strides = [1]} : vector<16xi32> to vector<1xi32>
    %squeeze3A_222 = vector.extract %slice3A_221[0] : i32 from vector<1xi32>
    %dma_start3A_223 = arith.constant 0 : i32
    %dma_start3A_224 = arith.constant 5 : i32
    %dma_start3A_225 = arith.constant 0 : i32
    %dma_start3A_226 = arith.constant 0 : i32
    %dma_start3A_227 = tpu.memref_slice %arg13[%dma_start3A_223, %dma_start3A_224, %dma_start3A_225, %dma_start3A_226] : memref<3x16x8x32xf32, #tpu.memory_space<vmem>> -> memref<1x1x8x32xf32, #tpu.memory_space<vmem>>
    %dma_start3A_228 = tpu.memref_squeeze %dma_start3A_227 : memref<1x1x8x32xf32, #tpu.memory_space<vmem>> -> memref<8x32xf32, #tpu.memory_space<vmem>>
    %dma_start3A_229 = arith.constant 0 : i32
    %dma_start3A_230 = arith.constant 0 : i32
    %dma_start3A_231 = tpu.memref_slice %arg4[%squeeze3A_222, %dma_start3A_229, %dma_start3A_230] : memref<125000x8x32xf32, #tpu.memory_space<hbm>> -> memref<1x8x32xf32, #tpu.memory_space<hbm>>
    %dma_start3A_232 = tpu.memref_squeeze %dma_start3A_231 : memref<1x8x32xf32, #tpu.memory_space<hbm>> -> memref<8x32xf32, #tpu.memory_space<hbm>>
    %dma_start3A_233 = arith.constant 0 : i32
    %dma_start3A_234 = arith.constant 0 : i32
    %dma_start3A_235 = tpu.memref_slice %arg13[%dma_start3A_223, %dma_start3A_224, %dma_start3A_233, %dma_start3A_234] : memref<3x16x8x32xf32, #tpu.memory_space<vmem>> -> memref<1x1x8x32xf32, #tpu.memory_space<vmem>>
    %dma_start3A_236 = tpu.memref_squeeze %dma_start3A_235 : memref<1x1x8x32xf32, #tpu.memory_space<vmem>> -> memref<8x32xf32, #tpu.memory_space<vmem>>
    %dma_start3A_237 = arith.constant 0 : i32
    %dma_start3A_238 = arith.constant 0 : i32
    %dma_start3A_239 = tpu.memref_slice %arg4[%squeeze3A_222, %dma_start3A_237, %dma_start3A_238] : memref<125000x8x32xf32, #tpu.memory_space<hbm>> -> memref<1x8x32xf32, #tpu.memory_space<hbm>>
    %dma_start3A_240 = tpu.memref_squeeze %dma_start3A_239 : memref<1x8x32xf32, #tpu.memory_space<hbm>> -> memref<8x32xf32, #tpu.memory_space<hbm>>
    tpu.enqueue_dma source(%dma_start3A_240 : memref<8x32xf32, #tpu.memory_space<hbm>>) target(%dma_start3A_236 : memref<8x32xf32, #tpu.memory_space<vmem>>) target_semaphore(%arg18 : memref<!tpu.dma_semaphore, #tpu.memory_space<semaphore_mem>>)
    %slice3A_241 = vector.extract_strided_slice %shift_right_logical3A_21 {offsets = [5], sizes = [1], strides = [1]} : vector<16xi32> to vector<1xi32>
    %squeeze3A_242 = vector.extract %slice3A_241[0] : i32 from vector<1xi32>
    %dma_start3A_243 = arith.constant 0 : i32
    %dma_start3A_244 = arith.constant 5 : i32
    %dma_start3A_245 = arith.constant 0 : i32
    %dma_start3A_246 = arith.constant 0 : i32
    %dma_start3A_247 = tpu.memref_slice %arg14[%dma_start3A_243, %dma_start3A_244, %dma_start3A_245, %dma_start3A_246] : memref<3x16x8x32xf32, #tpu.memory_space<vmem>> -> memref<1x1x8x32xf32, #tpu.memory_space<vmem>>
    %dma_start3A_248 = tpu.memref_squeeze %dma_start3A_247 : memref<1x1x8x32xf32, #tpu.memory_space<vmem>> -> memref<8x32xf32, #tpu.memory_space<vmem>>
    %dma_start3A_249 = arith.constant 0 : i32
    %dma_start3A_250 = arith.constant 0 : i32
    %dma_start3A_251 = tpu.memref_slice %arg5[%squeeze3A_242, %dma_start3A_249, %dma_start3A_250] : memref<12500x8x32xf32, #tpu.memory_space<hbm>> -> memref<1x8x32xf32, #tpu.memory_space<hbm>>
    %dma_start3A_252 = tpu.memref_squeeze %dma_start3A_251 : memref<1x8x32xf32, #tpu.memory_space<hbm>> -> memref<8x32xf32, #tpu.memory_space<hbm>>
    %dma_start3A_253 = arith.constant 0 : i32
    %dma_start3A_254 = arith.constant 0 : i32
    %dma_start3A_255 = tpu.memref_slice %arg14[%dma_start3A_243, %dma_start3A_244, %dma_start3A_253, %dma_start3A_254] : memref<3x16x8x32xf32, #tpu.memory_space<vmem>> -> memref<1x1x8x32xf32, #tpu.memory_space<vmem>>
    %dma_start3A_256 = tpu.memref_squeeze %dma_start3A_255 : memref<1x1x8x32xf32, #tpu.memory_space<vmem>> -> memref<8x32xf32, #tpu.memory_space<vmem>>
    %dma_start3A_257 = arith.constant 0 : i32
    %dma_start3A_258 = arith.constant 0 : i32
    %dma_start3A_259 = tpu.memref_slice %arg5[%squeeze3A_242, %dma_start3A_257, %dma_start3A_258] : memref<12500x8x32xf32, #tpu.memory_space<hbm>> -> memref<1x8x32xf32, #tpu.memory_space<hbm>>
    %dma_start3A_260 = tpu.memref_squeeze %dma_start3A_259 : memref<1x8x32xf32, #tpu.memory_space<hbm>> -> memref<8x32xf32, #tpu.memory_space<hbm>>
    tpu.enqueue_dma source(%dma_start3A_260 : memref<8x32xf32, #tpu.memory_space<hbm>>) target(%dma_start3A_256 : memref<8x32xf32, #tpu.memory_space<vmem>>) target_semaphore(%arg19 : memref<!tpu.dma_semaphore, #tpu.memory_space<semaphore_mem>>)
    %slice3A_261 = vector.extract_strided_slice %shift_right_logical3A_16 {offsets = [6], sizes = [1], strides = [1]} : vector<16xi32> to vector<1xi32>
    %squeeze3A_262 = vector.extract %slice3A_261[0] : i32 from vector<1xi32>
    %dma_start3A_263 = arith.constant 0 : i32
    %dma_start3A_264 = arith.constant 6 : i32
    %dma_start3A_265 = arith.constant 0 : i32
    %dma_start3A_266 = arith.constant 0 : i32
    %dma_start3A_267 = tpu.memref_slice %arg13[%dma_start3A_263, %dma_start3A_264, %dma_start3A_265, %dma_start3A_266] : memref<3x16x8x32xf32, #tpu.memory_space<vmem>> -> memref<1x1x8x32xf32, #tpu.memory_space<vmem>>
    %dma_start3A_268 = tpu.memref_squeeze %dma_start3A_267 : memref<1x1x8x32xf32, #tpu.memory_space<vmem>> -> memref<8x32xf32, #tpu.memory_space<vmem>>
    %dma_start3A_269 = arith.constant 0 : i32
    %dma_start3A_270 = arith.constant 0 : i32
    %dma_start3A_271 = tpu.memref_slice %arg4[%squeeze3A_262, %dma_start3A_269, %dma_start3A_270] : memref<125000x8x32xf32, #tpu.memory_space<hbm>> -> memref<1x8x32xf32, #tpu.memory_space<hbm>>
    %dma_start3A_272 = tpu.memref_squeeze %dma_start3A_271 : memref<1x8x32xf32, #tpu.memory_space<hbm>> -> memref<8x32xf32, #tpu.memory_space<hbm>>
    %dma_start3A_273 = arith.constant 0 : i32
    %dma_start3A_274 = arith.constant 0 : i32
    %dma_start3A_275 = tpu.memref_slice %arg13[%dma_start3A_263, %dma_start3A_264, %dma_start3A_273, %dma_start3A_274] : memref<3x16x8x32xf32, #tpu.memory_space<vmem>> -> memref<1x1x8x32xf32, #tpu.memory_space<vmem>>
    %dma_start3A_276 = tpu.memref_squeeze %dma_start3A_275 : memref<1x1x8x32xf32, #tpu.memory_space<vmem>> -> memref<8x32xf32, #tpu.memory_space<vmem>>
    %dma_start3A_277 = arith.constant 0 : i32
    %dma_start3A_278 = arith.constant 0 : i32
    %dma_start3A_279 = tpu.memref_slice %arg4[%squeeze3A_262, %dma_start3A_277, %dma_start3A_278] : memref<125000x8x32xf32, #tpu.memory_space<hbm>> -> memref<1x8x32xf32, #tpu.memory_space<hbm>>
    %dma_start3A_280 = tpu.memref_squeeze %dma_start3A_279 : memref<1x8x32xf32, #tpu.memory_space<hbm>> -> memref<8x32xf32, #tpu.memory_space<hbm>>
    tpu.enqueue_dma source(%dma_start3A_280 : memref<8x32xf32, #tpu.memory_space<hbm>>) target(%dma_start3A_276 : memref<8x32xf32, #tpu.memory_space<vmem>>) target_semaphore(%arg18 : memref<!tpu.dma_semaphore, #tpu.memory_space<semaphore_mem>>)
    %slice3A_281 = vector.extract_strided_slice %shift_right_logical3A_21 {offsets = [6], sizes = [1], strides = [1]} : vector<16xi32> to vector<1xi32>
    %squeeze3A_282 = vector.extract %slice3A_281[0] : i32 from vector<1xi32>
    %dma_start3A_283 = arith.constant 0 : i32
    %dma_start3A_284 = arith.constant 6 : i32
    %dma_start3A_285 = arith.constant 0 : i32
    %dma_start3A_286 = arith.constant 0 : i32
    %dma_start3A_287 = tpu.memref_slice %arg14[%dma_start3A_283, %dma_start3A_284, %dma_start3A_285, %dma_start3A_286] : memref<3x16x8x32xf32, #tpu.memory_space<vmem>> -> memref<1x1x8x32xf32, #tpu.memory_space<vmem>>
    %dma_start3A_288 = tpu.memref_squeeze %dma_start3A_287 : memref<1x1x8x32xf32, #tpu.memory_space<vmem>> -> memref<8x32xf32, #tpu.memory_space<vmem>>
    %dma_start3A_289 = arith.constant 0 : i32
    %dma_start3A_290 = arith.constant 0 : i32
    %dma_start3A_291 = tpu.memref_slice %arg5[%squeeze3A_282, %dma_start3A_289, %dma_start3A_290] : memref<12500x8x32xf32, #tpu.memory_space<hbm>> -> memref<1x8x32xf32, #tpu.memory_space<hbm>>
    %dma_start3A_292 = tpu.memref_squeeze %dma_start3A_291 : memref<1x8x32xf32, #tpu.memory_space<hbm>> -> memref<8x32xf32, #tpu.memory_space<hbm>>
    %dma_start3A_293 = arith.constant 0 : i32
    %dma_start3A_294 = arith.constant 0 : i32
    %dma_start3A_295 = tpu.memref_slice %arg14[%dma_start3A_283, %dma_start3A_284, %dma_start3A_293, %dma_start3A_294] : memref<3x16x8x32xf32, #tpu.memory_space<vmem>> -> memref<1x1x8x32xf32, #tpu.memory_space<vmem>>
    %dma_start3A_296 = tpu.memref_squeeze %dma_start3A_295 : memref<1x1x8x32xf32, #tpu.memory_space<vmem>> -> memref<8x32xf32, #tpu.memory_space<vmem>>
    %dma_start3A_297 = arith.constant 0 : i32
    %dma_start3A_298 = arith.constant 0 : i32
    %dma_start3A_299 = tpu.memref_slice %arg5[%squeeze3A_282, %dma_start3A_297, %dma_start3A_298] : memref<12500x8x32xf32, #tpu.memory_space<hbm>> -> memref<1x8x32xf32, #tpu.memory_space<hbm>>
    %dma_start3A_300 = tpu.memref_squeeze %dma_start3A_299 : memref<1x8x32xf32, #tpu.memory_space<hbm>> -> memref<8x32xf32, #tpu.memory_space<hbm>>
    tpu.enqueue_dma source(%dma_start3A_300 : memref<8x32xf32, #tpu.memory_space<hbm>>) target(%dma_start3A_296 : memref<8x32xf32, #tpu.memory_space<vmem>>) target_semaphore(%arg19 : memref<!tpu.dma_semaphore, #tpu.memory_space<semaphore_mem>>)
    %slice3A_301 = vector.extract_strided_slice %shift_right_logical3A_16 {offsets = [7], sizes = [1], strides = [1]} : vector<16xi32> to vector<1xi32>
    %squeeze3A_302 = vector.extract %slice3A_301[0] : i32 from vector<1xi32>
    %dma_start3A_303 = arith.constant 0 : i32
    %dma_start3A_304 = arith.constant 7 : i32
    %dma_start3A_305 = arith.constant 0 : i32
    %dma_start3A_306 = arith.constant 0 : i32
    %dma_start3A_307 = tpu.memref_slice %arg13[%dma_start3A_303, %dma_start3A_304, %dma_start3A_305, %dma_start3A_306] : memref<3x16x8x32xf32, #tpu.memory_space<vmem>> -> memref<1x1x8x32xf32, #tpu.memory_space<vmem>>
    %dma_start3A_308 = tpu.memref_squeeze %dma_start3A_307 : memref<1x1x8x32xf32, #tpu.memory_space<vmem>> -> memref<8x32xf32, #tpu.memory_space<vmem>>
    %dma_start3A_309 = arith.constant 0 : i32
    %dma_start3A_310 = arith.constant 0 : i32
    %dma_start3A_311 = tpu.memref_slice %arg4[%squeeze3A_302, %dma_start3A_309, %dma_start3A_310] : memref<125000x8x32xf32, #tpu.memory_space<hbm>> -> memref<1x8x32xf32, #tpu.memory_space<hbm>>
    %dma_start3A_312 = tpu.memref_squeeze %dma_start3A_311 : memref<1x8x32xf32, #tpu.memory_space<hbm>> -> memref<8x32xf32, #tpu.memory_space<hbm>>
    %dma_start3A_313 = arith.constant 0 : i32
    %dma_start3A_314 = arith.constant 0 : i32
    %dma_start3A_315 = tpu.memref_slice %arg13[%dma_start3A_303, %dma_start3A_304, %dma_start3A_313, %dma_start3A_314] : memref<3x16x8x32xf32, #tpu.memory_space<vmem>> -> memref<1x1x8x32xf32, #tpu.memory_space<vmem>>
    %dma_start3A_316 = tpu.memref_squeeze %dma_start3A_315 : memref<1x1x8x32xf32, #tpu.memory_space<vmem>> -> memref<8x32xf32, #tpu.memory_space<vmem>>
    %dma_start3A_317 = arith.constant 0 : i32
    %dma_start3A_318 = arith.constant 0 : i32
    %dma_start3A_319 = tpu.memref_slice %arg4[%squeeze3A_302, %dma_start3A_317, %dma_start3A_318] : memref<125000x8x32xf32, #tpu.memory_space<hbm>> -> memref<1x8x32xf32, #tpu.memory_space<hbm>>
    %dma_start3A_320 = tpu.memref_squeeze %dma_start3A_319 : memref<1x8x32xf32, #tpu.memory_space<hbm>> -> memref<8x32xf32, #tpu.memory_space<hbm>>
    tpu.enqueue_dma source(%dma_start3A_320 : memref<8x32xf32, #tpu.memory_space<hbm>>) target(%dma_start3A_316 : memref<8x32xf32, #tpu.memory_space<vmem>>) target_semaphore(%arg18 : memref<!tpu.dma_semaphore, #tpu.memory_space<semaphore_mem>>)
    %slice3A_321 = vector.extract_strided_slice %shift_right_logical3A_21 {offsets = [7], sizes = [1], strides = [1]} : vector<16xi32> to vector<1xi32>
    %squeeze3A_322 = vector.extract %slice3A_321[0] : i32 from vector<1xi32>
    %dma_start3A_323 = arith.constant 0 : i32
    %dma_start3A_324 = arith.constant 7 : i32
    %dma_start3A_325 = arith.constant 0 : i32
    %dma_start3A_326 = arith.constant 0 : i32
    %dma_start3A_327 = tpu.memref_slice %arg14[%dma_start3A_323, %dma_start3A_324, %dma_start3A_325, %dma_start3A_326] : memref<3x16x8x32xf32, #tpu.memory_space<vmem>> -> memref<1x1x8x32xf32, #tpu.memory_space<vmem>>
    %dma_start3A_328 = tpu.memref_squeeze %dma_start3A_327 : memref<1x1x8x32xf32, #tpu.memory_space<vmem>> -> memref<8x32xf32, #tpu.memory_space<vmem>>
    %dma_start3A_329 = arith.constant 0 : i32
    %dma_start3A_330 = arith.constant 0 : i32
    %dma_start3A_331 = tpu.memref_slice %arg5[%squeeze3A_322, %dma_start3A_329, %dma_start3A_330] : memref<12500x8x32xf32, #tpu.memory_space<hbm>> -> memref<1x8x32xf32, #tpu.memory_space<hbm>>
    %dma_start3A_332 = tpu.memref_squeeze %dma_start3A_331 : memref<1x8x32xf32, #tpu.memory_space<hbm>> -> memref<8x32xf32, #tpu.memory_space<hbm>>
    %dma_start3A_333 = arith.constant 0 : i32
    %dma_start3A_334 = arith.constant 0 : i32
    %dma_start3A_335 = tpu.memref_slice %arg14[%dma_start3A_323, %dma_start3A_324, %dma_start3A_333, %dma_start3A_334] : memref<3x16x8x32xf32, #tpu.memory_space<vmem>> -> memref<1x1x8x32xf32, #tpu.memory_space<vmem>>
    %dma_start3A_336 = tpu.memref_squeeze %dma_start3A_335 : memref<1x1x8x32xf32, #tpu.memory_space<vmem>> -> memref<8x32xf32, #tpu.memory_space<vmem>>
    %dma_start3A_337 = arith.constant 0 : i32
    %dma_start3A_338 = arith.constant 0 : i32
    %dma_start3A_339 = tpu.memref_slice %arg5[%squeeze3A_322, %dma_start3A_337, %dma_start3A_338] : memref<12500x8x32xf32, #tpu.memory_space<hbm>> -> memref<1x8x32xf32, #tpu.memory_space<hbm>>
    %dma_start3A_340 = tpu.memref_squeeze %dma_start3A_339 : memref<1x8x32xf32, #tpu.memory_space<hbm>> -> memref<8x32xf32, #tpu.memory_space<hbm>>
    tpu.enqueue_dma source(%dma_start3A_340 : memref<8x32xf32, #tpu.memory_space<hbm>>) target(%dma_start3A_336 : memref<8x32xf32, #tpu.memory_space<vmem>>) target_semaphore(%arg19 : memref<!tpu.dma_semaphore, #tpu.memory_space<semaphore_mem>>)
    %slice3A_341 = vector.extract_strided_slice %shift_right_logical3A_16 {offsets = [8], sizes = [1], strides = [1]} : vector<16xi32> to vector<1xi32>
    %squeeze3A_342 = vector.extract %slice3A_341[0] : i32 from vector<1xi32>
    %dma_start3A_343 = arith.constant 0 : i32
    %dma_start3A_344 = arith.constant 8 : i32
    %dma_start3A_345 = arith.constant 0 : i32
    %dma_start3A_346 = arith.constant 0 : i32
    %dma_start3A_347 = tpu.memref_slice %arg13[%dma_start3A_343, %dma_start3A_344, %dma_start3A_345, %dma_start3A_346] : memref<3x16x8x32xf32, #tpu.memory_space<vmem>> -> memref<1x1x8x32xf32, #tpu.memory_space<vmem>>
    %dma_start3A_348 = tpu.memref_squeeze %dma_start3A_347 : memref<1x1x8x32xf32, #tpu.memory_space<vmem>> -> memref<8x32xf32, #tpu.memory_space<vmem>>
    %dma_start3A_349 = arith.constant 0 : i32
    %dma_start3A_350 = arith.constant 0 : i32
    %dma_start3A_351 = tpu.memref_slice %arg4[%squeeze3A_342, %dma_start3A_349, %dma_start3A_350] : memref<125000x8x32xf32, #tpu.memory_space<hbm>> -> memref<1x8x32xf32, #tpu.memory_space<hbm>>
    %dma_start3A_352 = tpu.memref_squeeze %dma_start3A_351 : memref<1x8x32xf32, #tpu.memory_space<hbm>> -> memref<8x32xf32, #tpu.memory_space<hbm>>
    %dma_start3A_353 = arith.constant 0 : i32
    %dma_start3A_354 = arith.constant 0 : i32
    %dma_start3A_355 = tpu.memref_slice %arg13[%dma_start3A_343, %dma_start3A_344, %dma_start3A_353, %dma_start3A_354] : memref<3x16x8x32xf32, #tpu.memory_space<vmem>> -> memref<1x1x8x32xf32, #tpu.memory_space<vmem>>
    %dma_start3A_356 = tpu.memref_squeeze %dma_start3A_355 : memref<1x1x8x32xf32, #tpu.memory_space<vmem>> -> memref<8x32xf32, #tpu.memory_space<vmem>>
    %dma_start3A_357 = arith.constant 0 : i32
    %dma_start3A_358 = arith.constant 0 : i32
    %dma_start3A_359 = tpu.memref_slice %arg4[%squeeze3A_342, %dma_start3A_357, %dma_start3A_358] : memref<125000x8x32xf32, #tpu.memory_space<hbm>> -> memref<1x8x32xf32, #tpu.memory_space<hbm>>
    %dma_start3A_360 = tpu.memref_squeeze %dma_start3A_359 : memref<1x8x32xf32, #tpu.memory_space<hbm>> -> memref<8x32xf32, #tpu.memory_space<hbm>>
    tpu.enqueue_dma source(%dma_start3A_360 : memref<8x32xf32, #tpu.memory_space<hbm>>) target(%dma_start3A_356 : memref<8x32xf32, #tpu.memory_space<vmem>>) target_semaphore(%arg18 : memref<!tpu.dma_semaphore, #tpu.memory_space<semaphore_mem>>)
    %slice3A_361 = vector.extract_strided_slice %shift_right_logical3A_21 {offsets = [8], sizes = [1], strides = [1]} : vector<16xi32> to vector<1xi32>
    %squeeze3A_362 = vector.extract %slice3A_361[0] : i32 from vector<1xi32>
    %dma_start3A_363 = arith.constant 0 : i32
    %dma_start3A_364 = arith.constant 8 : i32
    %dma_start3A_365 = arith.constant 0 : i32
    %dma_start3A_366 = arith.constant 0 : i32
    %dma_start3A_367 = tpu.memref_slice %arg14[%dma_start3A_363, %dma_start3A_364, %dma_start3A_365, %dma_start3A_366] : memref<3x16x8x32xf32, #tpu.memory_space<vmem>> -> memref<1x1x8x32xf32, #tpu.memory_space<vmem>>
    %dma_start3A_368 = tpu.memref_squeeze %dma_start3A_367 : memref<1x1x8x32xf32, #tpu.memory_space<vmem>> -> memref<8x32xf32, #tpu.memory_space<vmem>>
    %dma_start3A_369 = arith.constant 0 : i32
    %dma_start3A_370 = arith.constant 0 : i32
    %dma_start3A_371 = tpu.memref_slice %arg5[%squeeze3A_362, %dma_start3A_369, %dma_start3A_370] : memref<12500x8x32xf32, #tpu.memory_space<hbm>> -> memref<1x8x32xf32, #tpu.memory_space<hbm>>
    %dma_start3A_372 = tpu.memref_squeeze %dma_start3A_371 : memref<1x8x32xf32, #tpu.memory_space<hbm>> -> memref<8x32xf32, #tpu.memory_space<hbm>>
    %dma_start3A_373 = arith.constant 0 : i32
    %dma_start3A_374 = arith.constant 0 : i32
    %dma_start3A_375 = tpu.memref_slice %arg14[%dma_start3A_363, %dma_start3A_364, %dma_start3A_373, %dma_start3A_374] : memref<3x16x8x32xf32, #tpu.memory_space<vmem>> -> memref<1x1x8x32xf32, #tpu.memory_space<vmem>>
    %dma_start3A_376 = tpu.memref_squeeze %dma_start3A_375 : memref<1x1x8x32xf32, #tpu.memory_space<vmem>> -> memref<8x32xf32, #tpu.memory_space<vmem>>
    %dma_start3A_377 = arith.constant 0 : i32
    %dma_start3A_378 = arith.constant 0 : i32
    %dma_start3A_379 = tpu.memref_slice %arg5[%squeeze3A_362, %dma_start3A_377, %dma_start3A_378] : memref<12500x8x32xf32, #tpu.memory_space<hbm>> -> memref<1x8x32xf32, #tpu.memory_space<hbm>>
    %dma_start3A_380 = tpu.memref_squeeze %dma_start3A_379 : memref<1x8x32xf32, #tpu.memory_space<hbm>> -> memref<8x32xf32, #tpu.memory_space<hbm>>
    tpu.enqueue_dma source(%dma_start3A_380 : memref<8x32xf32, #tpu.memory_space<hbm>>) target(%dma_start3A_376 : memref<8x32xf32, #tpu.memory_space<vmem>>) target_semaphore(%arg19 : memref<!tpu.dma_semaphore, #tpu.memory_space<semaphore_mem>>)
    %slice3A_381 = vector.extract_strided_slice %shift_right_logical3A_16 {offsets = [9], sizes = [1], strides = [1]} : vector<16xi32> to vector<1xi32>
    %squeeze3A_382 = vector.extract %slice3A_381[0] : i32 from vector<1xi32>
    %dma_start3A_383 = arith.constant 0 : i32
    %dma_start3A_384 = arith.constant 9 : i32
    %dma_start3A_385 = arith.constant 0 : i32
    %dma_start3A_386 = arith.constant 0 : i32
    %dma_start3A_387 = tpu.memref_slice %arg13[%dma_start3A_383, %dma_start3A_384, %dma_start3A_385, %dma_start3A_386] : memref<3x16x8x32xf32, #tpu.memory_space<vmem>> -> memref<1x1x8x32xf32, #tpu.memory_space<vmem>>
    %dma_start3A_388 = tpu.memref_squeeze %dma_start3A_387 : memref<1x1x8x32xf32, #tpu.memory_space<vmem>> -> memref<8x32xf32, #tpu.memory_space<vmem>>
    %dma_start3A_389 = arith.constant 0 : i32
    %dma_start3A_390 = arith.constant 0 : i32
    %dma_start3A_391 = tpu.memref_slice %arg4[%squeeze3A_382, %dma_start3A_389, %dma_start3A_390] : memref<125000x8x32xf32, #tpu.memory_space<hbm>> -> memref<1x8x32xf32, #tpu.memory_space<hbm>>
    %dma_start3A_392 = tpu.memref_squeeze %dma_start3A_391 : memref<1x8x32xf32, #tpu.memory_space<hbm>> -> memref<8x32xf32, #tpu.memory_space<hbm>>
    %dma_start3A_393 = arith.constant 0 : i32
    %dma_start3A_394 = arith.constant 0 : i32
    %dma_start3A_395 = tpu.memref_slice %arg13[%dma_start3A_383, %dma_start3A_384, %dma_start3A_393, %dma_start3A_394] : memref<3x16x8x32xf32, #tpu.memory_space<vmem>> -> memref<1x1x8x32xf32, #tpu.memory_space<vmem>>
    %dma_start3A_396 = tpu.memref_squeeze %dma_start3A_395 : memref<1x1x8x32xf32, #tpu.memory_space<vmem>> -> memref<8x32xf32, #tpu.memory_space<vmem>>
    %dma_start3A_397 = arith.constant 0 : i32
    %dma_start3A_398 = arith.constant 0 : i32
    %dma_start3A_399 = tpu.memref_slice %arg4[%squeeze3A_382, %dma_start3A_397, %dma_start3A_398] : memref<125000x8x32xf32, #tpu.memory_space<hbm>> -> memref<1x8x32xf32, #tpu.memory_space<hbm>>
    %dma_start3A_400 = tpu.memref_squeeze %dma_start3A_399 : memref<1x8x32xf32, #tpu.memory_space<hbm>> -> memref<8x32xf32, #tpu.memory_space<hbm>>
    tpu.enqueue_dma source(%dma_start3A_400 : memref<8x32xf32, #tpu.memory_space<hbm>>) target(%dma_start3A_396 : memref<8x32xf32, #tpu.memory_space<vmem>>) target_semaphore(%arg18 : memref<!tpu.dma_semaphore, #tpu.memory_space<semaphore_mem>>)
    %slice3A_401 = vector.extract_strided_slice %shift_right_logical3A_21 {offsets = [9], sizes = [1], strides = [1]} : vector<16xi32> to vector<1xi32>
    %squeeze3A_402 = vector.extract %slice3A_401[0] : i32 from vector<1xi32>
    %dma_start3A_403 = arith.constant 0 : i32
    %dma_start3A_404 = arith.constant 9 : i32
    %dma_start3A_405 = arith.constant 0 : i32
    %dma_start3A_406 = arith.constant 0 : i32
    %dma_start3A_407 = tpu.memref_slice %arg14[%dma_start3A_403, %dma_start3A_404, %dma_start3A_405, %dma_start3A_406] : memref<3x16x8x32xf32, #tpu.memory_space<vmem>> -> memref<1x1x8x32xf32, #tpu.memory_space<vmem>>
    %dma_start3A_408 = tpu.memref_squeeze %dma_start3A_407 : memref<1x1x8x32xf32, #tpu.memory_space<vmem>> -> memref<8x32xf32, #tpu.memory_space<vmem>>
    %dma_start3A_409 = arith.constant 0 : i32
    %dma_start3A_410 = arith.constant 0 : i32
    %dma_start3A_411 = tpu.memref_slice %arg5[%squeeze3A_402, %dma_start3A_409, %dma_start3A_410] : memref<12500x8x32xf32, #tpu.memory_space<hbm>> -> memref<1x8x32xf32, #tpu.memory_space<hbm>>
    %dma_start3A_412 = tpu.memref_squeeze %dma_start3A_411 : memref<1x8x32xf32, #tpu.memory_space<hbm>> -> memref<8x32xf32, #tpu.memory_space<hbm>>
    %dma_start3A_413 = arith.constant 0 : i32
    %dma_start3A_414 = arith.constant 0 : i32
    %dma_start3A_415 = tpu.memref_slice %arg14[%dma_start3A_403, %dma_start3A_404, %dma_start3A_413, %dma_start3A_414] : memref<3x16x8x32xf32, #tpu.memory_space<vmem>> -> memref<1x1x8x32xf32, #tpu.memory_space<vmem>>
    %dma_start3A_416 = tpu.memref_squeeze %dma_start3A_415 : memref<1x1x8x32xf32, #tpu.memory_space<vmem>> -> memref<8x32xf32, #tpu.memory_space<vmem>>
    %dma_start3A_417 = arith.constant 0 : i32
    %dma_start3A_418 = arith.constant 0 : i32
    %dma_start3A_419 = tpu.memref_slice %arg5[%squeeze3A_402, %dma_start3A_417, %dma_start3A_418] : memref<12500x8x32xf32, #tpu.memory_space<hbm>> -> memref<1x8x32xf32, #tpu.memory_space<hbm>>
    %dma_start3A_420 = tpu.memref_squeeze %dma_start3A_419 : memref<1x8x32xf32, #tpu.memory_space<hbm>> -> memref<8x32xf32, #tpu.memory_space<hbm>>
    tpu.enqueue_dma source(%dma_start3A_420 : memref<8x32xf32, #tpu.memory_space<hbm>>) target(%dma_start3A_416 : memref<8x32xf32, #tpu.memory_space<vmem>>) target_semaphore(%arg19 : memref<!tpu.dma_semaphore, #tpu.memory_space<semaphore_mem>>)
    %slice3A_421 = vector.extract_strided_slice %shift_right_logical3A_16 {offsets = [10], sizes = [1], strides = [1]} : vector<16xi32> to vector<1xi32>
    %squeeze3A_422 = vector.extract %slice3A_421[0] : i32 from vector<1xi32>
    %dma_start3A_423 = arith.constant 0 : i32
    %dma_start3A_424 = arith.constant 10 : i32
    %dma_start3A_425 = arith.constant 0 : i32
    %dma_start3A_426 = arith.constant 0 : i32
    %dma_start3A_427 = tpu.memref_slice %arg13[%dma_start3A_423, %dma_start3A_424, %dma_start3A_425, %dma_start3A_426] : memref<3x16x8x32xf32, #tpu.memory_space<vmem>> -> memref<1x1x8x32xf32, #tpu.memory_space<vmem>>
    %dma_start3A_428 = tpu.memref_squeeze %dma_start3A_427 : memref<1x1x8x32xf32, #tpu.memory_space<vmem>> -> memref<8x32xf32, #tpu.memory_space<vmem>>
    %dma_start3A_429 = arith.constant 0 : i32
    %dma_start3A_430 = arith.constant 0 : i32
    %dma_start3A_431 = tpu.memref_slice %arg4[%squeeze3A_422, %dma_start3A_429, %dma_start3A_430] : memref<125000x8x32xf32, #tpu.memory_space<hbm>> -> memref<1x8x32xf32, #tpu.memory_space<hbm>>
    %dma_start3A_432 = tpu.memref_squeeze %dma_start3A_431 : memref<1x8x32xf32, #tpu.memory_space<hbm>> -> memref<8x32xf32, #tpu.memory_space<hbm>>
    %dma_start3A_433 = arith.constant 0 : i32
    %dma_start3A_434 = arith.constant 0 : i32
    %dma_start3A_435 = tpu.memref_slice %arg13[%dma_start3A_423, %dma_start3A_424, %dma_start3A_433, %dma_start3A_434] : memref<3x16x8x32xf32, #tpu.memory_space<vmem>> -> memref<1x1x8x32xf32, #tpu.memory_space<vmem>>
    %dma_start3A_436 = tpu.memref_squeeze %dma_start3A_435 : memref<1x1x8x32xf32, #tpu.memory_space<vmem>> -> memref<8x32xf32, #tpu.memory_space<vmem>>
    %dma_start3A_437 = arith.constant 0 : i32
    %dma_start3A_438 = arith.constant 0 : i32
    %dma_start3A_439 = tpu.memref_slice %arg4[%squeeze3A_422, %dma_start3A_437, %dma_start3A_438] : memref<125000x8x32xf32, #tpu.memory_space<hbm>> -> memref<1x8x32xf32, #tpu.memory_space<hbm>>
    %dma_start3A_440 = tpu.memref_squeeze %dma_start3A_439 : memref<1x8x32xf32, #tpu.memory_space<hbm>> -> memref<8x32xf32, #tpu.memory_space<hbm>>
    tpu.enqueue_dma source(%dma_start3A_440 : memref<8x32xf32, #tpu.memory_space<hbm>>) target(%dma_start3A_436 : memref<8x32xf32, #tpu.memory_space<vmem>>) target_semaphore(%arg18 : memref<!tpu.dma_semaphore, #tpu.memory_space<semaphore_mem>>)
    %slice3A_441 = vector.extract_strided_slice %shift_right_logical3A_21 {offsets = [10], sizes = [1], strides = [1]} : vector<16xi32> to vector<1xi32>
    %squeeze3A_442 = vector.extract %slice3A_441[0] : i32 from vector<1xi32>
    %dma_start3A_443 = arith.constant 0 : i32
    %dma_start3A_444 = arith.constant 10 : i32
    %dma_start3A_445 = arith.constant 0 : i32
    %dma_start3A_446 = arith.constant 0 : i32
    %dma_start3A_447 = tpu.memref_slice %arg14[%dma_start3A_443, %dma_start3A_444, %dma_start3A_445, %dma_start3A_446] : memref<3x16x8x32xf32, #tpu.memory_space<vmem>> -> memref<1x1x8x32xf32, #tpu.memory_space<vmem>>
    %dma_start3A_448 = tpu.memref_squeeze %dma_start3A_447 : memref<1x1x8x32xf32, #tpu.memory_space<vmem>> -> memref<8x32xf32, #tpu.memory_space<vmem>>
    %dma_start3A_449 = arith.constant 0 : i32
    %dma_start3A_450 = arith.constant 0 : i32
    %dma_start3A_451 = tpu.memref_slice %arg5[%squeeze3A_442, %dma_start3A_449, %dma_start3A_450] : memref<12500x8x32xf32, #tpu.memory_space<hbm>> -> memref<1x8x32xf32, #tpu.memory_space<hbm>>
    %dma_start3A_452 = tpu.memref_squeeze %dma_start3A_451 : memref<1x8x32xf32, #tpu.memory_space<hbm>> -> memref<8x32xf32, #tpu.memory_space<hbm>>
    %dma_start3A_453 = arith.constant 0 : i32
    %dma_start3A_454 = arith.constant 0 : i32
    %dma_start3A_455 = tpu.memref_slice %arg14[%dma_start3A_443, %dma_start3A_444, %dma_start3A_453, %dma_start3A_454] : memref<3x16x8x32xf32, #tpu.memory_space<vmem>> -> memref<1x1x8x32xf32, #tpu.memory_space<vmem>>
    %dma_start3A_456 = tpu.memref_squeeze %dma_start3A_455 : memref<1x1x8x32xf32, #tpu.memory_space<vmem>> -> memref<8x32xf32, #tpu.memory_space<vmem>>
    %dma_start3A_457 = arith.constant 0 : i32
    %dma_start3A_458 = arith.constant 0 : i32
    %dma_start3A_459 = tpu.memref_slice %arg5[%squeeze3A_442, %dma_start3A_457, %dma_start3A_458] : memref<12500x8x32xf32, #tpu.memory_space<hbm>> -> memref<1x8x32xf32, #tpu.memory_space<hbm>>
    %dma_start3A_460 = tpu.memref_squeeze %dma_start3A_459 : memref<1x8x32xf32, #tpu.memory_space<hbm>> -> memref<8x32xf32, #tpu.memory_space<hbm>>
    tpu.enqueue_dma source(%dma_start3A_460 : memref<8x32xf32, #tpu.memory_space<hbm>>) target(%dma_start3A_456 : memref<8x32xf32, #tpu.memory_space<vmem>>) target_semaphore(%arg19 : memref<!tpu.dma_semaphore, #tpu.memory_space<semaphore_mem>>)
    %slice3A_461 = vector.extract_strided_slice %shift_right_logical3A_16 {offsets = [11], sizes = [1], strides = [1]} : vector<16xi32> to vector<1xi32>
    %squeeze3A_462 = vector.extract %slice3A_461[0] : i32 from vector<1xi32>
    %dma_start3A_463 = arith.constant 0 : i32
    %dma_start3A_464 = arith.constant 11 : i32
    %dma_start3A_465 = arith.constant 0 : i32
    %dma_start3A_466 = arith.constant 0 : i32
    %dma_start3A_467 = tpu.memref_slice %arg13[%dma_start3A_463, %dma_start3A_464, %dma_start3A_465, %dma_start3A_466] : memref<3x16x8x32xf32, #tpu.memory_space<vmem>> -> memref<1x1x8x32xf32, #tpu.memory_space<vmem>>
    %dma_start3A_468 = tpu.memref_squeeze %dma_start3A_467 : memref<1x1x8x32xf32, #tpu.memory_space<vmem>> -> memref<8x32xf32, #tpu.memory_space<vmem>>
    %dma_start3A_469 = arith.constant 0 : i32
    %dma_start3A_470 = arith.constant 0 : i32
    %dma_start3A_471 = tpu.memref_slice %arg4[%squeeze3A_462, %dma_start3A_469, %dma_start3A_470] : memref<125000x8x32xf32, #tpu.memory_space<hbm>> -> memref<1x8x32xf32, #tpu.memory_space<hbm>>
    %dma_start3A_472 = tpu.memref_squeeze %dma_start3A_471 : memref<1x8x32xf32, #tpu.memory_space<hbm>> -> memref<8x32xf32, #tpu.memory_space<hbm>>
    %dma_start3A_473 = arith.constant 0 : i32
    %dma_start3A_474 = arith.constant 0 : i32
    %dma_start3A_475 = tpu.memref_slice %arg13[%dma_start3A_463, %dma_start3A_464, %dma_start3A_473, %dma_start3A_474] : memref<3x16x8x32xf32, #tpu.memory_space<vmem>> -> memref<1x1x8x32xf32, #tpu.memory_space<vmem>>
    %dma_start3A_476 = tpu.memref_squeeze %dma_start3A_475 : memref<1x1x8x32xf32, #tpu.memory_space<vmem>> -> memref<8x32xf32, #tpu.memory_space<vmem>>
    %dma_start3A_477 = arith.constant 0 : i32
    %dma_start3A_478 = arith.constant 0 : i32
    %dma_start3A_479 = tpu.memref_slice %arg4[%squeeze3A_462, %dma_start3A_477, %dma_start3A_478] : memref<125000x8x32xf32, #tpu.memory_space<hbm>> -> memref<1x8x32xf32, #tpu.memory_space<hbm>>
    %dma_start3A_480 = tpu.memref_squeeze %dma_start3A_479 : memref<1x8x32xf32, #tpu.memory_space<hbm>> -> memref<8x32xf32, #tpu.memory_space<hbm>>
    tpu.enqueue_dma source(%dma_start3A_480 : memref<8x32xf32, #tpu.memory_space<hbm>>) target(%dma_start3A_476 : memref<8x32xf32, #tpu.memory_space<vmem>>) target_semaphore(%arg18 : memref<!tpu.dma_semaphore, #tpu.memory_space<semaphore_mem>>)
    %slice3A_481 = vector.extract_strided_slice %shift_right_logical3A_21 {offsets = [11], sizes = [1], strides = [1]} : vector<16xi32> to vector<1xi32>
    %squeeze3A_482 = vector.extract %slice3A_481[0] : i32 from vector<1xi32>
    %dma_start3A_483 = arith.constant 0 : i32
    %dma_start3A_484 = arith.constant 11 : i32
    %dma_start3A_485 = arith.constant 0 : i32
    %dma_start3A_486 = arith.constant 0 : i32
    %dma_start3A_487 = tpu.memref_slice %arg14[%dma_start3A_483, %dma_start3A_484, %dma_start3A_485, %dma_start3A_486] : memref<3x16x8x32xf32, #tpu.memory_space<vmem>> -> memref<1x1x8x32xf32, #tpu.memory_space<vmem>>
    %dma_start3A_488 = tpu.memref_squeeze %dma_start3A_487 : memref<1x1x8x32xf32, #tpu.memory_space<vmem>> -> memref<8x32xf32, #tpu.memory_space<vmem>>
    %dma_start3A_489 = arith.constant 0 : i32
    %dma_start3A_490 = arith.constant 0 : i32
    %dma_start3A_491 = tpu.memref_slice %arg5[%squeeze3A_482, %dma_start3A_489, %dma_start3A_490] : memref<12500x8x32xf32, #tpu.memory_space<hbm>> -> memref<1x8x32xf32, #tpu.memory_space<hbm>>
    %dma_start3A_492 = tpu.memref_squeeze %dma_start3A_491 : memref<1x8x32xf32, #tpu.memory_space<hbm>> -> memref<8x32xf32, #tpu.memory_space<hbm>>
    %dma_start3A_493 = arith.constant 0 : i32
    %dma_start3A_494 = arith.constant 0 : i32
    %dma_start3A_495 = tpu.memref_slice %arg14[%dma_start3A_483, %dma_start3A_484, %dma_start3A_493, %dma_start3A_494] : memref<3x16x8x32xf32, #tpu.memory_space<vmem>> -> memref<1x1x8x32xf32, #tpu.memory_space<vmem>>
    %dma_start3A_496 = tpu.memref_squeeze %dma_start3A_495 : memref<1x1x8x32xf32, #tpu.memory_space<vmem>> -> memref<8x32xf32, #tpu.memory_space<vmem>>
    %dma_start3A_497 = arith.constant 0 : i32
    %dma_start3A_498 = arith.constant 0 : i32
    %dma_start3A_499 = tpu.memref_slice %arg5[%squeeze3A_482, %dma_start3A_497, %dma_start3A_498] : memref<12500x8x32xf32, #tpu.memory_space<hbm>> -> memref<1x8x32xf32, #tpu.memory_space<hbm>>
    %dma_start3A_500 = tpu.memref_squeeze %dma_start3A_499 : memref<1x8x32xf32, #tpu.memory_space<hbm>> -> memref<8x32xf32, #tpu.memory_space<hbm>>
    tpu.enqueue_dma source(%dma_start3A_500 : memref<8x32xf32, #tpu.memory_space<hbm>>) target(%dma_start3A_496 : memref<8x32xf32, #tpu.memory_space<vmem>>) target_semaphore(%arg19 : memref<!tpu.dma_semaphore, #tpu.memory_space<semaphore_mem>>)
    %slice3A_501 = vector.extract_strided_slice %shift_right_logical3A_16 {offsets = [12], sizes = [1], strides = [1]} : vector<16xi32> to vector<1xi32>
    %squeeze3A_502 = vector.extract %slice3A_501[0] : i32 from vector<1xi32>
    %dma_start3A_503 = arith.constant 0 : i32
    %dma_start3A_504 = arith.constant 12 : i32
    %dma_start3A_505 = arith.constant 0 : i32
    %dma_start3A_506 = arith.constant 0 : i32
    %dma_start3A_507 = tpu.memref_slice %arg13[%dma_start3A_503, %dma_start3A_504, %dma_start3A_505, %dma_start3A_506] : memref<3x16x8x32xf32, #tpu.memory_space<vmem>> -> memref<1x1x8x32xf32, #tpu.memory_space<vmem>>
    %dma_start3A_508 = tpu.memref_squeeze %dma_start3A_507 : memref<1x1x8x32xf32, #tpu.memory_space<vmem>> -> memref<8x32xf32, #tpu.memory_space<vmem>>
    %dma_start3A_509 = arith.constant 0 : i32
    %dma_start3A_510 = arith.constant 0 : i32
    %dma_start3A_511 = tpu.memref_slice %arg4[%squeeze3A_502, %dma_start3A_509, %dma_start3A_510] : memref<125000x8x32xf32, #tpu.memory_space<hbm>> -> memref<1x8x32xf32, #tpu.memory_space<hbm>>
    %dma_start3A_512 = tpu.memref_squeeze %dma_start3A_511 : memref<1x8x32xf32, #tpu.memory_space<hbm>> -> memref<8x32xf32, #tpu.memory_space<hbm>>
    %dma_start3A_513 = arith.constant 0 : i32
    %dma_start3A_514 = arith.constant 0 : i32
    %dma_start3A_515 = tpu.memref_slice %arg13[%dma_start3A_503, %dma_start3A_504, %dma_start3A_513, %dma_start3A_514] : memref<3x16x8x32xf32, #tpu.memory_space<vmem>> -> memref<1x1x8x32xf32, #tpu.memory_space<vmem>>
    %dma_start3A_516 = tpu.memref_squeeze %dma_start3A_515 : memref<1x1x8x32xf32, #tpu.memory_space<vmem>> -> memref<8x32xf32, #tpu.memory_space<vmem>>
    %dma_start3A_517 = arith.constant 0 : i32
    %dma_start3A_518 = arith.constant 0 : i32
    %dma_start3A_519 = tpu.memref_slice %arg4[%squeeze3A_502, %dma_start3A_517, %dma_start3A_518] : memref<125000x8x32xf32, #tpu.memory_space<hbm>> -> memref<1x8x32xf32, #tpu.memory_space<hbm>>
    %dma_start3A_520 = tpu.memref_squeeze %dma_start3A_519 : memref<1x8x32xf32, #tpu.memory_space<hbm>> -> memref<8x32xf32, #tpu.memory_space<hbm>>
    tpu.enqueue_dma source(%dma_start3A_520 : memref<8x32xf32, #tpu.memory_space<hbm>>) target(%dma_start3A_516 : memref<8x32xf32, #tpu.memory_space<vmem>>) target_semaphore(%arg18 : memref<!tpu.dma_semaphore, #tpu.memory_space<semaphore_mem>>)
    %slice3A_521 = vector.extract_strided_slice %shift_right_logical3A_21 {offsets = [12], sizes = [1], strides = [1]} : vector<16xi32> to vector<1xi32>
    %squeeze3A_522 = vector.extract %slice3A_521[0] : i32 from vector<1xi32>
    %dma_start3A_523 = arith.constant 0 : i32
    %dma_start3A_524 = arith.constant 12 : i32
    %dma_start3A_525 = arith.constant 0 : i32
    %dma_start3A_526 = arith.constant 0 : i32
    %dma_start3A_527 = tpu.memref_slice %arg14[%dma_start3A_523, %dma_start3A_524, %dma_start3A_525, %dma_start3A_526] : memref<3x16x8x32xf32, #tpu.memory_space<vmem>> -> memref<1x1x8x32xf32, #tpu.memory_space<vmem>>
    %dma_start3A_528 = tpu.memref_squeeze %dma_start3A_527 : memref<1x1x8x32xf32, #tpu.memory_space<vmem>> -> memref<8x32xf32, #tpu.memory_space<vmem>>
    %dma_start3A_529 = arith.constant 0 : i32
    %dma_start3A_530 = arith.constant 0 : i32
    %dma_start3A_531 = tpu.memref_slice %arg5[%squeeze3A_522, %dma_start3A_529, %dma_start3A_530] : memref<12500x8x32xf32, #tpu.memory_space<hbm>> -> memref<1x8x32xf32, #tpu.memory_space<hbm>>
    %dma_start3A_532 = tpu.memref_squeeze %dma_start3A_531 : memref<1x8x32xf32, #tpu.memory_space<hbm>> -> memref<8x32xf32, #tpu.memory_space<hbm>>
    %dma_start3A_533 = arith.constant 0 : i32
    %dma_start3A_534 = arith.constant 0 : i32
    %dma_start3A_535 = tpu.memref_slice %arg14[%dma_start3A_523, %dma_start3A_524, %dma_start3A_533, %dma_start3A_534] : memref<3x16x8x32xf32, #tpu.memory_space<vmem>> -> memref<1x1x8x32xf32, #tpu.memory_space<vmem>>
    %dma_start3A_536 = tpu.memref_squeeze %dma_start3A_535 : memref<1x1x8x32xf32, #tpu.memory_space<vmem>> -> memref<8x32xf32, #tpu.memory_space<vmem>>
    %dma_start3A_537 = arith.constant 0 : i32
    %dma_start3A_538 = arith.constant 0 : i32
    %dma_start3A_539 = tpu.memref_slice %arg5[%squeeze3A_522, %dma_start3A_537, %dma_start3A_538] : memref<12500x8x32xf32, #tpu.memory_space<hbm>> -> memref<1x8x32xf32, #tpu.memory_space<hbm>>
    %dma_start3A_540 = tpu.memref_squeeze %dma_start3A_539 : memref<1x8x32xf32, #tpu.memory_space<hbm>> -> memref<8x32xf32, #tpu.memory_space<hbm>>
    tpu.enqueue_dma source(%dma_start3A_540 : memref<8x32xf32, #tpu.memory_space<hbm>>) target(%dma_start3A_536 : memref<8x32xf32, #tpu.memory_space<vmem>>) target_semaphore(%arg19 : memref<!tpu.dma_semaphore, #tpu.memory_space<semaphore_mem>>)
    %slice3A_541 = vector.extract_strided_slice %shift_right_logical3A_16 {offsets = [13], sizes = [1], strides = [1]} : vector<16xi32> to vector<1xi32>
    %squeeze3A_542 = vector.extract %slice3A_541[0] : i32 from vector<1xi32>
    %dma_start3A_543 = arith.constant 0 : i32
    %dma_start3A_544 = arith.constant 13 : i32
    %dma_start3A_545 = arith.constant 0 : i32
    %dma_start3A_546 = arith.constant 0 : i32
    %dma_start3A_547 = tpu.memref_slice %arg13[%dma_start3A_543, %dma_start3A_544, %dma_start3A_545, %dma_start3A_546] : memref<3x16x8x32xf32, #tpu.memory_space<vmem>> -> memref<1x1x8x32xf32, #tpu.memory_space<vmem>>
    %dma_start3A_548 = tpu.memref_squeeze %dma_start3A_547 : memref<1x1x8x32xf32, #tpu.memory_space<vmem>> -> memref<8x32xf32, #tpu.memory_space<vmem>>
    %dma_start3A_549 = arith.constant 0 : i32
    %dma_start3A_550 = arith.constant 0 : i32
    %dma_start3A_551 = tpu.memref_slice %arg4[%squeeze3A_542, %dma_start3A_549, %dma_start3A_550] : memref<125000x8x32xf32, #tpu.memory_space<hbm>> -> memref<1x8x32xf32, #tpu.memory_space<hbm>>
    %dma_start3A_552 = tpu.memref_squeeze %dma_start3A_551 : memref<1x8x32xf32, #tpu.memory_space<hbm>> -> memref<8x32xf32, #tpu.memory_space<hbm>>
    %dma_start3A_553 = arith.constant 0 : i32
    %dma_start3A_554 = arith.constant 0 : i32
    %dma_start3A_555 = tpu.memref_slice %arg13[%dma_start3A_543, %dma_start3A_544, %dma_start3A_553, %dma_start3A_554] : memref<3x16x8x32xf32, #tpu.memory_space<vmem>> -> memref<1x1x8x32xf32, #tpu.memory_space<vmem>>
    %dma_start3A_556 = tpu.memref_squeeze %dma_start3A_555 : memref<1x1x8x32xf32, #tpu.memory_space<vmem>> -> memref<8x32xf32, #tpu.memory_space<vmem>>
    %dma_start3A_557 = arith.constant 0 : i32
    %dma_start3A_558 = arith.constant 0 : i32
    %dma_start3A_559 = tpu.memref_slice %arg4[%squeeze3A_542, %dma_start3A_557, %dma_start3A_558] : memref<125000x8x32xf32, #tpu.memory_space<hbm>> -> memref<1x8x32xf32, #tpu.memory_space<hbm>>
    %dma_start3A_560 = tpu.memref_squeeze %dma_start3A_559 : memref<1x8x32xf32, #tpu.memory_space<hbm>> -> memref<8x32xf32, #tpu.memory_space<hbm>>
    tpu.enqueue_dma source(%dma_start3A_560 : memref<8x32xf32, #tpu.memory_space<hbm>>) target(%dma_start3A_556 : memref<8x32xf32, #tpu.memory_space<vmem>>) target_semaphore(%arg18 : memref<!tpu.dma_semaphore, #tpu.memory_space<semaphore_mem>>)
    %slice3A_561 = vector.extract_strided_slice %shift_right_logical3A_21 {offsets = [13], sizes = [1], strides = [1]} : vector<16xi32> to vector<1xi32>
    %squeeze3A_562 = vector.extract %slice3A_561[0] : i32 from vector<1xi32>
    %dma_start3A_563 = arith.constant 0 : i32
    %dma_start3A_564 = arith.constant 13 : i32
    %dma_start3A_565 = arith.constant 0 : i32
    %dma_start3A_566 = arith.constant 0 : i32
    %dma_start3A_567 = tpu.memref_slice %arg14[%dma_start3A_563, %dma_start3A_564, %dma_start3A_565, %dma_start3A_566] : memref<3x16x8x32xf32, #tpu.memory_space<vmem>> -> memref<1x1x8x32xf32, #tpu.memory_space<vmem>>
    %dma_start3A_568 = tpu.memref_squeeze %dma_start3A_567 : memref<1x1x8x32xf32, #tpu.memory_space<vmem>> -> memref<8x32xf32, #tpu.memory_space<vmem>>
    %dma_start3A_569 = arith.constant 0 : i32
    %dma_start3A_570 = arith.constant 0 : i32
    %dma_start3A_571 = tpu.memref_slice %arg5[%squeeze3A_562, %dma_start3A_569, %dma_start3A_570] : memref<12500x8x32xf32, #tpu.memory_space<hbm>> -> memref<1x8x32xf32, #tpu.memory_space<hbm>>
    %dma_start3A_572 = tpu.memref_squeeze %dma_start3A_571 : memref<1x8x32xf32, #tpu.memory_space<hbm>> -> memref<8x32xf32, #tpu.memory_space<hbm>>
    %dma_start3A_573 = arith.constant 0 : i32
    %dma_start3A_574 = arith.constant 0 : i32
    %dma_start3A_575 = tpu.memref_slice %arg14[%dma_start3A_563, %dma_start3A_564, %dma_start3A_573, %dma_start3A_574] : memref<3x16x8x32xf32, #tpu.memory_space<vmem>> -> memref<1x1x8x32xf32, #tpu.memory_space<vmem>>
    %dma_start3A_576 = tpu.memref_squeeze %dma_start3A_575 : memref<1x1x8x32xf32, #tpu.memory_space<vmem>> -> memref<8x32xf32, #tpu.memory_space<vmem>>
    %dma_start3A_577 = arith.constant 0 : i32
    %dma_start3A_578 = arith.constant 0 : i32
    %dma_start3A_579 = tpu.memref_slice %arg5[%squeeze3A_562, %dma_start3A_577, %dma_start3A_578] : memref<12500x8x32xf32, #tpu.memory_space<hbm>> -> memref<1x8x32xf32, #tpu.memory_space<hbm>>
    %dma_start3A_580 = tpu.memref_squeeze %dma_start3A_579 : memref<1x8x32xf32, #tpu.memory_space<hbm>> -> memref<8x32xf32, #tpu.memory_space<hbm>>
    tpu.enqueue_dma source(%dma_start3A_580 : memref<8x32xf32, #tpu.memory_space<hbm>>) target(%dma_start3A_576 : memref<8x32xf32, #tpu.memory_space<vmem>>) target_semaphore(%arg19 : memref<!tpu.dma_semaphore, #tpu.memory_space<semaphore_mem>>)
    %slice3A_581 = vector.extract_strided_slice %shift_right_logical3A_16 {offsets = [14], sizes = [1], strides = [1]} : vector<16xi32> to vector<1xi32>
    %squeeze3A_582 = vector.extract %slice3A_581[0] : i32 from vector<1xi32>
    %dma_start3A_583 = arith.constant 0 : i32
    %dma_start3A_584 = arith.constant 14 : i32
    %dma_start3A_585 = arith.constant 0 : i32
    %dma_start3A_586 = arith.constant 0 : i32
    %dma_start3A_587 = tpu.memref_slice %arg13[%dma_start3A_583, %dma_start3A_584, %dma_start3A_585, %dma_start3A_586] : memref<3x16x8x32xf32, #tpu.memory_space<vmem>> -> memref<1x1x8x32xf32, #tpu.memory_space<vmem>>
    %dma_start3A_588 = tpu.memref_squeeze %dma_start3A_587 : memref<1x1x8x32xf32, #tpu.memory_space<vmem>> -> memref<8x32xf32, #tpu.memory_space<vmem>>
    %dma_start3A_589 = arith.constant 0 : i32
    %dma_start3A_590 = arith.constant 0 : i32
    %dma_start3A_591 = tpu.memref_slice %arg4[%squeeze3A_582, %dma_start3A_589, %dma_start3A_590] : memref<125000x8x32xf32, #tpu.memory_space<hbm>> -> memref<1x8x32xf32, #tpu.memory_space<hbm>>
    %dma_start3A_592 = tpu.memref_squeeze %dma_start3A_591 : memref<1x8x32xf32, #tpu.memory_space<hbm>> -> memref<8x32xf32, #tpu.memory_space<hbm>>
    %dma_start3A_593 = arith.constant 0 : i32
    %dma_start3A_594 = arith.constant 0 : i32
    %dma_start3A_595 = tpu.memref_slice %arg13[%dma_start3A_583, %dma_start3A_584, %dma_start3A_593, %dma_start3A_594] : memref<3x16x8x32xf32, #tpu.memory_space<vmem>> -> memref<1x1x8x32xf32, #tpu.memory_space<vmem>>
    %dma_start3A_596 = tpu.memref_squeeze %dma_start3A_595 : memref<1x1x8x32xf32, #tpu.memory_space<vmem>> -> memref<8x32xf32, #tpu.memory_space<vmem>>
    %dma_start3A_597 = arith.constant 0 : i32
    %dma_start3A_598 = arith.constant 0 : i32
    %dma_start3A_599 = tpu.memref_slice %arg4[%squeeze3A_582, %dma_start3A_597, %dma_start3A_598] : memref<125000x8x32xf32, #tpu.memory_space<hbm>> -> memref<1x8x32xf32, #tpu.memory_space<hbm>>
    %dma_start3A_600 = tpu.memref_squeeze %dma_start3A_599 : memref<1x8x32xf32, #tpu.memory_space<hbm>> -> memref<8x32xf32, #tpu.memory_space<hbm>>
    tpu.enqueue_dma source(%dma_start3A_600 : memref<8x32xf32, #tpu.memory_space<hbm>>) target(%dma_start3A_596 : memref<8x32xf32, #tpu.memory_space<vmem>>) target_semaphore(%arg18 : memref<!tpu.dma_semaphore, #tpu.memory_space<semaphore_mem>>)
    %slice3A_601 = vector.extract_strided_slice %shift_right_logical3A_21 {offsets = [14], sizes = [1], strides = [1]} : vector<16xi32> to vector<1xi32>
    %squeeze3A_602 = vector.extract %slice3A_601[0] : i32 from vector<1xi32>
    %dma_start3A_603 = arith.constant 0 : i32
    %dma_start3A_604 = arith.constant 14 : i32
    %dma_start3A_605 = arith.constant 0 : i32
    %dma_start3A_606 = arith.constant 0 : i32
    %dma_start3A_607 = tpu.memref_slice %arg14[%dma_start3A_603, %dma_start3A_604, %dma_start3A_605, %dma_start3A_606] : memref<3x16x8x32xf32, #tpu.memory_space<vmem>> -> memref<1x1x8x32xf32, #tpu.memory_space<vmem>>
    %dma_start3A_608 = tpu.memref_squeeze %dma_start3A_607 : memref<1x1x8x32xf32, #tpu.memory_space<vmem>> -> memref<8x32xf32, #tpu.memory_space<vmem>>
    %dma_start3A_609 = arith.constant 0 : i32
    %dma_start3A_610 = arith.constant 0 : i32
    %dma_start3A_611 = tpu.memref_slice %arg5[%squeeze3A_602, %dma_start3A_609, %dma_start3A_610] : memref<12500x8x32xf32, #tpu.memory_space<hbm>> -> memref<1x8x32xf32, #tpu.memory_space<hbm>>
    %dma_start3A_612 = tpu.memref_squeeze %dma_start3A_611 : memref<1x8x32xf32, #tpu.memory_space<hbm>> -> memref<8x32xf32, #tpu.memory_space<hbm>>
    %dma_start3A_613 = arith.constant 0 : i32
    %dma_start3A_614 = arith.constant 0 : i32
    %dma_start3A_615 = tpu.memref_slice %arg14[%dma_start3A_603, %dma_start3A_604, %dma_start3A_613, %dma_start3A_614] : memref<3x16x8x32xf32, #tpu.memory_space<vmem>> -> memref<1x1x8x32xf32, #tpu.memory_space<vmem>>
    %dma_start3A_616 = tpu.memref_squeeze %dma_start3A_615 : memref<1x1x8x32xf32, #tpu.memory_space<vmem>> -> memref<8x32xf32, #tpu.memory_space<vmem>>
    %dma_start3A_617 = arith.constant 0 : i32
    %dma_start3A_618 = arith.constant 0 : i32
    %dma_start3A_619 = tpu.memref_slice %arg5[%squeeze3A_602, %dma_start3A_617, %dma_start3A_618] : memref<12500x8x32xf32, #tpu.memory_space<hbm>> -> memref<1x8x32xf32, #tpu.memory_space<hbm>>
    %dma_start3A_620 = tpu.memref_squeeze %dma_start3A_619 : memref<1x8x32xf32, #tpu.memory_space<hbm>> -> memref<8x32xf32, #tpu.memory_space<hbm>>
    tpu.enqueue_dma source(%dma_start3A_620 : memref<8x32xf32, #tpu.memory_space<hbm>>) target(%dma_start3A_616 : memref<8x32xf32, #tpu.memory_space<vmem>>) target_semaphore(%arg19 : memref<!tpu.dma_semaphore, #tpu.memory_space<semaphore_mem>>)
    %slice3A_621 = vector.extract_strided_slice %shift_right_logical3A_16 {offsets = [15], sizes = [1], strides = [1]} : vector<16xi32> to vector<1xi32>
    %squeeze3A_622 = vector.extract %slice3A_621[0] : i32 from vector<1xi32>
    %dma_start3A_623 = arith.constant 0 : i32
    %dma_start3A_624 = arith.constant 15 : i32
    %dma_start3A_625 = arith.constant 0 : i32
    %dma_start3A_626 = arith.constant 0 : i32
    %dma_start3A_627 = tpu.memref_slice %arg13[%dma_start3A_623, %dma_start3A_624, %dma_start3A_625, %dma_start3A_626] : memref<3x16x8x32xf32, #tpu.memory_space<vmem>> -> memref<1x1x8x32xf32, #tpu.memory_space<vmem>>
    %dma_start3A_628 = tpu.memref_squeeze %dma_start3A_627 : memref<1x1x8x32xf32, #tpu.memory_space<vmem>> -> memref<8x32xf32, #tpu.memory_space<vmem>>
    %dma_start3A_629 = arith.constant 0 : i32
    %dma_start3A_630 = arith.constant 0 : i32
    %dma_start3A_631 = tpu.memref_slice %arg4[%squeeze3A_622, %dma_start3A_629, %dma_start3A_630] : memref<125000x8x32xf32, #tpu.memory_space<hbm>> -> memref<1x8x32xf32, #tpu.memory_space<hbm>>
    %dma_start3A_632 = tpu.memref_squeeze %dma_start3A_631 : memref<1x8x32xf32, #tpu.memory_space<hbm>> -> memref<8x32xf32, #tpu.memory_space<hbm>>
    %dma_start3A_633 = arith.constant 0 : i32
    %dma_start3A_634 = arith.constant 0 : i32
    %dma_start3A_635 = tpu.memref_slice %arg13[%dma_start3A_623, %dma_start3A_624, %dma_start3A_633, %dma_start3A_634] : memref<3x16x8x32xf32, #tpu.memory_space<vmem>> -> memref<1x1x8x32xf32, #tpu.memory_space<vmem>>
    %dma_start3A_636 = tpu.memref_squeeze %dma_start3A_635 : memref<1x1x8x32xf32, #tpu.memory_space<vmem>> -> memref<8x32xf32, #tpu.memory_space<vmem>>
    %dma_start3A_637 = arith.constant 0 : i32
    %dma_start3A_638 = arith.constant 0 : i32
    %dma_start3A_639 = tpu.memref_slice %arg4[%squeeze3A_622, %dma_start3A_637, %dma_start3A_638] : memref<125000x8x32xf32, #tpu.memory_space<hbm>> -> memref<1x8x32xf32, #tpu.memory_space<hbm>>
    %dma_start3A_640 = tpu.memref_squeeze %dma_start3A_639 : memref<1x8x32xf32, #tpu.memory_space<hbm>> -> memref<8x32xf32, #tpu.memory_space<hbm>>
    tpu.enqueue_dma source(%dma_start3A_640 : memref<8x32xf32, #tpu.memory_space<hbm>>) target(%dma_start3A_636 : memref<8x32xf32, #tpu.memory_space<vmem>>) target_semaphore(%arg18 : memref<!tpu.dma_semaphore, #tpu.memory_space<semaphore_mem>>)
    %slice3A_641 = vector.extract_strided_slice %shift_right_logical3A_21 {offsets = [15], sizes = [1], strides = [1]} : vector<16xi32> to vector<1xi32>
    %squeeze3A_642 = vector.extract %slice3A_641[0] : i32 from vector<1xi32>
    %dma_start3A_643 = arith.constant 0 : i32
    %dma_start3A_644 = arith.constant 15 : i32
    %dma_start3A_645 = arith.constant 0 : i32
    %dma_start3A_646 = arith.constant 0 : i32
    %dma_start3A_647 = tpu.memref_slice %arg14[%dma_start3A_643, %dma_start3A_644, %dma_start3A_645, %dma_start3A_646] : memref<3x16x8x32xf32, #tpu.memory_space<vmem>> -> memref<1x1x8x32xf32, #tpu.memory_space<vmem>>
    %dma_start3A_648 = tpu.memref_squeeze %dma_start3A_647 : memref<1x1x8x32xf32, #tpu.memory_space<vmem>> -> memref<8x32xf32, #tpu.memory_space<vmem>>
    %dma_start3A_649 = arith.constant 0 : i32
    %dma_start3A_650 = arith.constant 0 : i32
    %dma_start3A_651 = tpu.memref_slice %arg5[%squeeze3A_642, %dma_start3A_649, %dma_start3A_650] : memref<12500x8x32xf32, #tpu.memory_space<hbm>> -> memref<1x8x32xf32, #tpu.memory_space<hbm>>
    %dma_start3A_652 = tpu.memref_squeeze %dma_start3A_651 : memref<1x8x32xf32, #tpu.memory_space<hbm>> -> memref<8x32xf32, #tpu.memory_space<hbm>>
    %dma_start3A_653 = arith.constant 0 : i32
    %dma_start3A_654 = arith.constant 0 : i32
    %dma_start3A_655 = tpu.memref_slice %arg14[%dma_start3A_643, %dma_start3A_644, %dma_start3A_653, %dma_start3A_654] : memref<3x16x8x32xf32, #tpu.memory_space<vmem>> -> memref<1x1x8x32xf32, #tpu.memory_space<vmem>>
    %dma_start3A_656 = tpu.memref_squeeze %dma_start3A_655 : memref<1x1x8x32xf32, #tpu.memory_space<vmem>> -> memref<8x32xf32, #tpu.memory_space<vmem>>
    %dma_start3A_657 = arith.constant 0 : i32
    %dma_start3A_658 = arith.constant 0 : i32
    %dma_start3A_659 = tpu.memref_slice %arg5[%squeeze3A_642, %dma_start3A_657, %dma_start3A_658] : memref<12500x8x32xf32, #tpu.memory_space<hbm>> -> memref<1x8x32xf32, #tpu.memory_space<hbm>>
    %dma_start3A_660 = tpu.memref_squeeze %dma_start3A_659 : memref<1x8x32xf32, #tpu.memory_space<hbm>> -> memref<8x32xf32, #tpu.memory_space<hbm>>
    tpu.enqueue_dma source(%dma_start3A_660 : memref<8x32xf32, #tpu.memory_space<hbm>>) target(%dma_start3A_656 : memref<8x32xf32, #tpu.memory_space<vmem>>) target_semaphore(%arg19 : memref<!tpu.dma_semaphore, #tpu.memory_space<semaphore_mem>>)
    %get3A_661 = arith.constant 16 : index
    %get3A_662 = tpu.vector_load %arg9[%get3A_661] {strides = array<i32>} : memref<512xi32, #tpu.memory_space<vmem>>, vector<16xi32>,
    %shift_right_logical3A_663 = arith.constant 3 : i32
    %shift_right_logical3A_664 = vector.broadcast %shift_right_logical3A_663 : i32 to vector<16xi32>
    %shift_right_logical3A_665 = arith.shrui %get3A_662, %shift_right_logical3A_664 : vector<16xi32>
    %get3A_666 = arith.constant 16 : index
    %get3A_667 = tpu.vector_load %arg10[%get3A_666] {strides = array<i32>} : memref<512xi32, #tpu.memory_space<vmem>>, vector<16xi32>,
    %shift_right_logical3A_668 = arith.constant 3 : i32
    %shift_right_logical3A_669 = vector.broadcast %shift_right_logical3A_668 : i32 to vector<16xi32>
    %shift_right_logical3A_670 = arith.shrui %get3A_667, %shift_right_logical3A_669 : vector<16xi32>
    %slice3A_671 = vector.extract_strided_slice %shift_right_logical3A_665 {offsets = [0], sizes = [1], strides = [1]} : vector<16xi32> to vector<1xi32>
    %squeeze3A_672 = vector.extract %slice3A_671[0] : i32 from vector<1xi32>
    %dma_start3A_673 = arith.constant 1 : i32
    %dma_start3A_674 = arith.constant 0 : i32
    %dma_start3A_675 = arith.constant 0 : i32
    %dma_start3A_676 = arith.constant 0 : i32
    %dma_start3A_677 = tpu.memref_slice %arg13[%dma_start3A_673, %dma_start3A_674, %dma_start3A_675, %dma_start3A_676] : memref<3x16x8x32xf32, #tpu.memory_space<vmem>> -> memref<1x1x8x32xf32, #tpu.memory_space<vmem>>
    %dma_start3A_678 = tpu.memref_squeeze %dma_start3A_677 : memref<1x1x8x32xf32, #tpu.memory_space<vmem>> -> memref<8x32xf32, #tpu.memory_space<vmem>>
    %dma_start3A_679 = arith.constant 0 : i32
    %dma_start3A_680 = arith.constant 0 : i32
    %dma_start3A_681 = tpu.memref_slice %arg4[%squeeze3A_672, %dma_start3A_679, %dma_start3A_680] : memref<125000x8x32xf32, #tpu.memory_space<hbm>> -> memref<1x8x32xf32, #tpu.memory_space<hbm>>
    %dma_start3A_682 = tpu.memref_squeeze %dma_start3A_681 : memref<1x8x32xf32, #tpu.memory_space<hbm>> -> memref<8x32xf32, #tpu.memory_space<hbm>>
    %dma_start3A_683 = arith.constant 0 : i32
    %dma_start3A_684 = arith.constant 0 : i32
    %dma_start3A_685 = tpu.memref_slice %arg13[%dma_start3A_673, %dma_start3A_674, %dma_start3A_683, %dma_start3A_684] : memref<3x16x8x32xf32, #tpu.memory_space<vmem>> -> memref<1x1x8x32xf32, #tpu.memory_space<vmem>>
    %dma_start3A_686 = tpu.memref_squeeze %dma_start3A_685 : memref<1x1x8x32xf32, #tpu.memory_space<vmem>> -> memref<8x32xf32, #tpu.memory_space<vmem>>
    %dma_start3A_687 = arith.constant 0 : i32
    %dma_start3A_688 = arith.constant 0 : i32
    %dma_start3A_689 = tpu.memref_slice %arg4[%squeeze3A_672, %dma_start3A_687, %dma_start3A_688] : memref<125000x8x32xf32, #tpu.memory_space<hbm>> -> memref<1x8x32xf32, #tpu.memory_space<hbm>>
    %dma_start3A_690 = tpu.memref_squeeze %dma_start3A_689 : memref<1x8x32xf32, #tpu.memory_space<hbm>> -> memref<8x32xf32, #tpu.memory_space<hbm>>
    tpu.enqueue_dma source(%dma_start3A_690 : memref<8x32xf32, #tpu.memory_space<hbm>>) target(%dma_start3A_686 : memref<8x32xf32, #tpu.memory_space<vmem>>) target_semaphore(%arg18 : memref<!tpu.dma_semaphore, #tpu.memory_space<semaphore_mem>>)
    %slice3A_691 = vector.extract_strided_slice %shift_right_logical3A_670 {offsets = [0], sizes = [1], strides = [1]} : vector<16xi32> to vector<1xi32>
    %squeeze3A_692 = vector.extract %slice3A_691[0] : i32 from vector<1xi32>
    %dma_start3A_693 = arith.constant 1 : i32
    %dma_start3A_694 = arith.constant 0 : i32
    %dma_start3A_695 = arith.constant 0 : i32
    %dma_start3A_696 = arith.constant 0 : i32
    %dma_start3A_697 = tpu.memref_slice %arg14[%dma_start3A_693, %dma_start3A_694, %dma_start3A_695, %dma_start3A_696] : memref<3x16x8x32xf32, #tpu.memory_space<vmem>> -> memref<1x1x8x32xf32, #tpu.memory_space<vmem>>
    %dma_start3A_698 = tpu.memref_squeeze %dma_start3A_697 : memref<1x1x8x32xf32, #tpu.memory_space<vmem>> -> memref<8x32xf32, #tpu.memory_space<vmem>>
    %dma_start3A_699 = arith.constant 0 : i32
    %dma_start3A_700 = arith.constant 0 : i32
    %dma_start3A_701 = tpu.memref_slice %arg5[%squeeze3A_692, %dma_start3A_699, %dma_start3A_700] : memref<12500x8x32xf32, #tpu.memory_space<hbm>> -> memref<1x8x32xf32, #tpu.memory_space<hbm>>
    %dma_start3A_702 = tpu.memref_squeeze %dma_start3A_701 : memref<1x8x32xf32, #tpu.memory_space<hbm>> -> memref<8x32xf32, #tpu.memory_space<hbm>>
    %dma_start3A_703 = arith.constant 0 : i32
    %dma_start3A_704 = arith.constant 0 : i32
    %dma_start3A_705 = tpu.memref_slice %arg14[%dma_start3A_693, %dma_start3A_694, %dma_start3A_703, %dma_start3A_704] : memref<3x16x8x32xf32, #tpu.memory_space<vmem>> -> memref<1x1x8x32xf32, #tpu.memory_space<vmem>>
    %dma_start3A_706 = tpu.memref_squeeze %dma_start3A_705 : memref<1x1x8x32xf32, #tpu.memory_space<vmem>> -> memref<8x32xf32, #tpu.memory_space<vmem>>
    %dma_start3A_707 = arith.constant 0 : i32
    %dma_start3A_708 = arith.constant 0 : i32
    %dma_start3A_709 = tpu.memref_slice %arg5[%squeeze3A_692, %dma_start3A_707, %dma_start3A_708] : memref<12500x8x32xf32, #tpu.memory_space<hbm>> -> memref<1x8x32xf32, #tpu.memory_space<hbm>>
    %dma_start3A_710 = tpu.memref_squeeze %dma_start3A_709 : memref<1x8x32xf32, #tpu.memory_space<hbm>> -> memref<8x32xf32, #tpu.memory_space<hbm>>
    tpu.enqueue_dma source(%dma_start3A_710 : memref<8x32xf32, #tpu.memory_space<hbm>>) target(%dma_start3A_706 : memref<8x32xf32, #tpu.memory_space<vmem>>) target_semaphore(%arg19 : memref<!tpu.dma_semaphore, #tpu.memory_space<semaphore_mem>>)
    %slice3A_711 = vector.extract_strided_slice %shift_right_logical3A_665 {offsets = [1], sizes = [1], strides = [1]} : vector<16xi32> to vector<1xi32>
    %squeeze3A_712 = vector.extract %slice3A_711[0] : i32 from vector<1xi32>
    %dma_start3A_713 = arith.constant 1 : i32
    %dma_start3A_714 = arith.constant 1 : i32
    %dma_start3A_715 = arith.constant 0 : i32
    %dma_start3A_716 = arith.constant 0 : i32
    %dma_start3A_717 = tpu.memref_slice %arg13[%dma_start3A_713, %dma_start3A_714, %dma_start3A_715, %dma_start3A_716] : memref<3x16x8x32xf32, #tpu.memory_space<vmem>> -> memref<1x1x8x32xf32, #tpu.memory_space<vmem>>
    %dma_start3A_718 = tpu.memref_squeeze %dma_start3A_717 : memref<1x1x8x32xf32, #tpu.memory_space<vmem>> -> memref<8x32xf32, #tpu.memory_space<vmem>>
    %dma_start3A_719 = arith.constant 0 : i32
    %dma_start3A_720 = arith.constant 0 : i32
    %dma_start3A_721 = tpu.memref_slice %arg4[%squeeze3A_712, %dma_start3A_719, %dma_start3A_720] : memref<125000x8x32xf32, #tpu.memory_space<hbm>> -> memref<1x8x32xf32, #tpu.memory_space<hbm>>
    %dma_start3A_722 = tpu.memref_squeeze %dma_start3A_721 : memref<1x8x32xf32, #tpu.memory_space<hbm>> -> memref<8x32xf32, #tpu.memory_space<hbm>>
    %dma_start3A_723 = arith.constant 0 : i32
    %dma_start3A_724 = arith.constant 0 : i32
    %dma_start3A_725 = tpu.memref_slice %arg13[%dma_start3A_713, %dma_start3A_714, %dma_start3A_723, %dma_start3A_724] : memref<3x16x8x32xf32, #tpu.memory_space<vmem>> -> memref<1x1x8x32xf32, #tpu.memory_space<vmem>>
    %dma_start3A_726 = tpu.memref_squeeze %dma_start3A_725 : memref<1x1x8x32xf32, #tpu.memory_space<vmem>> -> memref<8x32xf32, #tpu.memory_space<vmem>>
    %dma_start3A_727 = arith.constant 0 : i32
    %dma_start3A_728 = arith.constant 0 : i32
    %dma_start3A_729 = tpu.memref_slice %arg4[%squeeze3A_712, %dma_start3A_727, %dma_start3A_728] : memref<125000x8x32xf32, #tpu.memory_space<hbm>> -> memref<1x8x32xf32, #tpu.memory_space<hbm>>
    %dma_start3A_730 = tpu.memref_squeeze %dma_start3A_729 : memref<1x8x32xf32, #tpu.memory_space<hbm>> -> memref<8x32xf32, #tpu.memory_space<hbm>>
    tpu.enqueue_dma source(%dma_start3A_730 : memref<8x32xf32, #tpu.memory_space<hbm>>) target(%dma_start3A_726 : memref<8x32xf32, #tpu.memory_space<vmem>>) target_semaphore(%arg18 : memref<!tpu.dma_semaphore, #tpu.memory_space<semaphore_mem>>)
    %slice3A_731 = vector.extract_strided_slice %shift_right_logical3A_670 {offsets = [1], sizes = [1], strides = [1]} : vector<16xi32> to vector<1xi32>
    %squeeze3A_732 = vector.extract %slice3A_731[0] : i32 from vector<1xi32>
    %dma_start3A_733 = arith.constant 1 : i32
    %dma_start3A_734 = arith.constant 1 : i32
    %dma_start3A_735 = arith.constant 0 : i32
    %dma_start3A_736 = arith.constant 0 : i32
    %dma_start3A_737 = tpu.memref_slice %arg14[%dma_start3A_733, %dma_start3A_734, %dma_start3A_735, %dma_start3A_736] : memref<3x16x8x32xf32, #tpu.memory_space<vmem>> -> memref<1x1x8x32xf32, #tpu.memory_space<vmem>>
    %dma_start3A_738 = tpu.memref_squeeze %dma_start3A_737 : memref<1x1x8x32xf32, #tpu.memory_space<vmem>> -> memref<8x32xf32, #tpu.memory_space<vmem>>
    %dma_start3A_739 = arith.constant 0 : i32
    %dma_start3A_740 = arith.constant 0 : i32
    %dma_start3A_741 = tpu.memref_slice %arg5[%squeeze3A_732, %dma_start3A_739, %dma_start3A_740] : memref<12500x8x32xf32, #tpu.memory_space<hbm>> -> memref<1x8x32xf32, #tpu.memory_space<hbm>>
    %dma_start3A_742 = tpu.memref_squeeze %dma_start3A_741 : memref<1x8x32xf32, #tpu.memory_space<hbm>> -> memref<8x32xf32, #tpu.memory_space<hbm>>
    %dma_start3A_743 = arith.constant 0 : i32
    %dma_start3A_744 = arith.constant 0 : i32
    %dma_start3A_745 = tpu.memref_slice %arg14[%dma_start3A_733, %dma_start3A_734, %dma_start3A_743, %dma_start3A_744] : memref<3x16x8x32xf32, #tpu.memory_space<vmem>> -> memref<1x1x8x32xf32, #tpu.memory_space<vmem>>
    %dma_start3A_746 = tpu.memref_squeeze %dma_start3A_745 : memref<1x1x8x32xf32, #tpu.memory_space<vmem>> -> memref<8x32xf32, #tpu.memory_space<vmem>>
    %dma_start3A_747 = arith.constant 0 : i32
    %dma_start3A_748 = arith.constant 0 : i32
    %dma_start3A_749 = tpu.memref_slice %arg5[%squeeze3A_732, %dma_start3A_747, %dma_start3A_748] : memref<12500x8x32xf32, #tpu.memory_space<hbm>> -> memref<1x8x32xf32, #tpu.memory_space<hbm>>
    %dma_start3A_750 = tpu.memref_squeeze %dma_start3A_749 : memref<1x8x32xf32, #tpu.memory_space<hbm>> -> memref<8x32xf32, #tpu.memory_space<hbm>>
    tpu.enqueue_dma source(%dma_start3A_750 : memref<8x32xf32, #tpu.memory_space<hbm>>) target(%dma_start3A_746 : memref<8x32xf32, #tpu.memory_space<vmem>>) target_semaphore(%arg19 : memref<!tpu.dma_semaphore, #tpu.memory_space<semaphore_mem>>)
    %slice3A_751 = vector.extract_strided_slice %shift_right_logical3A_665 {offsets = [2], sizes = [1], strides = [1]} : vector<16xi32> to vector<1xi32>
    %squeeze3A_752 = vector.extract %slice3A_751[0] : i32 from vector<1xi32>
    %dma_start3A_753 = arith.constant 1 : i32
    %dma_start3A_754 = arith.constant 2 : i32
    %dma_start3A_755 = arith.constant 0 : i32
    %dma_start3A_756 = arith.constant 0 : i32
    %dma_start3A_757 = tpu.memref_slice %arg13[%dma_start3A_753, %dma_start3A_754, %dma_start3A_755, %dma_start3A_756] : memref<3x16x8x32xf32, #tpu.memory_space<vmem>> -> memref<1x1x8x32xf32, #tpu.memory_space<vmem>>
    %dma_start3A_758 = tpu.memref_squeeze %dma_start3A_757 : memref<1x1x8x32xf32, #tpu.memory_space<vmem>> -> memref<8x32xf32, #tpu.memory_space<vmem>>
    %dma_start3A_759 = arith.constant 0 : i32
    %dma_start3A_760 = arith.constant 0 : i32
    %dma_start3A_761 = tpu.memref_slice %arg4[%squeeze3A_752, %dma_start3A_759, %dma_start3A_760] : memref<125000x8x32xf32, #tpu.memory_space<hbm>> -> memref<1x8x32xf32, #tpu.memory_space<hbm>>
    %dma_start3A_762 = tpu.memref_squeeze %dma_start3A_761 : memref<1x8x32xf32, #tpu.memory_space<hbm>> -> memref<8x32xf32, #tpu.memory_space<hbm>>
    %dma_start3A_763 = arith.constant 0 : i32
    %dma_start3A_764 = arith.constant 0 : i32
    %dma_start3A_765 = tpu.memref_slice %arg13[%dma_start3A_753, %dma_start3A_754, %dma_start3A_763, %dma_start3A_764] : memref<3x16x8x32xf32, #tpu.memory_space<vmem>> -> memref<1x1x8x32xf32, #tpu.memory_space<vmem>>
    %dma_start3A_766 = tpu.memref_squeeze %dma_start3A_765 : memref<1x1x8x32xf32, #tpu.memory_space<vmem>> -> memref<8x32xf32, #tpu.memory_space<vmem>>
    %dma_start3A_767 = arith.constant 0 : i32
    %dma_start3A_768 = arith.constant 0 : i32
    %dma_start3A_769 = tpu.memref_slice %arg4[%squeeze3A_752, %dma_start3A_767, %dma_start3A_768] : memref<125000x8x32xf32, #tpu.memory_space<hbm>> -> memref<1x8x32xf32, #tpu.memory_space<hbm>>
    %dma_start3A_770 = tpu.memref_squeeze %dma_start3A_769 : memref<1x8x32xf32, #tpu.memory_space<hbm>> -> memref<8x32xf32, #tpu.memory_space<hbm>>
    tpu.enqueue_dma source(%dma_start3A_770 : memref<8x32xf32, #tpu.memory_space<hbm>>) target(%dma_start3A_766 : memref<8x32xf32, #tpu.memory_space<vmem>>) target_semaphore(%arg18 : memref<!tpu.dma_semaphore, #tpu.memory_space<semaphore_mem>>)
    %slice3A_771 = vector.extract_strided_slice %shift_right_logical3A_670 {offsets = [2], sizes = [1], strides = [1]} : vector<16xi32> to vector<1xi32>
    %squeeze3A_772 = vector.extract %slice3A_771[0] : i32 from vector<1xi32>
    %dma_start3A_773 = arith.constant 1 : i32
    %dma_start3A_774 = arith.constant 2 : i32
    %dma_start3A_775 = arith.constant 0 : i32
    %dma_start3A_776 = arith.constant 0 : i32
    %dma_start3A_777 = tpu.memref_slice %arg14[%dma_start3A_773, %dma_start3A_774, %dma_start3A_775, %dma_start3A_776] : memref<3x16x8x32xf32, #tpu.memory_space<vmem>> -> memref<1x1x8x32xf32, #tpu.memory_space<vmem>>
    %dma_start3A_778 = tpu.memref_squeeze %dma_start3A_777 : memref<1x1x8x32xf32, #tpu.memory_space<vmem>> -> memref<8x32xf32, #tpu.memory_space<vmem>>
    %dma_start3A_779 = arith.constant 0 : i32
    %dma_start3A_780 = arith.constant 0 : i32
    %dma_start3A_781 = tpu.memref_slice %arg5[%squeeze3A_772, %dma_start3A_779, %dma_start3A_780] : memref<12500x8x32xf32, #tpu.memory_space<hbm>> -> memref<1x8x32xf32, #tpu.memory_space<hbm>>
    %dma_start3A_782 = tpu.memref_squeeze %dma_start3A_781 : memref<1x8x32xf32, #tpu.memory_space<hbm>> -> memref<8x32xf32, #tpu.memory_space<hbm>>
    %dma_start3A_783 = arith.constant 0 : i32
    %dma_start3A_784 = arith.constant 0 : i32
    %dma_start3A_785 = tpu.memref_slice %arg14[%dma_start3A_773, %dma_start3A_774, %dma_start3A_783, %dma_start3A_784] : memref<3x16x8x32xf32, #tpu.memory_space<vmem>> -> memref<1x1x8x32xf32, #tpu.memory_space<vmem>>
    %dma_start3A_786 = tpu.memref_squeeze %dma_start3A_785 : memref<1x1x8x32xf32, #tpu.memory_space<vmem>> -> memref<8x32xf32, #tpu.memory_space<vmem>>
    %dma_start3A_787 = arith.constant 0 : i32
    %dma_start3A_788 = arith.constant 0 : i32
    %dma_start3A_789 = tpu.memref_slice %arg5[%squeeze3A_772, %dma_start3A_787, %dma_start3A_788] : memref<12500x8x32xf32, #tpu.memory_space<hbm>> -> memref<1x8x32xf32, #tpu.memory_space<hbm>>
    %dma_start3A_790 = tpu.memref_squeeze %dma_start3A_789 : memref<1x8x32xf32, #tpu.memory_space<hbm>> -> memref<8x32xf32, #tpu.memory_space<hbm>>
    tpu.enqueue_dma source(%dma_start3A_790 : memref<8x32xf32, #tpu.memory_space<hbm>>) target(%dma_start3A_786 : memref<8x32xf32, #tpu.memory_space<vmem>>) target_semaphore(%arg19 : memref<!tpu.dma_semaphore, #tpu.memory_space<semaphore_mem>>)
    %slice3A_791 = vector.extract_strided_slice %shift_right_logical3A_665 {offsets = [3], sizes = [1], strides = [1]} : vector<16xi32> to vector<1xi32>
    %squeeze3A_792 = vector.extract %slice3A_791[0] : i32 from vector<1xi32>
    %dma_start3A_793 = arith.constant 1 : i32
    %dma_start3A_794 = arith.constant 3 : i32
    %dma_start3A_795 = arith.constant 0 : i32
    %dma_start3A_796 = arith.constant 0 : i32
    %dma_start3A_797 = tpu.memref_slice %arg13[%dma_start3A_793, %dma_start3A_794, %dma_start3A_795, %dma_start3A_796] : memref<3x16x8x32xf32, #tpu.memory_space<vmem>> -> memref<1x1x8x32xf32, #tpu.memory_space<vmem>>
    %dma_start3A_798 = tpu.memref_squeeze %dma_start3A_797 : memref<1x1x8x32xf32, #tpu.memory_space<vmem>> -> memref<8x32xf32, #tpu.memory_space<vmem>>
    %dma_start3A_799 = arith.constant 0 : i32
    %dma_start3A_800 = arith.constant 0 : i32
    %dma_start3A_801 = tpu.memref_slice %arg4[%squeeze3A_792, %dma_start3A_799, %dma_start3A_800] : memref<125000x8x32xf32, #tpu.memory_space<hbm>> -> memref<1x8x32xf32, #tpu.memory_space<hbm>>
    %dma_start3A_802 = tpu.memref_squeeze %dma_start3A_801 : memref<1x8x32xf32, #tpu.memory_space<hbm>> -> memref<8x32xf32, #tpu.memory_space<hbm>>
    %dma_start3A_803 = arith.constant 0 : i32
    %dma_start3A_804 = arith.constant 0 : i32
    %dma_start3A_805 = tpu.memref_slice %arg13[%dma_start3A_793, %dma_start3A_794, %dma_start3A_803, %dma_start3A_804] : memref<3x16x8x32xf32, #tpu.memory_space<vmem>> -> memref<1x1x8x32xf32, #tpu.memory_space<vmem>>
    %dma_start3A_806 = tpu.memref_squeeze %dma_start3A_805 : memref<1x1x8x32xf32, #tpu.memory_space<vmem>> -> memref<8x32xf32, #tpu.memory_space<vmem>>
    %dma_start3A_807 = arith.constant 0 : i32
    %dma_start3A_808 = arith.constant 0 : i32
    %dma_start3A_809 = tpu.memref_slice %arg4[%squeeze3A_792, %dma_start3A_807, %dma_start3A_808] : memref<125000x8x32xf32, #tpu.memory_space<hbm>> -> memref<1x8x32xf32, #tpu.memory_space<hbm>>
    %dma_start3A_810 = tpu.memref_squeeze %dma_start3A_809 : memref<1x8x32xf32, #tpu.memory_space<hbm>> -> memref<8x32xf32, #tpu.memory_space<hbm>>
    tpu.enqueue_dma source(%dma_start3A_810 : memref<8x32xf32, #tpu.memory_space<hbm>>) target(%dma_start3A_806 : memref<8x32xf32, #tpu.memory_space<vmem>>) target_semaphore(%arg18 : memref<!tpu.dma_semaphore, #tpu.memory_space<semaphore_mem>>)
    %slice3A_811 = vector.extract_strided_slice %shift_right_logical3A_670 {offsets = [3], sizes = [1], strides = [1]} : vector<16xi32> to vector<1xi32>
    %squeeze3A_812 = vector.extract %slice3A_811[0] : i32 from vector<1xi32>
    %dma_start3A_813 = arith.constant 1 : i32
    %dma_start3A_814 = arith.constant 3 : i32
    %dma_start3A_815 = arith.constant 0 : i32
    %dma_start3A_816 = arith.constant 0 : i32
    %dma_start3A_817 = tpu.memref_slice %arg14[%dma_start3A_813, %dma_start3A_814, %dma_start3A_815, %dma_start3A_816] : memref<3x16x8x32xf32, #tpu.memory_space<vmem>> -> memref<1x1x8x32xf32, #tpu.memory_space<vmem>>
    %dma_start3A_818 = tpu.memref_squeeze %dma_start3A_817 : memref<1x1x8x32xf32, #tpu.memory_space<vmem>> -> memref<8x32xf32, #tpu.memory_space<vmem>>
    %dma_start3A_819 = arith.constant 0 : i32
    %dma_start3A_820 = arith.constant 0 : i32
    %dma_start3A_821 = tpu.memref_slice %arg5[%squeeze3A_812, %dma_start3A_819, %dma_start3A_820] : memref<12500x8x32xf32, #tpu.memory_space<hbm>> -> memref<1x8x32xf32, #tpu.memory_space<hbm>>
    %dma_start3A_822 = tpu.memref_squeeze %dma_start3A_821 : memref<1x8x32xf32, #tpu.memory_space<hbm>> -> memref<8x32xf32, #tpu.memory_space<hbm>>
    %dma_start3A_823 = arith.constant 0 : i32
    %dma_start3A_824 = arith.constant 0 : i32
    %dma_start3A_825 = tpu.memref_slice %arg14[%dma_start3A_813, %dma_start3A_814, %dma_start3A_823, %dma_start3A_824] : memref<3x16x8x32xf32, #tpu.memory_space<vmem>> -> memref<1x1x8x32xf32, #tpu.memory_space<vmem>>
    %dma_start3A_826 = tpu.memref_squeeze %dma_start3A_825 : memref<1x1x8x32xf32, #tpu.memory_space<vmem>> -> memref<8x32xf32, #tpu.memory_space<vmem>>
    %dma_start3A_827 = arith.constant 0 : i32
    %dma_start3A_828 = arith.constant 0 : i32
    %dma_start3A_829 = tpu.memref_slice %arg5[%squeeze3A_812, %dma_start3A_827, %dma_start3A_828] : memref<12500x8x32xf32, #tpu.memory_space<hbm>> -> memref<1x8x32xf32, #tpu.memory_space<hbm>>
    %dma_start3A_830 = tpu.memref_squeeze %dma_start3A_829 : memref<1x8x32xf32, #tpu.memory_space<hbm>> -> memref<8x32xf32, #tpu.memory_space<hbm>>
    tpu.enqueue_dma source(%dma_start3A_830 : memref<8x32xf32, #tpu.memory_space<hbm>>) target(%dma_start3A_826 : memref<8x32xf32, #tpu.memory_space<vmem>>) target_semaphore(%arg19 : memref<!tpu.dma_semaphore, #tpu.memory_space<semaphore_mem>>)
    %slice3A_831 = vector.extract_strided_slice %shift_right_logical3A_665 {offsets = [4], sizes = [1], strides = [1]} : vector<16xi32> to vector<1xi32>
    %squeeze3A_832 = vector.extract %slice3A_831[0] : i32 from vector<1xi32>
    %dma_start3A_833 = arith.constant 1 : i32
    %dma_start3A_834 = arith.constant 4 : i32
    %dma_start3A_835 = arith.constant 0 : i32
    %dma_start3A_836 = arith.constant 0 : i32
    %dma_start3A_837 = tpu.memref_slice %arg13[%dma_start3A_833, %dma_start3A_834, %dma_start3A_835, %dma_start3A_836] : memref<3x16x8x32xf32, #tpu.memory_space<vmem>> -> memref<1x1x8x32xf32, #tpu.memory_space<vmem>>
    %dma_start3A_838 = tpu.memref_squeeze %dma_start3A_837 : memref<1x1x8x32xf32, #tpu.memory_space<vmem>> -> memref<8x32xf32, #tpu.memory_space<vmem>>
    %dma_start3A_839 = arith.constant 0 : i32
    %dma_start3A_840 = arith.constant 0 : i32
    %dma_start3A_841 = tpu.memref_slice %arg4[%squeeze3A_832, %dma_start3A_839, %dma_start3A_840] : memref<125000x8x32xf32, #tpu.memory_space<hbm>> -> memref<1x8x32xf32, #tpu.memory_space<hbm>>
    %dma_start3A_842 = tpu.memref_squeeze %dma_start3A_841 : memref<1x8x32xf32, #tpu.memory_space<hbm>> -> memref<8x32xf32, #tpu.memory_space<hbm>>
    %dma_start3A_843 = arith.constant 0 : i32
    %dma_start3A_844 = arith.constant 0 : i32
    %dma_start3A_845 = tpu.memref_slice %arg13[%dma_start3A_833, %dma_start3A_834, %dma_start3A_843, %dma_start3A_844] : memref<3x16x8x32xf32, #tpu.memory_space<vmem>> -> memref<1x1x8x32xf32, #tpu.memory_space<vmem>>
    %dma_start3A_846 = tpu.memref_squeeze %dma_start3A_845 : memref<1x1x8x32xf32, #tpu.memory_space<vmem>> -> memref<8x32xf32, #tpu.memory_space<vmem>>
    %dma_start3A_847 = arith.constant 0 : i32
    %dma_start3A_848 = arith.constant 0 : i32
    %dma_start3A_849 = tpu.memref_slice %arg4[%squeeze3A_832, %dma_start3A_847, %dma_start3A_848] : memref<125000x8x32xf32, #tpu.memory_space<hbm>> -> memref<1x8x32xf32, #tpu.memory_space<hbm>>
    %dma_start3A_850 = tpu.memref_squeeze %dma_start3A_849 : memref<1x8x32xf32, #tpu.memory_space<hbm>> -> memref<8x32xf32, #tpu.memory_space<hbm>>
    tpu.enqueue_dma source(%dma_start3A_850 : memref<8x32xf32, #tpu.memory_space<hbm>>) target(%dma_start3A_846 : memref<8x32xf32, #tpu.memory_space<vmem>>) target_semaphore(%arg18 : memref<!tpu.dma_semaphore, #tpu.memory_space<semaphore_mem>>)
    %slice3A_851 = vector.extract_strided_slice %shift_right_logical3A_670 {offsets = [4], sizes = [1], strides = [1]} : vector<16xi32> to vector<1xi32>
    %squeeze3A_852 = vector.extract %slice3A_851[0] : i32 from vector<1xi32>
    %dma_start3A_853 = arith.constant 1 : i32
    %dma_start3A_854 = arith.constant 4 : i32
    %dma_start3A_855 = arith.constant 0 : i32
    %dma_start3A_856 = arith.constant 0 : i32
    %dma_start3A_857 = tpu.memref_slice %arg14[%dma_start3A_853, %dma_start3A_854, %dma_start3A_855, %dma_start3A_856] : memref<3x16x8x32xf32, #tpu.memory_space<vmem>> -> memref<1x1x8x32xf32, #tpu.memory_space<vmem>>
    %dma_start3A_858 = tpu.memref_squeeze %dma_start3A_857 : memref<1x1x8x32xf32, #tpu.memory_space<vmem>> -> memref<8x32xf32, #tpu.memory_space<vmem>>
    %dma_start3A_859 = arith.constant 0 : i32
    %dma_start3A_860 = arith.constant 0 : i32
    %dma_start3A_861 = tpu.memref_slice %arg5[%squeeze3A_852, %dma_start3A_859, %dma_start3A_860] : memref<12500x8x32xf32, #tpu.memory_space<hbm>> -> memref<1x8x32xf32, #tpu.memory_space<hbm>>
    %dma_start3A_862 = tpu.memref_squeeze %dma_start3A_861 : memref<1x8x32xf32, #tpu.memory_space<hbm>> -> memref<8x32xf32, #tpu.memory_space<hbm>>
    %dma_start3A_863 = arith.constant 0 : i32
    %dma_start3A_864 = arith.constant 0 : i32
    %dma_start3A_865 = tpu.memref_slice %arg14[%dma_start3A_853, %dma_start3A_854, %dma_start3A_863, %dma_start3A_864] : memref<3x16x8x32xf32, #tpu.memory_space<vmem>> -> memref<1x1x8x32xf32, #tpu.memory_space<vmem>>
    %dma_start3A_866 = tpu.memref_squeeze %dma_start3A_865 : memref<1x1x8x32xf32, #tpu.memory_space<vmem>> -> memref<8x32xf32, #tpu.memory_space<vmem>>
    %dma_start3A_867 = arith.constant 0 : i32
    %dma_start3A_868 = arith.constant 0 : i32
    %dma_start3A_869 = tpu.memref_slice %arg5[%squeeze3A_852, %dma_start3A_867, %dma_start3A_868] : memref<12500x8x32xf32, #tpu.memory_space<hbm>> -> memref<1x8x32xf32, #tpu.memory_space<hbm>>
    %dma_start3A_870 = tpu.memref_squeeze %dma_start3A_869 : memref<1x8x32xf32, #tpu.memory_space<hbm>> -> memref<8x32xf32, #tpu.memory_space<hbm>>
    tpu.enqueue_dma source(%dma_start3A_870 : memref<8x32xf32, #tpu.memory_space<hbm>>) target(%dma_start3A_866 : memref<8x32xf32, #tpu.memory_space<vmem>>) target_semaphore(%arg19 : memref<!tpu.dma_semaphore, #tpu.memory_space<semaphore_mem>>)
    %slice3A_871 = vector.extract_strided_slice %shift_right_logical3A_665 {offsets = [5], sizes = [1], strides = [1]} : vector<16xi32> to vector<1xi32>
    %squeeze3A_872 = vector.extract %slice3A_871[0] : i32 from vector<1xi32>
    %dma_start3A_873 = arith.constant 1 : i32
    %dma_start3A_874 = arith.constant 5 : i32
    %dma_start3A_875 = arith.constant 0 : i32
    %dma_start3A_876 = arith.constant 0 : i32
    %dma_start3A_877 = tpu.memref_slice %arg13[%dma_start3A_873, %dma_start3A_874, %dma_start3A_875, %dma_start3A_876] : memref<3x16x8x32xf32, #tpu.memory_space<vmem>> -> memref<1x1x8x32xf32, #tpu.memory_space<vmem>>
    %dma_start3A_878 = tpu.memref_squeeze %dma_start3A_877 : memref<1x1x8x32xf32, #tpu.memory_space<vmem>> -> memref<8x32xf32, #tpu.memory_space<vmem>>
    %dma_start3A_879 = arith.constant 0 : i32
    %dma_start3A_880 = arith.constant 0 : i32
    %dma_start3A_881 = tpu.memref_slice %arg4[%squeeze3A_872, %dma_start3A_879, %dma_start3A_880] : memref<125000x8x32xf32, #tpu.memory_space<hbm>> -> memref<1x8x32xf32, #tpu.memory_space<hbm>>
    %dma_start3A_882 = tpu.memref_squeeze %dma_start3A_881 : memref<1x8x32xf32, #tpu.memory_space<hbm>> -> memref<8x32xf32, #tpu.memory_space<hbm>>
    %dma_start3A_883 = arith.constant 0 : i32
    %dma_start3A_884 = arith.constant 0 : i32
    %dma_start3A_885 = tpu.memref_slice %arg13[%dma_start3A_873, %dma_start3A_874, %dma_start3A_883, %dma_start3A_884] : memref<3x16x8x32xf32, #tpu.memory_space<vmem>> -> memref<1x1x8x32xf32, #tpu.memory_space<vmem>>
    %dma_start3A_886 = tpu.memref_squeeze %dma_start3A_885 : memref<1x1x8x32xf32, #tpu.memory_space<vmem>> -> memref<8x32xf32, #tpu.memory_space<vmem>>
    %dma_start3A_887 = arith.constant 0 : i32
    %dma_start3A_888 = arith.constant 0 : i32
    %dma_start3A_889 = tpu.memref_slice %arg4[%squeeze3A_872, %dma_start3A_887, %dma_start3A_888] : memref<125000x8x32xf32, #tpu.memory_space<hbm>> -> memref<1x8x32xf32, #tpu.memory_space<hbm>>
    %dma_start3A_890 = tpu.memref_squeeze %dma_start3A_889 : memref<1x8x32xf32, #tpu.memory_space<hbm>> -> memref<8x32xf32, #tpu.memory_space<hbm>>
    tpu.enqueue_dma source(%dma_start3A_890 : memref<8x32xf32, #tpu.memory_space<hbm>>) target(%dma_start3A_886 : memref<8x32xf32, #tpu.memory_space<vmem>>) target_semaphore(%arg18 : memref<!tpu.dma_semaphore, #tpu.memory_space<semaphore_mem>>)
    %slice3A_891 = vector.extract_strided_slice %shift_right_logical3A_670 {offsets = [5], sizes = [1], strides = [1]} : vector<16xi32> to vector<1xi32>
    %squeeze3A_892 = vector.extract %slice3A_891[0] : i32 from vector<1xi32>
    %dma_start3A_893 = arith.constant 1 : i32
    %dma_start3A_894 = arith.constant 5 : i32
    %dma_start3A_895 = arith.constant 0 : i32
    %dma_start3A_896 = arith.constant 0 : i32
    %dma_start3A_897 = tpu.memref_slice %arg14[%dma_start3A_893, %dma_start3A_894, %dma_start3A_895, %dma_start3A_896] : memref<3x16x8x32xf32, #tpu.memory_space<vmem>> -> memref<1x1x8x32xf32, #tpu.memory_space<vmem>>
    %dma_start3A_898 = tpu.memref_squeeze %dma_start3A_897 : memref<1x1x8x32xf32, #tpu.memory_space<vmem>> -> memref<8x32xf32, #tpu.memory_space<vmem>>
    %dma_start3A_899 = arith.constant 0 : i32
    %dma_start3A_900 = arith.constant 0 : i32
    %dma_start3A_901 = tpu.memref_slice %arg5[%squeeze3A_892, %dma_start3A_899, %dma_start3A_900] : memref<12500x8x32xf32, #tpu.memory_space<hbm>> -> memref<1x8x32xf32, #tpu.memory_space<hbm>>
    %dma_start3A_902 = tpu.memref_squeeze %dma_start3A_901 : memref<1x8x32xf32, #tpu.memory_space<hbm>> -> memref<8x32xf32, #tpu.memory_space<hbm>>
    %dma_start3A_903 = arith.constant 0 : i32
    %dma_start3A_904 = arith.constant 0 : i32
    %dma_start3A_905 = tpu.memref_slice %arg14[%dma_start3A_893, %dma_start3A_894, %dma_start3A_903, %dma_start3A_904] : memref<3x16x8x32xf32, #tpu.memory_space<vmem>> -> memref<1x1x8x32xf32, #tpu.memory_space<vmem>>
    %dma_start3A_906 = tpu.memref_squeeze %dma_start3A_905 : memref<1x1x8x32xf32, #tpu.memory_space<vmem>> -> memref<8x32xf32, #tpu.memory_space<vmem>>
    %dma_start3A_907 = arith.constant 0 : i32
    %dma_start3A_908 = arith.constant 0 : i32
    %dma_start3A_909 = tpu.memref_slice %arg5[%squeeze3A_892, %dma_start3A_907, %dma_start3A_908] : memref<12500x8x32xf32, #tpu.memory_space<hbm>> -> memref<1x8x32xf32, #tpu.memory_space<hbm>>
    %dma_start3A_910 = tpu.memref_squeeze %dma_start3A_909 : memref<1x8x32xf32, #tpu.memory_space<hbm>> -> memref<8x32xf32, #tpu.memory_space<hbm>>
    tpu.enqueue_dma source(%dma_start3A_910 : memref<8x32xf32, #tpu.memory_space<hbm>>) target(%dma_start3A_906 : memref<8x32xf32, #tpu.memory_space<vmem>>) target_semaphore(%arg19 : memref<!tpu.dma_semaphore, #tpu.memory_space<semaphore_mem>>)
    %slice3A_911 = vector.extract_strided_slice %shift_right_logical3A_665 {offsets = [6], sizes = [1], strides = [1]} : vector<16xi32> to vector<1xi32>
    %squeeze3A_912 = vector.extract %slice3A_911[0] : i32 from vector<1xi32>
    %dma_start3A_913 = arith.constant 1 : i32
    %dma_start3A_914 = arith.constant 6 : i32
    %dma_start3A_915 = arith.constant 0 : i32
    %dma_start3A_916 = arith.constant 0 : i32
    %dma_start3A_917 = tpu.memref_slice %arg13[%dma_start3A_913, %dma_start3A_914, %dma_start3A_915, %dma_start3A_916] : memref<3x16x8x32xf32, #tpu.memory_space<vmem>> -> memref<1x1x8x32xf32, #tpu.memory_space<vmem>>
    %dma_start3A_918 = tpu.memref_squeeze %dma_start3A_917 : memref<1x1x8x32xf32, #tpu.memory_space<vmem>> -> memref<8x32xf32, #tpu.memory_space<vmem>>
    %dma_start3A_919 = arith.constant 0 : i32
    %dma_start3A_920 = arith.constant 0 : i32
    %dma_start3A_921 = tpu.memref_slice %arg4[%squeeze3A_912, %dma_start3A_919, %dma_start3A_920] : memref<125000x8x32xf32, #tpu.memory_space<hbm>> -> memref<1x8x32xf32, #tpu.memory_space<hbm>>
    %dma_start3A_922 = tpu.memref_squeeze %dma_start3A_921 : memref<1x8x32xf32, #tpu.memory_space<hbm>> -> memref<8x32xf32, #tpu.memory_space<hbm>>
    %dma_start3A_923 = arith.constant 0 : i32
    %dma_start3A_924 = arith.constant 0 : i32
    %dma_start3A_925 = tpu.memref_slice %arg13[%dma_start3A_913, %dma_start3A_914, %dma_start3A_923, %dma_start3A_924] : memref<3x16x8x32xf32, #tpu.memory_space<vmem>> -> memref<1x1x8x32xf32, #tpu.memory_space<vmem>>
    %dma_start3A_926 = tpu.memref_squeeze %dma_start3A_925 : memref<1x1x8x32xf32, #tpu.memory_space<vmem>> -> memref<8x32xf32, #tpu.memory_space<vmem>>
    %dma_start3A_927 = arith.constant 0 : i32
    %dma_start3A_928 = arith.constant 0 : i32
    %dma_start3A_929 = tpu.memref_slice %arg4[%squeeze3A_912, %dma_start3A_927, %dma_start3A_928] : memref<125000x8x32xf32, #tpu.memory_space<hbm>> -> memref<1x8x32xf32, #tpu.memory_space<hbm>>
    %dma_start3A_930 = tpu.memref_squeeze %dma_start3A_929 : memref<1x8x32xf32, #tpu.memory_space<hbm>> -> memref<8x32xf32, #tpu.memory_space<hbm>>
    tpu.enqueue_dma source(%dma_start3A_930 : memref<8x32xf32, #tpu.memory_space<hbm>>) target(%dma_start3A_926 : memref<8x32xf32, #tpu.memory_space<vmem>>) target_semaphore(%arg18 : memref<!tpu.dma_semaphore, #tpu.memory_space<semaphore_mem>>)
    %slice3A_931 = vector.extract_strided_slice %shift_right_logical3A_670 {offsets = [6], sizes = [1], strides = [1]} : vector<16xi32> to vector<1xi32>
    %squeeze3A_932 = vector.extract %slice3A_931[0] : i32 from vector<1xi32>
    %dma_start3A_933 = arith.constant 1 : i32
    %dma_start3A_934 = arith.constant 6 : i32
    %dma_start3A_935 = arith.constant 0 : i32
    %dma_start3A_936 = arith.constant 0 : i32
    %dma_start3A_937 = tpu.memref_slice %arg14[%dma_start3A_933, %dma_start3A_934, %dma_start3A_935, %dma_start3A_936] : memref<3x16x8x32xf32, #tpu.memory_space<vmem>> -> memref<1x1x8x32xf32, #tpu.memory_space<vmem>>
    %dma_start3A_938 = tpu.memref_squeeze %dma_start3A_937 : memref<1x1x8x32xf32, #tpu.memory_space<vmem>> -> memref<8x32xf32, #tpu.memory_space<vmem>>
    %dma_start3A_939 = arith.constant 0 : i32
    %dma_start3A_940 = arith.constant 0 : i32
    %dma_start3A_941 = tpu.memref_slice %arg5[%squeeze3A_932, %dma_start3A_939, %dma_start3A_940] : memref<12500x8x32xf32, #tpu.memory_space<hbm>> -> memref<1x8x32xf32, #tpu.memory_space<hbm>>
    %dma_start3A_942 = tpu.memref_squeeze %dma_start3A_941 : memref<1x8x32xf32, #tpu.memory_space<hbm>> -> memref<8x32xf32, #tpu.memory_space<hbm>>
    %dma_start3A_943 = arith.constant 0 : i32
    %dma_start3A_944 = arith.constant 0 : i32
    %dma_start3A_945 = tpu.memref_slice %arg14[%dma_start3A_933, %dma_start3A_934, %dma_start3A_943, %dma_start3A_944] : memref<3x16x8x32xf32, #tpu.memory_space<vmem>> -> memref<1x1x8x32xf32, #tpu.memory_space<vmem>>
    %dma_start3A_946 = tpu.memref_squeeze %dma_start3A_945 : memref<1x1x8x32xf32, #tpu.memory_space<vmem>> -> memref<8x32xf32, #tpu.memory_space<vmem>>
    %dma_start3A_947 = arith.constant 0 : i32
    %dma_start3A_948 = arith.constant 0 : i32
    %dma_start3A_949 = tpu.memref_slice %arg5[%squeeze3A_932, %dma_start3A_947, %dma_start3A_948] : memref<12500x8x32xf32, #tpu.memory_space<hbm>> -> memref<1x8x32xf32, #tpu.memory_space<hbm>>
    %dma_start3A_950 = tpu.memref_squeeze %dma_start3A_949 : memref<1x8x32xf32, #tpu.memory_space<hbm>> -> memref<8x32xf32, #tpu.memory_space<hbm>>
    tpu.enqueue_dma source(%dma_start3A_950 : memref<8x32xf32, #tpu.memory_space<hbm>>) target(%dma_start3A_946 : memref<8x32xf32, #tpu.memory_space<vmem>>) target_semaphore(%arg19 : memref<!tpu.dma_semaphore, #tpu.memory_space<semaphore_mem>>)
    %slice3A_951 = vector.extract_strided_slice %shift_right_logical3A_665 {offsets = [7], sizes = [1], strides = [1]} : vector<16xi32> to vector<1xi32>
    %squeeze3A_952 = vector.extract %slice3A_951[0] : i32 from vector<1xi32>
    %dma_start3A_953 = arith.constant 1 : i32
    %dma_start3A_954 = arith.constant 7 : i32
    %dma_start3A_955 = arith.constant 0 : i32
    %dma_start3A_956 = arith.constant 0 : i32
    %dma_start3A_957 = tpu.memref_slice %arg13[%dma_start3A_953, %dma_start3A_954, %dma_start3A_955, %dma_start3A_956] : memref<3x16x8x32xf32, #tpu.memory_space<vmem>> -> memref<1x1x8x32xf32, #tpu.memory_space<vmem>>
    %dma_start3A_958 = tpu.memref_squeeze %dma_start3A_957 : memref<1x1x8x32xf32, #tpu.memory_space<vmem>> -> memref<8x32xf32, #tpu.memory_space<vmem>>
    %dma_start3A_959 = arith.constant 0 : i32
    %dma_start3A_960 = arith.constant 0 : i32
    %dma_start3A_961 = tpu.memref_slice %arg4[%squeeze3A_952, %dma_start3A_959, %dma_start3A_960] : memref<125000x8x32xf32, #tpu.memory_space<hbm>> -> memref<1x8x32xf32, #tpu.memory_space<hbm>>
    %dma_start3A_962 = tpu.memref_squeeze %dma_start3A_961 : memref<1x8x32xf32, #tpu.memory_space<hbm>> -> memref<8x32xf32, #tpu.memory_space<hbm>>
    %dma_start3A_963 = arith.constant 0 : i32
    %dma_start3A_964 = arith.constant 0 : i32
    %dma_start3A_965 = tpu.memref_slice %arg13[%dma_start3A_953, %dma_start3A_954, %dma_start3A_963, %dma_start3A_964] : memref<3x16x8x32xf32, #tpu.memory_space<vmem>> -> memref<1x1x8x32xf32, #tpu.memory_space<vmem>>
    %dma_start3A_966 = tpu.memref_squeeze %dma_start3A_965 : memref<1x1x8x32xf32, #tpu.memory_space<vmem>> -> memref<8x32xf32, #tpu.memory_space<vmem>>
    %dma_start3A_967 = arith.constant 0 : i32
    %dma_start3A_968 = arith.constant 0 : i32
    %dma_start3A_969 = tpu.memref_slice %arg4[%squeeze3A_952, %dma_start3A_967, %dma_start3A_968] : memref<125000x8x32xf32, #tpu.memory_space<hbm>> -> memref<1x8x32xf32, #tpu.memory_space<hbm>>
    %dma_start3A_970 = tpu.memref_squeeze %dma_start3A_969 : memref<1x8x32xf32, #tpu.memory_space<hbm>> -> memref<8x32xf32, #tpu.memory_space<hbm>>
    tpu.enqueue_dma source(%dma_start3A_970 : memref<8x32xf32, #tpu.memory_space<hbm>>) target(%dma_start3A_966 : memref<8x32xf32, #tpu.memory_space<vmem>>) target_semaphore(%arg18 : memref<!tpu.dma_semaphore, #tpu.memory_space<semaphore_mem>>)
    %slice3A_971 = vector.extract_strided_slice %shift_right_logical3A_670 {offsets = [7], sizes = [1], strides = [1]} : vector<16xi32> to vector<1xi32>
    %squeeze3A_972 = vector.extract %slice3A_971[0] : i32 from vector<1xi32>
    %dma_start3A_973 = arith.constant 1 : i32
    %dma_start3A_974 = arith.constant 7 : i32
    %dma_start3A_975 = arith.constant 0 : i32
    %dma_start3A_976 = arith.constant 0 : i32
    %dma_start3A_977 = tpu.memref_slice %arg14[%dma_start3A_973, %dma_start3A_974, %dma_start3A_975, %dma_start3A_976] : memref<3x16x8x32xf32, #tpu.memory_space<vmem>> -> memref<1x1x8x32xf32, #tpu.memory_space<vmem>>
    %dma_start3A_978 = tpu.memref_squeeze %dma_start3A_977 : memref<1x1x8x32xf32, #tpu.memory_space<vmem>> -> memref<8x32xf32, #tpu.memory_space<vmem>>
    %dma_start3A_979 = arith.constant 0 : i32
    %dma_start3A_980 = arith.constant 0 : i32
    %dma_start3A_981 = tpu.memref_slice %arg5[%squeeze3A_972, %dma_start3A_979, %dma_start3A_980] : memref<12500x8x32xf32, #tpu.memory_space<hbm>> -> memref<1x8x32xf32, #tpu.memory_space<hbm>>
    %dma_start3A_982 = tpu.memref_squeeze %dma_start3A_981 : memref<1x8x32xf32, #tpu.memory_space<hbm>> -> memref<8x32xf32, #tpu.memory_space<hbm>>
    %dma_start3A_983 = arith.constant 0 : i32
    %dma_start3A_984 = arith.constant 0 : i32
    %dma_start3A_985 = tpu.memref_slice %arg14[%dma_start3A_973, %dma_start3A_974, %dma_start3A_983, %dma_start3A_984] : memref<3x16x8x32xf32, #tpu.memory_space<vmem>> -> memref<1x1x8x32xf32, #tpu.memory_space<vmem>>
    %dma_start3A_986 = tpu.memref_squeeze %dma_start3A_985 : memref<1x1x8x32xf32, #tpu.memory_space<vmem>> -> memref<8x32xf32, #tpu.memory_space<vmem>>
    %dma_start3A_987 = arith.constant 0 : i32
    %dma_start3A_988 = arith.constant 0 : i32
    %dma_start3A_989 = tpu.memref_slice %arg5[%squeeze3A_972, %dma_start3A_987, %dma_start3A_988] : memref<12500x8x32xf32, #tpu.memory_space<hbm>> -> memref<1x8x32xf32, #tpu.memory_space<hbm>>
    %dma_start3A_990 = tpu.memref_squeeze %dma_start3A_989 : memref<1x8x32xf32, #tpu.memory_space<hbm>> -> memref<8x32xf32, #tpu.memory_space<hbm>>
    tpu.enqueue_dma source(%dma_start3A_990 : memref<8x32xf32, #tpu.memory_space<hbm>>) target(%dma_start3A_986 : memref<8x32xf32, #tpu.memory_space<vmem>>) target_semaphore(%arg19 : memref<!tpu.dma_semaphore, #tpu.memory_space<semaphore_mem>>)
    %slice3A_991 = vector.extract_strided_slice %shift_right_logical3A_665 {offsets = [8], sizes = [1], strides = [1]} : vector<16xi32> to vector<1xi32>
    %squeeze3A_992 = vector.extract %slice3A_991[0] : i32 from vector<1xi32>
    %dma_start3A_993 = arith.constant 1 : i32
    %dma_start3A_994 = arith.constant 8 : i32
    %dma_start3A_995 = arith.constant 0 : i32
    %dma_start3A_996 = arith.constant 0 : i32
    %dma_start3A_997 = tpu.memref_slice %arg13[%dma_start3A_993, %dma_start3A_994, %dma_start3A_995, %dma_start3A_996] : memref<3x16x8x32xf32, #tpu.memory_space<vmem>> -> memref<1x1x8x32xf32, #tpu.memory_space<vmem>>
    %dma_start3A_998 = tpu.memref_squeeze %dma_start3A_997 : memref<1x1x8x32xf32, #tpu.memory_space<vmem>> -> memref<8x32xf32, #tpu.memory_space<vmem>>
    %dma_start3A_999 = arith.constant 0 : i32
    %dma_start3A_1000 = arith.constant 0 : i32
    %dma_start3A_1001 = tpu.memref_slice %arg4[%squeeze3A_992, %dma_start3A_999, %dma_start3A_1000] : memref<125000x8x32xf32, #tpu.memory_space<hbm>> -> memref<1x8x32xf32, #tpu.memory_space<hbm>>
    %dma_start3A_1002 = tpu.memref_squeeze %dma_start3A_1001 : memref<1x8x32xf32, #tpu.memory_space<hbm>> -> memref<8x32xf32, #tpu.memory_space<hbm>>
    %dma_start3A_1003 = arith.constant 0 : i32
    %dma_start3A_1004 = arith.constant 0 : i32
    %dma_start3A_1005 = tpu.memref_slice %arg13[%dma_start3A_993, %dma_start3A_994, %dma_start3A_1003, %dma_start3A_1004] : memref<3x16x8x32xf32, #tpu.memory_space<vmem>> -> memref<1x1x8x32xf32, #tpu.memory_space<vmem>>
    %dma_start3A_1006 = tpu.memref_squeeze %dma_start3A_1005 : memref<1x1x8x32xf32, #tpu.memory_space<vmem>> -> memref<8x32xf32, #tpu.memory_space<vmem>>
    %dma_start3A_1007 = arith.constant 0 : i32
    %dma_start3A_1008 = arith.constant 0 : i32
    %dma_start3A_1009 = tpu.memref_slice %arg4[%squeeze3A_992, %dma_start3A_1007, %dma_start3A_1008] : memref<125000x8x32xf32, #tpu.memory_space<hbm>> -> memref<1x8x32xf32, #tpu.memory_space<hbm>>
    %dma_start3A_1010 = tpu.memref_squeeze %dma_start3A_1009 : memref<1x8x32xf32, #tpu.memory_space<hbm>> -> memref<8x32xf32, #tpu.memory_space<hbm>>
    tpu.enqueue_dma source(%dma_start3A_1010 : memref<8x32xf32, #tpu.memory_space<hbm>>) target(%dma_start3A_1006 : memref<8x32xf32, #tpu.memory_space<vmem>>) target_semaphore(%arg18 : memref<!tpu.dma_semaphore, #tpu.memory_space<semaphore_mem>>)
    %slice3A_1011 = vector.extract_strided_slice %shift_right_logical3A_670 {offsets = [8], sizes = [1], strides = [1]} : vector<16xi32> to vector<1xi32>
    %squeeze3A_1012 = vector.extract %slice3A_1011[0] : i32 from vector<1xi32>
    %dma_start3A_1013 = arith.constant 1 : i32
    %dma_start3A_1014 = arith.constant 8 : i32
    %dma_start3A_1015 = arith.constant 0 : i32
    %dma_start3A_1016 = arith.constant 0 : i32
    %dma_start3A_1017 = tpu.memref_slice %arg14[%dma_start3A_1013, %dma_start3A_1014, %dma_start3A_1015, %dma_start3A_1016] : memref<3x16x8x32xf32, #tpu.memory_space<vmem>> -> memref<1x1x8x32xf32, #tpu.memory_space<vmem>>
    %dma_start3A_1018 = tpu.memref_squeeze %dma_start3A_1017 : memref<1x1x8x32xf32, #tpu.memory_space<vmem>> -> memref<8x32xf32, #tpu.memory_space<vmem>>
    %dma_start3A_1019 = arith.constant 0 : i32
    %dma_start3A_1020 = arith.constant 0 : i32
    %dma_start3A_1021 = tpu.memref_slice %arg5[%squeeze3A_1012, %dma_start3A_1019, %dma_start3A_1020] : memref<12500x8x32xf32, #tpu.memory_space<hbm>> -> memref<1x8x32xf32, #tpu.memory_space<hbm>>
    %dma_start3A_1022 = tpu.memref_squeeze %dma_start3A_1021 : memref<1x8x32xf32, #tpu.memory_space<hbm>> -> memref<8x32xf32, #tpu.memory_space<hbm>>
    %dma_start3A_1023 = arith.constant 0 : i32
    %dma_start3A_1024 = arith.constant 0 : i32
    %dma_start3A_1025 = tpu.memref_slice %arg14[%dma_start3A_1013, %dma_start3A_1014, %dma_start3A_1023, %dma_start3A_1024] : memref<3x16x8x32xf32, #tpu.memory_space<vmem>> -> memref<1x1x8x32xf32, #tpu.memory_space<vmem>>
    %dma_start3A_1026 = tpu.memref_squeeze %dma_start3A_1025 : memref<1x1x8x32xf32, #tpu.memory_space<vmem>> -> memref<8x32xf32, #tpu.memory_space<vmem>>
    %dma_start3A_1027 = arith.constant 0 : i32
    %dma_start3A_1028 = arith.constant 0 : i32
    %dma_start3A_1029 = tpu.memref_slice %arg5[%squeeze3A_1012, %dma_start3A_1027, %dma_start3A_1028] : memref<12500x8x32xf32, #tpu.memory_space<hbm>> -> memref<1x8x32xf32, #tpu.memory_space<hbm>>
    %dma_start3A_1030 = tpu.memref_squeeze %dma_start3A_1029 : memref<1x8x32xf32, #tpu.memory_space<hbm>> -> memref<8x32xf32, #tpu.memory_space<hbm>>
    tpu.enqueue_dma source(%dma_start3A_1030 : memref<8x32xf32, #tpu.memory_space<hbm>>) target(%dma_start3A_1026 : memref<8x32xf32, #tpu.memory_space<vmem>>) target_semaphore(%arg19 : memref<!tpu.dma_semaphore, #tpu.memory_space<semaphore_mem>>)
    %slice3A_1031 = vector.extract_strided_slice %shift_right_logical3A_665 {offsets = [9], sizes = [1], strides = [1]} : vector<16xi32> to vector<1xi32>
    %squeeze3A_1032 = vector.extract %slice3A_1031[0] : i32 from vector<1xi32>
    %dma_start3A_1033 = arith.constant 1 : i32
    %dma_start3A_1034 = arith.constant 9 : i32
    %dma_start3A_1035 = arith.constant 0 : i32
    %dma_start3A_1036 = arith.constant 0 : i32
    %dma_start3A_1037 = tpu.memref_slice %arg13[%dma_start3A_1033, %dma_start3A_1034, %dma_start3A_1035, %dma_start3A_1036] : memref<3x16x8x32xf32, #tpu.memory_space<vmem>> -> memref<1x1x8x32xf32, #tpu.memory_space<vmem>>
    %dma_start3A_1038 = tpu.memref_squeeze %dma_start3A_1037 : memref<1x1x8x32xf32, #tpu.memory_space<vmem>> -> memref<8x32xf32, #tpu.memory_space<vmem>>
    %dma_start3A_1039 = arith.constant 0 : i32
    %dma_start3A_1040 = arith.constant 0 : i32
    %dma_start3A_1041 = tpu.memref_slice %arg4[%squeeze3A_1032, %dma_start3A_1039, %dma_start3A_1040] : memref<125000x8x32xf32, #tpu.memory_space<hbm>> -> memref<1x8x32xf32, #tpu.memory_space<hbm>>
    %dma_start3A_1042 = tpu.memref_squeeze %dma_start3A_1041 : memref<1x8x32xf32, #tpu.memory_space<hbm>> -> memref<8x32xf32, #tpu.memory_space<hbm>>
    %dma_start3A_1043 = arith.constant 0 : i32
    %dma_start3A_1044 = arith.constant 0 : i32
    %dma_start3A_1045 = tpu.memref_slice %arg13[%dma_start3A_1033, %dma_start3A_1034, %dma_start3A_1043, %dma_start3A_1044] : memref<3x16x8x32xf32, #tpu.memory_space<vmem>> -> memref<1x1x8x32xf32, #tpu.memory_space<vmem>>
    %dma_start3A_1046 = tpu.memref_squeeze %dma_start3A_1045 : memref<1x1x8x32xf32, #tpu.memory_space<vmem>> -> memref<8x32xf32, #tpu.memory_space<vmem>>
    %dma_start3A_1047 = arith.constant 0 : i32
    %dma_start3A_1048 = arith.constant 0 : i32
    %dma_start3A_1049 = tpu.memref_slice %arg4[%squeeze3A_1032, %dma_start3A_1047, %dma_start3A_1048] : memref<125000x8x32xf32, #tpu.memory_space<hbm>> -> memref<1x8x32xf32, #tpu.memory_space<hbm>>
    %dma_start3A_1050 = tpu.memref_squeeze %dma_start3A_1049 : memref<1x8x32xf32, #tpu.memory_space<hbm>> -> memref<8x32xf32, #tpu.memory_space<hbm>>
    tpu.enqueue_dma source(%dma_start3A_1050 : memref<8x32xf32, #tpu.memory_space<hbm>>) target(%dma_start3A_1046 : memref<8x32xf32, #tpu.memory_space<vmem>>) target_semaphore(%arg18 : memref<!tpu.dma_semaphore, #tpu.memory_space<semaphore_mem>>)
    %slice3A_1051 = vector.extract_strided_slice %shift_right_logical3A_670 {offsets = [9], sizes = [1], strides = [1]} : vector<16xi32> to vector<1xi32>
    %squeeze3A_1052 = vector.extract %slice3A_1051[0] : i32 from vector<1xi32>
    %dma_start3A_1053 = arith.constant 1 : i32
    %dma_start3A_1054 = arith.constant 9 : i32
    %dma_start3A_1055 = arith.constant 0 : i32
    %dma_start3A_1056 = arith.constant 0 : i32
    %dma_start3A_1057 = tpu.memref_slice %arg14[%dma_start3A_1053, %dma_start3A_1054, %dma_start3A_1055, %dma_start3A_1056] : memref<3x16x8x32xf32, #tpu.memory_space<vmem>> -> memref<1x1x8x32xf32, #tpu.memory_space<vmem>>
    %dma_start3A_1058 = tpu.memref_squeeze %dma_start3A_1057 : memref<1x1x8x32xf32, #tpu.memory_space<vmem>> -> memref<8x32xf32, #tpu.memory_space<vmem>>
    %dma_start3A_1059 = arith.constant 0 : i32
    %dma_start3A_1060 = arith.constant 0 : i32
    %dma_start3A_1061 = tpu.memref_slice %arg5[%squeeze3A_1052, %dma_start3A_1059, %dma_start3A_1060] : memref<12500x8x32xf32, #tpu.memory_space<hbm>> -> memref<1x8x32xf32, #tpu.memory_space<hbm>>
    %dma_start3A_1062 = tpu.memref_squeeze %dma_start3A_1061 : memref<1x8x32xf32, #tpu.memory_space<hbm>> -> memref<8x32xf32, #tpu.memory_space<hbm>>
    %dma_start3A_1063 = arith.constant 0 : i32
    %dma_start3A_1064 = arith.constant 0 : i32
    %dma_start3A_1065 = tpu.memref_slice %arg14[%dma_start3A_1053, %dma_start3A_1054, %dma_start3A_1063, %dma_start3A_1064] : memref<3x16x8x32xf32, #tpu.memory_space<vmem>> -> memref<1x1x8x32xf32, #tpu.memory_space<vmem>>
    %dma_start3A_1066 = tpu.memref_squeeze %dma_start3A_1065 : memref<1x1x8x32xf32, #tpu.memory_space<vmem>> -> memref<8x32xf32, #tpu.memory_space<vmem>>
    %dma_start3A_1067 = arith.constant 0 : i32
    %dma_start3A_1068 = arith.constant 0 : i32
    %dma_start3A_1069 = tpu.memref_slice %arg5[%squeeze3A_1052, %dma_start3A_1067, %dma_start3A_1068] : memref<12500x8x32xf32, #tpu.memory_space<hbm>> -> memref<1x8x32xf32, #tpu.memory_space<hbm>>
    %dma_start3A_1070 = tpu.memref_squeeze %dma_start3A_1069 : memref<1x8x32xf32, #tpu.memory_space<hbm>> -> memref<8x32xf32, #tpu.memory_space<hbm>>
    tpu.enqueue_dma source(%dma_start3A_1070 : memref<8x32xf32, #tpu.memory_space<hbm>>) target(%dma_start3A_1066 : memref<8x32xf32, #tpu.memory_space<vmem>>) target_semaphore(%arg19 : memref<!tpu.dma_semaphore, #tpu.memory_space<semaphore_mem>>)
    %slice3A_1071 = vector.extract_strided_slice %shift_right_logical3A_665 {offsets = [10], sizes = [1], strides = [1]} : vector<16xi32> to vector<1xi32>
    %squeeze3A_1072 = vector.extract %slice3A_1071[0] : i32 from vector<1xi32>
    %dma_start3A_1073 = arith.constant 1 : i32
    %dma_start3A_1074 = arith.constant 10 : i32
    %dma_start3A_1075 = arith.constant 0 : i32
    %dma_start3A_1076 = arith.constant 0 : i32
    %dma_start3A_1077 = tpu.memref_slice %arg13[%dma_start3A_1073, %dma_start3A_1074, %dma_start3A_1075, %dma_start3A_1076] : memref<3x16x8x32xf32, #tpu.memory_space<vmem>> -> memref<1x1x8x32xf32, #tpu.memory_space<vmem>>
    %dma_start3A_1078 = tpu.memref_squeeze %dma_start3A_1077 : memref<1x1x8x32xf32, #tpu.memory_space<vmem>> -> memref<8x32xf32, #tpu.memory_space<vmem>>
    %dma_start3A_1079 = arith.constant 0 : i32
    %dma_start3A_1080 = arith.constant 0 : i32
    %dma_start3A_1081 = tpu.memref_slice %arg4[%squeeze3A_1072, %dma_start3A_1079, %dma_start3A_1080] : memref<125000x8x32xf32, #tpu.memory_space<hbm>> -> memref<1x8x32xf32, #tpu.memory_space<hbm>>
    %dma_start3A_1082 = tpu.memref_squeeze %dma_start3A_1081 : memref<1x8x32xf32, #tpu.memory_space<hbm>> -> memref<8x32xf32, #tpu.memory_space<hbm>>
    %dma_start3A_1083 = arith.constant 0 : i32
    %dma_start3A_1084 = arith.constant 0 : i32
    %dma_start3A_1085 = tpu.memref_slice %arg13[%dma_start3A_1073, %dma_start3A_1074, %dma_start3A_1083, %dma_start3A_1084] : memref<3x16x8x32xf32, #tpu.memory_space<vmem>> -> memref<1x1x8x32xf32, #tpu.memory_space<vmem>>
    %dma_start3A_1086 = tpu.memref_squeeze %dma_start3A_1085 : memref<1x1x8x32xf32, #tpu.memory_space<vmem>> -> memref<8x32xf32, #tpu.memory_space<vmem>>
    %dma_start3A_1087 = arith.constant 0 : i32
    %dma_start3A_1088 = arith.constant 0 : i32
    %dma_start3A_1089 = tpu.memref_slice %arg4[%squeeze3A_1072, %dma_start3A_1087, %dma_start3A_1088] : memref<125000x8x32xf32, #tpu.memory_space<hbm>> -> memref<1x8x32xf32, #tpu.memory_space<hbm>>
    %dma_start3A_1090 = tpu.memref_squeeze %dma_start3A_1089 : memref<1x8x32xf32, #tpu.memory_space<hbm>> -> memref<8x32xf32, #tpu.memory_space<hbm>>
    tpu.enqueue_dma source(%dma_start3A_1090 : memref<8x32xf32, #tpu.memory_space<hbm>>) target(%dma_start3A_1086 : memref<8x32xf32, #tpu.memory_space<vmem>>) target_semaphore(%arg18 : memref<!tpu.dma_semaphore, #tpu.memory_space<semaphore_mem>>)
    %slice3A_1091 = vector.extract_strided_slice %shift_right_logical3A_670 {offsets = [10], sizes = [1], strides = [1]} : vector<16xi32> to vector<1xi32>
    %squeeze3A_1092 = vector.extract %slice3A_1091[0] : i32 from vector<1xi32>
    %dma_start3A_1093 = arith.constant 1 : i32
    %dma_start3A_1094 = arith.constant 10 : i32
    %dma_start3A_1095 = arith.constant 0 : i32
    %dma_start3A_1096 = arith.constant 0 : i32
    %dma_start3A_1097 = tpu.memref_slice %arg14[%dma_start3A_1093, %dma_start3A_1094, %dma_start3A_1095, %dma_start3A_1096] : memref<3x16x8x32xf32, #tpu.memory_space<vmem>> -> memref<1x1x8x32xf32, #tpu.memory_space<vmem>>
    %dma_start3A_1098 = tpu.memref_squeeze %dma_start3A_1097 : memref<1x1x8x32xf32, #tpu.memory_space<vmem>> -> memref<8x32xf32, #tpu.memory_space<vmem>>
    %dma_start3A_1099 = arith.constant 0 : i32
    %dma_start3A_1100 = arith.constant 0 : i32
    %dma_start3A_1101 = tpu.memref_slice %arg5[%squeeze3A_1092, %dma_start3A_1099, %dma_start3A_1100] : memref<12500x8x32xf32, #tpu.memory_space<hbm>> -> memref<1x8x32xf32, #tpu.memory_space<hbm>>
    %dma_start3A_1102 = tpu.memref_squeeze %dma_start3A_1101 : memref<1x8x32xf32, #tpu.memory_space<hbm>> -> memref<8x32xf32, #tpu.memory_space<hbm>>
    %dma_start3A_1103 = arith.constant 0 : i32
    %dma_start3A_1104 = arith.constant 0 : i32
    %dma_start3A_1105 = tpu.memref_slice %arg14[%dma_start3A_1093, %dma_start3A_1094, %dma_start3A_1103, %dma_start3A_1104] : memref<3x16x8x32xf32, #tpu.memory_space<vmem>> -> memref<1x1x8x32xf32, #tpu.memory_space<vmem>>
    %dma_start3A_1106 = tpu.memref_squeeze %dma_start3A_1105 : memref<1x1x8x32xf32, #tpu.memory_space<vmem>> -> memref<8x32xf32, #tpu.memory_space<vmem>>
    %dma_start3A_1107 = arith.constant 0 : i32
    %dma_start3A_1108 = arith.constant 0 : i32
    %dma_start3A_1109 = tpu.memref_slice %arg5[%squeeze3A_1092, %dma_start3A_1107, %dma_start3A_1108] : memref<12500x8x32xf32, #tpu.memory_space<hbm>> -> memref<1x8x32xf32, #tpu.memory_space<hbm>>
    %dma_start3A_1110 = tpu.memref_squeeze %dma_start3A_1109 : memref<1x8x32xf32, #tpu.memory_space<hbm>> -> memref<8x32xf32, #tpu.memory_space<hbm>>
    tpu.enqueue_dma source(%dma_start3A_1110 : memref<8x32xf32, #tpu.memory_space<hbm>>) target(%dma_start3A_1106 : memref<8x32xf32, #tpu.memory_space<vmem>>) target_semaphore(%arg19 : memref<!tpu.dma_semaphore, #tpu.memory_space<semaphore_mem>>)
    %slice3A_1111 = vector.extract_strided_slice %shift_right_logical3A_665 {offsets = [11], sizes = [1], strides = [1]} : vector<16xi32> to vector<1xi32>
    %squeeze3A_1112 = vector.extract %slice3A_1111[0] : i32 from vector<1xi32>
    %dma_start3A_1113 = arith.constant 1 : i32
    %dma_start3A_1114 = arith.constant 11 : i32
    %dma_start3A_1115 = arith.constant 0 : i32
    %dma_start3A_1116 = arith.constant 0 : i32
    %dma_start3A_1117 = tpu.memref_slice %arg13[%dma_start3A_1113, %dma_start3A_1114, %dma_start3A_1115, %dma_start3A_1116] : memref<3x16x8x32xf32, #tpu.memory_space<vmem>> -> memref<1x1x8x32xf32, #tpu.memory_space<vmem>>
    %dma_start3A_1118 = tpu.memref_squeeze %dma_start3A_1117 : memref<1x1x8x32xf32, #tpu.memory_space<vmem>> -> memref<8x32xf32, #tpu.memory_space<vmem>>
    %dma_start3A_1119 = arith.constant 0 : i32
    %dma_start3A_1120 = arith.constant 0 : i32
    %dma_start3A_1121 = tpu.memref_slice %arg4[%squeeze3A_1112, %dma_start3A_1119, %dma_start3A_1120] : memref<125000x8x32xf32, #tpu.memory_space<hbm>> -> memref<1x8x32xf32, #tpu.memory_space<hbm>>
    %dma_start3A_1122 = tpu.memref_squeeze %dma_start3A_1121 : memref<1x8x32xf32, #tpu.memory_space<hbm>> -> memref<8x32xf32, #tpu.memory_space<hbm>>
    %dma_start3A_1123 = arith.constant 0 : i32
    %dma_start3A_1124 = arith.constant 0 : i32
    %dma_start3A_1125 = tpu.memref_slice %arg13[%dma_start3A_1113, %dma_start3A_1114, %dma_start3A_1123, %dma_start3A_1124] : memref<3x16x8x32xf32, #tpu.memory_space<vmem>> -> memref<1x1x8x32xf32, #tpu.memory_space<vmem>>
    %dma_start3A_1126 = tpu.memref_squeeze %dma_start3A_1125 : memref<1x1x8x32xf32, #tpu.memory_space<vmem>> -> memref<8x32xf32, #tpu.memory_space<vmem>>
    %dma_start3A_1127 = arith.constant 0 : i32
    %dma_start3A_1128 = arith.constant 0 : i32
    %dma_start3A_1129 = tpu.memref_slice %arg4[%squeeze3A_1112, %dma_start3A_1127, %dma_start3A_1128] : memref<125000x8x32xf32, #tpu.memory_space<hbm>> -> memref<1x8x32xf32, #tpu.memory_space<hbm>>
    %dma_start3A_1130 = tpu.memref_squeeze %dma_start3A_1129 : memref<1x8x32xf32, #tpu.memory_space<hbm>> -> memref<8x32xf32, #tpu.memory_space<hbm>>
    tpu.enqueue_dma source(%dma_start3A_1130 : memref<8x32xf32, #tpu.memory_space<hbm>>) target(%dma_start3A_1126 : memref<8x32xf32, #tpu.memory_space<vmem>>) target_semaphore(%arg18 : memref<!tpu.dma_semaphore, #tpu.memory_space<semaphore_mem>>)
    %slice3A_1131 = vector.extract_strided_slice %shift_right_logical3A_670 {offsets = [11], sizes = [1], strides = [1]} : vector<16xi32> to vector<1xi32>
    %squeeze3A_1132 = vector.extract %slice3A_1131[0] : i32 from vector<1xi32>
    %dma_start3A_1133 = arith.constant 1 : i32
    %dma_start3A_1134 = arith.constant 11 : i32
    %dma_start3A_1135 = arith.constant 0 : i32
    %dma_start3A_1136 = arith.constant 0 : i32
    %dma_start3A_1137 = tpu.memref_slice %arg14[%dma_start3A_1133, %dma_start3A_1134, %dma_start3A_1135, %dma_start3A_1136] : memref<3x16x8x32xf32, #tpu.memory_space<vmem>> -> memref<1x1x8x32xf32, #tpu.memory_space<vmem>>
    %dma_start3A_1138 = tpu.memref_squeeze %dma_start3A_1137 : memref<1x1x8x32xf32, #tpu.memory_space<vmem>> -> memref<8x32xf32, #tpu.memory_space<vmem>>
    %dma_start3A_1139 = arith.constant 0 : i32
    %dma_start3A_1140 = arith.constant 0 : i32
    %dma_start3A_1141 = tpu.memref_slice %arg5[%squeeze3A_1132, %dma_start3A_1139, %dma_start3A_1140] : memref<12500x8x32xf32, #tpu.memory_space<hbm>> -> memref<1x8x32xf32, #tpu.memory_space<hbm>>
    %dma_start3A_1142 = tpu.memref_squeeze %dma_start3A_1141 : memref<1x8x32xf32, #tpu.memory_space<hbm>> -> memref<8x32xf32, #tpu.memory_space<hbm>>
    %dma_start3A_1143 = arith.constant 0 : i32
    %dma_start3A_1144 = arith.constant 0 : i32
    %dma_start3A_1145 = tpu.memref_slice %arg14[%dma_start3A_1133, %dma_start3A_1134, %dma_start3A_1143, %dma_start3A_1144] : memref<3x16x8x32xf32, #tpu.memory_space<vmem>> -> memref<1x1x8x32xf32, #tpu.memory_space<vmem>>
    %dma_start3A_1146 = tpu.memref_squeeze %dma_start3A_1145 : memref<1x1x8x32xf32, #tpu.memory_space<vmem>> -> memref<8x32xf32, #tpu.memory_space<vmem>>
    %dma_start3A_1147 = arith.constant 0 : i32
    %dma_start3A_1148 = arith.constant 0 : i32
    %dma_start3A_1149 = tpu.memref_slice %arg5[%squeeze3A_1132, %dma_start3A_1147, %dma_start3A_1148] : memref<12500x8x32xf32, #tpu.memory_space<hbm>> -> memref<1x8x32xf32, #tpu.memory_space<hbm>>
    %dma_start3A_1150 = tpu.memref_squeeze %dma_start3A_1149 : memref<1x8x32xf32, #tpu.memory_space<hbm>> -> memref<8x32xf32, #tpu.memory_space<hbm>>
    tpu.enqueue_dma source(%dma_start3A_1150 : memref<8x32xf32, #tpu.memory_space<hbm>>) target(%dma_start3A_1146 : memref<8x32xf32, #tpu.memory_space<vmem>>) target_semaphore(%arg19 : memref<!tpu.dma_semaphore, #tpu.memory_space<semaphore_mem>>)
    %slice3A_1151 = vector.extract_strided_slice %shift_right_logical3A_665 {offsets = [12], sizes = [1], strides = [1]} : vector<16xi32> to vector<1xi32>
    %squeeze3A_1152 = vector.extract %slice3A_1151[0] : i32 from vector<1xi32>
    %dma_start3A_1153 = arith.constant 1 : i32
    %dma_start3A_1154 = arith.constant 12 : i32
    %dma_start3A_1155 = arith.constant 0 : i32
    %dma_start3A_1156 = arith.constant 0 : i32
    %dma_start3A_1157 = tpu.memref_slice %arg13[%dma_start3A_1153, %dma_start3A_1154, %dma_start3A_1155, %dma_start3A_1156] : memref<3x16x8x32xf32, #tpu.memory_space<vmem>> -> memref<1x1x8x32xf32, #tpu.memory_space<vmem>>
    %dma_start3A_1158 = tpu.memref_squeeze %dma_start3A_1157 : memref<1x1x8x32xf32, #tpu.memory_space<vmem>> -> memref<8x32xf32, #tpu.memory_space<vmem>>
    %dma_start3A_1159 = arith.constant 0 : i32
    %dma_start3A_1160 = arith.constant 0 : i32
    %dma_start3A_1161 = tpu.memref_slice %arg4[%squeeze3A_1152, %dma_start3A_1159, %dma_start3A_1160] : memref<125000x8x32xf32, #tpu.memory_space<hbm>> -> memref<1x8x32xf32, #tpu.memory_space<hbm>>
    %dma_start3A_1162 = tpu.memref_squeeze %dma_start3A_1161 : memref<1x8x32xf32, #tpu.memory_space<hbm>> -> memref<8x32xf32, #tpu.memory_space<hbm>>
    %dma_start3A_1163 = arith.constant 0 : i32
    %dma_start3A_1164 = arith.constant 0 : i32
    %dma_start3A_1165 = tpu.memref_slice %arg13[%dma_start3A_1153, %dma_start3A_1154, %dma_start3A_1163, %dma_start3A_1164] : memref<3x16x8x32xf32, #tpu.memory_space<vmem>> -> memref<1x1x8x32xf32, #tpu.memory_space<vmem>>
    %dma_start3A_1166 = tpu.memref_squeeze %dma_start3A_1165 : memref<1x1x8x32xf32, #tpu.memory_space<vmem>> -> memref<8x32xf32, #tpu.memory_space<vmem>>
    %dma_start3A_1167 = arith.constant 0 : i32
    %dma_start3A_1168 = arith.constant 0 : i32
    %dma_start3A_1169 = tpu.memref_slice %arg4[%squeeze3A_1152, %dma_start3A_1167, %dma_start3A_1168] : memref<125000x8x32xf32, #tpu.memory_space<hbm>> -> memref<1x8x32xf32, #tpu.memory_space<hbm>>
    %dma_start3A_1170 = tpu.memref_squeeze %dma_start3A_1169 : memref<1x8x32xf32, #tpu.memory_space<hbm>> -> memref<8x32xf32, #tpu.memory_space<hbm>>
    tpu.enqueue_dma source(%dma_start3A_1170 : memref<8x32xf32, #tpu.memory_space<hbm>>) target(%dma_start3A_1166 : memref<8x32xf32, #tpu.memory_space<vmem>>) target_semaphore(%arg18 : memref<!tpu.dma_semaphore, #tpu.memory_space<semaphore_mem>>)
    %slice3A_1171 = vector.extract_strided_slice %shift_right_logical3A_670 {offsets = [12], sizes = [1], strides = [1]} : vector<16xi32> to vector<1xi32>
    %squeeze3A_1172 = vector.extract %slice3A_1171[0] : i32 from vector<1xi32>
    %dma_start3A_1173 = arith.constant 1 : i32
    %dma_start3A_1174 = arith.constant 12 : i32
    %dma_start3A_1175 = arith.constant 0 : i32
    %dma_start3A_1176 = arith.constant 0 : i32
    %dma_start3A_1177 = tpu.memref_slice %arg14[%dma_start3A_1173, %dma_start3A_1174, %dma_start3A_1175, %dma_start3A_1176] : memref<3x16x8x32xf32, #tpu.memory_space<vmem>> -> memref<1x1x8x32xf32, #tpu.memory_space<vmem>>
    %dma_start3A_1178 = tpu.memref_squeeze %dma_start3A_1177 : memref<1x1x8x32xf32, #tpu.memory_space<vmem>> -> memref<8x32xf32, #tpu.memory_space<vmem>>
    %dma_start3A_1179 = arith.constant 0 : i32
    %dma_start3A_1180 = arith.constant 0 : i32
    %dma_start3A_1181 = tpu.memref_slice %arg5[%squeeze3A_1172, %dma_start3A_1179, %dma_start3A_1180] : memref<12500x8x32xf32, #tpu.memory_space<hbm>> -> memref<1x8x32xf32, #tpu.memory_space<hbm>>
    %dma_start3A_1182 = tpu.memref_squeeze %dma_start3A_1181 : memref<1x8x32xf32, #tpu.memory_space<hbm>> -> memref<8x32xf32, #tpu.memory_space<hbm>>
    %dma_start3A_1183 = arith.constant 0 : i32
    %dma_start3A_1184 = arith.constant 0 : i32
    %dma_start3A_1185 = tpu.memref_slice %arg14[%dma_start3A_1173, %dma_start3A_1174, %dma_start3A_1183, %dma_start3A_1184] : memref<3x16x8x32xf32, #tpu.memory_space<vmem>> -> memref<1x1x8x32xf32, #tpu.memory_space<vmem>>
    %dma_start3A_1186 = tpu.memref_squeeze %dma_start3A_1185 : memref<1x1x8x32xf32, #tpu.memory_space<vmem>> -> memref<8x32xf32, #tpu.memory_space<vmem>>
    %dma_start3A_1187 = arith.constant 0 : i32
    %dma_start3A_1188 = arith.constant 0 : i32
    %dma_start3A_1189 = tpu.memref_slice %arg5[%squeeze3A_1172, %dma_start3A_1187, %dma_start3A_1188] : memref<12500x8x32xf32, #tpu.memory_space<hbm>> -> memref<1x8x32xf32, #tpu.memory_space<hbm>>
    %dma_start3A_1190 = tpu.memref_squeeze %dma_start3A_1189 : memref<1x8x32xf32, #tpu.memory_space<hbm>> -> memref<8x32xf32, #tpu.memory_space<hbm>>
    tpu.enqueue_dma source(%dma_start3A_1190 : memref<8x32xf32, #tpu.memory_space<hbm>>) target(%dma_start3A_1186 : memref<8x32xf32, #tpu.memory_space<vmem>>) target_semaphore(%arg19 : memref<!tpu.dma_semaphore, #tpu.memory_space<semaphore_mem>>)
    %slice3A_1191 = vector.extract_strided_slice %shift_right_logical3A_665 {offsets = [13], sizes = [1], strides = [1]} : vector<16xi32> to vector<1xi32>
    %squeeze3A_1192 = vector.extract %slice3A_1191[0] : i32 from vector<1xi32>
    %dma_start3A_1193 = arith.constant 1 : i32
    %dma_start3A_1194 = arith.constant 13 : i32
    %dma_start3A_1195 = arith.constant 0 : i32
    %dma_start3A_1196 = arith.constant 0 : i32
    %dma_start3A_1197 = tpu.memref_slice %arg13[%dma_start3A_1193, %dma_start3A_1194, %dma_start3A_1195, %dma_start3A_1196] : memref<3x16x8x32xf32, #tpu.memory_space<vmem>> -> memref<1x1x8x32xf32, #tpu.memory_space<vmem>>
    %dma_start3A_1198 = tpu.memref_squeeze %dma_start3A_1197 : memref<1x1x8x32xf32, #tpu.memory_space<vmem>> -> memref<8x32xf32, #tpu.memory_space<vmem>>
    %dma_start3A_1199 = arith.constant 0 : i32
    %dma_start3A_1200 = arith.constant 0 : i32
    %dma_start3A_1201 = tpu.memref_slice %arg4[%squeeze3A_1192, %dma_start3A_1199, %dma_start3A_1200] : memref<125000x8x32xf32, #tpu.memory_space<hbm>> -> memref<1x8x32xf32, #tpu.memory_space<hbm>>
    %dma_start3A_1202 = tpu.memref_squeeze %dma_start3A_1201 : memref<1x8x32xf32, #tpu.memory_space<hbm>> -> memref<8x32xf32, #tpu.memory_space<hbm>>
    %dma_start3A_1203 = arith.constant 0 : i32
    %dma_start3A_1204 = arith.constant 0 : i32
    %dma_start3A_1205 = tpu.memref_slice %arg13[%dma_start3A_1193, %dma_start3A_1194, %dma_start3A_1203, %dma_start3A_1204] : memref<3x16x8x32xf32, #tpu.memory_space<vmem>> -> memref<1x1x8x32xf32, #tpu.memory_space<vmem>>
    %dma_start3A_1206 = tpu.memref_squeeze %dma_start3A_1205 : memref<1x1x8x32xf32, #tpu.memory_space<vmem>> -> memref<8x32xf32, #tpu.memory_space<vmem>>
    %dma_start3A_1207 = arith.constant 0 : i32
    %dma_start3A_1208 = arith.constant 0 : i32
    %dma_start3A_1209 = tpu.memref_slice %arg4[%squeeze3A_1192, %dma_start3A_1207, %dma_start3A_1208] : memref<125000x8x32xf32, #tpu.memory_space<hbm>> -> memref<1x8x32xf32, #tpu.memory_space<hbm>>
    %dma_start3A_1210 = tpu.memref_squeeze %dma_start3A_1209 : memref<1x8x32xf32, #tpu.memory_space<hbm>> -> memref<8x32xf32, #tpu.memory_space<hbm>>
    tpu.enqueue_dma source(%dma_start3A_1210 : memref<8x32xf32, #tpu.memory_space<hbm>>) target(%dma_start3A_1206 : memref<8x32xf32, #tpu.memory_space<vmem>>) target_semaphore(%arg18 : memref<!tpu.dma_semaphore, #tpu.memory_space<semaphore_mem>>)
    %slice3A_1211 = vector.extract_strided_slice %shift_right_logical3A_670 {offsets = [13], sizes = [1], strides = [1]} : vector<16xi32> to vector<1xi32>
    %squeeze3A_1212 = vector.extract %slice3A_1211[0] : i32 from vector<1xi32>
    %dma_start3A_1213 = arith.constant 1 : i32
    %dma_start3A_1214 = arith.constant 13 : i32
    %dma_start3A_1215 = arith.constant 0 : i32
    %dma_start3A_1216 = arith.constant 0 : i32
    %dma_start3A_1217 = tpu.memref_slice %arg14[%dma_start3A_1213, %dma_start3A_1214, %dma_start3A_1215, %dma_start3A_1216] : memref<3x16x8x32xf32, #tpu.memory_space<vmem>> -> memref<1x1x8x32xf32, #tpu.memory_space<vmem>>
    %dma_start3A_1218 = tpu.memref_squeeze %dma_start3A_1217 : memref<1x1x8x32xf32, #tpu.memory_space<vmem>> -> memref<8x32xf32, #tpu.memory_space<vmem>>
    %dma_start3A_1219 = arith.constant 0 : i32
    %dma_start3A_1220 = arith.constant 0 : i32
    %dma_start3A_1221 = tpu.memref_slice %arg5[%squeeze3A_1212, %dma_start3A_1219, %dma_start3A_1220] : memref<12500x8x32xf32, #tpu.memory_space<hbm>> -> memref<1x8x32xf32, #tpu.memory_space<hbm>>
    %dma_start3A_1222 = tpu.memref_squeeze %dma_start3A_1221 : memref<1x8x32xf32, #tpu.memory_space<hbm>> -> memref<8x32xf32, #tpu.memory_space<hbm>>
    %dma_start3A_1223 = arith.constant 0 : i32
    %dma_start3A_1224 = arith.constant 0 : i32
    %dma_start3A_1225 = tpu.memref_slice %arg14[%dma_start3A_1213, %dma_start3A_1214, %dma_start3A_1223, %dma_start3A_1224] : memref<3x16x8x32xf32, #tpu.memory_space<vmem>> -> memref<1x1x8x32xf32, #tpu.memory_space<vmem>>
    %dma_start3A_1226 = tpu.memref_squeeze %dma_start3A_1225 : memref<1x1x8x32xf32, #tpu.memory_space<vmem>> -> memref<8x32xf32, #tpu.memory_space<vmem>>
    %dma_start3A_1227 = arith.constant 0 : i32
    %dma_start3A_1228 = arith.constant 0 : i32
    %dma_start3A_1229 = tpu.memref_slice %arg5[%squeeze3A_1212, %dma_start3A_1227, %dma_start3A_1228] : memref<12500x8x32xf32, #tpu.memory_space<hbm>> -> memref<1x8x32xf32, #tpu.memory_space<hbm>>
    %dma_start3A_1230 = tpu.memref_squeeze %dma_start3A_1229 : memref<1x8x32xf32, #tpu.memory_space<hbm>> -> memref<8x32xf32, #tpu.memory_space<hbm>>
    tpu.enqueue_dma source(%dma_start3A_1230 : memref<8x32xf32, #tpu.memory_space<hbm>>) target(%dma_start3A_1226 : memref<8x32xf32, #tpu.memory_space<vmem>>) target_semaphore(%arg19 : memref<!tpu.dma_semaphore, #tpu.memory_space<semaphore_mem>>)
    %slice3A_1231 = vector.extract_strided_slice %shift_right_logical3A_665 {offsets = [14], sizes = [1], strides = [1]} : vector<16xi32> to vector<1xi32>
    %squeeze3A_1232 = vector.extract %slice3A_1231[0] : i32 from vector<1xi32>
    %dma_start3A_1233 = arith.constant 1 : i32
    %dma_start3A_1234 = arith.constant 14 : i32
    %dma_start3A_1235 = arith.constant 0 : i32
    %dma_start3A_1236 = arith.constant 0 : i32
    %dma_start3A_1237 = tpu.memref_slice %arg13[%dma_start3A_1233, %dma_start3A_1234, %dma_start3A_1235, %dma_start3A_1236] : memref<3x16x8x32xf32, #tpu.memory_space<vmem>> -> memref<1x1x8x32xf32, #tpu.memory_space<vmem>>
    %dma_start3A_1238 = tpu.memref_squeeze %dma_start3A_1237 : memref<1x1x8x32xf32, #tpu.memory_space<vmem>> -> memref<8x32xf32, #tpu.memory_space<vmem>>
    %dma_start3A_1239 = arith.constant 0 : i32
    %dma_start3A_1240 = arith.constant 0 : i32
    %dma_start3A_1241 = tpu.memref_slice %arg4[%squeeze3A_1232, %dma_start3A_1239, %dma_start3A_1240] : memref<125000x8x32xf32, #tpu.memory_space<hbm>> -> memref<1x8x32xf32, #tpu.memory_space<hbm>>
    %dma_start3A_1242 = tpu.memref_squeeze %dma_start3A_1241 : memref<1x8x32xf32, #tpu.memory_space<hbm>> -> memref<8x32xf32, #tpu.memory_space<hbm>>
    %dma_start3A_1243 = arith.constant 0 : i32
    %dma_start3A_1244 = arith.constant 0 : i32
    %dma_start3A_1245 = tpu.memref_slice %arg13[%dma_start3A_1233, %dma_start3A_1234, %dma_start3A_1243, %dma_start3A_1244] : memref<3x16x8x32xf32, #tpu.memory_space<vmem>> -> memref<1x1x8x32xf32, #tpu.memory_space<vmem>>
    %dma_start3A_1246 = tpu.memref_squeeze %dma_start3A_1245 : memref<1x1x8x32xf32, #tpu.memory_space<vmem>> -> memref<8x32xf32, #tpu.memory_space<vmem>>
    %dma_start3A_1247 = arith.constant 0 : i32
    %dma_start3A_1248 = arith.constant 0 : i32
    %dma_start3A_1249 = tpu.memref_slice %arg4[%squeeze3A_1232, %dma_start3A_1247, %dma_start3A_1248] : memref<125000x8x32xf32, #tpu.memory_space<hbm>> -> memref<1x8x32xf32, #tpu.memory_space<hbm>>
    %dma_start3A_1250 = tpu.memref_squeeze %dma_start3A_1249 : memref<1x8x32xf32, #tpu.memory_space<hbm>> -> memref<8x32xf32, #tpu.memory_space<hbm>>
    tpu.enqueue_dma source(%dma_start3A_1250 : memref<8x32xf32, #tpu.memory_space<hbm>>) target(%dma_start3A_1246 : memref<8x32xf32, #tpu.memory_space<vmem>>) target_semaphore(%arg18 : memref<!tpu.dma_semaphore, #tpu.memory_space<semaphore_mem>>)
    %slice3A_1251 = vector.extract_strided_slice %shift_right_logical3A_670 {offsets = [14], sizes = [1], strides = [1]} : vector<16xi32> to vector<1xi32>
    %squeeze3A_1252 = vector.extract %slice3A_1251[0] : i32 from vector<1xi32>
    %dma_start3A_1253 = arith.constant 1 : i32
    %dma_start3A_1254 = arith.constant 14 : i32
    %dma_start3A_1255 = arith.constant 0 : i32
    %dma_start3A_1256 = arith.constant 0 : i32
    %dma_start3A_1257 = tpu.memref_slice %arg14[%dma_start3A_1253, %dma_start3A_1254, %dma_start3A_1255, %dma_start3A_1256] : memref<3x16x8x32xf32, #tpu.memory_space<vmem>> -> memref<1x1x8x32xf32, #tpu.memory_space<vmem>>
    %dma_start3A_1258 = tpu.memref_squeeze %dma_start3A_1257 : memref<1x1x8x32xf32, #tpu.memory_space<vmem>> -> memref<8x32xf32, #tpu.memory_space<vmem>>
    %dma_start3A_1259 = arith.constant 0 : i32
    %dma_start3A_1260 = arith.constant 0 : i32
    %dma_start3A_1261 = tpu.memref_slice %arg5[%squeeze3A_1252, %dma_start3A_1259, %dma_start3A_1260] : memref<12500x8x32xf32, #tpu.memory_space<hbm>> -> memref<1x8x32xf32, #tpu.memory_space<hbm>>
    %dma_start3A_1262 = tpu.memref_squeeze %dma_start3A_1261 : memref<1x8x32xf32, #tpu.memory_space<hbm>> -> memref<8x32xf32, #tpu.memory_space<hbm>>
    %dma_start3A_1263 = arith.constant 0 : i32
    %dma_start3A_1264 = arith.constant 0 : i32
    %dma_start3A_1265 = tpu.memref_slice %arg14[%dma_start3A_1253, %dma_start3A_1254, %dma_start3A_1263, %dma_start3A_1264] : memref<3x16x8x32xf32, #tpu.memory_space<vmem>> -> memref<1x1x8x32xf32, #tpu.memory_space<vmem>>
    %dma_start3A_1266 = tpu.memref_squeeze %dma_start3A_1265 : memref<1x1x8x32xf32, #tpu.memory_space<vmem>> -> memref<8x32xf32, #tpu.memory_space<vmem>>
    %dma_start3A_1267 = arith.constant 0 : i32
    %dma_start3A_1268 = arith.constant 0 : i32
    %dma_start3A_1269 = tpu.memref_slice %arg5[%squeeze3A_1252, %dma_start3A_1267, %dma_start3A_1268] : memref<12500x8x32xf32, #tpu.memory_space<hbm>> -> memref<1x8x32xf32, #tpu.memory_space<hbm>>
    %dma_start3A_1270 = tpu.memref_squeeze %dma_start3A_1269 : memref<1x8x32xf32, #tpu.memory_space<hbm>> -> memref<8x32xf32, #tpu.memory_space<hbm>>
    tpu.enqueue_dma source(%dma_start3A_1270 : memref<8x32xf32, #tpu.memory_space<hbm>>) target(%dma_start3A_1266 : memref<8x32xf32, #tpu.memory_space<vmem>>) target_semaphore(%arg19 : memref<!tpu.dma_semaphore, #tpu.memory_space<semaphore_mem>>)
    %slice3A_1271 = vector.extract_strided_slice %shift_right_logical3A_665 {offsets = [15], sizes = [1], strides = [1]} : vector<16xi32> to vector<1xi32>
    %squeeze3A_1272 = vector.extract %slice3A_1271[0] : i32 from vector<1xi32>
    %dma_start3A_1273 = arith.constant 1 : i32
    %dma_start3A_1274 = arith.constant 15 : i32
    %dma_start3A_1275 = arith.constant 0 : i32
    %dma_start3A_1276 = arith.constant 0 : i32
    %dma_start3A_1277 = tpu.memref_slice %arg13[%dma_start3A_1273, %dma_start3A_1274, %dma_start3A_1275, %dma_start3A_1276] : memref<3x16x8x32xf32, #tpu.memory_space<vmem>> -> memref<1x1x8x32xf32, #tpu.memory_space<vmem>>
    %dma_start3A_1278 = tpu.memref_squeeze %dma_start3A_1277 : memref<1x1x8x32xf32, #tpu.memory_space<vmem>> -> memref<8x32xf32, #tpu.memory_space<vmem>>
    %dma_start3A_1279 = arith.constant 0 : i32
    %dma_start3A_1280 = arith.constant 0 : i32
    %dma_start3A_1281 = tpu.memref_slice %arg4[%squeeze3A_1272, %dma_start3A_1279, %dma_start3A_1280] : memref<125000x8x32xf32, #tpu.memory_space<hbm>> -> memref<1x8x32xf32, #tpu.memory_space<hbm>>
    %dma_start3A_1282 = tpu.memref_squeeze %dma_start3A_1281 : memref<1x8x32xf32, #tpu.memory_space<hbm>> -> memref<8x32xf32, #tpu.memory_space<hbm>>
    %dma_start3A_1283 = arith.constant 0 : i32
    %dma_start3A_1284 = arith.constant 0 : i32
    %dma_start3A_1285 = tpu.memref_slice %arg13[%dma_start3A_1273, %dma_start3A_1274, %dma_start3A_1283, %dma_start3A_1284] : memref<3x16x8x32xf32, #tpu.memory_space<vmem>> -> memref<1x1x8x32xf32, #tpu.memory_space<vmem>>
    %dma_start3A_1286 = tpu.memref_squeeze %dma_start3A_1285 : memref<1x1x8x32xf32, #tpu.memory_space<vmem>> -> memref<8x32xf32, #tpu.memory_space<vmem>>
    %dma_start3A_1287 = arith.constant 0 : i32
    %dma_start3A_1288 = arith.constant 0 : i32
    %dma_start3A_1289 = tpu.memref_slice %arg4[%squeeze3A_1272, %dma_start3A_1287, %dma_start3A_1288] : memref<125000x8x32xf32, #tpu.memory_space<hbm>> -> memref<1x8x32xf32, #tpu.memory_space<hbm>>
    %dma_start3A_1290 = tpu.memref_squeeze %dma_start3A_1289 : memref<1x8x32xf32, #tpu.memory_space<hbm>> -> memref<8x32xf32, #tpu.memory_space<hbm>>
    tpu.enqueue_dma source(%dma_start3A_1290 : memref<8x32xf32, #tpu.memory_space<hbm>>) target(%dma_start3A_1286 : memref<8x32xf32, #tpu.memory_space<vmem>>) target_semaphore(%arg18 : memref<!tpu.dma_semaphore, #tpu.memory_space<semaphore_mem>>)
    %slice3A_1291 = vector.extract_strided_slice %shift_right_logical3A_670 {offsets = [15], sizes = [1], strides = [1]} : vector<16xi32> to vector<1xi32>
    %squeeze3A_1292 = vector.extract %slice3A_1291[0] : i32 from vector<1xi32>
    %dma_start3A_1293 = arith.constant 1 : i32
    %dma_start3A_1294 = arith.constant 15 : i32
    %dma_start3A_1295 = arith.constant 0 : i32
    %dma_start3A_1296 = arith.constant 0 : i32
    %dma_start3A_1297 = tpu.memref_slice %arg14[%dma_start3A_1293, %dma_start3A_1294, %dma_start3A_1295, %dma_start3A_1296] : memref<3x16x8x32xf32, #tpu.memory_space<vmem>> -> memref<1x1x8x32xf32, #tpu.memory_space<vmem>>
    %dma_start3A_1298 = tpu.memref_squeeze %dma_start3A_1297 : memref<1x1x8x32xf32, #tpu.memory_space<vmem>> -> memref<8x32xf32, #tpu.memory_space<vmem>>
    %dma_start3A_1299 = arith.constant 0 : i32
    %dma_start3A_1300 = arith.constant 0 : i32
    %dma_start3A_1301 = tpu.memref_slice %arg5[%squeeze3A_1292, %dma_start3A_1299, %dma_start3A_1300] : memref<12500x8x32xf32, #tpu.memory_space<hbm>> -> memref<1x8x32xf32, #tpu.memory_space<hbm>>
    %dma_start3A_1302 = tpu.memref_squeeze %dma_start3A_1301 : memref<1x8x32xf32, #tpu.memory_space<hbm>> -> memref<8x32xf32, #tpu.memory_space<hbm>>
    %dma_start3A_1303 = arith.constant 0 : i32
    %dma_start3A_1304 = arith.constant 0 : i32
    %dma_start3A_1305 = tpu.memref_slice %arg14[%dma_start3A_1293, %dma_start3A_1294, %dma_start3A_1303, %dma_start3A_1304] : memref<3x16x8x32xf32, #tpu.memory_space<vmem>> -> memref<1x1x8x32xf32, #tpu.memory_space<vmem>>
    %dma_start3A_1306 = tpu.memref_squeeze %dma_start3A_1305 : memref<1x1x8x32xf32, #tpu.memory_space<vmem>> -> memref<8x32xf32, #tpu.memory_space<vmem>>
    %dma_start3A_1307 = arith.constant 0 : i32
    %dma_start3A_1308 = arith.constant 0 : i32
    %dma_start3A_1309 = tpu.memref_slice %arg5[%squeeze3A_1292, %dma_start3A_1307, %dma_start3A_1308] : memref<12500x8x32xf32, #tpu.memory_space<hbm>> -> memref<1x8x32xf32, #tpu.memory_space<hbm>>
    %dma_start3A_1310 = tpu.memref_squeeze %dma_start3A_1309 : memref<1x8x32xf32, #tpu.memory_space<hbm>> -> memref<8x32xf32, #tpu.memory_space<hbm>>
    tpu.enqueue_dma source(%dma_start3A_1310 : memref<8x32xf32, #tpu.memory_space<hbm>>) target(%dma_start3A_1306 : memref<8x32xf32, #tpu.memory_space<vmem>>) target_semaphore(%arg19 : memref<!tpu.dma_semaphore, #tpu.memory_space<semaphore_mem>>)
    %scan3A_1311 = arith.constant 0 : i32
    %scan3A_1312 = arith.constant 0 : i32
    %scan3A_1313 = arith.constant 32 : i32
    %scan3A_1314 = arith.addi %scan3A_1312, %scan3A_1313 : i32
    %scan3A_1315 = arith.constant 1 : i32
    scf.for %scan3A_1317 = %scan3A_1312 to %scan3A_1314 step %scan3A_1315  : i32 {
      %rem3A = arith.constant 3 : i32
      %rem3A_1318 = arith.remsi %scan3A_1317, %rem3A : i32
      %lt3A = arith.constant 30 : i32
      %lt3A_1319 = arith.cmpi slt, %scan3A_1317, %lt3A : i32
      %convert_element_type3A = arith.extui %lt3A_1319 : i1 to i32
      %cond3A = arith.constant 0 : i32
      %cond3A_1320 = arith.cmpi ne, %convert_element_type3A, %cond3A : i32
      scf.if %cond3A_1320 {
        %add3A_1688 = arith.constant 2 : i32
        %add3A_1689 = arith.addi %scan3A_1317, %add3A_1688 : i32
        %add3A_1690 = arith.constant 2 : i32
        %add3A_1691 = arith.addi %scan3A_1317, %add3A_1690 : i32
        %rem3A_1692 = arith.constant 3 : i32
        %rem3A_1693 = arith.remsi %add3A_1691, %rem3A_1692 : i32
        %mul3A_1694 = arith.constant 16 : i32
        %mul3A_1695 = arith.muli %add3A_1689, %mul3A_1694 : i32
        %get3A_1696 = arith.index_cast %mul3A_1695 : i32 to index
        %get3A_1697 = tpu.vector_load %arg9[%get3A_1696] {strides = array<i32>} : memref<512xi32, #tpu.memory_space<vmem>>, vector<16xi32>,
        %shift_right_logical3A_1698 = arith.constant 3 : i32
        %shift_right_logical3A_1699 = vector.broadcast %shift_right_logical3A_1698 : i32 to vector<16xi32>
        %shift_right_logical3A_1700 = arith.shrui %get3A_1697, %shift_right_logical3A_1699 : vector<16xi32>
        %get3A_1701 = arith.index_cast %mul3A_1695 : i32 to index
        %get3A_1702 = tpu.vector_load %arg10[%get3A_1701] {strides = array<i32>} : memref<512xi32, #tpu.memory_space<vmem>>, vector<16xi32>,
        %shift_right_logical3A_1703 = arith.constant 3 : i32
        %shift_right_logical3A_1704 = vector.broadcast %shift_right_logical3A_1703 : i32 to vector<16xi32>
        %shift_right_logical3A_1705 = arith.shrui %get3A_1702, %shift_right_logical3A_1704 : vector<16xi32>
        %slice3A_1706 = vector.extract_strided_slice %shift_right_logical3A_1700 {offsets = [0], sizes = [1], strides = [1]} : vector<16xi32> to vector<1xi32>
        %squeeze3A_1707 = vector.extract %slice3A_1706[0] : i32 from vector<1xi32>
        %dma_start3A_1708 = arith.constant 0 : i32
        %dma_start3A_1709 = arith.constant 0 : i32
        %dma_start3A_1710 = arith.constant 0 : i32
        %dma_start3A_1711 = tpu.memref_slice %arg13[%rem3A_1693, %dma_start3A_1708, %dma_start3A_1709, %dma_start3A_1710] : memref<3x16x8x32xf32, #tpu.memory_space<vmem>> -> memref<1x1x8x32xf32, #tpu.memory_space<vmem>>
        %dma_start3A_1712 = tpu.memref_squeeze %dma_start3A_1711 : memref<1x1x8x32xf32, #tpu.memory_space<vmem>> -> memref<8x32xf32, #tpu.memory_space<vmem>>
        %dma_start3A_1713 = arith.constant 0 : i32
        %dma_start3A_1714 = arith.constant 0 : i32
        %dma_start3A_1715 = tpu.memref_slice %arg4[%squeeze3A_1707, %dma_start3A_1713, %dma_start3A_1714] : memref<125000x8x32xf32, #tpu.memory_space<hbm>> -> memref<1x8x32xf32, #tpu.memory_space<hbm>>
        %dma_start3A_1716 = tpu.memref_squeeze %dma_start3A_1715 : memref<1x8x32xf32, #tpu.memory_space<hbm>> -> memref<8x32xf32, #tpu.memory_space<hbm>>
        %dma_start3A_1717 = arith.constant 0 : i32
        %dma_start3A_1718 = arith.constant 0 : i32
        %dma_start3A_1719 = tpu.memref_slice %arg13[%rem3A_1693, %dma_start3A_1708, %dma_start3A_1717, %dma_start3A_1718] : memref<3x16x8x32xf32, #tpu.memory_space<vmem>> -> memref<1x1x8x32xf32, #tpu.memory_space<vmem>>
        %dma_start3A_1720 = tpu.memref_squeeze %dma_start3A_1719 : memref<1x1x8x32xf32, #tpu.memory_space<vmem>> -> memref<8x32xf32, #tpu.memory_space<vmem>>
        %dma_start3A_1721 = arith.constant 0 : i32
        %dma_start3A_1722 = arith.constant 0 : i32
        %dma_start3A_1723 = tpu.memref_slice %arg4[%squeeze3A_1707, %dma_start3A_1721, %dma_start3A_1722] : memref<125000x8x32xf32, #tpu.memory_space<hbm>> -> memref<1x8x32xf32, #tpu.memory_space<hbm>>
        %dma_start3A_1724 = tpu.memref_squeeze %dma_start3A_1723 : memref<1x8x32xf32, #tpu.memory_space<hbm>> -> memref<8x32xf32, #tpu.memory_space<hbm>>
        tpu.enqueue_dma source(%dma_start3A_1724 : memref<8x32xf32, #tpu.memory_space<hbm>>) target(%dma_start3A_1720 : memref<8x32xf32, #tpu.memory_space<vmem>>) target_semaphore(%arg18 : memref<!tpu.dma_semaphore, #tpu.memory_space<semaphore_mem>>)
        %slice3A_1725 = vector.extract_strided_slice %shift_right_logical3A_1705 {offsets = [0], sizes = [1], strides = [1]} : vector<16xi32> to vector<1xi32>
        %squeeze3A_1726 = vector.extract %slice3A_1725[0] : i32 from vector<1xi32>
        %dma_start3A_1727 = arith.constant 0 : i32
        %dma_start3A_1728 = arith.constant 0 : i32
        %dma_start3A_1729 = arith.constant 0 : i32
        %dma_start3A_1730 = tpu.memref_slice %arg14[%rem3A_1693, %dma_start3A_1727, %dma_start3A_1728, %dma_start3A_1729] : memref<3x16x8x32xf32, #tpu.memory_space<vmem>> -> memref<1x1x8x32xf32, #tpu.memory_space<vmem>>
        %dma_start3A_1731 = tpu.memref_squeeze %dma_start3A_1730 : memref<1x1x8x32xf32, #tpu.memory_space<vmem>> -> memref<8x32xf32, #tpu.memory_space<vmem>>
        %dma_start3A_1732 = arith.constant 0 : i32
        %dma_start3A_1733 = arith.constant 0 : i32
        %dma_start3A_1734 = tpu.memref_slice %arg5[%squeeze3A_1726, %dma_start3A_1732, %dma_start3A_1733] : memref<12500x8x32xf32, #tpu.memory_space<hbm>> -> memref<1x8x32xf32, #tpu.memory_space<hbm>>
        %dma_start3A_1735 = tpu.memref_squeeze %dma_start3A_1734 : memref<1x8x32xf32, #tpu.memory_space<hbm>> -> memref<8x32xf32, #tpu.memory_space<hbm>>
        %dma_start3A_1736 = arith.constant 0 : i32
        %dma_start3A_1737 = arith.constant 0 : i32
        %dma_start3A_1738 = tpu.memref_slice %arg14[%rem3A_1693, %dma_start3A_1727, %dma_start3A_1736, %dma_start3A_1737] : memref<3x16x8x32xf32, #tpu.memory_space<vmem>> -> memref<1x1x8x32xf32, #tpu.memory_space<vmem>>
        %dma_start3A_1739 = tpu.memref_squeeze %dma_start3A_1738 : memref<1x1x8x32xf32, #tpu.memory_space<vmem>> -> memref<8x32xf32, #tpu.memory_space<vmem>>
        %dma_start3A_1740 = arith.constant 0 : i32
        %dma_start3A_1741 = arith.constant 0 : i32
        %dma_start3A_1742 = tpu.memref_slice %arg5[%squeeze3A_1726, %dma_start3A_1740, %dma_start3A_1741] : memref<12500x8x32xf32, #tpu.memory_space<hbm>> -> memref<1x8x32xf32, #tpu.memory_space<hbm>>
        %dma_start3A_1743 = tpu.memref_squeeze %dma_start3A_1742 : memref<1x8x32xf32, #tpu.memory_space<hbm>> -> memref<8x32xf32, #tpu.memory_space<hbm>>
        tpu.enqueue_dma source(%dma_start3A_1743 : memref<8x32xf32, #tpu.memory_space<hbm>>) target(%dma_start3A_1739 : memref<8x32xf32, #tpu.memory_space<vmem>>) target_semaphore(%arg19 : memref<!tpu.dma_semaphore, #tpu.memory_space<semaphore_mem>>)
        %slice3A_1744 = vector.extract_strided_slice %shift_right_logical3A_1700 {offsets = [1], sizes = [1], strides = [1]} : vector<16xi32> to vector<1xi32>
        %squeeze3A_1745 = vector.extract %slice3A_1744[0] : i32 from vector<1xi32>
        %dma_start3A_1746 = arith.constant 1 : i32
        %dma_start3A_1747 = arith.constant 0 : i32
        %dma_start3A_1748 = arith.constant 0 : i32
        %dma_start3A_1749 = tpu.memref_slice %arg13[%rem3A_1693, %dma_start3A_1746, %dma_start3A_1747, %dma_start3A_1748] : memref<3x16x8x32xf32, #tpu.memory_space<vmem>> -> memref<1x1x8x32xf32, #tpu.memory_space<vmem>>
        %dma_start3A_1750 = tpu.memref_squeeze %dma_start3A_1749 : memref<1x1x8x32xf32, #tpu.memory_space<vmem>> -> memref<8x32xf32, #tpu.memory_space<vmem>>
        %dma_start3A_1751 = arith.constant 0 : i32
        %dma_start3A_1752 = arith.constant 0 : i32
        %dma_start3A_1753 = tpu.memref_slice %arg4[%squeeze3A_1745, %dma_start3A_1751, %dma_start3A_1752] : memref<125000x8x32xf32, #tpu.memory_space<hbm>> -> memref<1x8x32xf32, #tpu.memory_space<hbm>>
        %dma_start3A_1754 = tpu.memref_squeeze %dma_start3A_1753 : memref<1x8x32xf32, #tpu.memory_space<hbm>> -> memref<8x32xf32, #tpu.memory_space<hbm>>
        %dma_start3A_1755 = arith.constant 0 : i32
        %dma_start3A_1756 = arith.constant 0 : i32
        %dma_start3A_1757 = tpu.memref_slice %arg13[%rem3A_1693, %dma_start3A_1746, %dma_start3A_1755, %dma_start3A_1756] : memref<3x16x8x32xf32, #tpu.memory_space<vmem>> -> memref<1x1x8x32xf32, #tpu.memory_space<vmem>>
        %dma_start3A_1758 = tpu.memref_squeeze %dma_start3A_1757 : memref<1x1x8x32xf32, #tpu.memory_space<vmem>> -> memref<8x32xf32, #tpu.memory_space<vmem>>
        %dma_start3A_1759 = arith.constant 0 : i32
        %dma_start3A_1760 = arith.constant 0 : i32
        %dma_start3A_1761 = tpu.memref_slice %arg4[%squeeze3A_1745, %dma_start3A_1759, %dma_start3A_1760] : memref<125000x8x32xf32, #tpu.memory_space<hbm>> -> memref<1x8x32xf32, #tpu.memory_space<hbm>>
        %dma_start3A_1762 = tpu.memref_squeeze %dma_start3A_1761 : memref<1x8x32xf32, #tpu.memory_space<hbm>> -> memref<8x32xf32, #tpu.memory_space<hbm>>
        tpu.enqueue_dma source(%dma_start3A_1762 : memref<8x32xf32, #tpu.memory_space<hbm>>) target(%dma_start3A_1758 : memref<8x32xf32, #tpu.memory_space<vmem>>) target_semaphore(%arg18 : memref<!tpu.dma_semaphore, #tpu.memory_space<semaphore_mem>>)
        %slice3A_1763 = vector.extract_strided_slice %shift_right_logical3A_1705 {offsets = [1], sizes = [1], strides = [1]} : vector<16xi32> to vector<1xi32>
        %squeeze3A_1764 = vector.extract %slice3A_1763[0] : i32 from vector<1xi32>
        %dma_start3A_1765 = arith.constant 1 : i32
        %dma_start3A_1766 = arith.constant 0 : i32
        %dma_start3A_1767 = arith.constant 0 : i32
        %dma_start3A_1768 = tpu.memref_slice %arg14[%rem3A_1693, %dma_start3A_1765, %dma_start3A_1766, %dma_start3A_1767] : memref<3x16x8x32xf32, #tpu.memory_space<vmem>> -> memref<1x1x8x32xf32, #tpu.memory_space<vmem>>
        %dma_start3A_1769 = tpu.memref_squeeze %dma_start3A_1768 : memref<1x1x8x32xf32, #tpu.memory_space<vmem>> -> memref<8x32xf32, #tpu.memory_space<vmem>>
        %dma_start3A_1770 = arith.constant 0 : i32
        %dma_start3A_1771 = arith.constant 0 : i32
        %dma_start3A_1772 = tpu.memref_slice %arg5[%squeeze3A_1764, %dma_start3A_1770, %dma_start3A_1771] : memref<12500x8x32xf32, #tpu.memory_space<hbm>> -> memref<1x8x32xf32, #tpu.memory_space<hbm>>
        %dma_start3A_1773 = tpu.memref_squeeze %dma_start3A_1772 : memref<1x8x32xf32, #tpu.memory_space<hbm>> -> memref<8x32xf32, #tpu.memory_space<hbm>>
        %dma_start3A_1774 = arith.constant 0 : i32
        %dma_start3A_1775 = arith.constant 0 : i32
        %dma_start3A_1776 = tpu.memref_slice %arg14[%rem3A_1693, %dma_start3A_1765, %dma_start3A_1774, %dma_start3A_1775] : memref<3x16x8x32xf32, #tpu.memory_space<vmem>> -> memref<1x1x8x32xf32, #tpu.memory_space<vmem>>
        %dma_start3A_1777 = tpu.memref_squeeze %dma_start3A_1776 : memref<1x1x8x32xf32, #tpu.memory_space<vmem>> -> memref<8x32xf32, #tpu.memory_space<vmem>>
        %dma_start3A_1778 = arith.constant 0 : i32
        %dma_start3A_1779 = arith.constant 0 : i32
        %dma_start3A_1780 = tpu.memref_slice %arg5[%squeeze3A_1764, %dma_start3A_1778, %dma_start3A_1779] : memref<12500x8x32xf32, #tpu.memory_space<hbm>> -> memref<1x8x32xf32, #tpu.memory_space<hbm>>
        %dma_start3A_1781 = tpu.memref_squeeze %dma_start3A_1780 : memref<1x8x32xf32, #tpu.memory_space<hbm>> -> memref<8x32xf32, #tpu.memory_space<hbm>>
        tpu.enqueue_dma source(%dma_start3A_1781 : memref<8x32xf32, #tpu.memory_space<hbm>>) target(%dma_start3A_1777 : memref<8x32xf32, #tpu.memory_space<vmem>>) target_semaphore(%arg19 : memref<!tpu.dma_semaphore, #tpu.memory_space<semaphore_mem>>)
        %slice3A_1782 = vector.extract_strided_slice %shift_right_logical3A_1700 {offsets = [2], sizes = [1], strides = [1]} : vector<16xi32> to vector<1xi32>
        %squeeze3A_1783 = vector.extract %slice3A_1782[0] : i32 from vector<1xi32>
        %dma_start3A_1784 = arith.constant 2 : i32
        %dma_start3A_1785 = arith.constant 0 : i32
        %dma_start3A_1786 = arith.constant 0 : i32
        %dma_start3A_1787 = tpu.memref_slice %arg13[%rem3A_1693, %dma_start3A_1784, %dma_start3A_1785, %dma_start3A_1786] : memref<3x16x8x32xf32, #tpu.memory_space<vmem>> -> memref<1x1x8x32xf32, #tpu.memory_space<vmem>>
        %dma_start3A_1788 = tpu.memref_squeeze %dma_start3A_1787 : memref<1x1x8x32xf32, #tpu.memory_space<vmem>> -> memref<8x32xf32, #tpu.memory_space<vmem>>
        %dma_start3A_1789 = arith.constant 0 : i32
        %dma_start3A_1790 = arith.constant 0 : i32
        %dma_start3A_1791 = tpu.memref_slice %arg4[%squeeze3A_1783, %dma_start3A_1789, %dma_start3A_1790] : memref<125000x8x32xf32, #tpu.memory_space<hbm>> -> memref<1x8x32xf32, #tpu.memory_space<hbm>>
        %dma_start3A_1792 = tpu.memref_squeeze %dma_start3A_1791 : memref<1x8x32xf32, #tpu.memory_space<hbm>> -> memref<8x32xf32, #tpu.memory_space<hbm>>
        %dma_start3A_1793 = arith.constant 0 : i32
        %dma_start3A_1794 = arith.constant 0 : i32
        %dma_start3A_1795 = tpu.memref_slice %arg13[%rem3A_1693, %dma_start3A_1784, %dma_start3A_1793, %dma_start3A_1794] : memref<3x16x8x32xf32, #tpu.memory_space<vmem>> -> memref<1x1x8x32xf32, #tpu.memory_space<vmem>>
        %dma_start3A_1796 = tpu.memref_squeeze %dma_start3A_1795 : memref<1x1x8x32xf32, #tpu.memory_space<vmem>> -> memref<8x32xf32, #tpu.memory_space<vmem>>
        %dma_start3A_1797 = arith.constant 0 : i32
        %dma_start3A_1798 = arith.constant 0 : i32
        %dma_start3A_1799 = tpu.memref_slice %arg4[%squeeze3A_1783, %dma_start3A_1797, %dma_start3A_1798] : memref<125000x8x32xf32, #tpu.memory_space<hbm>> -> memref<1x8x32xf32, #tpu.memory_space<hbm>>
        %dma_start3A_1800 = tpu.memref_squeeze %dma_start3A_1799 : memref<1x8x32xf32, #tpu.memory_space<hbm>> -> memref<8x32xf32, #tpu.memory_space<hbm>>
        tpu.enqueue_dma source(%dma_start3A_1800 : memref<8x32xf32, #tpu.memory_space<hbm>>) target(%dma_start3A_1796 : memref<8x32xf32, #tpu.memory_space<vmem>>) target_semaphore(%arg18 : memref<!tpu.dma_semaphore, #tpu.memory_space<semaphore_mem>>)
        %slice3A_1801 = vector.extract_strided_slice %shift_right_logical3A_1705 {offsets = [2], sizes = [1], strides = [1]} : vector<16xi32> to vector<1xi32>
        %squeeze3A_1802 = vector.extract %slice3A_1801[0] : i32 from vector<1xi32>
        %dma_start3A_1803 = arith.constant 2 : i32
        %dma_start3A_1804 = arith.constant 0 : i32
        %dma_start3A_1805 = arith.constant 0 : i32
        %dma_start3A_1806 = tpu.memref_slice %arg14[%rem3A_1693, %dma_start3A_1803, %dma_start3A_1804, %dma_start3A_1805] : memref<3x16x8x32xf32, #tpu.memory_space<vmem>> -> memref<1x1x8x32xf32, #tpu.memory_space<vmem>>
        %dma_start3A_1807 = tpu.memref_squeeze %dma_start3A_1806 : memref<1x1x8x32xf32, #tpu.memory_space<vmem>> -> memref<8x32xf32, #tpu.memory_space<vmem>>
        %dma_start3A_1808 = arith.constant 0 : i32
        %dma_start3A_1809 = arith.constant 0 : i32
        %dma_start3A_1810 = tpu.memref_slice %arg5[%squeeze3A_1802, %dma_start3A_1808, %dma_start3A_1809] : memref<12500x8x32xf32, #tpu.memory_space<hbm>> -> memref<1x8x32xf32, #tpu.memory_space<hbm>>
        %dma_start3A_1811 = tpu.memref_squeeze %dma_start3A_1810 : memref<1x8x32xf32, #tpu.memory_space<hbm>> -> memref<8x32xf32, #tpu.memory_space<hbm>>
        %dma_start3A_1812 = arith.constant 0 : i32
        %dma_start3A_1813 = arith.constant 0 : i32
        %dma_start3A_1814 = tpu.memref_slice %arg14[%rem3A_1693, %dma_start3A_1803, %dma_start3A_1812, %dma_start3A_1813] : memref<3x16x8x32xf32, #tpu.memory_space<vmem>> -> memref<1x1x8x32xf32, #tpu.memory_space<vmem>>
        %dma_start3A_1815 = tpu.memref_squeeze %dma_start3A_1814 : memref<1x1x8x32xf32, #tpu.memory_space<vmem>> -> memref<8x32xf32, #tpu.memory_space<vmem>>
        %dma_start3A_1816 = arith.constant 0 : i32
        %dma_start3A_1817 = arith.constant 0 : i32
        %dma_start3A_1818 = tpu.memref_slice %arg5[%squeeze3A_1802, %dma_start3A_1816, %dma_start3A_1817] : memref<12500x8x32xf32, #tpu.memory_space<hbm>> -> memref<1x8x32xf32, #tpu.memory_space<hbm>>
        %dma_start3A_1819 = tpu.memref_squeeze %dma_start3A_1818 : memref<1x8x32xf32, #tpu.memory_space<hbm>> -> memref<8x32xf32, #tpu.memory_space<hbm>>
        tpu.enqueue_dma source(%dma_start3A_1819 : memref<8x32xf32, #tpu.memory_space<hbm>>) target(%dma_start3A_1815 : memref<8x32xf32, #tpu.memory_space<vmem>>) target_semaphore(%arg19 : memref<!tpu.dma_semaphore, #tpu.memory_space<semaphore_mem>>)
        %slice3A_1820 = vector.extract_strided_slice %shift_right_logical3A_1700 {offsets = [3], sizes = [1], strides = [1]} : vector<16xi32> to vector<1xi32>
        %squeeze3A_1821 = vector.extract %slice3A_1820[0] : i32 from vector<1xi32>
        %dma_start3A_1822 = arith.constant 3 : i32
        %dma_start3A_1823 = arith.constant 0 : i32
        %dma_start3A_1824 = arith.constant 0 : i32
        %dma_start3A_1825 = tpu.memref_slice %arg13[%rem3A_1693, %dma_start3A_1822, %dma_start3A_1823, %dma_start3A_1824] : memref<3x16x8x32xf32, #tpu.memory_space<vmem>> -> memref<1x1x8x32xf32, #tpu.memory_space<vmem>>
        %dma_start3A_1826 = tpu.memref_squeeze %dma_start3A_1825 : memref<1x1x8x32xf32, #tpu.memory_space<vmem>> -> memref<8x32xf32, #tpu.memory_space<vmem>>
        %dma_start3A_1827 = arith.constant 0 : i32
        %dma_start3A_1828 = arith.constant 0 : i32
        %dma_start3A_1829 = tpu.memref_slice %arg4[%squeeze3A_1821, %dma_start3A_1827, %dma_start3A_1828] : memref<125000x8x32xf32, #tpu.memory_space<hbm>> -> memref<1x8x32xf32, #tpu.memory_space<hbm>>
        %dma_start3A_1830 = tpu.memref_squeeze %dma_start3A_1829 : memref<1x8x32xf32, #tpu.memory_space<hbm>> -> memref<8x32xf32, #tpu.memory_space<hbm>>
        %dma_start3A_1831 = arith.constant 0 : i32
        %dma_start3A_1832 = arith.constant 0 : i32
        %dma_start3A_1833 = tpu.memref_slice %arg13[%rem3A_1693, %dma_start3A_1822, %dma_start3A_1831, %dma_start3A_1832] : memref<3x16x8x32xf32, #tpu.memory_space<vmem>> -> memref<1x1x8x32xf32, #tpu.memory_space<vmem>>
        %dma_start3A_1834 = tpu.memref_squeeze %dma_start3A_1833 : memref<1x1x8x32xf32, #tpu.memory_space<vmem>> -> memref<8x32xf32, #tpu.memory_space<vmem>>
        %dma_start3A_1835 = arith.constant 0 : i32
        %dma_start3A_1836 = arith.constant 0 : i32
        %dma_start3A_1837 = tpu.memref_slice %arg4[%squeeze3A_1821, %dma_start3A_1835, %dma_start3A_1836] : memref<125000x8x32xf32, #tpu.memory_space<hbm>> -> memref<1x8x32xf32, #tpu.memory_space<hbm>>
        %dma_start3A_1838 = tpu.memref_squeeze %dma_start3A_1837 : memref<1x8x32xf32, #tpu.memory_space<hbm>> -> memref<8x32xf32, #tpu.memory_space<hbm>>
        tpu.enqueue_dma source(%dma_start3A_1838 : memref<8x32xf32, #tpu.memory_space<hbm>>) target(%dma_start3A_1834 : memref<8x32xf32, #tpu.memory_space<vmem>>) target_semaphore(%arg18 : memref<!tpu.dma_semaphore, #tpu.memory_space<semaphore_mem>>)
        %slice3A_1839 = vector.extract_strided_slice %shift_right_logical3A_1705 {offsets = [3], sizes = [1], strides = [1]} : vector<16xi32> to vector<1xi32>
        %squeeze3A_1840 = vector.extract %slice3A_1839[0] : i32 from vector<1xi32>
        %dma_start3A_1841 = arith.constant 3 : i32
        %dma_start3A_1842 = arith.constant 0 : i32
        %dma_start3A_1843 = arith.constant 0 : i32
        %dma_start3A_1844 = tpu.memref_slice %arg14[%rem3A_1693, %dma_start3A_1841, %dma_start3A_1842, %dma_start3A_1843] : memref<3x16x8x32xf32, #tpu.memory_space<vmem>> -> memref<1x1x8x32xf32, #tpu.memory_space<vmem>>
        %dma_start3A_1845 = tpu.memref_squeeze %dma_start3A_1844 : memref<1x1x8x32xf32, #tpu.memory_space<vmem>> -> memref<8x32xf32, #tpu.memory_space<vmem>>
        %dma_start3A_1846 = arith.constant 0 : i32
        %dma_start3A_1847 = arith.constant 0 : i32
        %dma_start3A_1848 = tpu.memref_slice %arg5[%squeeze3A_1840, %dma_start3A_1846, %dma_start3A_1847] : memref<12500x8x32xf32, #tpu.memory_space<hbm>> -> memref<1x8x32xf32, #tpu.memory_space<hbm>>
        %dma_start3A_1849 = tpu.memref_squeeze %dma_start3A_1848 : memref<1x8x32xf32, #tpu.memory_space<hbm>> -> memref<8x32xf32, #tpu.memory_space<hbm>>
        %dma_start3A_1850 = arith.constant 0 : i32
        %dma_start3A_1851 = arith.constant 0 : i32
        %dma_start3A_1852 = tpu.memref_slice %arg14[%rem3A_1693, %dma_start3A_1841, %dma_start3A_1850, %dma_start3A_1851] : memref<3x16x8x32xf32, #tpu.memory_space<vmem>> -> memref<1x1x8x32xf32, #tpu.memory_space<vmem>>
        %dma_start3A_1853 = tpu.memref_squeeze %dma_start3A_1852 : memref<1x1x8x32xf32, #tpu.memory_space<vmem>> -> memref<8x32xf32, #tpu.memory_space<vmem>>
        %dma_start3A_1854 = arith.constant 0 : i32
        %dma_start3A_1855 = arith.constant 0 : i32
        %dma_start3A_1856 = tpu.memref_slice %arg5[%squeeze3A_1840, %dma_start3A_1854, %dma_start3A_1855] : memref<12500x8x32xf32, #tpu.memory_space<hbm>> -> memref<1x8x32xf32, #tpu.memory_space<hbm>>
        %dma_start3A_1857 = tpu.memref_squeeze %dma_start3A_1856 : memref<1x8x32xf32, #tpu.memory_space<hbm>> -> memref<8x32xf32, #tpu.memory_space<hbm>>
        tpu.enqueue_dma source(%dma_start3A_1857 : memref<8x32xf32, #tpu.memory_space<hbm>>) target(%dma_start3A_1853 : memref<8x32xf32, #tpu.memory_space<vmem>>) target_semaphore(%arg19 : memref<!tpu.dma_semaphore, #tpu.memory_space<semaphore_mem>>)
        %slice3A_1858 = vector.extract_strided_slice %shift_right_logical3A_1700 {offsets = [4], sizes = [1], strides = [1]} : vector<16xi32> to vector<1xi32>
        %squeeze3A_1859 = vector.extract %slice3A_1858[0] : i32 from vector<1xi32>
        %dma_start3A_1860 = arith.constant 4 : i32
        %dma_start3A_1861 = arith.constant 0 : i32
        %dma_start3A_1862 = arith.constant 0 : i32
        %dma_start3A_1863 = tpu.memref_slice %arg13[%rem3A_1693, %dma_start3A_1860, %dma_start3A_1861, %dma_start3A_1862] : memref<3x16x8x32xf32, #tpu.memory_space<vmem>> -> memref<1x1x8x32xf32, #tpu.memory_space<vmem>>
        %dma_start3A_1864 = tpu.memref_squeeze %dma_start3A_1863 : memref<1x1x8x32xf32, #tpu.memory_space<vmem>> -> memref<8x32xf32, #tpu.memory_space<vmem>>
        %dma_start3A_1865 = arith.constant 0 : i32
        %dma_start3A_1866 = arith.constant 0 : i32
        %dma_start3A_1867 = tpu.memref_slice %arg4[%squeeze3A_1859, %dma_start3A_1865, %dma_start3A_1866] : memref<125000x8x32xf32, #tpu.memory_space<hbm>> -> memref<1x8x32xf32, #tpu.memory_space<hbm>>
        %dma_start3A_1868 = tpu.memref_squeeze %dma_start3A_1867 : memref<1x8x32xf32, #tpu.memory_space<hbm>> -> memref<8x32xf32, #tpu.memory_space<hbm>>
        %dma_start3A_1869 = arith.constant 0 : i32
        %dma_start3A_1870 = arith.constant 0 : i32
        %dma_start3A_1871 = tpu.memref_slice %arg13[%rem3A_1693, %dma_start3A_1860, %dma_start3A_1869, %dma_start3A_1870] : memref<3x16x8x32xf32, #tpu.memory_space<vmem>> -> memref<1x1x8x32xf32, #tpu.memory_space<vmem>>
        %dma_start3A_1872 = tpu.memref_squeeze %dma_start3A_1871 : memref<1x1x8x32xf32, #tpu.memory_space<vmem>> -> memref<8x32xf32, #tpu.memory_space<vmem>>
        %dma_start3A_1873 = arith.constant 0 : i32
        %dma_start3A_1874 = arith.constant 0 : i32
        %dma_start3A_1875 = tpu.memref_slice %arg4[%squeeze3A_1859, %dma_start3A_1873, %dma_start3A_1874] : memref<125000x8x32xf32, #tpu.memory_space<hbm>> -> memref<1x8x32xf32, #tpu.memory_space<hbm>>
        %dma_start3A_1876 = tpu.memref_squeeze %dma_start3A_1875 : memref<1x8x32xf32, #tpu.memory_space<hbm>> -> memref<8x32xf32, #tpu.memory_space<hbm>>
        tpu.enqueue_dma source(%dma_start3A_1876 : memref<8x32xf32, #tpu.memory_space<hbm>>) target(%dma_start3A_1872 : memref<8x32xf32, #tpu.memory_space<vmem>>) target_semaphore(%arg18 : memref<!tpu.dma_semaphore, #tpu.memory_space<semaphore_mem>>)
        %slice3A_1877 = vector.extract_strided_slice %shift_right_logical3A_1705 {offsets = [4], sizes = [1], strides = [1]} : vector<16xi32> to vector<1xi32>
        %squeeze3A_1878 = vector.extract %slice3A_1877[0] : i32 from vector<1xi32>
        %dma_start3A_1879 = arith.constant 4 : i32
        %dma_start3A_1880 = arith.constant 0 : i32
        %dma_start3A_1881 = arith.constant 0 : i32
        %dma_start3A_1882 = tpu.memref_slice %arg14[%rem3A_1693, %dma_start3A_1879, %dma_start3A_1880, %dma_start3A_1881] : memref<3x16x8x32xf32, #tpu.memory_space<vmem>> -> memref<1x1x8x32xf32, #tpu.memory_space<vmem>>
        %dma_start3A_1883 = tpu.memref_squeeze %dma_start3A_1882 : memref<1x1x8x32xf32, #tpu.memory_space<vmem>> -> memref<8x32xf32, #tpu.memory_space<vmem>>
        %dma_start3A_1884 = arith.constant 0 : i32
        %dma_start3A_1885 = arith.constant 0 : i32
        %dma_start3A_1886 = tpu.memref_slice %arg5[%squeeze3A_1878, %dma_start3A_1884, %dma_start3A_1885] : memref<12500x8x32xf32, #tpu.memory_space<hbm>> -> memref<1x8x32xf32, #tpu.memory_space<hbm>>
        %dma_start3A_1887 = tpu.memref_squeeze %dma_start3A_1886 : memref<1x8x32xf32, #tpu.memory_space<hbm>> -> memref<8x32xf32, #tpu.memory_space<hbm>>
        %dma_start3A_1888 = arith.constant 0 : i32
        %dma_start3A_1889 = arith.constant 0 : i32
        %dma_start3A_1890 = tpu.memref_slice %arg14[%rem3A_1693, %dma_start3A_1879, %dma_start3A_1888, %dma_start3A_1889] : memref<3x16x8x32xf32, #tpu.memory_space<vmem>> -> memref<1x1x8x32xf32, #tpu.memory_space<vmem>>
        %dma_start3A_1891 = tpu.memref_squeeze %dma_start3A_1890 : memref<1x1x8x32xf32, #tpu.memory_space<vmem>> -> memref<8x32xf32, #tpu.memory_space<vmem>>
        %dma_start3A_1892 = arith.constant 0 : i32
        %dma_start3A_1893 = arith.constant 0 : i32
        %dma_start3A_1894 = tpu.memref_slice %arg5[%squeeze3A_1878, %dma_start3A_1892, %dma_start3A_1893] : memref<12500x8x32xf32, #tpu.memory_space<hbm>> -> memref<1x8x32xf32, #tpu.memory_space<hbm>>
        %dma_start3A_1895 = tpu.memref_squeeze %dma_start3A_1894 : memref<1x8x32xf32, #tpu.memory_space<hbm>> -> memref<8x32xf32, #tpu.memory_space<hbm>>
        tpu.enqueue_dma source(%dma_start3A_1895 : memref<8x32xf32, #tpu.memory_space<hbm>>) target(%dma_start3A_1891 : memref<8x32xf32, #tpu.memory_space<vmem>>) target_semaphore(%arg19 : memref<!tpu.dma_semaphore, #tpu.memory_space<semaphore_mem>>)
        %slice3A_1896 = vector.extract_strided_slice %shift_right_logical3A_1700 {offsets = [5], sizes = [1], strides = [1]} : vector<16xi32> to vector<1xi32>
        %squeeze3A_1897 = vector.extract %slice3A_1896[0] : i32 from vector<1xi32>
        %dma_start3A_1898 = arith.constant 5 : i32
        %dma_start3A_1899 = arith.constant 0 : i32
        %dma_start3A_1900 = arith.constant 0 : i32
        %dma_start3A_1901 = tpu.memref_slice %arg13[%rem3A_1693, %dma_start3A_1898, %dma_start3A_1899, %dma_start3A_1900] : memref<3x16x8x32xf32, #tpu.memory_space<vmem>> -> memref<1x1x8x32xf32, #tpu.memory_space<vmem>>
        %dma_start3A_1902 = tpu.memref_squeeze %dma_start3A_1901 : memref<1x1x8x32xf32, #tpu.memory_space<vmem>> -> memref<8x32xf32, #tpu.memory_space<vmem>>
        %dma_start3A_1903 = arith.constant 0 : i32
        %dma_start3A_1904 = arith.constant 0 : i32
        %dma_start3A_1905 = tpu.memref_slice %arg4[%squeeze3A_1897, %dma_start3A_1903, %dma_start3A_1904] : memref<125000x8x32xf32, #tpu.memory_space<hbm>> -> memref<1x8x32xf32, #tpu.memory_space<hbm>>
        %dma_start3A_1906 = tpu.memref_squeeze %dma_start3A_1905 : memref<1x8x32xf32, #tpu.memory_space<hbm>> -> memref<8x32xf32, #tpu.memory_space<hbm>>
        %dma_start3A_1907 = arith.constant 0 : i32
        %dma_start3A_1908 = arith.constant 0 : i32
        %dma_start3A_1909 = tpu.memref_slice %arg13[%rem3A_1693, %dma_start3A_1898, %dma_start3A_1907, %dma_start3A_1908] : memref<3x16x8x32xf32, #tpu.memory_space<vmem>> -> memref<1x1x8x32xf32, #tpu.memory_space<vmem>>
        %dma_start3A_1910 = tpu.memref_squeeze %dma_start3A_1909 : memref<1x1x8x32xf32, #tpu.memory_space<vmem>> -> memref<8x32xf32, #tpu.memory_space<vmem>>
        %dma_start3A_1911 = arith.constant 0 : i32
        %dma_start3A_1912 = arith.constant 0 : i32
        %dma_start3A_1913 = tpu.memref_slice %arg4[%squeeze3A_1897, %dma_start3A_1911, %dma_start3A_1912] : memref<125000x8x32xf32, #tpu.memory_space<hbm>> -> memref<1x8x32xf32, #tpu.memory_space<hbm>>
        %dma_start3A_1914 = tpu.memref_squeeze %dma_start3A_1913 : memref<1x8x32xf32, #tpu.memory_space<hbm>> -> memref<8x32xf32, #tpu.memory_space<hbm>>
        tpu.enqueue_dma source(%dma_start3A_1914 : memref<8x32xf32, #tpu.memory_space<hbm>>) target(%dma_start3A_1910 : memref<8x32xf32, #tpu.memory_space<vmem>>) target_semaphore(%arg18 : memref<!tpu.dma_semaphore, #tpu.memory_space<semaphore_mem>>)
        %slice3A_1915 = vector.extract_strided_slice %shift_right_logical3A_1705 {offsets = [5], sizes = [1], strides = [1]} : vector<16xi32> to vector<1xi32>
        %squeeze3A_1916 = vector.extract %slice3A_1915[0] : i32 from vector<1xi32>
        %dma_start3A_1917 = arith.constant 5 : i32
        %dma_start3A_1918 = arith.constant 0 : i32
        %dma_start3A_1919 = arith.constant 0 : i32
        %dma_start3A_1920 = tpu.memref_slice %arg14[%rem3A_1693, %dma_start3A_1917, %dma_start3A_1918, %dma_start3A_1919] : memref<3x16x8x32xf32, #tpu.memory_space<vmem>> -> memref<1x1x8x32xf32, #tpu.memory_space<vmem>>
        %dma_start3A_1921 = tpu.memref_squeeze %dma_start3A_1920 : memref<1x1x8x32xf32, #tpu.memory_space<vmem>> -> memref<8x32xf32, #tpu.memory_space<vmem>>
        %dma_start3A_1922 = arith.constant 0 : i32
        %dma_start3A_1923 = arith.constant 0 : i32
        %dma_start3A_1924 = tpu.memref_slice %arg5[%squeeze3A_1916, %dma_start3A_1922, %dma_start3A_1923] : memref<12500x8x32xf32, #tpu.memory_space<hbm>> -> memref<1x8x32xf32, #tpu.memory_space<hbm>>
        %dma_start3A_1925 = tpu.memref_squeeze %dma_start3A_1924 : memref<1x8x32xf32, #tpu.memory_space<hbm>> -> memref<8x32xf32, #tpu.memory_space<hbm>>
        %dma_start3A_1926 = arith.constant 0 : i32
        %dma_start3A_1927 = arith.constant 0 : i32
        %dma_start3A_1928 = tpu.memref_slice %arg14[%rem3A_1693, %dma_start3A_1917, %dma_start3A_1926, %dma_start3A_1927] : memref<3x16x8x32xf32, #tpu.memory_space<vmem>> -> memref<1x1x8x32xf32, #tpu.memory_space<vmem>>
        %dma_start3A_1929 = tpu.memref_squeeze %dma_start3A_1928 : memref<1x1x8x32xf32, #tpu.memory_space<vmem>> -> memref<8x32xf32, #tpu.memory_space<vmem>>
        %dma_start3A_1930 = arith.constant 0 : i32
        %dma_start3A_1931 = arith.constant 0 : i32
        %dma_start3A_1932 = tpu.memref_slice %arg5[%squeeze3A_1916, %dma_start3A_1930, %dma_start3A_1931] : memref<12500x8x32xf32, #tpu.memory_space<hbm>> -> memref<1x8x32xf32, #tpu.memory_space<hbm>>
        %dma_start3A_1933 = tpu.memref_squeeze %dma_start3A_1932 : memref<1x8x32xf32, #tpu.memory_space<hbm>> -> memref<8x32xf32, #tpu.memory_space<hbm>>
        tpu.enqueue_dma source(%dma_start3A_1933 : memref<8x32xf32, #tpu.memory_space<hbm>>) target(%dma_start3A_1929 : memref<8x32xf32, #tpu.memory_space<vmem>>) target_semaphore(%arg19 : memref<!tpu.dma_semaphore, #tpu.memory_space<semaphore_mem>>)
        %slice3A_1934 = vector.extract_strided_slice %shift_right_logical3A_1700 {offsets = [6], sizes = [1], strides = [1]} : vector<16xi32> to vector<1xi32>
        %squeeze3A_1935 = vector.extract %slice3A_1934[0] : i32 from vector<1xi32>
        %dma_start3A_1936 = arith.constant 6 : i32
        %dma_start3A_1937 = arith.constant 0 : i32
        %dma_start3A_1938 = arith.constant 0 : i32
        %dma_start3A_1939 = tpu.memref_slice %arg13[%rem3A_1693, %dma_start3A_1936, %dma_start3A_1937, %dma_start3A_1938] : memref<3x16x8x32xf32, #tpu.memory_space<vmem>> -> memref<1x1x8x32xf32, #tpu.memory_space<vmem>>
        %dma_start3A_1940 = tpu.memref_squeeze %dma_start3A_1939 : memref<1x1x8x32xf32, #tpu.memory_space<vmem>> -> memref<8x32xf32, #tpu.memory_space<vmem>>
        %dma_start3A_1941 = arith.constant 0 : i32
        %dma_start3A_1942 = arith.constant 0 : i32
        %dma_start3A_1943 = tpu.memref_slice %arg4[%squeeze3A_1935, %dma_start3A_1941, %dma_start3A_1942] : memref<125000x8x32xf32, #tpu.memory_space<hbm>> -> memref<1x8x32xf32, #tpu.memory_space<hbm>>
        %dma_start3A_1944 = tpu.memref_squeeze %dma_start3A_1943 : memref<1x8x32xf32, #tpu.memory_space<hbm>> -> memref<8x32xf32, #tpu.memory_space<hbm>>
        %dma_start3A_1945 = arith.constant 0 : i32
        %dma_start3A_1946 = arith.constant 0 : i32
        %dma_start3A_1947 = tpu.memref_slice %arg13[%rem3A_1693, %dma_start3A_1936, %dma_start3A_1945, %dma_start3A_1946] : memref<3x16x8x32xf32, #tpu.memory_space<vmem>> -> memref<1x1x8x32xf32, #tpu.memory_space<vmem>>
        %dma_start3A_1948 = tpu.memref_squeeze %dma_start3A_1947 : memref<1x1x8x32xf32, #tpu.memory_space<vmem>> -> memref<8x32xf32, #tpu.memory_space<vmem>>
        %dma_start3A_1949 = arith.constant 0 : i32
        %dma_start3A_1950 = arith.constant 0 : i32
        %dma_start3A_1951 = tpu.memref_slice %arg4[%squeeze3A_1935, %dma_start3A_1949, %dma_start3A_1950] : memref<125000x8x32xf32, #tpu.memory_space<hbm>> -> memref<1x8x32xf32, #tpu.memory_space<hbm>>
        %dma_start3A_1952 = tpu.memref_squeeze %dma_start3A_1951 : memref<1x8x32xf32, #tpu.memory_space<hbm>> -> memref<8x32xf32, #tpu.memory_space<hbm>>
        tpu.enqueue_dma source(%dma_start3A_1952 : memref<8x32xf32, #tpu.memory_space<hbm>>) target(%dma_start3A_1948 : memref<8x32xf32, #tpu.memory_space<vmem>>) target_semaphore(%arg18 : memref<!tpu.dma_semaphore, #tpu.memory_space<semaphore_mem>>)
        %slice3A_1953 = vector.extract_strided_slice %shift_right_logical3A_1705 {offsets = [6], sizes = [1], strides = [1]} : vector<16xi32> to vector<1xi32>
        %squeeze3A_1954 = vector.extract %slice3A_1953[0] : i32 from vector<1xi32>
        %dma_start3A_1955 = arith.constant 6 : i32
        %dma_start3A_1956 = arith.constant 0 : i32
        %dma_start3A_1957 = arith.constant 0 : i32
        %dma_start3A_1958 = tpu.memref_slice %arg14[%rem3A_1693, %dma_start3A_1955, %dma_start3A_1956, %dma_start3A_1957] : memref<3x16x8x32xf32, #tpu.memory_space<vmem>> -> memref<1x1x8x32xf32, #tpu.memory_space<vmem>>
        %dma_start3A_1959 = tpu.memref_squeeze %dma_start3A_1958 : memref<1x1x8x32xf32, #tpu.memory_space<vmem>> -> memref<8x32xf32, #tpu.memory_space<vmem>>
        %dma_start3A_1960 = arith.constant 0 : i32
        %dma_start3A_1961 = arith.constant 0 : i32
        %dma_start3A_1962 = tpu.memref_slice %arg5[%squeeze3A_1954, %dma_start3A_1960, %dma_start3A_1961] : memref<12500x8x32xf32, #tpu.memory_space<hbm>> -> memref<1x8x32xf32, #tpu.memory_space<hbm>>
        %dma_start3A_1963 = tpu.memref_squeeze %dma_start3A_1962 : memref<1x8x32xf32, #tpu.memory_space<hbm>> -> memref<8x32xf32, #tpu.memory_space<hbm>>
        %dma_start3A_1964 = arith.constant 0 : i32
        %dma_start3A_1965 = arith.constant 0 : i32
        %dma_start3A_1966 = tpu.memref_slice %arg14[%rem3A_1693, %dma_start3A_1955, %dma_start3A_1964, %dma_start3A_1965] : memref<3x16x8x32xf32, #tpu.memory_space<vmem>> -> memref<1x1x8x32xf32, #tpu.memory_space<vmem>>
        %dma_start3A_1967 = tpu.memref_squeeze %dma_start3A_1966 : memref<1x1x8x32xf32, #tpu.memory_space<vmem>> -> memref<8x32xf32, #tpu.memory_space<vmem>>
        %dma_start3A_1968 = arith.constant 0 : i32
        %dma_start3A_1969 = arith.constant 0 : i32
        %dma_start3A_1970 = tpu.memref_slice %arg5[%squeeze3A_1954, %dma_start3A_1968, %dma_start3A_1969] : memref<12500x8x32xf32, #tpu.memory_space<hbm>> -> memref<1x8x32xf32, #tpu.memory_space<hbm>>
        %dma_start3A_1971 = tpu.memref_squeeze %dma_start3A_1970 : memref<1x8x32xf32, #tpu.memory_space<hbm>> -> memref<8x32xf32, #tpu.memory_space<hbm>>
        tpu.enqueue_dma source(%dma_start3A_1971 : memref<8x32xf32, #tpu.memory_space<hbm>>) target(%dma_start3A_1967 : memref<8x32xf32, #tpu.memory_space<vmem>>) target_semaphore(%arg19 : memref<!tpu.dma_semaphore, #tpu.memory_space<semaphore_mem>>)
        %slice3A_1972 = vector.extract_strided_slice %shift_right_logical3A_1700 {offsets = [7], sizes = [1], strides = [1]} : vector<16xi32> to vector<1xi32>
        %squeeze3A_1973 = vector.extract %slice3A_1972[0] : i32 from vector<1xi32>
        %dma_start3A_1974 = arith.constant 7 : i32
        %dma_start3A_1975 = arith.constant 0 : i32
        %dma_start3A_1976 = arith.constant 0 : i32
        %dma_start3A_1977 = tpu.memref_slice %arg13[%rem3A_1693, %dma_start3A_1974, %dma_start3A_1975, %dma_start3A_1976] : memref<3x16x8x32xf32, #tpu.memory_space<vmem>> -> memref<1x1x8x32xf32, #tpu.memory_space<vmem>>
        %dma_start3A_1978 = tpu.memref_squeeze %dma_start3A_1977 : memref<1x1x8x32xf32, #tpu.memory_space<vmem>> -> memref<8x32xf32, #tpu.memory_space<vmem>>
        %dma_start3A_1979 = arith.constant 0 : i32
        %dma_start3A_1980 = arith.constant 0 : i32
        %dma_start3A_1981 = tpu.memref_slice %arg4[%squeeze3A_1973, %dma_start3A_1979, %dma_start3A_1980] : memref<125000x8x32xf32, #tpu.memory_space<hbm>> -> memref<1x8x32xf32, #tpu.memory_space<hbm>>
        %dma_start3A_1982 = tpu.memref_squeeze %dma_start3A_1981 : memref<1x8x32xf32, #tpu.memory_space<hbm>> -> memref<8x32xf32, #tpu.memory_space<hbm>>
        %dma_start3A_1983 = arith.constant 0 : i32
        %dma_start3A_1984 = arith.constant 0 : i32
        %dma_start3A_1985 = tpu.memref_slice %arg13[%rem3A_1693, %dma_start3A_1974, %dma_start3A_1983, %dma_start3A_1984] : memref<3x16x8x32xf32, #tpu.memory_space<vmem>> -> memref<1x1x8x32xf32, #tpu.memory_space<vmem>>
        %dma_start3A_1986 = tpu.memref_squeeze %dma_start3A_1985 : memref<1x1x8x32xf32, #tpu.memory_space<vmem>> -> memref<8x32xf32, #tpu.memory_space<vmem>>
        %dma_start3A_1987 = arith.constant 0 : i32
        %dma_start3A_1988 = arith.constant 0 : i32
        %dma_start3A_1989 = tpu.memref_slice %arg4[%squeeze3A_1973, %dma_start3A_1987, %dma_start3A_1988] : memref<125000x8x32xf32, #tpu.memory_space<hbm>> -> memref<1x8x32xf32, #tpu.memory_space<hbm>>
        %dma_start3A_1990 = tpu.memref_squeeze %dma_start3A_1989 : memref<1x8x32xf32, #tpu.memory_space<hbm>> -> memref<8x32xf32, #tpu.memory_space<hbm>>
        tpu.enqueue_dma source(%dma_start3A_1990 : memref<8x32xf32, #tpu.memory_space<hbm>>) target(%dma_start3A_1986 : memref<8x32xf32, #tpu.memory_space<vmem>>) target_semaphore(%arg18 : memref<!tpu.dma_semaphore, #tpu.memory_space<semaphore_mem>>)
        %slice3A_1991 = vector.extract_strided_slice %shift_right_logical3A_1705 {offsets = [7], sizes = [1], strides = [1]} : vector<16xi32> to vector<1xi32>
        %squeeze3A_1992 = vector.extract %slice3A_1991[0] : i32 from vector<1xi32>
        %dma_start3A_1993 = arith.constant 7 : i32
        %dma_start3A_1994 = arith.constant 0 : i32
        %dma_start3A_1995 = arith.constant 0 : i32
        %dma_start3A_1996 = tpu.memref_slice %arg14[%rem3A_1693, %dma_start3A_1993, %dma_start3A_1994, %dma_start3A_1995] : memref<3x16x8x32xf32, #tpu.memory_space<vmem>> -> memref<1x1x8x32xf32, #tpu.memory_space<vmem>>
        %dma_start3A_1997 = tpu.memref_squeeze %dma_start3A_1996 : memref<1x1x8x32xf32, #tpu.memory_space<vmem>> -> memref<8x32xf32, #tpu.memory_space<vmem>>
        %dma_start3A_1998 = arith.constant 0 : i32
        %dma_start3A_1999 = arith.constant 0 : i32
        %dma_start3A_2000 = tpu.memref_slice %arg5[%squeeze3A_1992, %dma_start3A_1998, %dma_start3A_1999] : memref<12500x8x32xf32, #tpu.memory_space<hbm>> -> memref<1x8x32xf32, #tpu.memory_space<hbm>>
        %dma_start3A_2001 = tpu.memref_squeeze %dma_start3A_2000 : memref<1x8x32xf32, #tpu.memory_space<hbm>> -> memref<8x32xf32, #tpu.memory_space<hbm>>
        %dma_start3A_2002 = arith.constant 0 : i32
        %dma_start3A_2003 = arith.constant 0 : i32
        %dma_start3A_2004 = tpu.memref_slice %arg14[%rem3A_1693, %dma_start3A_1993, %dma_start3A_2002, %dma_start3A_2003] : memref<3x16x8x32xf32, #tpu.memory_space<vmem>> -> memref<1x1x8x32xf32, #tpu.memory_space<vmem>>
        %dma_start3A_2005 = tpu.memref_squeeze %dma_start3A_2004 : memref<1x1x8x32xf32, #tpu.memory_space<vmem>> -> memref<8x32xf32, #tpu.memory_space<vmem>>
        %dma_start3A_2006 = arith.constant 0 : i32
        %dma_start3A_2007 = arith.constant 0 : i32
        %dma_start3A_2008 = tpu.memref_slice %arg5[%squeeze3A_1992, %dma_start3A_2006, %dma_start3A_2007] : memref<12500x8x32xf32, #tpu.memory_space<hbm>> -> memref<1x8x32xf32, #tpu.memory_space<hbm>>
        %dma_start3A_2009 = tpu.memref_squeeze %dma_start3A_2008 : memref<1x8x32xf32, #tpu.memory_space<hbm>> -> memref<8x32xf32, #tpu.memory_space<hbm>>
        tpu.enqueue_dma source(%dma_start3A_2009 : memref<8x32xf32, #tpu.memory_space<hbm>>) target(%dma_start3A_2005 : memref<8x32xf32, #tpu.memory_space<vmem>>) target_semaphore(%arg19 : memref<!tpu.dma_semaphore, #tpu.memory_space<semaphore_mem>>)
        %slice3A_2010 = vector.extract_strided_slice %shift_right_logical3A_1700 {offsets = [8], sizes = [1], strides = [1]} : vector<16xi32> to vector<1xi32>
        %squeeze3A_2011 = vector.extract %slice3A_2010[0] : i32 from vector<1xi32>
        %dma_start3A_2012 = arith.constant 8 : i32
        %dma_start3A_2013 = arith.constant 0 : i32
        %dma_start3A_2014 = arith.constant 0 : i32
        %dma_start3A_2015 = tpu.memref_slice %arg13[%rem3A_1693, %dma_start3A_2012, %dma_start3A_2013, %dma_start3A_2014] : memref<3x16x8x32xf32, #tpu.memory_space<vmem>> -> memref<1x1x8x32xf32, #tpu.memory_space<vmem>>
        %dma_start3A_2016 = tpu.memref_squeeze %dma_start3A_2015 : memref<1x1x8x32xf32, #tpu.memory_space<vmem>> -> memref<8x32xf32, #tpu.memory_space<vmem>>
        %dma_start3A_2017 = arith.constant 0 : i32
        %dma_start3A_2018 = arith.constant 0 : i32
        %dma_start3A_2019 = tpu.memref_slice %arg4[%squeeze3A_2011, %dma_start3A_2017, %dma_start3A_2018] : memref<125000x8x32xf32, #tpu.memory_space<hbm>> -> memref<1x8x32xf32, #tpu.memory_space<hbm>>
        %dma_start3A_2020 = tpu.memref_squeeze %dma_start3A_2019 : memref<1x8x32xf32, #tpu.memory_space<hbm>> -> memref<8x32xf32, #tpu.memory_space<hbm>>
        %dma_start3A_2021 = arith.constant 0 : i32
        %dma_start3A_2022 = arith.constant 0 : i32
        %dma_start3A_2023 = tpu.memref_slice %arg13[%rem3A_1693, %dma_start3A_2012, %dma_start3A_2021, %dma_start3A_2022] : memref<3x16x8x32xf32, #tpu.memory_space<vmem>> -> memref<1x1x8x32xf32, #tpu.memory_space<vmem>>
        %dma_start3A_2024 = tpu.memref_squeeze %dma_start3A_2023 : memref<1x1x8x32xf32, #tpu.memory_space<vmem>> -> memref<8x32xf32, #tpu.memory_space<vmem>>
        %dma_start3A_2025 = arith.constant 0 : i32
        %dma_start3A_2026 = arith.constant 0 : i32
        %dma_start3A_2027 = tpu.memref_slice %arg4[%squeeze3A_2011, %dma_start3A_2025, %dma_start3A_2026] : memref<125000x8x32xf32, #tpu.memory_space<hbm>> -> memref<1x8x32xf32, #tpu.memory_space<hbm>>
        %dma_start3A_2028 = tpu.memref_squeeze %dma_start3A_2027 : memref<1x8x32xf32, #tpu.memory_space<hbm>> -> memref<8x32xf32, #tpu.memory_space<hbm>>
        tpu.enqueue_dma source(%dma_start3A_2028 : memref<8x32xf32, #tpu.memory_space<hbm>>) target(%dma_start3A_2024 : memref<8x32xf32, #tpu.memory_space<vmem>>) target_semaphore(%arg18 : memref<!tpu.dma_semaphore, #tpu.memory_space<semaphore_mem>>)
        %slice3A_2029 = vector.extract_strided_slice %shift_right_logical3A_1705 {offsets = [8], sizes = [1], strides = [1]} : vector<16xi32> to vector<1xi32>
        %squeeze3A_2030 = vector.extract %slice3A_2029[0] : i32 from vector<1xi32>
        %dma_start3A_2031 = arith.constant 8 : i32
        %dma_start3A_2032 = arith.constant 0 : i32
        %dma_start3A_2033 = arith.constant 0 : i32
        %dma_start3A_2034 = tpu.memref_slice %arg14[%rem3A_1693, %dma_start3A_2031, %dma_start3A_2032, %dma_start3A_2033] : memref<3x16x8x32xf32, #tpu.memory_space<vmem>> -> memref<1x1x8x32xf32, #tpu.memory_space<vmem>>
        %dma_start3A_2035 = tpu.memref_squeeze %dma_start3A_2034 : memref<1x1x8x32xf32, #tpu.memory_space<vmem>> -> memref<8x32xf32, #tpu.memory_space<vmem>>
        %dma_start3A_2036 = arith.constant 0 : i32
        %dma_start3A_2037 = arith.constant 0 : i32
        %dma_start3A_2038 = tpu.memref_slice %arg5[%squeeze3A_2030, %dma_start3A_2036, %dma_start3A_2037] : memref<12500x8x32xf32, #tpu.memory_space<hbm>> -> memref<1x8x32xf32, #tpu.memory_space<hbm>>
        %dma_start3A_2039 = tpu.memref_squeeze %dma_start3A_2038 : memref<1x8x32xf32, #tpu.memory_space<hbm>> -> memref<8x32xf32, #tpu.memory_space<hbm>>
        %dma_start3A_2040 = arith.constant 0 : i32
        %dma_start3A_2041 = arith.constant 0 : i32
        %dma_start3A_2042 = tpu.memref_slice %arg14[%rem3A_1693, %dma_start3A_2031, %dma_start3A_2040, %dma_start3A_2041] : memref<3x16x8x32xf32, #tpu.memory_space<vmem>> -> memref<1x1x8x32xf32, #tpu.memory_space<vmem>>
        %dma_start3A_2043 = tpu.memref_squeeze %dma_start3A_2042 : memref<1x1x8x32xf32, #tpu.memory_space<vmem>> -> memref<8x32xf32, #tpu.memory_space<vmem>>
        %dma_start3A_2044 = arith.constant 0 : i32
        %dma_start3A_2045 = arith.constant 0 : i32
        %dma_start3A_2046 = tpu.memref_slice %arg5[%squeeze3A_2030, %dma_start3A_2044, %dma_start3A_2045] : memref<12500x8x32xf32, #tpu.memory_space<hbm>> -> memref<1x8x32xf32, #tpu.memory_space<hbm>>
        %dma_start3A_2047 = tpu.memref_squeeze %dma_start3A_2046 : memref<1x8x32xf32, #tpu.memory_space<hbm>> -> memref<8x32xf32, #tpu.memory_space<hbm>>
        tpu.enqueue_dma source(%dma_start3A_2047 : memref<8x32xf32, #tpu.memory_space<hbm>>) target(%dma_start3A_2043 : memref<8x32xf32, #tpu.memory_space<vmem>>) target_semaphore(%arg19 : memref<!tpu.dma_semaphore, #tpu.memory_space<semaphore_mem>>)
        %slice3A_2048 = vector.extract_strided_slice %shift_right_logical3A_1700 {offsets = [9], sizes = [1], strides = [1]} : vector<16xi32> to vector<1xi32>
        %squeeze3A_2049 = vector.extract %slice3A_2048[0] : i32 from vector<1xi32>
        %dma_start3A_2050 = arith.constant 9 : i32
        %dma_start3A_2051 = arith.constant 0 : i32
        %dma_start3A_2052 = arith.constant 0 : i32
        %dma_start3A_2053 = tpu.memref_slice %arg13[%rem3A_1693, %dma_start3A_2050, %dma_start3A_2051, %dma_start3A_2052] : memref<3x16x8x32xf32, #tpu.memory_space<vmem>> -> memref<1x1x8x32xf32, #tpu.memory_space<vmem>>
        %dma_start3A_2054 = tpu.memref_squeeze %dma_start3A_2053 : memref<1x1x8x32xf32, #tpu.memory_space<vmem>> -> memref<8x32xf32, #tpu.memory_space<vmem>>
        %dma_start3A_2055 = arith.constant 0 : i32
        %dma_start3A_2056 = arith.constant 0 : i32
        %dma_start3A_2057 = tpu.memref_slice %arg4[%squeeze3A_2049, %dma_start3A_2055, %dma_start3A_2056] : memref<125000x8x32xf32, #tpu.memory_space<hbm>> -> memref<1x8x32xf32, #tpu.memory_space<hbm>>
        %dma_start3A_2058 = tpu.memref_squeeze %dma_start3A_2057 : memref<1x8x32xf32, #tpu.memory_space<hbm>> -> memref<8x32xf32, #tpu.memory_space<hbm>>
        %dma_start3A_2059 = arith.constant 0 : i32
        %dma_start3A_2060 = arith.constant 0 : i32
        %dma_start3A_2061 = tpu.memref_slice %arg13[%rem3A_1693, %dma_start3A_2050, %dma_start3A_2059, %dma_start3A_2060] : memref<3x16x8x32xf32, #tpu.memory_space<vmem>> -> memref<1x1x8x32xf32, #tpu.memory_space<vmem>>
        %dma_start3A_2062 = tpu.memref_squeeze %dma_start3A_2061 : memref<1x1x8x32xf32, #tpu.memory_space<vmem>> -> memref<8x32xf32, #tpu.memory_space<vmem>>
        %dma_start3A_2063 = arith.constant 0 : i32
        %dma_start3A_2064 = arith.constant 0 : i32
        %dma_start3A_2065 = tpu.memref_slice %arg4[%squeeze3A_2049, %dma_start3A_2063, %dma_start3A_2064] : memref<125000x8x32xf32, #tpu.memory_space<hbm>> -> memref<1x8x32xf32, #tpu.memory_space<hbm>>
        %dma_start3A_2066 = tpu.memref_squeeze %dma_start3A_2065 : memref<1x8x32xf32, #tpu.memory_space<hbm>> -> memref<8x32xf32, #tpu.memory_space<hbm>>
        tpu.enqueue_dma source(%dma_start3A_2066 : memref<8x32xf32, #tpu.memory_space<hbm>>) target(%dma_start3A_2062 : memref<8x32xf32, #tpu.memory_space<vmem>>) target_semaphore(%arg18 : memref<!tpu.dma_semaphore, #tpu.memory_space<semaphore_mem>>)
        %slice3A_2067 = vector.extract_strided_slice %shift_right_logical3A_1705 {offsets = [9], sizes = [1], strides = [1]} : vector<16xi32> to vector<1xi32>
        %squeeze3A_2068 = vector.extract %slice3A_2067[0] : i32 from vector<1xi32>
        %dma_start3A_2069 = arith.constant 9 : i32
        %dma_start3A_2070 = arith.constant 0 : i32
        %dma_start3A_2071 = arith.constant 0 : i32
        %dma_start3A_2072 = tpu.memref_slice %arg14[%rem3A_1693, %dma_start3A_2069, %dma_start3A_2070, %dma_start3A_2071] : memref<3x16x8x32xf32, #tpu.memory_space<vmem>> -> memref<1x1x8x32xf32, #tpu.memory_space<vmem>>
        %dma_start3A_2073 = tpu.memref_squeeze %dma_start3A_2072 : memref<1x1x8x32xf32, #tpu.memory_space<vmem>> -> memref<8x32xf32, #tpu.memory_space<vmem>>
        %dma_start3A_2074 = arith.constant 0 : i32
        %dma_start3A_2075 = arith.constant 0 : i32
        %dma_start3A_2076 = tpu.memref_slice %arg5[%squeeze3A_2068, %dma_start3A_2074, %dma_start3A_2075] : memref<12500x8x32xf32, #tpu.memory_space<hbm>> -> memref<1x8x32xf32, #tpu.memory_space<hbm>>
        %dma_start3A_2077 = tpu.memref_squeeze %dma_start3A_2076 : memref<1x8x32xf32, #tpu.memory_space<hbm>> -> memref<8x32xf32, #tpu.memory_space<hbm>>
        %dma_start3A_2078 = arith.constant 0 : i32
        %dma_start3A_2079 = arith.constant 0 : i32
        %dma_start3A_2080 = tpu.memref_slice %arg14[%rem3A_1693, %dma_start3A_2069, %dma_start3A_2078, %dma_start3A_2079] : memref<3x16x8x32xf32, #tpu.memory_space<vmem>> -> memref<1x1x8x32xf32, #tpu.memory_space<vmem>>
        %dma_start3A_2081 = tpu.memref_squeeze %dma_start3A_2080 : memref<1x1x8x32xf32, #tpu.memory_space<vmem>> -> memref<8x32xf32, #tpu.memory_space<vmem>>
        %dma_start3A_2082 = arith.constant 0 : i32
        %dma_start3A_2083 = arith.constant 0 : i32
        %dma_start3A_2084 = tpu.memref_slice %arg5[%squeeze3A_2068, %dma_start3A_2082, %dma_start3A_2083] : memref<12500x8x32xf32, #tpu.memory_space<hbm>> -> memref<1x8x32xf32, #tpu.memory_space<hbm>>
        %dma_start3A_2085 = tpu.memref_squeeze %dma_start3A_2084 : memref<1x8x32xf32, #tpu.memory_space<hbm>> -> memref<8x32xf32, #tpu.memory_space<hbm>>
        tpu.enqueue_dma source(%dma_start3A_2085 : memref<8x32xf32, #tpu.memory_space<hbm>>) target(%dma_start3A_2081 : memref<8x32xf32, #tpu.memory_space<vmem>>) target_semaphore(%arg19 : memref<!tpu.dma_semaphore, #tpu.memory_space<semaphore_mem>>)
        %slice3A_2086 = vector.extract_strided_slice %shift_right_logical3A_1700 {offsets = [10], sizes = [1], strides = [1]} : vector<16xi32> to vector<1xi32>
        %squeeze3A_2087 = vector.extract %slice3A_2086[0] : i32 from vector<1xi32>
        %dma_start3A_2088 = arith.constant 10 : i32
        %dma_start3A_2089 = arith.constant 0 : i32
        %dma_start3A_2090 = arith.constant 0 : i32
        %dma_start3A_2091 = tpu.memref_slice %arg13[%rem3A_1693, %dma_start3A_2088, %dma_start3A_2089, %dma_start3A_2090] : memref<3x16x8x32xf32, #tpu.memory_space<vmem>> -> memref<1x1x8x32xf32, #tpu.memory_space<vmem>>
        %dma_start3A_2092 = tpu.memref_squeeze %dma_start3A_2091 : memref<1x1x8x32xf32, #tpu.memory_space<vmem>> -> memref<8x32xf32, #tpu.memory_space<vmem>>
        %dma_start3A_2093 = arith.constant 0 : i32
        %dma_start3A_2094 = arith.constant 0 : i32
        %dma_start3A_2095 = tpu.memref_slice %arg4[%squeeze3A_2087, %dma_start3A_2093, %dma_start3A_2094] : memref<125000x8x32xf32, #tpu.memory_space<hbm>> -> memref<1x8x32xf32, #tpu.memory_space<hbm>>
        %dma_start3A_2096 = tpu.memref_squeeze %dma_start3A_2095 : memref<1x8x32xf32, #tpu.memory_space<hbm>> -> memref<8x32xf32, #tpu.memory_space<hbm>>
        %dma_start3A_2097 = arith.constant 0 : i32
        %dma_start3A_2098 = arith.constant 0 : i32
        %dma_start3A_2099 = tpu.memref_slice %arg13[%rem3A_1693, %dma_start3A_2088, %dma_start3A_2097, %dma_start3A_2098] : memref<3x16x8x32xf32, #tpu.memory_space<vmem>> -> memref<1x1x8x32xf32, #tpu.memory_space<vmem>>
        %dma_start3A_2100 = tpu.memref_squeeze %dma_start3A_2099 : memref<1x1x8x32xf32, #tpu.memory_space<vmem>> -> memref<8x32xf32, #tpu.memory_space<vmem>>
        %dma_start3A_2101 = arith.constant 0 : i32
        %dma_start3A_2102 = arith.constant 0 : i32
        %dma_start3A_2103 = tpu.memref_slice %arg4[%squeeze3A_2087, %dma_start3A_2101, %dma_start3A_2102] : memref<125000x8x32xf32, #tpu.memory_space<hbm>> -> memref<1x8x32xf32, #tpu.memory_space<hbm>>
        %dma_start3A_2104 = tpu.memref_squeeze %dma_start3A_2103 : memref<1x8x32xf32, #tpu.memory_space<hbm>> -> memref<8x32xf32, #tpu.memory_space<hbm>>
        tpu.enqueue_dma source(%dma_start3A_2104 : memref<8x32xf32, #tpu.memory_space<hbm>>) target(%dma_start3A_2100 : memref<8x32xf32, #tpu.memory_space<vmem>>) target_semaphore(%arg18 : memref<!tpu.dma_semaphore, #tpu.memory_space<semaphore_mem>>)
        %slice3A_2105 = vector.extract_strided_slice %shift_right_logical3A_1705 {offsets = [10], sizes = [1], strides = [1]} : vector<16xi32> to vector<1xi32>
        %squeeze3A_2106 = vector.extract %slice3A_2105[0] : i32 from vector<1xi32>
        %dma_start3A_2107 = arith.constant 10 : i32
        %dma_start3A_2108 = arith.constant 0 : i32
        %dma_start3A_2109 = arith.constant 0 : i32
        %dma_start3A_2110 = tpu.memref_slice %arg14[%rem3A_1693, %dma_start3A_2107, %dma_start3A_2108, %dma_start3A_2109] : memref<3x16x8x32xf32, #tpu.memory_space<vmem>> -> memref<1x1x8x32xf32, #tpu.memory_space<vmem>>
        %dma_start3A_2111 = tpu.memref_squeeze %dma_start3A_2110 : memref<1x1x8x32xf32, #tpu.memory_space<vmem>> -> memref<8x32xf32, #tpu.memory_space<vmem>>
        %dma_start3A_2112 = arith.constant 0 : i32
        %dma_start3A_2113 = arith.constant 0 : i32
        %dma_start3A_2114 = tpu.memref_slice %arg5[%squeeze3A_2106, %dma_start3A_2112, %dma_start3A_2113] : memref<12500x8x32xf32, #tpu.memory_space<hbm>> -> memref<1x8x32xf32, #tpu.memory_space<hbm>>
        %dma_start3A_2115 = tpu.memref_squeeze %dma_start3A_2114 : memref<1x8x32xf32, #tpu.memory_space<hbm>> -> memref<8x32xf32, #tpu.memory_space<hbm>>
        %dma_start3A_2116 = arith.constant 0 : i32
        %dma_start3A_2117 = arith.constant 0 : i32
        %dma_start3A_2118 = tpu.memref_slice %arg14[%rem3A_1693, %dma_start3A_2107, %dma_start3A_2116, %dma_start3A_2117] : memref<3x16x8x32xf32, #tpu.memory_space<vmem>> -> memref<1x1x8x32xf32, #tpu.memory_space<vmem>>
        %dma_start3A_2119 = tpu.memref_squeeze %dma_start3A_2118 : memref<1x1x8x32xf32, #tpu.memory_space<vmem>> -> memref<8x32xf32, #tpu.memory_space<vmem>>
        %dma_start3A_2120 = arith.constant 0 : i32
        %dma_start3A_2121 = arith.constant 0 : i32
        %dma_start3A_2122 = tpu.memref_slice %arg5[%squeeze3A_2106, %dma_start3A_2120, %dma_start3A_2121] : memref<12500x8x32xf32, #tpu.memory_space<hbm>> -> memref<1x8x32xf32, #tpu.memory_space<hbm>>
        %dma_start3A_2123 = tpu.memref_squeeze %dma_start3A_2122 : memref<1x8x32xf32, #tpu.memory_space<hbm>> -> memref<8x32xf32, #tpu.memory_space<hbm>>
        tpu.enqueue_dma source(%dma_start3A_2123 : memref<8x32xf32, #tpu.memory_space<hbm>>) target(%dma_start3A_2119 : memref<8x32xf32, #tpu.memory_space<vmem>>) target_semaphore(%arg19 : memref<!tpu.dma_semaphore, #tpu.memory_space<semaphore_mem>>)
        %slice3A_2124 = vector.extract_strided_slice %shift_right_logical3A_1700 {offsets = [11], sizes = [1], strides = [1]} : vector<16xi32> to vector<1xi32>
        %squeeze3A_2125 = vector.extract %slice3A_2124[0] : i32 from vector<1xi32>
        %dma_start3A_2126 = arith.constant 11 : i32
        %dma_start3A_2127 = arith.constant 0 : i32
        %dma_start3A_2128 = arith.constant 0 : i32
        %dma_start3A_2129 = tpu.memref_slice %arg13[%rem3A_1693, %dma_start3A_2126, %dma_start3A_2127, %dma_start3A_2128] : memref<3x16x8x32xf32, #tpu.memory_space<vmem>> -> memref<1x1x8x32xf32, #tpu.memory_space<vmem>>
        %dma_start3A_2130 = tpu.memref_squeeze %dma_start3A_2129 : memref<1x1x8x32xf32, #tpu.memory_space<vmem>> -> memref<8x32xf32, #tpu.memory_space<vmem>>
        %dma_start3A_2131 = arith.constant 0 : i32
        %dma_start3A_2132 = arith.constant 0 : i32
        %dma_start3A_2133 = tpu.memref_slice %arg4[%squeeze3A_2125, %dma_start3A_2131, %dma_start3A_2132] : memref<125000x8x32xf32, #tpu.memory_space<hbm>> -> memref<1x8x32xf32, #tpu.memory_space<hbm>>
        %dma_start3A_2134 = tpu.memref_squeeze %dma_start3A_2133 : memref<1x8x32xf32, #tpu.memory_space<hbm>> -> memref<8x32xf32, #tpu.memory_space<hbm>>
        %dma_start3A_2135 = arith.constant 0 : i32
        %dma_start3A_2136 = arith.constant 0 : i32
        %dma_start3A_2137 = tpu.memref_slice %arg13[%rem3A_1693, %dma_start3A_2126, %dma_start3A_2135, %dma_start3A_2136] : memref<3x16x8x32xf32, #tpu.memory_space<vmem>> -> memref<1x1x8x32xf32, #tpu.memory_space<vmem>>
        %dma_start3A_2138 = tpu.memref_squeeze %dma_start3A_2137 : memref<1x1x8x32xf32, #tpu.memory_space<vmem>> -> memref<8x32xf32, #tpu.memory_space<vmem>>
        %dma_start3A_2139 = arith.constant 0 : i32
        %dma_start3A_2140 = arith.constant 0 : i32
        %dma_start3A_2141 = tpu.memref_slice %arg4[%squeeze3A_2125, %dma_start3A_2139, %dma_start3A_2140] : memref<125000x8x32xf32, #tpu.memory_space<hbm>> -> memref<1x8x32xf32, #tpu.memory_space<hbm>>
        %dma_start3A_2142 = tpu.memref_squeeze %dma_start3A_2141 : memref<1x8x32xf32, #tpu.memory_space<hbm>> -> memref<8x32xf32, #tpu.memory_space<hbm>>
        tpu.enqueue_dma source(%dma_start3A_2142 : memref<8x32xf32, #tpu.memory_space<hbm>>) target(%dma_start3A_2138 : memref<8x32xf32, #tpu.memory_space<vmem>>) target_semaphore(%arg18 : memref<!tpu.dma_semaphore, #tpu.memory_space<semaphore_mem>>)
        %slice3A_2143 = vector.extract_strided_slice %shift_right_logical3A_1705 {offsets = [11], sizes = [1], strides = [1]} : vector<16xi32> to vector<1xi32>
        %squeeze3A_2144 = vector.extract %slice3A_2143[0] : i32 from vector<1xi32>
        %dma_start3A_2145 = arith.constant 11 : i32
        %dma_start3A_2146 = arith.constant 0 : i32
        %dma_start3A_2147 = arith.constant 0 : i32
        %dma_start3A_2148 = tpu.memref_slice %arg14[%rem3A_1693, %dma_start3A_2145, %dma_start3A_2146, %dma_start3A_2147] : memref<3x16x8x32xf32, #tpu.memory_space<vmem>> -> memref<1x1x8x32xf32, #tpu.memory_space<vmem>>
        %dma_start3A_2149 = tpu.memref_squeeze %dma_start3A_2148 : memref<1x1x8x32xf32, #tpu.memory_space<vmem>> -> memref<8x32xf32, #tpu.memory_space<vmem>>
        %dma_start3A_2150 = arith.constant 0 : i32
        %dma_start3A_2151 = arith.constant 0 : i32
        %dma_start3A_2152 = tpu.memref_slice %arg5[%squeeze3A_2144, %dma_start3A_2150, %dma_start3A_2151] : memref<12500x8x32xf32, #tpu.memory_space<hbm>> -> memref<1x8x32xf32, #tpu.memory_space<hbm>>
        %dma_start3A_2153 = tpu.memref_squeeze %dma_start3A_2152 : memref<1x8x32xf32, #tpu.memory_space<hbm>> -> memref<8x32xf32, #tpu.memory_space<hbm>>
        %dma_start3A_2154 = arith.constant 0 : i32
        %dma_start3A_2155 = arith.constant 0 : i32
        %dma_start3A_2156 = tpu.memref_slice %arg14[%rem3A_1693, %dma_start3A_2145, %dma_start3A_2154, %dma_start3A_2155] : memref<3x16x8x32xf32, #tpu.memory_space<vmem>> -> memref<1x1x8x32xf32, #tpu.memory_space<vmem>>
        %dma_start3A_2157 = tpu.memref_squeeze %dma_start3A_2156 : memref<1x1x8x32xf32, #tpu.memory_space<vmem>> -> memref<8x32xf32, #tpu.memory_space<vmem>>
        %dma_start3A_2158 = arith.constant 0 : i32
        %dma_start3A_2159 = arith.constant 0 : i32
        %dma_start3A_2160 = tpu.memref_slice %arg5[%squeeze3A_2144, %dma_start3A_2158, %dma_start3A_2159] : memref<12500x8x32xf32, #tpu.memory_space<hbm>> -> memref<1x8x32xf32, #tpu.memory_space<hbm>>
        %dma_start3A_2161 = tpu.memref_squeeze %dma_start3A_2160 : memref<1x8x32xf32, #tpu.memory_space<hbm>> -> memref<8x32xf32, #tpu.memory_space<hbm>>
        tpu.enqueue_dma source(%dma_start3A_2161 : memref<8x32xf32, #tpu.memory_space<hbm>>) target(%dma_start3A_2157 : memref<8x32xf32, #tpu.memory_space<vmem>>) target_semaphore(%arg19 : memref<!tpu.dma_semaphore, #tpu.memory_space<semaphore_mem>>)
        %slice3A_2162 = vector.extract_strided_slice %shift_right_logical3A_1700 {offsets = [12], sizes = [1], strides = [1]} : vector<16xi32> to vector<1xi32>
        %squeeze3A_2163 = vector.extract %slice3A_2162[0] : i32 from vector<1xi32>
        %dma_start3A_2164 = arith.constant 12 : i32
        %dma_start3A_2165 = arith.constant 0 : i32
        %dma_start3A_2166 = arith.constant 0 : i32
        %dma_start3A_2167 = tpu.memref_slice %arg13[%rem3A_1693, %dma_start3A_2164, %dma_start3A_2165, %dma_start3A_2166] : memref<3x16x8x32xf32, #tpu.memory_space<vmem>> -> memref<1x1x8x32xf32, #tpu.memory_space<vmem>>
        %dma_start3A_2168 = tpu.memref_squeeze %dma_start3A_2167 : memref<1x1x8x32xf32, #tpu.memory_space<vmem>> -> memref<8x32xf32, #tpu.memory_space<vmem>>
        %dma_start3A_2169 = arith.constant 0 : i32
        %dma_start3A_2170 = arith.constant 0 : i32
        %dma_start3A_2171 = tpu.memref_slice %arg4[%squeeze3A_2163, %dma_start3A_2169, %dma_start3A_2170] : memref<125000x8x32xf32, #tpu.memory_space<hbm>> -> memref<1x8x32xf32, #tpu.memory_space<hbm>>
        %dma_start3A_2172 = tpu.memref_squeeze %dma_start3A_2171 : memref<1x8x32xf32, #tpu.memory_space<hbm>> -> memref<8x32xf32, #tpu.memory_space<hbm>>
        %dma_start3A_2173 = arith.constant 0 : i32
        %dma_start3A_2174 = arith.constant 0 : i32
        %dma_start3A_2175 = tpu.memref_slice %arg13[%rem3A_1693, %dma_start3A_2164, %dma_start3A_2173, %dma_start3A_2174] : memref<3x16x8x32xf32, #tpu.memory_space<vmem>> -> memref<1x1x8x32xf32, #tpu.memory_space<vmem>>
        %dma_start3A_2176 = tpu.memref_squeeze %dma_start3A_2175 : memref<1x1x8x32xf32, #tpu.memory_space<vmem>> -> memref<8x32xf32, #tpu.memory_space<vmem>>
        %dma_start3A_2177 = arith.constant 0 : i32
        %dma_start3A_2178 = arith.constant 0 : i32
        %dma_start3A_2179 = tpu.memref_slice %arg4[%squeeze3A_2163, %dma_start3A_2177, %dma_start3A_2178] : memref<125000x8x32xf32, #tpu.memory_space<hbm>> -> memref<1x8x32xf32, #tpu.memory_space<hbm>>
        %dma_start3A_2180 = tpu.memref_squeeze %dma_start3A_2179 : memref<1x8x32xf32, #tpu.memory_space<hbm>> -> memref<8x32xf32, #tpu.memory_space<hbm>>
        tpu.enqueue_dma source(%dma_start3A_2180 : memref<8x32xf32, #tpu.memory_space<hbm>>) target(%dma_start3A_2176 : memref<8x32xf32, #tpu.memory_space<vmem>>) target_semaphore(%arg18 : memref<!tpu.dma_semaphore, #tpu.memory_space<semaphore_mem>>)
        %slice3A_2181 = vector.extract_strided_slice %shift_right_logical3A_1705 {offsets = [12], sizes = [1], strides = [1]} : vector<16xi32> to vector<1xi32>
        %squeeze3A_2182 = vector.extract %slice3A_2181[0] : i32 from vector<1xi32>
        %dma_start3A_2183 = arith.constant 12 : i32
        %dma_start3A_2184 = arith.constant 0 : i32
        %dma_start3A_2185 = arith.constant 0 : i32
        %dma_start3A_2186 = tpu.memref_slice %arg14[%rem3A_1693, %dma_start3A_2183, %dma_start3A_2184, %dma_start3A_2185] : memref<3x16x8x32xf32, #tpu.memory_space<vmem>> -> memref<1x1x8x32xf32, #tpu.memory_space<vmem>>
        %dma_start3A_2187 = tpu.memref_squeeze %dma_start3A_2186 : memref<1x1x8x32xf32, #tpu.memory_space<vmem>> -> memref<8x32xf32, #tpu.memory_space<vmem>>
        %dma_start3A_2188 = arith.constant 0 : i32
        %dma_start3A_2189 = arith.constant 0 : i32
        %dma_start3A_2190 = tpu.memref_slice %arg5[%squeeze3A_2182, %dma_start3A_2188, %dma_start3A_2189] : memref<12500x8x32xf32, #tpu.memory_space<hbm>> -> memref<1x8x32xf32, #tpu.memory_space<hbm>>
        %dma_start3A_2191 = tpu.memref_squeeze %dma_start3A_2190 : memref<1x8x32xf32, #tpu.memory_space<hbm>> -> memref<8x32xf32, #tpu.memory_space<hbm>>
        %dma_start3A_2192 = arith.constant 0 : i32
        %dma_start3A_2193 = arith.constant 0 : i32
        %dma_start3A_2194 = tpu.memref_slice %arg14[%rem3A_1693, %dma_start3A_2183, %dma_start3A_2192, %dma_start3A_2193] : memref<3x16x8x32xf32, #tpu.memory_space<vmem>> -> memref<1x1x8x32xf32, #tpu.memory_space<vmem>>
        %dma_start3A_2195 = tpu.memref_squeeze %dma_start3A_2194 : memref<1x1x8x32xf32, #tpu.memory_space<vmem>> -> memref<8x32xf32, #tpu.memory_space<vmem>>
        %dma_start3A_2196 = arith.constant 0 : i32
        %dma_start3A_2197 = arith.constant 0 : i32
        %dma_start3A_2198 = tpu.memref_slice %arg5[%squeeze3A_2182, %dma_start3A_2196, %dma_start3A_2197] : memref<12500x8x32xf32, #tpu.memory_space<hbm>> -> memref<1x8x32xf32, #tpu.memory_space<hbm>>
        %dma_start3A_2199 = tpu.memref_squeeze %dma_start3A_2198 : memref<1x8x32xf32, #tpu.memory_space<hbm>> -> memref<8x32xf32, #tpu.memory_space<hbm>>
        tpu.enqueue_dma source(%dma_start3A_2199 : memref<8x32xf32, #tpu.memory_space<hbm>>) target(%dma_start3A_2195 : memref<8x32xf32, #tpu.memory_space<vmem>>) target_semaphore(%arg19 : memref<!tpu.dma_semaphore, #tpu.memory_space<semaphore_mem>>)
        %slice3A_2200 = vector.extract_strided_slice %shift_right_logical3A_1700 {offsets = [13], sizes = [1], strides = [1]} : vector<16xi32> to vector<1xi32>
        %squeeze3A_2201 = vector.extract %slice3A_2200[0] : i32 from vector<1xi32>
        %dma_start3A_2202 = arith.constant 13 : i32
        %dma_start3A_2203 = arith.constant 0 : i32
        %dma_start3A_2204 = arith.constant 0 : i32
        %dma_start3A_2205 = tpu.memref_slice %arg13[%rem3A_1693, %dma_start3A_2202, %dma_start3A_2203, %dma_start3A_2204] : memref<3x16x8x32xf32, #tpu.memory_space<vmem>> -> memref<1x1x8x32xf32, #tpu.memory_space<vmem>>
        %dma_start3A_2206 = tpu.memref_squeeze %dma_start3A_2205 : memref<1x1x8x32xf32, #tpu.memory_space<vmem>> -> memref<8x32xf32, #tpu.memory_space<vmem>>
        %dma_start3A_2207 = arith.constant 0 : i32
        %dma_start3A_2208 = arith.constant 0 : i32
        %dma_start3A_2209 = tpu.memref_slice %arg4[%squeeze3A_2201, %dma_start3A_2207, %dma_start3A_2208] : memref<125000x8x32xf32, #tpu.memory_space<hbm>> -> memref<1x8x32xf32, #tpu.memory_space<hbm>>
        %dma_start3A_2210 = tpu.memref_squeeze %dma_start3A_2209 : memref<1x8x32xf32, #tpu.memory_space<hbm>> -> memref<8x32xf32, #tpu.memory_space<hbm>>
        %dma_start3A_2211 = arith.constant 0 : i32
        %dma_start3A_2212 = arith.constant 0 : i32
        %dma_start3A_2213 = tpu.memref_slice %arg13[%rem3A_1693, %dma_start3A_2202, %dma_start3A_2211, %dma_start3A_2212] : memref<3x16x8x32xf32, #tpu.memory_space<vmem>> -> memref<1x1x8x32xf32, #tpu.memory_space<vmem>>
        %dma_start3A_2214 = tpu.memref_squeeze %dma_start3A_2213 : memref<1x1x8x32xf32, #tpu.memory_space<vmem>> -> memref<8x32xf32, #tpu.memory_space<vmem>>
        %dma_start3A_2215 = arith.constant 0 : i32
        %dma_start3A_2216 = arith.constant 0 : i32
        %dma_start3A_2217 = tpu.memref_slice %arg4[%squeeze3A_2201, %dma_start3A_2215, %dma_start3A_2216] : memref<125000x8x32xf32, #tpu.memory_space<hbm>> -> memref<1x8x32xf32, #tpu.memory_space<hbm>>
        %dma_start3A_2218 = tpu.memref_squeeze %dma_start3A_2217 : memref<1x8x32xf32, #tpu.memory_space<hbm>> -> memref<8x32xf32, #tpu.memory_space<hbm>>
        tpu.enqueue_dma source(%dma_start3A_2218 : memref<8x32xf32, #tpu.memory_space<hbm>>) target(%dma_start3A_2214 : memref<8x32xf32, #tpu.memory_space<vmem>>) target_semaphore(%arg18 : memref<!tpu.dma_semaphore, #tpu.memory_space<semaphore_mem>>)
        %slice3A_2219 = vector.extract_strided_slice %shift_right_logical3A_1705 {offsets = [13], sizes = [1], strides = [1]} : vector<16xi32> to vector<1xi32>
        %squeeze3A_2220 = vector.extract %slice3A_2219[0] : i32 from vector<1xi32>
        %dma_start3A_2221 = arith.constant 13 : i32
        %dma_start3A_2222 = arith.constant 0 : i32
        %dma_start3A_2223 = arith.constant 0 : i32
        %dma_start3A_2224 = tpu.memref_slice %arg14[%rem3A_1693, %dma_start3A_2221, %dma_start3A_2222, %dma_start3A_2223] : memref<3x16x8x32xf32, #tpu.memory_space<vmem>> -> memref<1x1x8x32xf32, #tpu.memory_space<vmem>>
        %dma_start3A_2225 = tpu.memref_squeeze %dma_start3A_2224 : memref<1x1x8x32xf32, #tpu.memory_space<vmem>> -> memref<8x32xf32, #tpu.memory_space<vmem>>
        %dma_start3A_2226 = arith.constant 0 : i32
        %dma_start3A_2227 = arith.constant 0 : i32
        %dma_start3A_2228 = tpu.memref_slice %arg5[%squeeze3A_2220, %dma_start3A_2226, %dma_start3A_2227] : memref<12500x8x32xf32, #tpu.memory_space<hbm>> -> memref<1x8x32xf32, #tpu.memory_space<hbm>>
        %dma_start3A_2229 = tpu.memref_squeeze %dma_start3A_2228 : memref<1x8x32xf32, #tpu.memory_space<hbm>> -> memref<8x32xf32, #tpu.memory_space<hbm>>
        %dma_start3A_2230 = arith.constant 0 : i32
        %dma_start3A_2231 = arith.constant 0 : i32
        %dma_start3A_2232 = tpu.memref_slice %arg14[%rem3A_1693, %dma_start3A_2221, %dma_start3A_2230, %dma_start3A_2231] : memref<3x16x8x32xf32, #tpu.memory_space<vmem>> -> memref<1x1x8x32xf32, #tpu.memory_space<vmem>>
        %dma_start3A_2233 = tpu.memref_squeeze %dma_start3A_2232 : memref<1x1x8x32xf32, #tpu.memory_space<vmem>> -> memref<8x32xf32, #tpu.memory_space<vmem>>
        %dma_start3A_2234 = arith.constant 0 : i32
        %dma_start3A_2235 = arith.constant 0 : i32
        %dma_start3A_2236 = tpu.memref_slice %arg5[%squeeze3A_2220, %dma_start3A_2234, %dma_start3A_2235] : memref<12500x8x32xf32, #tpu.memory_space<hbm>> -> memref<1x8x32xf32, #tpu.memory_space<hbm>>
        %dma_start3A_2237 = tpu.memref_squeeze %dma_start3A_2236 : memref<1x8x32xf32, #tpu.memory_space<hbm>> -> memref<8x32xf32, #tpu.memory_space<hbm>>
        tpu.enqueue_dma source(%dma_start3A_2237 : memref<8x32xf32, #tpu.memory_space<hbm>>) target(%dma_start3A_2233 : memref<8x32xf32, #tpu.memory_space<vmem>>) target_semaphore(%arg19 : memref<!tpu.dma_semaphore, #tpu.memory_space<semaphore_mem>>)
        %slice3A_2238 = vector.extract_strided_slice %shift_right_logical3A_1700 {offsets = [14], sizes = [1], strides = [1]} : vector<16xi32> to vector<1xi32>
        %squeeze3A_2239 = vector.extract %slice3A_2238[0] : i32 from vector<1xi32>
        %dma_start3A_2240 = arith.constant 14 : i32
        %dma_start3A_2241 = arith.constant 0 : i32
        %dma_start3A_2242 = arith.constant 0 : i32
        %dma_start3A_2243 = tpu.memref_slice %arg13[%rem3A_1693, %dma_start3A_2240, %dma_start3A_2241, %dma_start3A_2242] : memref<3x16x8x32xf32, #tpu.memory_space<vmem>> -> memref<1x1x8x32xf32, #tpu.memory_space<vmem>>
        %dma_start3A_2244 = tpu.memref_squeeze %dma_start3A_2243 : memref<1x1x8x32xf32, #tpu.memory_space<vmem>> -> memref<8x32xf32, #tpu.memory_space<vmem>>
        %dma_start3A_2245 = arith.constant 0 : i32
        %dma_start3A_2246 = arith.constant 0 : i32
        %dma_start3A_2247 = tpu.memref_slice %arg4[%squeeze3A_2239, %dma_start3A_2245, %dma_start3A_2246] : memref<125000x8x32xf32, #tpu.memory_space<hbm>> -> memref<1x8x32xf32, #tpu.memory_space<hbm>>
        %dma_start3A_2248 = tpu.memref_squeeze %dma_start3A_2247 : memref<1x8x32xf32, #tpu.memory_space<hbm>> -> memref<8x32xf32, #tpu.memory_space<hbm>>
        %dma_start3A_2249 = arith.constant 0 : i32
        %dma_start3A_2250 = arith.constant 0 : i32
        %dma_start3A_2251 = tpu.memref_slice %arg13[%rem3A_1693, %dma_start3A_2240, %dma_start3A_2249, %dma_start3A_2250] : memref<3x16x8x32xf32, #tpu.memory_space<vmem>> -> memref<1x1x8x32xf32, #tpu.memory_space<vmem>>
        %dma_start3A_2252 = tpu.memref_squeeze %dma_start3A_2251 : memref<1x1x8x32xf32, #tpu.memory_space<vmem>> -> memref<8x32xf32, #tpu.memory_space<vmem>>
        %dma_start3A_2253 = arith.constant 0 : i32
        %dma_start3A_2254 = arith.constant 0 : i32
        %dma_start3A_2255 = tpu.memref_slice %arg4[%squeeze3A_2239, %dma_start3A_2253, %dma_start3A_2254] : memref<125000x8x32xf32, #tpu.memory_space<hbm>> -> memref<1x8x32xf32, #tpu.memory_space<hbm>>
        %dma_start3A_2256 = tpu.memref_squeeze %dma_start3A_2255 : memref<1x8x32xf32, #tpu.memory_space<hbm>> -> memref<8x32xf32, #tpu.memory_space<hbm>>
        tpu.enqueue_dma source(%dma_start3A_2256 : memref<8x32xf32, #tpu.memory_space<hbm>>) target(%dma_start3A_2252 : memref<8x32xf32, #tpu.memory_space<vmem>>) target_semaphore(%arg18 : memref<!tpu.dma_semaphore, #tpu.memory_space<semaphore_mem>>)
        %slice3A_2257 = vector.extract_strided_slice %shift_right_logical3A_1705 {offsets = [14], sizes = [1], strides = [1]} : vector<16xi32> to vector<1xi32>
        %squeeze3A_2258 = vector.extract %slice3A_2257[0] : i32 from vector<1xi32>
        %dma_start3A_2259 = arith.constant 14 : i32
        %dma_start3A_2260 = arith.constant 0 : i32
        %dma_start3A_2261 = arith.constant 0 : i32
        %dma_start3A_2262 = tpu.memref_slice %arg14[%rem3A_1693, %dma_start3A_2259, %dma_start3A_2260, %dma_start3A_2261] : memref<3x16x8x32xf32, #tpu.memory_space<vmem>> -> memref<1x1x8x32xf32, #tpu.memory_space<vmem>>
        %dma_start3A_2263 = tpu.memref_squeeze %dma_start3A_2262 : memref<1x1x8x32xf32, #tpu.memory_space<vmem>> -> memref<8x32xf32, #tpu.memory_space<vmem>>
        %dma_start3A_2264 = arith.constant 0 : i32
        %dma_start3A_2265 = arith.constant 0 : i32
        %dma_start3A_2266 = tpu.memref_slice %arg5[%squeeze3A_2258, %dma_start3A_2264, %dma_start3A_2265] : memref<12500x8x32xf32, #tpu.memory_space<hbm>> -> memref<1x8x32xf32, #tpu.memory_space<hbm>>
        %dma_start3A_2267 = tpu.memref_squeeze %dma_start3A_2266 : memref<1x8x32xf32, #tpu.memory_space<hbm>> -> memref<8x32xf32, #tpu.memory_space<hbm>>
        %dma_start3A_2268 = arith.constant 0 : i32
        %dma_start3A_2269 = arith.constant 0 : i32
        %dma_start3A_2270 = tpu.memref_slice %arg14[%rem3A_1693, %dma_start3A_2259, %dma_start3A_2268, %dma_start3A_2269] : memref<3x16x8x32xf32, #tpu.memory_space<vmem>> -> memref<1x1x8x32xf32, #tpu.memory_space<vmem>>
        %dma_start3A_2271 = tpu.memref_squeeze %dma_start3A_2270 : memref<1x1x8x32xf32, #tpu.memory_space<vmem>> -> memref<8x32xf32, #tpu.memory_space<vmem>>
        %dma_start3A_2272 = arith.constant 0 : i32
        %dma_start3A_2273 = arith.constant 0 : i32
        %dma_start3A_2274 = tpu.memref_slice %arg5[%squeeze3A_2258, %dma_start3A_2272, %dma_start3A_2273] : memref<12500x8x32xf32, #tpu.memory_space<hbm>> -> memref<1x8x32xf32, #tpu.memory_space<hbm>>
        %dma_start3A_2275 = tpu.memref_squeeze %dma_start3A_2274 : memref<1x8x32xf32, #tpu.memory_space<hbm>> -> memref<8x32xf32, #tpu.memory_space<hbm>>
        tpu.enqueue_dma source(%dma_start3A_2275 : memref<8x32xf32, #tpu.memory_space<hbm>>) target(%dma_start3A_2271 : memref<8x32xf32, #tpu.memory_space<vmem>>) target_semaphore(%arg19 : memref<!tpu.dma_semaphore, #tpu.memory_space<semaphore_mem>>)
        %slice3A_2276 = vector.extract_strided_slice %shift_right_logical3A_1700 {offsets = [15], sizes = [1], strides = [1]} : vector<16xi32> to vector<1xi32>
        %squeeze3A_2277 = vector.extract %slice3A_2276[0] : i32 from vector<1xi32>
        %dma_start3A_2278 = arith.constant 15 : i32
        %dma_start3A_2279 = arith.constant 0 : i32
        %dma_start3A_2280 = arith.constant 0 : i32
        %dma_start3A_2281 = tpu.memref_slice %arg13[%rem3A_1693, %dma_start3A_2278, %dma_start3A_2279, %dma_start3A_2280] : memref<3x16x8x32xf32, #tpu.memory_space<vmem>> -> memref<1x1x8x32xf32, #tpu.memory_space<vmem>>
        %dma_start3A_2282 = tpu.memref_squeeze %dma_start3A_2281 : memref<1x1x8x32xf32, #tpu.memory_space<vmem>> -> memref<8x32xf32, #tpu.memory_space<vmem>>
        %dma_start3A_2283 = arith.constant 0 : i32
        %dma_start3A_2284 = arith.constant 0 : i32
        %dma_start3A_2285 = tpu.memref_slice %arg4[%squeeze3A_2277, %dma_start3A_2283, %dma_start3A_2284] : memref<125000x8x32xf32, #tpu.memory_space<hbm>> -> memref<1x8x32xf32, #tpu.memory_space<hbm>>
        %dma_start3A_2286 = tpu.memref_squeeze %dma_start3A_2285 : memref<1x8x32xf32, #tpu.memory_space<hbm>> -> memref<8x32xf32, #tpu.memory_space<hbm>>
        %dma_start3A_2287 = arith.constant 0 : i32
        %dma_start3A_2288 = arith.constant 0 : i32
        %dma_start3A_2289 = tpu.memref_slice %arg13[%rem3A_1693, %dma_start3A_2278, %dma_start3A_2287, %dma_start3A_2288] : memref<3x16x8x32xf32, #tpu.memory_space<vmem>> -> memref<1x1x8x32xf32, #tpu.memory_space<vmem>>
        %dma_start3A_2290 = tpu.memref_squeeze %dma_start3A_2289 : memref<1x1x8x32xf32, #tpu.memory_space<vmem>> -> memref<8x32xf32, #tpu.memory_space<vmem>>
        %dma_start3A_2291 = arith.constant 0 : i32
        %dma_start3A_2292 = arith.constant 0 : i32
        %dma_start3A_2293 = tpu.memref_slice %arg4[%squeeze3A_2277, %dma_start3A_2291, %dma_start3A_2292] : memref<125000x8x32xf32, #tpu.memory_space<hbm>> -> memref<1x8x32xf32, #tpu.memory_space<hbm>>
        %dma_start3A_2294 = tpu.memref_squeeze %dma_start3A_2293 : memref<1x8x32xf32, #tpu.memory_space<hbm>> -> memref<8x32xf32, #tpu.memory_space<hbm>>
        tpu.enqueue_dma source(%dma_start3A_2294 : memref<8x32xf32, #tpu.memory_space<hbm>>) target(%dma_start3A_2290 : memref<8x32xf32, #tpu.memory_space<vmem>>) target_semaphore(%arg18 : memref<!tpu.dma_semaphore, #tpu.memory_space<semaphore_mem>>)
        %slice3A_2295 = vector.extract_strided_slice %shift_right_logical3A_1705 {offsets = [15], sizes = [1], strides = [1]} : vector<16xi32> to vector<1xi32>
        %squeeze3A_2296 = vector.extract %slice3A_2295[0] : i32 from vector<1xi32>
        %dma_start3A_2297 = arith.constant 15 : i32
        %dma_start3A_2298 = arith.constant 0 : i32
        %dma_start3A_2299 = arith.constant 0 : i32
        %dma_start3A_2300 = tpu.memref_slice %arg14[%rem3A_1693, %dma_start3A_2297, %dma_start3A_2298, %dma_start3A_2299] : memref<3x16x8x32xf32, #tpu.memory_space<vmem>> -> memref<1x1x8x32xf32, #tpu.memory_space<vmem>>
        %dma_start3A_2301 = tpu.memref_squeeze %dma_start3A_2300 : memref<1x1x8x32xf32, #tpu.memory_space<vmem>> -> memref<8x32xf32, #tpu.memory_space<vmem>>
        %dma_start3A_2302 = arith.constant 0 : i32
        %dma_start3A_2303 = arith.constant 0 : i32
        %dma_start3A_2304 = tpu.memref_slice %arg5[%squeeze3A_2296, %dma_start3A_2302, %dma_start3A_2303] : memref<12500x8x32xf32, #tpu.memory_space<hbm>> -> memref<1x8x32xf32, #tpu.memory_space<hbm>>
        %dma_start3A_2305 = tpu.memref_squeeze %dma_start3A_2304 : memref<1x8x32xf32, #tpu.memory_space<hbm>> -> memref<8x32xf32, #tpu.memory_space<hbm>>
        %dma_start3A_2306 = arith.constant 0 : i32
        %dma_start3A_2307 = arith.constant 0 : i32
        %dma_start3A_2308 = tpu.memref_slice %arg14[%rem3A_1693, %dma_start3A_2297, %dma_start3A_2306, %dma_start3A_2307] : memref<3x16x8x32xf32, #tpu.memory_space<vmem>> -> memref<1x1x8x32xf32, #tpu.memory_space<vmem>>
        %dma_start3A_2309 = tpu.memref_squeeze %dma_start3A_2308 : memref<1x1x8x32xf32, #tpu.memory_space<vmem>> -> memref<8x32xf32, #tpu.memory_space<vmem>>
        %dma_start3A_2310 = arith.constant 0 : i32
        %dma_start3A_2311 = arith.constant 0 : i32
        %dma_start3A_2312 = tpu.memref_slice %arg5[%squeeze3A_2296, %dma_start3A_2310, %dma_start3A_2311] : memref<12500x8x32xf32, #tpu.memory_space<hbm>> -> memref<1x8x32xf32, #tpu.memory_space<hbm>>
        %dma_start3A_2313 = tpu.memref_squeeze %dma_start3A_2312 : memref<1x8x32xf32, #tpu.memory_space<hbm>> -> memref<8x32xf32, #tpu.memory_space<hbm>>
        tpu.enqueue_dma source(%dma_start3A_2313 : memref<8x32xf32, #tpu.memory_space<hbm>>) target(%dma_start3A_2309 : memref<8x32xf32, #tpu.memory_space<vmem>>) target_semaphore(%arg19 : memref<!tpu.dma_semaphore, #tpu.memory_space<semaphore_mem>>)
      } else {
      }
      %dma_wait3A = arith.constant 0 : i32
      %dma_wait3A_1321 = arith.constant 0 : i32
      %dma_wait3A_1322 = arith.constant 0 : i32
      %dma_wait3A_1323 = tpu.memref_slice %arg13[%rem3A_1318, %dma_wait3A, %dma_wait3A_1321, %dma_wait3A_1322] : memref<3x16x8x32xf32, #tpu.memory_space<vmem>> -> memref<1x16x8x32xf32, #tpu.memory_space<vmem>>
      %dma_wait3A_1324 = tpu.memref_squeeze %dma_wait3A_1323 : memref<1x16x8x32xf32, #tpu.memory_space<vmem>> -> memref<16x8x32xf32, #tpu.memory_space<vmem>>
      %dma_wait3A_1325 = arith.constant 0 : i32
      %dma_wait3A_1326 = arith.constant 0 : i32
      %dma_wait3A_1327 = arith.constant 0 : i32
      %dma_wait3A_1328 = tpu.memref_slice %arg4[%dma_wait3A_1325, %dma_wait3A_1326, %dma_wait3A_1327] : memref<125000x8x32xf32, #tpu.memory_space<hbm>> -> memref<16x8x32xf32, #tpu.memory_space<hbm>>
      %dma_wait3A_1329 = arith.constant 0 : i32
      %dma_wait3A_1330 = arith.constant 0 : i32
      %dma_wait3A_1331 = arith.constant 0 : i32
      %dma_wait3A_1332 = tpu.memref_slice %arg13[%rem3A_1318, %dma_wait3A_1329, %dma_wait3A_1330, %dma_wait3A_1331] : memref<3x16x8x32xf32, #tpu.memory_space<vmem>> -> memref<1x16x8x32xf32, #tpu.memory_space<vmem>>
      %dma_wait3A_1333 = tpu.memref_squeeze %dma_wait3A_1332 : memref<1x16x8x32xf32, #tpu.memory_space<vmem>> -> memref<16x8x32xf32, #tpu.memory_space<vmem>>
      %dma_wait3A_1334 = arith.constant 0 : i32
      %dma_wait3A_1335 = arith.constant 0 : i32
      %dma_wait3A_1336 = arith.constant 0 : i32
      %dma_wait3A_1337 = tpu.memref_slice %arg4[%dma_wait3A_1334, %dma_wait3A_1335, %dma_wait3A_1336] : memref<125000x8x32xf32, #tpu.memory_space<hbm>> -> memref<16x8x32xf32, #tpu.memory_space<hbm>>
      tpu.wait_dma2 semaphore(%arg18 : memref<!tpu.dma_semaphore, #tpu.memory_space<semaphore_mem>>) src(%dma_wait3A_1337 : memref<16x8x32xf32, #tpu.memory_space<hbm>>) dst(%dma_wait3A_1333 : memref<16x8x32xf32, #tpu.memory_space<vmem>>)
      %dma_wait3A_1338 = arith.constant 0 : i32
      %dma_wait3A_1339 = arith.constant 0 : i32
      %dma_wait3A_1340 = arith.constant 0 : i32
      %dma_wait3A_1341 = tpu.memref_slice %arg14[%rem3A_1318, %dma_wait3A_1338, %dma_wait3A_1339, %dma_wait3A_1340] : memref<3x16x8x32xf32, #tpu.memory_space<vmem>> -> memref<1x16x8x32xf32, #tpu.memory_space<vmem>>
      %dma_wait3A_1342 = tpu.memref_squeeze %dma_wait3A_1341 : memref<1x16x8x32xf32, #tpu.memory_space<vmem>> -> memref<16x8x32xf32, #tpu.memory_space<vmem>>
      %dma_wait3A_1343 = arith.constant 0 : i32
      %dma_wait3A_1344 = arith.constant 0 : i32
      %dma_wait3A_1345 = arith.constant 0 : i32
      %dma_wait3A_1346 = tpu.memref_slice %arg5[%dma_wait3A_1343, %dma_wait3A_1344, %dma_wait3A_1345] : memref<12500x8x32xf32, #tpu.memory_space<hbm>> -> memref<16x8x32xf32, #tpu.memory_space<hbm>>
      %dma_wait3A_1347 = arith.constant 0 : i32
      %dma_wait3A_1348 = arith.constant 0 : i32
      %dma_wait3A_1349 = arith.constant 0 : i32
      %dma_wait3A_1350 = tpu.memref_slice %arg14[%rem3A_1318, %dma_wait3A_1347, %dma_wait3A_1348, %dma_wait3A_1349] : memref<3x16x8x32xf32, #tpu.memory_space<vmem>> -> memref<1x16x8x32xf32, #tpu.memory_space<vmem>>
      %dma_wait3A_1351 = tpu.memref_squeeze %dma_wait3A_1350 : memref<1x16x8x32xf32, #tpu.memory_space<vmem>> -> memref<16x8x32xf32, #tpu.memory_space<vmem>>
      %dma_wait3A_1352 = arith.constant 0 : i32
      %dma_wait3A_1353 = arith.constant 0 : i32
      %dma_wait3A_1354 = arith.constant 0 : i32
      %dma_wait3A_1355 = tpu.memref_slice %arg5[%dma_wait3A_1352, %dma_wait3A_1353, %dma_wait3A_1354] : memref<12500x8x32xf32, #tpu.memory_space<hbm>> -> memref<16x8x32xf32, #tpu.memory_space<hbm>>
      tpu.wait_dma2 semaphore(%arg19 : memref<!tpu.dma_semaphore, #tpu.memory_space<semaphore_mem>>) src(%dma_wait3A_1355 : memref<16x8x32xf32, #tpu.memory_space<hbm>>) dst(%dma_wait3A_1351 : memref<16x8x32xf32, #tpu.memory_space<vmem>>)
      %mul3A_1356 = arith.constant 16 : i32
      %mul3A_1357 = arith.muli %scan3A_1317, %mul3A_1356 : i32
      %get3A_1358 = arith.index_cast %mul3A_1357 : i32 to index
      %get3A_1359 = tpu.vector_load %arg11[%get3A_1358] {strides = array<i32>} : memref<512xi32, #tpu.memory_space<vmem>>, vector<16xi32>,
      %get3A_1360 = arith.index_cast %mul3A_1357 : i32 to index
      %get3A_1361 = tpu.vector_load %arg12[%get3A_1360] {strides = array<i32>} : memref<512xi32, #tpu.memory_space<vmem>>, vector<16xi32>,
      %broadcast_in_dim3A = vector.broadcast %rem3A_1318 : i32 to vector<16xi32>
      %broadcast_in_dim3A_1362 = arith.constant 0.000000e+00 : f32
      %broadcast_in_dim3A_1363 = vector.broadcast %broadcast_in_dim3A_1362 : f32 to vector<16xf32>
      %broadcast_in_dim3A_1364 = arith.constant 0 : i32
      %broadcast_in_dim3A_1365 = vector.broadcast %broadcast_in_dim3A_1364 : i32 to vector<16xi32>
      %gather3A = tpu.vector_load_idx %arg13[%broadcast_in_dim3A, %iota3A, %get3A_1359, %broadcast_in_dim3A_1365] : memref<3x16x8x32xf32, #tpu.memory_space<vmem>>[vector<16xi32>, vector<16xi32>, vector<16xi32>, vector<16xi32>], vector<16xf32>,
      %gather3A_1366 = tpu.vector_load_idx %arg14[%broadcast_in_dim3A, %iota3A, %get3A_1361, %broadcast_in_dim3A_1365] : memref<3x16x8x32xf32, #tpu.memory_space<vmem>>[vector<16xi32>, vector<16xi32>, vector<16xi32>, vector<16xi32>], vector<16xf32>,
      %slice3A_1367 = vector.extract_strided_slice %get3A_3 {offsets = [0], sizes = [1], strides = [1]} : vector<16xf32> to vector<1xf32>
      %squeeze3A_1368 = vector.extract %slice3A_1367[0] : f32 from vector<1xf32>
      %mul3A_1369 = arith.mulf %gather3A, %gather3A_1366 : vector<16xf32>
      %mul3A_1370 = vector.broadcast %squeeze3A_1368 : f32 to vector<16xf32>
      %mul3A_1371 = arith.mulf %mul3A_1369, %mul3A_1370 : vector<16xf32>
      %add3A_1372 = arith.addf %broadcast_in_dim3A_1363, %mul3A_1371 : vector<16xf32>
      %broadcast_in_dim3A_1373 = arith.constant 1 : i32
      %broadcast_in_dim3A_1374 = vector.broadcast %broadcast_in_dim3A_1373 : i32 to vector<16xi32>
      %gather3A_1375 = tpu.vector_load_idx %arg13[%broadcast_in_dim3A, %iota3A, %get3A_1359, %broadcast_in_dim3A_1374] : memref<3x16x8x32xf32, #tpu.memory_space<vmem>>[vector<16xi32>, vector<16xi32>, vector<16xi32>, vector<16xi32>], vector<16xf32>,
      %gather3A_1376 = tpu.vector_load_idx %arg14[%broadcast_in_dim3A, %iota3A, %get3A_1361, %broadcast_in_dim3A_1374] : memref<3x16x8x32xf32, #tpu.memory_space<vmem>>[vector<16xi32>, vector<16xi32>, vector<16xi32>, vector<16xi32>], vector<16xf32>,
      %slice3A_1377 = vector.extract_strided_slice %get3A_3 {offsets = [1], sizes = [1], strides = [1]} : vector<16xf32> to vector<1xf32>
      %squeeze3A_1378 = vector.extract %slice3A_1377[0] : f32 from vector<1xf32>
      %mul3A_1379 = arith.mulf %gather3A_1375, %gather3A_1376 : vector<16xf32>
      %mul3A_1380 = vector.broadcast %squeeze3A_1378 : f32 to vector<16xf32>
      %mul3A_1381 = arith.mulf %mul3A_1379, %mul3A_1380 : vector<16xf32>
      %add3A_1382 = arith.addf %add3A_1372, %mul3A_1381 : vector<16xf32>
      %broadcast_in_dim3A_1383 = arith.constant 2 : i32
      %broadcast_in_dim3A_1384 = vector.broadcast %broadcast_in_dim3A_1383 : i32 to vector<16xi32>
      %gather3A_1385 = tpu.vector_load_idx %arg13[%broadcast_in_dim3A, %iota3A, %get3A_1359, %broadcast_in_dim3A_1384] : memref<3x16x8x32xf32, #tpu.memory_space<vmem>>[vector<16xi32>, vector<16xi32>, vector<16xi32>, vector<16xi32>], vector<16xf32>,
      %gather3A_1386 = tpu.vector_load_idx %arg14[%broadcast_in_dim3A, %iota3A, %get3A_1361, %broadcast_in_dim3A_1384] : memref<3x16x8x32xf32, #tpu.memory_space<vmem>>[vector<16xi32>, vector<16xi32>, vector<16xi32>, vector<16xi32>], vector<16xf32>,
      %slice3A_1387 = vector.extract_strided_slice %get3A_3 {offsets = [2], sizes = [1], strides = [1]} : vector<16xf32> to vector<1xf32>
      %squeeze3A_1388 = vector.extract %slice3A_1387[0] : f32 from vector<1xf32>
      %mul3A_1389 = arith.mulf %gather3A_1385, %gather3A_1386 : vector<16xf32>
      %mul3A_1390 = vector.broadcast %squeeze3A_1388 : f32 to vector<16xf32>
      %mul3A_1391 = arith.mulf %mul3A_1389, %mul3A_1390 : vector<16xf32>
      %add3A_1392 = arith.addf %add3A_1382, %mul3A_1391 : vector<16xf32>
      %broadcast_in_dim3A_1393 = arith.constant 3 : i32
      %broadcast_in_dim3A_1394 = vector.broadcast %broadcast_in_dim3A_1393 : i32 to vector<16xi32>
      %gather3A_1395 = tpu.vector_load_idx %arg13[%broadcast_in_dim3A, %iota3A, %get3A_1359, %broadcast_in_dim3A_1394] : memref<3x16x8x32xf32, #tpu.memory_space<vmem>>[vector<16xi32>, vector<16xi32>, vector<16xi32>, vector<16xi32>], vector<16xf32>,
      %gather3A_1396 = tpu.vector_load_idx %arg14[%broadcast_in_dim3A, %iota3A, %get3A_1361, %broadcast_in_dim3A_1394] : memref<3x16x8x32xf32, #tpu.memory_space<vmem>>[vector<16xi32>, vector<16xi32>, vector<16xi32>, vector<16xi32>], vector<16xf32>,
      %slice3A_1397 = vector.extract_strided_slice %get3A_3 {offsets = [3], sizes = [1], strides = [1]} : vector<16xf32> to vector<1xf32>
      %squeeze3A_1398 = vector.extract %slice3A_1397[0] : f32 from vector<1xf32>
      %mul3A_1399 = arith.mulf %gather3A_1395, %gather3A_1396 : vector<16xf32>
      %mul3A_1400 = vector.broadcast %squeeze3A_1398 : f32 to vector<16xf32>
      %mul3A_1401 = arith.mulf %mul3A_1399, %mul3A_1400 : vector<16xf32>
      %add3A_1402 = arith.addf %add3A_1392, %mul3A_1401 : vector<16xf32>
      %broadcast_in_dim3A_1403 = arith.constant 4 : i32
      %broadcast_in_dim3A_1404 = vector.broadcast %broadcast_in_dim3A_1403 : i32 to vector<16xi32>
      %gather3A_1405 = tpu.vector_load_idx %arg13[%broadcast_in_dim3A, %iota3A, %get3A_1359, %broadcast_in_dim3A_1404] : memref<3x16x8x32xf32, #tpu.memory_space<vmem>>[vector<16xi32>, vector<16xi32>, vector<16xi32>, vector<16xi32>], vector<16xf32>,
      %gather3A_1406 = tpu.vector_load_idx %arg14[%broadcast_in_dim3A, %iota3A, %get3A_1361, %broadcast_in_dim3A_1404] : memref<3x16x8x32xf32, #tpu.memory_space<vmem>>[vector<16xi32>, vector<16xi32>, vector<16xi32>, vector<16xi32>], vector<16xf32>,
      %slice3A_1407 = vector.extract_strided_slice %get3A_3 {offsets = [4], sizes = [1], strides = [1]} : vector<16xf32> to vector<1xf32>
      %squeeze3A_1408 = vector.extract %slice3A_1407[0] : f32 from vector<1xf32>
      %mul3A_1409 = arith.mulf %gather3A_1405, %gather3A_1406 : vector<16xf32>
      %mul3A_1410 = vector.broadcast %squeeze3A_1408 : f32 to vector<16xf32>
      %mul3A_1411 = arith.mulf %mul3A_1409, %mul3A_1410 : vector<16xf32>
      %add3A_1412 = arith.addf %add3A_1402, %mul3A_1411 : vector<16xf32>
      %broadcast_in_dim3A_1413 = arith.constant 5 : i32
      %broadcast_in_dim3A_1414 = vector.broadcast %broadcast_in_dim3A_1413 : i32 to vector<16xi32>
      %gather3A_1415 = tpu.vector_load_idx %arg13[%broadcast_in_dim3A, %iota3A, %get3A_1359, %broadcast_in_dim3A_1414] : memref<3x16x8x32xf32, #tpu.memory_space<vmem>>[vector<16xi32>, vector<16xi32>, vector<16xi32>, vector<16xi32>], vector<16xf32>,
      %gather3A_1416 = tpu.vector_load_idx %arg14[%broadcast_in_dim3A, %iota3A, %get3A_1361, %broadcast_in_dim3A_1414] : memref<3x16x8x32xf32, #tpu.memory_space<vmem>>[vector<16xi32>, vector<16xi32>, vector<16xi32>, vector<16xi32>], vector<16xf32>,
      %slice3A_1417 = vector.extract_strided_slice %get3A_3 {offsets = [5], sizes = [1], strides = [1]} : vector<16xf32> to vector<1xf32>
      %squeeze3A_1418 = vector.extract %slice3A_1417[0] : f32 from vector<1xf32>
      %mul3A_1419 = arith.mulf %gather3A_1415, %gather3A_1416 : vector<16xf32>
      %mul3A_1420 = vector.broadcast %squeeze3A_1418 : f32 to vector<16xf32>
      %mul3A_1421 = arith.mulf %mul3A_1419, %mul3A_1420 : vector<16xf32>
      %add3A_1422 = arith.addf %add3A_1412, %mul3A_1421 : vector<16xf32>
      %broadcast_in_dim3A_1423 = arith.constant 6 : i32
      %broadcast_in_dim3A_1424 = vector.broadcast %broadcast_in_dim3A_1423 : i32 to vector<16xi32>
      %gather3A_1425 = tpu.vector_load_idx %arg13[%broadcast_in_dim3A, %iota3A, %get3A_1359, %broadcast_in_dim3A_1424] : memref<3x16x8x32xf32, #tpu.memory_space<vmem>>[vector<16xi32>, vector<16xi32>, vector<16xi32>, vector<16xi32>], vector<16xf32>,
      %gather3A_1426 = tpu.vector_load_idx %arg14[%broadcast_in_dim3A, %iota3A, %get3A_1361, %broadcast_in_dim3A_1424] : memref<3x16x8x32xf32, #tpu.memory_space<vmem>>[vector<16xi32>, vector<16xi32>, vector<16xi32>, vector<16xi32>], vector<16xf32>,
      %slice3A_1427 = vector.extract_strided_slice %get3A_3 {offsets = [6], sizes = [1], strides = [1]} : vector<16xf32> to vector<1xf32>
      %squeeze3A_1428 = vector.extract %slice3A_1427[0] : f32 from vector<1xf32>
      %mul3A_1429 = arith.mulf %gather3A_1425, %gather3A_1426 : vector<16xf32>
      %mul3A_1430 = vector.broadcast %squeeze3A_1428 : f32 to vector<16xf32>
      %mul3A_1431 = arith.mulf %mul3A_1429, %mul3A_1430 : vector<16xf32>
      %add3A_1432 = arith.addf %add3A_1422, %mul3A_1431 : vector<16xf32>
      %broadcast_in_dim3A_1433 = arith.constant 7 : i32
      %broadcast_in_dim3A_1434 = vector.broadcast %broadcast_in_dim3A_1433 : i32 to vector<16xi32>
      %gather3A_1435 = tpu.vector_load_idx %arg13[%broadcast_in_dim3A, %iota3A, %get3A_1359, %broadcast_in_dim3A_1434] : memref<3x16x8x32xf32, #tpu.memory_space<vmem>>[vector<16xi32>, vector<16xi32>, vector<16xi32>, vector<16xi32>], vector<16xf32>,
      %gather3A_1436 = tpu.vector_load_idx %arg14[%broadcast_in_dim3A, %iota3A, %get3A_1361, %broadcast_in_dim3A_1434] : memref<3x16x8x32xf32, #tpu.memory_space<vmem>>[vector<16xi32>, vector<16xi32>, vector<16xi32>, vector<16xi32>], vector<16xf32>,
      %slice3A_1437 = vector.extract_strided_slice %get3A_3 {offsets = [7], sizes = [1], strides = [1]} : vector<16xf32> to vector<1xf32>
      %squeeze3A_1438 = vector.extract %slice3A_1437[0] : f32 from vector<1xf32>
      %mul3A_1439 = arith.mulf %gather3A_1435, %gather3A_1436 : vector<16xf32>
      %mul3A_1440 = vector.broadcast %squeeze3A_1438 : f32 to vector<16xf32>
      %mul3A_1441 = arith.mulf %mul3A_1439, %mul3A_1440 : vector<16xf32>
      %add3A_1442 = arith.addf %add3A_1432, %mul3A_1441 : vector<16xf32>
      %broadcast_in_dim3A_1443 = arith.constant 8 : i32
      %broadcast_in_dim3A_1444 = vector.broadcast %broadcast_in_dim3A_1443 : i32 to vector<16xi32>
      %gather3A_1445 = tpu.vector_load_idx %arg13[%broadcast_in_dim3A, %iota3A, %get3A_1359, %broadcast_in_dim3A_1444] : memref<3x16x8x32xf32, #tpu.memory_space<vmem>>[vector<16xi32>, vector<16xi32>, vector<16xi32>, vector<16xi32>], vector<16xf32>,
      %gather3A_1446 = tpu.vector_load_idx %arg14[%broadcast_in_dim3A, %iota3A, %get3A_1361, %broadcast_in_dim3A_1444] : memref<3x16x8x32xf32, #tpu.memory_space<vmem>>[vector<16xi32>, vector<16xi32>, vector<16xi32>, vector<16xi32>], vector<16xf32>,
      %slice3A_1447 = vector.extract_strided_slice %get3A_3 {offsets = [8], sizes = [1], strides = [1]} : vector<16xf32> to vector<1xf32>
      %squeeze3A_1448 = vector.extract %slice3A_1447[0] : f32 from vector<1xf32>
      %mul3A_1449 = arith.mulf %gather3A_1445, %gather3A_1446 : vector<16xf32>
      %mul3A_1450 = vector.broadcast %squeeze3A_1448 : f32 to vector<16xf32>
      %mul3A_1451 = arith.mulf %mul3A_1449, %mul3A_1450 : vector<16xf32>
      %add3A_1452 = arith.addf %add3A_1442, %mul3A_1451 : vector<16xf32>
      %broadcast_in_dim3A_1453 = arith.constant 9 : i32
      %broadcast_in_dim3A_1454 = vector.broadcast %broadcast_in_dim3A_1453 : i32 to vector<16xi32>
      %gather3A_1455 = tpu.vector_load_idx %arg13[%broadcast_in_dim3A, %iota3A, %get3A_1359, %broadcast_in_dim3A_1454] : memref<3x16x8x32xf32, #tpu.memory_space<vmem>>[vector<16xi32>, vector<16xi32>, vector<16xi32>, vector<16xi32>], vector<16xf32>,
      %gather3A_1456 = tpu.vector_load_idx %arg14[%broadcast_in_dim3A, %iota3A, %get3A_1361, %broadcast_in_dim3A_1454] : memref<3x16x8x32xf32, #tpu.memory_space<vmem>>[vector<16xi32>, vector<16xi32>, vector<16xi32>, vector<16xi32>], vector<16xf32>,
      %slice3A_1457 = vector.extract_strided_slice %get3A_3 {offsets = [9], sizes = [1], strides = [1]} : vector<16xf32> to vector<1xf32>
      %squeeze3A_1458 = vector.extract %slice3A_1457[0] : f32 from vector<1xf32>
      %mul3A_1459 = arith.mulf %gather3A_1455, %gather3A_1456 : vector<16xf32>
      %mul3A_1460 = vector.broadcast %squeeze3A_1458 : f32 to vector<16xf32>
      %mul3A_1461 = arith.mulf %mul3A_1459, %mul3A_1460 : vector<16xf32>
      %add3A_1462 = arith.addf %add3A_1452, %mul3A_1461 : vector<16xf32>
      %broadcast_in_dim3A_1463 = arith.constant 10 : i32
      %broadcast_in_dim3A_1464 = vector.broadcast %broadcast_in_dim3A_1463 : i32 to vector<16xi32>
      %gather3A_1465 = tpu.vector_load_idx %arg13[%broadcast_in_dim3A, %iota3A, %get3A_1359, %broadcast_in_dim3A_1464] : memref<3x16x8x32xf32, #tpu.memory_space<vmem>>[vector<16xi32>, vector<16xi32>, vector<16xi32>, vector<16xi32>], vector<16xf32>,
      %gather3A_1466 = tpu.vector_load_idx %arg14[%broadcast_in_dim3A, %iota3A, %get3A_1361, %broadcast_in_dim3A_1464] : memref<3x16x8x32xf32, #tpu.memory_space<vmem>>[vector<16xi32>, vector<16xi32>, vector<16xi32>, vector<16xi32>], vector<16xf32>,
      %slice3A_1467 = vector.extract_strided_slice %get3A_3 {offsets = [10], sizes = [1], strides = [1]} : vector<16xf32> to vector<1xf32>
      %squeeze3A_1468 = vector.extract %slice3A_1467[0] : f32 from vector<1xf32>
      %mul3A_1469 = arith.mulf %gather3A_1465, %gather3A_1466 : vector<16xf32>
      %mul3A_1470 = vector.broadcast %squeeze3A_1468 : f32 to vector<16xf32>
      %mul3A_1471 = arith.mulf %mul3A_1469, %mul3A_1470 : vector<16xf32>
      %add3A_1472 = arith.addf %add3A_1462, %mul3A_1471 : vector<16xf32>
      %broadcast_in_dim3A_1473 = arith.constant 11 : i32
      %broadcast_in_dim3A_1474 = vector.broadcast %broadcast_in_dim3A_1473 : i32 to vector<16xi32>
      %gather3A_1475 = tpu.vector_load_idx %arg13[%broadcast_in_dim3A, %iota3A, %get3A_1359, %broadcast_in_dim3A_1474] : memref<3x16x8x32xf32, #tpu.memory_space<vmem>>[vector<16xi32>, vector<16xi32>, vector<16xi32>, vector<16xi32>], vector<16xf32>,
      %gather3A_1476 = tpu.vector_load_idx %arg14[%broadcast_in_dim3A, %iota3A, %get3A_1361, %broadcast_in_dim3A_1474] : memref<3x16x8x32xf32, #tpu.memory_space<vmem>>[vector<16xi32>, vector<16xi32>, vector<16xi32>, vector<16xi32>], vector<16xf32>,
      %slice3A_1477 = vector.extract_strided_slice %get3A_3 {offsets = [11], sizes = [1], strides = [1]} : vector<16xf32> to vector<1xf32>
      %squeeze3A_1478 = vector.extract %slice3A_1477[0] : f32 from vector<1xf32>
      %mul3A_1479 = arith.mulf %gather3A_1475, %gather3A_1476 : vector<16xf32>
      %mul3A_1480 = vector.broadcast %squeeze3A_1478 : f32 to vector<16xf32>
      %mul3A_1481 = arith.mulf %mul3A_1479, %mul3A_1480 : vector<16xf32>
      %add3A_1482 = arith.addf %add3A_1472, %mul3A_1481 : vector<16xf32>
      %broadcast_in_dim3A_1483 = arith.constant 12 : i32
      %broadcast_in_dim3A_1484 = vector.broadcast %broadcast_in_dim3A_1483 : i32 to vector<16xi32>
      %gather3A_1485 = tpu.vector_load_idx %arg13[%broadcast_in_dim3A, %iota3A, %get3A_1359, %broadcast_in_dim3A_1484] : memref<3x16x8x32xf32, #tpu.memory_space<vmem>>[vector<16xi32>, vector<16xi32>, vector<16xi32>, vector<16xi32>], vector<16xf32>,
      %gather3A_1486 = tpu.vector_load_idx %arg14[%broadcast_in_dim3A, %iota3A, %get3A_1361, %broadcast_in_dim3A_1484] : memref<3x16x8x32xf32, #tpu.memory_space<vmem>>[vector<16xi32>, vector<16xi32>, vector<16xi32>, vector<16xi32>], vector<16xf32>,
      %slice3A_1487 = vector.extract_strided_slice %get3A_3 {offsets = [12], sizes = [1], strides = [1]} : vector<16xf32> to vector<1xf32>
      %squeeze3A_1488 = vector.extract %slice3A_1487[0] : f32 from vector<1xf32>
      %mul3A_1489 = arith.mulf %gather3A_1485, %gather3A_1486 : vector<16xf32>
      %mul3A_1490 = vector.broadcast %squeeze3A_1488 : f32 to vector<16xf32>
      %mul3A_1491 = arith.mulf %mul3A_1489, %mul3A_1490 : vector<16xf32>
      %add3A_1492 = arith.addf %add3A_1482, %mul3A_1491 : vector<16xf32>
      %broadcast_in_dim3A_1493 = arith.constant 13 : i32
      %broadcast_in_dim3A_1494 = vector.broadcast %broadcast_in_dim3A_1493 : i32 to vector<16xi32>
      %gather3A_1495 = tpu.vector_load_idx %arg13[%broadcast_in_dim3A, %iota3A, %get3A_1359, %broadcast_in_dim3A_1494] : memref<3x16x8x32xf32, #tpu.memory_space<vmem>>[vector<16xi32>, vector<16xi32>, vector<16xi32>, vector<16xi32>], vector<16xf32>,
      %gather3A_1496 = tpu.vector_load_idx %arg14[%broadcast_in_dim3A, %iota3A, %get3A_1361, %broadcast_in_dim3A_1494] : memref<3x16x8x32xf32, #tpu.memory_space<vmem>>[vector<16xi32>, vector<16xi32>, vector<16xi32>, vector<16xi32>], vector<16xf32>,
      %slice3A_1497 = vector.extract_strided_slice %get3A_3 {offsets = [13], sizes = [1], strides = [1]} : vector<16xf32> to vector<1xf32>
      %squeeze3A_1498 = vector.extract %slice3A_1497[0] : f32 from vector<1xf32>
      %mul3A_1499 = arith.mulf %gather3A_1495, %gather3A_1496 : vector<16xf32>
      %mul3A_1500 = vector.broadcast %squeeze3A_1498 : f32 to vector<16xf32>
      %mul3A_1501 = arith.mulf %mul3A_1499, %mul3A_1500 : vector<16xf32>
      %add3A_1502 = arith.addf %add3A_1492, %mul3A_1501 : vector<16xf32>
      %broadcast_in_dim3A_1503 = arith.constant 14 : i32
      %broadcast_in_dim3A_1504 = vector.broadcast %broadcast_in_dim3A_1503 : i32 to vector<16xi32>
      %gather3A_1505 = tpu.vector_load_idx %arg13[%broadcast_in_dim3A, %iota3A, %get3A_1359, %broadcast_in_dim3A_1504] : memref<3x16x8x32xf32, #tpu.memory_space<vmem>>[vector<16xi32>, vector<16xi32>, vector<16xi32>, vector<16xi32>], vector<16xf32>,
      %gather3A_1506 = tpu.vector_load_idx %arg14[%broadcast_in_dim3A, %iota3A, %get3A_1361, %broadcast_in_dim3A_1504] : memref<3x16x8x32xf32, #tpu.memory_space<vmem>>[vector<16xi32>, vector<16xi32>, vector<16xi32>, vector<16xi32>], vector<16xf32>,
      %slice3A_1507 = vector.extract_strided_slice %get3A_3 {offsets = [14], sizes = [1], strides = [1]} : vector<16xf32> to vector<1xf32>
      %squeeze3A_1508 = vector.extract %slice3A_1507[0] : f32 from vector<1xf32>
      %mul3A_1509 = arith.mulf %gather3A_1505, %gather3A_1506 : vector<16xf32>
      %mul3A_1510 = vector.broadcast %squeeze3A_1508 : f32 to vector<16xf32>
      %mul3A_1511 = arith.mulf %mul3A_1509, %mul3A_1510 : vector<16xf32>
      %add3A_1512 = arith.addf %add3A_1502, %mul3A_1511 : vector<16xf32>
      %broadcast_in_dim3A_1513 = arith.constant 15 : i32
      %broadcast_in_dim3A_1514 = vector.broadcast %broadcast_in_dim3A_1513 : i32 to vector<16xi32>
      %gather3A_1515 = tpu.vector_load_idx %arg13[%broadcast_in_dim3A, %iota3A, %get3A_1359, %broadcast_in_dim3A_1514] : memref<3x16x8x32xf32, #tpu.memory_space<vmem>>[vector<16xi32>, vector<16xi32>, vector<16xi32>, vector<16xi32>], vector<16xf32>,
      %gather3A_1516 = tpu.vector_load_idx %arg14[%broadcast_in_dim3A, %iota3A, %get3A_1361, %broadcast_in_dim3A_1514] : memref<3x16x8x32xf32, #tpu.memory_space<vmem>>[vector<16xi32>, vector<16xi32>, vector<16xi32>, vector<16xi32>], vector<16xf32>,
      %slice3A_1517 = vector.extract_strided_slice %get3A_3 {offsets = [15], sizes = [1], strides = [1]} : vector<16xf32> to vector<1xf32>
      %squeeze3A_1518 = vector.extract %slice3A_1517[0] : f32 from vector<1xf32>
      %mul3A_1519 = arith.mulf %gather3A_1515, %gather3A_1516 : vector<16xf32>
      %mul3A_1520 = vector.broadcast %squeeze3A_1518 : f32 to vector<16xf32>
      %mul3A_1521 = arith.mulf %mul3A_1519, %mul3A_1520 : vector<16xf32>
      %add3A_1522 = arith.addf %add3A_1512, %mul3A_1521 : vector<16xf32>
      %broadcast_in_dim3A_1523 = arith.constant 16 : i32
      %broadcast_in_dim3A_1524 = vector.broadcast %broadcast_in_dim3A_1523 : i32 to vector<16xi32>
      %gather3A_1525 = tpu.vector_load_idx %arg13[%broadcast_in_dim3A, %iota3A, %get3A_1359, %broadcast_in_dim3A_1524] : memref<3x16x8x32xf32, #tpu.memory_space<vmem>>[vector<16xi32>, vector<16xi32>, vector<16xi32>, vector<16xi32>], vector<16xf32>,
      %gather3A_1526 = tpu.vector_load_idx %arg14[%broadcast_in_dim3A, %iota3A, %get3A_1361, %broadcast_in_dim3A_1524] : memref<3x16x8x32xf32, #tpu.memory_space<vmem>>[vector<16xi32>, vector<16xi32>, vector<16xi32>, vector<16xi32>], vector<16xf32>,
      %slice3A_1527 = vector.extract_strided_slice %get3A_5 {offsets = [0], sizes = [1], strides = [1]} : vector<16xf32> to vector<1xf32>
      %squeeze3A_1528 = vector.extract %slice3A_1527[0] : f32 from vector<1xf32>
      %mul3A_1529 = arith.mulf %gather3A_1525, %gather3A_1526 : vector<16xf32>
      %mul3A_1530 = vector.broadcast %squeeze3A_1528 : f32 to vector<16xf32>
      %mul3A_1531 = arith.mulf %mul3A_1529, %mul3A_1530 : vector<16xf32>
      %add3A_1532 = arith.addf %add3A_1522, %mul3A_1531 : vector<16xf32>
      %broadcast_in_dim3A_1533 = arith.constant 17 : i32
      %broadcast_in_dim3A_1534 = vector.broadcast %broadcast_in_dim3A_1533 : i32 to vector<16xi32>
      %gather3A_1535 = tpu.vector_load_idx %arg13[%broadcast_in_dim3A, %iota3A, %get3A_1359, %broadcast_in_dim3A_1534] : memref<3x16x8x32xf32, #tpu.memory_space<vmem>>[vector<16xi32>, vector<16xi32>, vector<16xi32>, vector<16xi32>], vector<16xf32>,
      %gather3A_1536 = tpu.vector_load_idx %arg14[%broadcast_in_dim3A, %iota3A, %get3A_1361, %broadcast_in_dim3A_1534] : memref<3x16x8x32xf32, #tpu.memory_space<vmem>>[vector<16xi32>, vector<16xi32>, vector<16xi32>, vector<16xi32>], vector<16xf32>,
      %slice3A_1537 = vector.extract_strided_slice %get3A_5 {offsets = [1], sizes = [1], strides = [1]} : vector<16xf32> to vector<1xf32>
      %squeeze3A_1538 = vector.extract %slice3A_1537[0] : f32 from vector<1xf32>
      %mul3A_1539 = arith.mulf %gather3A_1535, %gather3A_1536 : vector<16xf32>
      %mul3A_1540 = vector.broadcast %squeeze3A_1538 : f32 to vector<16xf32>
      %mul3A_1541 = arith.mulf %mul3A_1539, %mul3A_1540 : vector<16xf32>
      %add3A_1542 = arith.addf %add3A_1532, %mul3A_1541 : vector<16xf32>
      %broadcast_in_dim3A_1543 = arith.constant 18 : i32
      %broadcast_in_dim3A_1544 = vector.broadcast %broadcast_in_dim3A_1543 : i32 to vector<16xi32>
      %gather3A_1545 = tpu.vector_load_idx %arg13[%broadcast_in_dim3A, %iota3A, %get3A_1359, %broadcast_in_dim3A_1544] : memref<3x16x8x32xf32, #tpu.memory_space<vmem>>[vector<16xi32>, vector<16xi32>, vector<16xi32>, vector<16xi32>], vector<16xf32>,
      %gather3A_1546 = tpu.vector_load_idx %arg14[%broadcast_in_dim3A, %iota3A, %get3A_1361, %broadcast_in_dim3A_1544] : memref<3x16x8x32xf32, #tpu.memory_space<vmem>>[vector<16xi32>, vector<16xi32>, vector<16xi32>, vector<16xi32>], vector<16xf32>,
      %slice3A_1547 = vector.extract_strided_slice %get3A_5 {offsets = [2], sizes = [1], strides = [1]} : vector<16xf32> to vector<1xf32>
      %squeeze3A_1548 = vector.extract %slice3A_1547[0] : f32 from vector<1xf32>
      %mul3A_1549 = arith.mulf %gather3A_1545, %gather3A_1546 : vector<16xf32>
      %mul3A_1550 = vector.broadcast %squeeze3A_1548 : f32 to vector<16xf32>
      %mul3A_1551 = arith.mulf %mul3A_1549, %mul3A_1550 : vector<16xf32>
      %add3A_1552 = arith.addf %add3A_1542, %mul3A_1551 : vector<16xf32>
      %broadcast_in_dim3A_1553 = arith.constant 19 : i32
      %broadcast_in_dim3A_1554 = vector.broadcast %broadcast_in_dim3A_1553 : i32 to vector<16xi32>
      %gather3A_1555 = tpu.vector_load_idx %arg13[%broadcast_in_dim3A, %iota3A, %get3A_1359, %broadcast_in_dim3A_1554] : memref<3x16x8x32xf32, #tpu.memory_space<vmem>>[vector<16xi32>, vector<16xi32>, vector<16xi32>, vector<16xi32>], vector<16xf32>,
      %gather3A_1556 = tpu.vector_load_idx %arg14[%broadcast_in_dim3A, %iota3A, %get3A_1361, %broadcast_in_dim3A_1554] : memref<3x16x8x32xf32, #tpu.memory_space<vmem>>[vector<16xi32>, vector<16xi32>, vector<16xi32>, vector<16xi32>], vector<16xf32>,
      %slice3A_1557 = vector.extract_strided_slice %get3A_5 {offsets = [3], sizes = [1], strides = [1]} : vector<16xf32> to vector<1xf32>
      %squeeze3A_1558 = vector.extract %slice3A_1557[0] : f32 from vector<1xf32>
      %mul3A_1559 = arith.mulf %gather3A_1555, %gather3A_1556 : vector<16xf32>
      %mul3A_1560 = vector.broadcast %squeeze3A_1558 : f32 to vector<16xf32>
      %mul3A_1561 = arith.mulf %mul3A_1559, %mul3A_1560 : vector<16xf32>
      %add3A_1562 = arith.addf %add3A_1552, %mul3A_1561 : vector<16xf32>
      %broadcast_in_dim3A_1563 = arith.constant 20 : i32
      %broadcast_in_dim3A_1564 = vector.broadcast %broadcast_in_dim3A_1563 : i32 to vector<16xi32>
      %gather3A_1565 = tpu.vector_load_idx %arg13[%broadcast_in_dim3A, %iota3A, %get3A_1359, %broadcast_in_dim3A_1564] : memref<3x16x8x32xf32, #tpu.memory_space<vmem>>[vector<16xi32>, vector<16xi32>, vector<16xi32>, vector<16xi32>], vector<16xf32>,
      %gather3A_1566 = tpu.vector_load_idx %arg14[%broadcast_in_dim3A, %iota3A, %get3A_1361, %broadcast_in_dim3A_1564] : memref<3x16x8x32xf32, #tpu.memory_space<vmem>>[vector<16xi32>, vector<16xi32>, vector<16xi32>, vector<16xi32>], vector<16xf32>,
      %slice3A_1567 = vector.extract_strided_slice %get3A_5 {offsets = [4], sizes = [1], strides = [1]} : vector<16xf32> to vector<1xf32>
      %squeeze3A_1568 = vector.extract %slice3A_1567[0] : f32 from vector<1xf32>
      %mul3A_1569 = arith.mulf %gather3A_1565, %gather3A_1566 : vector<16xf32>
      %mul3A_1570 = vector.broadcast %squeeze3A_1568 : f32 to vector<16xf32>
      %mul3A_1571 = arith.mulf %mul3A_1569, %mul3A_1570 : vector<16xf32>
      %add3A_1572 = arith.addf %add3A_1562, %mul3A_1571 : vector<16xf32>
      %broadcast_in_dim3A_1573 = arith.constant 21 : i32
      %broadcast_in_dim3A_1574 = vector.broadcast %broadcast_in_dim3A_1573 : i32 to vector<16xi32>
      %gather3A_1575 = tpu.vector_load_idx %arg13[%broadcast_in_dim3A, %iota3A, %get3A_1359, %broadcast_in_dim3A_1574] : memref<3x16x8x32xf32, #tpu.memory_space<vmem>>[vector<16xi32>, vector<16xi32>, vector<16xi32>, vector<16xi32>], vector<16xf32>,
      %gather3A_1576 = tpu.vector_load_idx %arg14[%broadcast_in_dim3A, %iota3A, %get3A_1361, %broadcast_in_dim3A_1574] : memref<3x16x8x32xf32, #tpu.memory_space<vmem>>[vector<16xi32>, vector<16xi32>, vector<16xi32>, vector<16xi32>], vector<16xf32>,
      %slice3A_1577 = vector.extract_strided_slice %get3A_5 {offsets = [5], sizes = [1], strides = [1]} : vector<16xf32> to vector<1xf32>
      %squeeze3A_1578 = vector.extract %slice3A_1577[0] : f32 from vector<1xf32>
      %mul3A_1579 = arith.mulf %gather3A_1575, %gather3A_1576 : vector<16xf32>
      %mul3A_1580 = vector.broadcast %squeeze3A_1578 : f32 to vector<16xf32>
      %mul3A_1581 = arith.mulf %mul3A_1579, %mul3A_1580 : vector<16xf32>
      %add3A_1582 = arith.addf %add3A_1572, %mul3A_1581 : vector<16xf32>
      %broadcast_in_dim3A_1583 = arith.constant 22 : i32
      %broadcast_in_dim3A_1584 = vector.broadcast %broadcast_in_dim3A_1583 : i32 to vector<16xi32>
      %gather3A_1585 = tpu.vector_load_idx %arg13[%broadcast_in_dim3A, %iota3A, %get3A_1359, %broadcast_in_dim3A_1584] : memref<3x16x8x32xf32, #tpu.memory_space<vmem>>[vector<16xi32>, vector<16xi32>, vector<16xi32>, vector<16xi32>], vector<16xf32>,
      %gather3A_1586 = tpu.vector_load_idx %arg14[%broadcast_in_dim3A, %iota3A, %get3A_1361, %broadcast_in_dim3A_1584] : memref<3x16x8x32xf32, #tpu.memory_space<vmem>>[vector<16xi32>, vector<16xi32>, vector<16xi32>, vector<16xi32>], vector<16xf32>,
      %slice3A_1587 = vector.extract_strided_slice %get3A_5 {offsets = [6], sizes = [1], strides = [1]} : vector<16xf32> to vector<1xf32>
      %squeeze3A_1588 = vector.extract %slice3A_1587[0] : f32 from vector<1xf32>
      %mul3A_1589 = arith.mulf %gather3A_1585, %gather3A_1586 : vector<16xf32>
      %mul3A_1590 = vector.broadcast %squeeze3A_1588 : f32 to vector<16xf32>
      %mul3A_1591 = arith.mulf %mul3A_1589, %mul3A_1590 : vector<16xf32>
      %add3A_1592 = arith.addf %add3A_1582, %mul3A_1591 : vector<16xf32>
      %broadcast_in_dim3A_1593 = arith.constant 23 : i32
      %broadcast_in_dim3A_1594 = vector.broadcast %broadcast_in_dim3A_1593 : i32 to vector<16xi32>
      %gather3A_1595 = tpu.vector_load_idx %arg13[%broadcast_in_dim3A, %iota3A, %get3A_1359, %broadcast_in_dim3A_1594] : memref<3x16x8x32xf32, #tpu.memory_space<vmem>>[vector<16xi32>, vector<16xi32>, vector<16xi32>, vector<16xi32>], vector<16xf32>,
      %gather3A_1596 = tpu.vector_load_idx %arg14[%broadcast_in_dim3A, %iota3A, %get3A_1361, %broadcast_in_dim3A_1594] : memref<3x16x8x32xf32, #tpu.memory_space<vmem>>[vector<16xi32>, vector<16xi32>, vector<16xi32>, vector<16xi32>], vector<16xf32>,
      %slice3A_1597 = vector.extract_strided_slice %get3A_5 {offsets = [7], sizes = [1], strides = [1]} : vector<16xf32> to vector<1xf32>
      %squeeze3A_1598 = vector.extract %slice3A_1597[0] : f32 from vector<1xf32>
      %mul3A_1599 = arith.mulf %gather3A_1595, %gather3A_1596 : vector<16xf32>
      %mul3A_1600 = vector.broadcast %squeeze3A_1598 : f32 to vector<16xf32>
      %mul3A_1601 = arith.mulf %mul3A_1599, %mul3A_1600 : vector<16xf32>
      %add3A_1602 = arith.addf %add3A_1592, %mul3A_1601 : vector<16xf32>
      %broadcast_in_dim3A_1603 = arith.constant 24 : i32
      %broadcast_in_dim3A_1604 = vector.broadcast %broadcast_in_dim3A_1603 : i32 to vector<16xi32>
      %gather3A_1605 = tpu.vector_load_idx %arg13[%broadcast_in_dim3A, %iota3A, %get3A_1359, %broadcast_in_dim3A_1604] : memref<3x16x8x32xf32, #tpu.memory_space<vmem>>[vector<16xi32>, vector<16xi32>, vector<16xi32>, vector<16xi32>], vector<16xf32>,
      %gather3A_1606 = tpu.vector_load_idx %arg14[%broadcast_in_dim3A, %iota3A, %get3A_1361, %broadcast_in_dim3A_1604] : memref<3x16x8x32xf32, #tpu.memory_space<vmem>>[vector<16xi32>, vector<16xi32>, vector<16xi32>, vector<16xi32>], vector<16xf32>,
      %slice3A_1607 = vector.extract_strided_slice %get3A_5 {offsets = [8], sizes = [1], strides = [1]} : vector<16xf32> to vector<1xf32>
      %squeeze3A_1608 = vector.extract %slice3A_1607[0] : f32 from vector<1xf32>
      %mul3A_1609 = arith.mulf %gather3A_1605, %gather3A_1606 : vector<16xf32>
      %mul3A_1610 = vector.broadcast %squeeze3A_1608 : f32 to vector<16xf32>
      %mul3A_1611 = arith.mulf %mul3A_1609, %mul3A_1610 : vector<16xf32>
      %add3A_1612 = arith.addf %add3A_1602, %mul3A_1611 : vector<16xf32>
      %broadcast_in_dim3A_1613 = arith.constant 25 : i32
      %broadcast_in_dim3A_1614 = vector.broadcast %broadcast_in_dim3A_1613 : i32 to vector<16xi32>
      %gather3A_1615 = tpu.vector_load_idx %arg13[%broadcast_in_dim3A, %iota3A, %get3A_1359, %broadcast_in_dim3A_1614] : memref<3x16x8x32xf32, #tpu.memory_space<vmem>>[vector<16xi32>, vector<16xi32>, vector<16xi32>, vector<16xi32>], vector<16xf32>,
      %gather3A_1616 = tpu.vector_load_idx %arg14[%broadcast_in_dim3A, %iota3A, %get3A_1361, %broadcast_in_dim3A_1614] : memref<3x16x8x32xf32, #tpu.memory_space<vmem>>[vector<16xi32>, vector<16xi32>, vector<16xi32>, vector<16xi32>], vector<16xf32>,
      %slice3A_1617 = vector.extract_strided_slice %get3A_5 {offsets = [9], sizes = [1], strides = [1]} : vector<16xf32> to vector<1xf32>
      %squeeze3A_1618 = vector.extract %slice3A_1617[0] : f32 from vector<1xf32>
      %mul3A_1619 = arith.mulf %gather3A_1615, %gather3A_1616 : vector<16xf32>
      %mul3A_1620 = vector.broadcast %squeeze3A_1618 : f32 to vector<16xf32>
      %mul3A_1621 = arith.mulf %mul3A_1619, %mul3A_1620 : vector<16xf32>
      %add3A_1622 = arith.addf %add3A_1612, %mul3A_1621 : vector<16xf32>
      %broadcast_in_dim3A_1623 = arith.constant 26 : i32
      %broadcast_in_dim3A_1624 = vector.broadcast %broadcast_in_dim3A_1623 : i32 to vector<16xi32>
      %gather3A_1625 = tpu.vector_load_idx %arg13[%broadcast_in_dim3A, %iota3A, %get3A_1359, %broadcast_in_dim3A_1624] : memref<3x16x8x32xf32, #tpu.memory_space<vmem>>[vector<16xi32>, vector<16xi32>, vector<16xi32>, vector<16xi32>], vector<16xf32>,
      %gather3A_1626 = tpu.vector_load_idx %arg14[%broadcast_in_dim3A, %iota3A, %get3A_1361, %broadcast_in_dim3A_1624] : memref<3x16x8x32xf32, #tpu.memory_space<vmem>>[vector<16xi32>, vector<16xi32>, vector<16xi32>, vector<16xi32>], vector<16xf32>,
      %slice3A_1627 = vector.extract_strided_slice %get3A_5 {offsets = [10], sizes = [1], strides = [1]} : vector<16xf32> to vector<1xf32>
      %squeeze3A_1628 = vector.extract %slice3A_1627[0] : f32 from vector<1xf32>
      %mul3A_1629 = arith.mulf %gather3A_1625, %gather3A_1626 : vector<16xf32>
      %mul3A_1630 = vector.broadcast %squeeze3A_1628 : f32 to vector<16xf32>
      %mul3A_1631 = arith.mulf %mul3A_1629, %mul3A_1630 : vector<16xf32>
      %add3A_1632 = arith.addf %add3A_1622, %mul3A_1631 : vector<16xf32>
      %broadcast_in_dim3A_1633 = arith.constant 27 : i32
      %broadcast_in_dim3A_1634 = vector.broadcast %broadcast_in_dim3A_1633 : i32 to vector<16xi32>
      %gather3A_1635 = tpu.vector_load_idx %arg13[%broadcast_in_dim3A, %iota3A, %get3A_1359, %broadcast_in_dim3A_1634] : memref<3x16x8x32xf32, #tpu.memory_space<vmem>>[vector<16xi32>, vector<16xi32>, vector<16xi32>, vector<16xi32>], vector<16xf32>,
      %gather3A_1636 = tpu.vector_load_idx %arg14[%broadcast_in_dim3A, %iota3A, %get3A_1361, %broadcast_in_dim3A_1634] : memref<3x16x8x32xf32, #tpu.memory_space<vmem>>[vector<16xi32>, vector<16xi32>, vector<16xi32>, vector<16xi32>], vector<16xf32>,
      %slice3A_1637 = vector.extract_strided_slice %get3A_5 {offsets = [11], sizes = [1], strides = [1]} : vector<16xf32> to vector<1xf32>
      %squeeze3A_1638 = vector.extract %slice3A_1637[0] : f32 from vector<1xf32>
      %mul3A_1639 = arith.mulf %gather3A_1635, %gather3A_1636 : vector<16xf32>
      %mul3A_1640 = vector.broadcast %squeeze3A_1638 : f32 to vector<16xf32>
      %mul3A_1641 = arith.mulf %mul3A_1639, %mul3A_1640 : vector<16xf32>
      %add3A_1642 = arith.addf %add3A_1632, %mul3A_1641 : vector<16xf32>
      %broadcast_in_dim3A_1643 = arith.constant 28 : i32
      %broadcast_in_dim3A_1644 = vector.broadcast %broadcast_in_dim3A_1643 : i32 to vector<16xi32>
      %gather3A_1645 = tpu.vector_load_idx %arg13[%broadcast_in_dim3A, %iota3A, %get3A_1359, %broadcast_in_dim3A_1644] : memref<3x16x8x32xf32, #tpu.memory_space<vmem>>[vector<16xi32>, vector<16xi32>, vector<16xi32>, vector<16xi32>], vector<16xf32>,
      %gather3A_1646 = tpu.vector_load_idx %arg14[%broadcast_in_dim3A, %iota3A, %get3A_1361, %broadcast_in_dim3A_1644] : memref<3x16x8x32xf32, #tpu.memory_space<vmem>>[vector<16xi32>, vector<16xi32>, vector<16xi32>, vector<16xi32>], vector<16xf32>,
      %slice3A_1647 = vector.extract_strided_slice %get3A_5 {offsets = [12], sizes = [1], strides = [1]} : vector<16xf32> to vector<1xf32>
      %squeeze3A_1648 = vector.extract %slice3A_1647[0] : f32 from vector<1xf32>
      %mul3A_1649 = arith.mulf %gather3A_1645, %gather3A_1646 : vector<16xf32>
      %mul3A_1650 = vector.broadcast %squeeze3A_1648 : f32 to vector<16xf32>
      %mul3A_1651 = arith.mulf %mul3A_1649, %mul3A_1650 : vector<16xf32>
      %add3A_1652 = arith.addf %add3A_1642, %mul3A_1651 : vector<16xf32>
      %broadcast_in_dim3A_1653 = arith.constant 29 : i32
      %broadcast_in_dim3A_1654 = vector.broadcast %broadcast_in_dim3A_1653 : i32 to vector<16xi32>
      %gather3A_1655 = tpu.vector_load_idx %arg13[%broadcast_in_dim3A, %iota3A, %get3A_1359, %broadcast_in_dim3A_1654] : memref<3x16x8x32xf32, #tpu.memory_space<vmem>>[vector<16xi32>, vector<16xi32>, vector<16xi32>, vector<16xi32>], vector<16xf32>,
      %gather3A_1656 = tpu.vector_load_idx %arg14[%broadcast_in_dim3A, %iota3A, %get3A_1361, %broadcast_in_dim3A_1654] : memref<3x16x8x32xf32, #tpu.memory_space<vmem>>[vector<16xi32>, vector<16xi32>, vector<16xi32>, vector<16xi32>], vector<16xf32>,
      %slice3A_1657 = vector.extract_strided_slice %get3A_5 {offsets = [13], sizes = [1], strides = [1]} : vector<16xf32> to vector<1xf32>
      %squeeze3A_1658 = vector.extract %slice3A_1657[0] : f32 from vector<1xf32>
      %mul3A_1659 = arith.mulf %gather3A_1655, %gather3A_1656 : vector<16xf32>
      %mul3A_1660 = vector.broadcast %squeeze3A_1658 : f32 to vector<16xf32>
      %mul3A_1661 = arith.mulf %mul3A_1659, %mul3A_1660 : vector<16xf32>
      %add3A_1662 = arith.addf %add3A_1652, %mul3A_1661 : vector<16xf32>
      %broadcast_in_dim3A_1663 = arith.constant 30 : i32
      %broadcast_in_dim3A_1664 = vector.broadcast %broadcast_in_dim3A_1663 : i32 to vector<16xi32>
      %gather3A_1665 = tpu.vector_load_idx %arg13[%broadcast_in_dim3A, %iota3A, %get3A_1359, %broadcast_in_dim3A_1664] : memref<3x16x8x32xf32, #tpu.memory_space<vmem>>[vector<16xi32>, vector<16xi32>, vector<16xi32>, vector<16xi32>], vector<16xf32>,
      %gather3A_1666 = tpu.vector_load_idx %arg14[%broadcast_in_dim3A, %iota3A, %get3A_1361, %broadcast_in_dim3A_1664] : memref<3x16x8x32xf32, #tpu.memory_space<vmem>>[vector<16xi32>, vector<16xi32>, vector<16xi32>, vector<16xi32>], vector<16xf32>,
      %slice3A_1667 = vector.extract_strided_slice %get3A_5 {offsets = [14], sizes = [1], strides = [1]} : vector<16xf32> to vector<1xf32>
      %squeeze3A_1668 = vector.extract %slice3A_1667[0] : f32 from vector<1xf32>
      %mul3A_1669 = arith.mulf %gather3A_1665, %gather3A_1666 : vector<16xf32>
      %mul3A_1670 = vector.broadcast %squeeze3A_1668 : f32 to vector<16xf32>
      %mul3A_1671 = arith.mulf %mul3A_1669, %mul3A_1670 : vector<16xf32>
      %add3A_1672 = arith.addf %add3A_1662, %mul3A_1671 : vector<16xf32>
      %broadcast_in_dim3A_1673 = arith.constant 31 : i32
      %broadcast_in_dim3A_1674 = vector.broadcast %broadcast_in_dim3A_1673 : i32 to vector<16xi32>
      %gather3A_1675 = tpu.vector_load_idx %arg13[%broadcast_in_dim3A, %iota3A, %get3A_1359, %broadcast_in_dim3A_1674] : memref<3x16x8x32xf32, #tpu.memory_space<vmem>>[vector<16xi32>, vector<16xi32>, vector<16xi32>, vector<16xi32>], vector<16xf32>,
      %gather3A_1676 = tpu.vector_load_idx %arg14[%broadcast_in_dim3A, %iota3A, %get3A_1361, %broadcast_in_dim3A_1674] : memref<3x16x8x32xf32, #tpu.memory_space<vmem>>[vector<16xi32>, vector<16xi32>, vector<16xi32>, vector<16xi32>], vector<16xf32>,
      %slice3A_1677 = vector.extract_strided_slice %get3A_5 {offsets = [15], sizes = [1], strides = [1]} : vector<16xf32> to vector<1xf32>
      %squeeze3A_1678 = vector.extract %slice3A_1677[0] : f32 from vector<1xf32>
      %mul3A_1679 = arith.mulf %gather3A_1675, %gather3A_1676 : vector<16xf32>
      %mul3A_1680 = vector.broadcast %squeeze3A_1678 : f32 to vector<16xf32>
      %mul3A_1681 = arith.mulf %mul3A_1679, %mul3A_1680 : vector<16xf32>
      %add3A_1682 = arith.addf %add3A_1672, %mul3A_1681 : vector<16xf32>
      %add3A_1683 = vector.broadcast %squeeze3A : f32 to vector<16xf32>
      %add3A_1684 = arith.addf %add3A_1682, %add3A_1683 : vector<16xf32>
      %max3A = arith.constant 0.000000e+00 : f32
      %max3A_1685 = vector.broadcast %max3A : f32 to vector<16xf32>
      %max3A_1686 = arith.maximumf %add3A_1684, %max3A_1685 : vector<16xf32>
      %swap3A = arith.index_cast %mul3A_1357 : i32 to index
      %swap3A_1687 = tpu.vector_load %arg15[%swap3A] {strides = array<i32>} : memref<512xf32, #tpu.memory_space<vmem>>, vector<16xf32>,
      tpu.vector_store %arg15[%swap3A], %max3A_1686 {strides = array<i32>} : memref<512xf32, #tpu.memory_space<vmem>>, vector<16xf32>,
    }
    %scan3A_1316 = arith.constant 32 : i32
    "tpu.region"() ({
      %run_scoped3A = tpu.sem_alloc : memref<!tpu.dma_semaphore, #tpu.memory_space<semaphore_mem>>
      %dma_start3A_1317 = tpu.memref_slice %arg8[%mul3A_2] : memref<16384xf32, #tpu.memory_space<hbm>> -> memref<512xf32, #tpu.memory_space<hbm>>
      %dma_start3A_1318 = tpu.memref_slice %arg8[%mul3A_2] : memref<16384xf32, #tpu.memory_space<hbm>> -> memref<512xf32, #tpu.memory_space<hbm>>
      tpu.enqueue_dma source(%arg15 : memref<512xf32, #tpu.memory_space<vmem>>) target(%dma_start3A_1318 : memref<512xf32, #tpu.memory_space<hbm>>) target_semaphore(%run_scoped3A : memref<!tpu.dma_semaphore, #tpu.memory_space<semaphore_mem>>)
      %dma_wait3A = tpu.memref_slice %arg8[%mul3A_2] : memref<16384xf32, #tpu.memory_space<hbm>> -> memref<512xf32, #tpu.memory_space<hbm>>
      %dma_wait3A_1319 = tpu.memref_slice %arg8[%mul3A_2] : memref<16384xf32, #tpu.memory_space<hbm>> -> memref<512xf32, #tpu.memory_space<hbm>>
      tpu.wait_dma2 semaphore(%run_scoped3A : memref<!tpu.dma_semaphore, #tpu.memory_space<semaphore_mem>>) src(%arg15 : memref<512xf32, #tpu.memory_space<vmem>>) dst(%dma_wait3A_1319 : memref<512xf32, #tpu.memory_space<hbm>>)
      tpu.yield
    }) : () -> ()
    return
  }
}

</mosaic_0001>

<sc_bundles>
// kernel: kernel.3.cloned.1.call-start
scs
__scs_entry_jumppad:
0x0: {  	(pc) =	sbr.rel $0x88, $3  }
0x1: {  	(tag) =	ssettag $0x0;
	lr =	simm.s32 $0x1  }
0x2: {  	[smem:$0x3F9B] =	sst lr;
	_ =	strace $0xD0000000  }
0x3: {  	_ = 	snop  }
0x4: {  	_ = 	snop  }
0x5: {  	_ = 	snop  }
0x6: {  	_ = 	snop  }
0x7: {  	_ = 	snop  }
__scs_overlays_trampoline_lowered:
0x8: {  	[smem:$0x3FAA] =	sst s0  }
0x9: {  	[smem:$0x3FAB] =	sst s1  }
0xa: {  	[smem:$0x3FAC] =	sst s2  }
0xb: {  	[smem:$0x3FAD] =	sst s3  }
0xc: {  	[smem:$0x3FAE] =	sst s4  }
0xd: {  	[smem:$0x3FAF] =	sst s5  }
0xe: {  	[smem:$0x3FB0] =	sst s6  }
0xf: {  	[smem:$0x3FB1] =	sst s7  }
0x10: {  	[smem:$0x3FB2] =	sst s8  }
0x11: {  	[smem:$0x3FB3] =	sst s9;
	s0 =	simm.s32 @!p0 $0x0  }
0x12: {  	s1 =	sld [smem:$0x3F99];
	s0 =	simm.s32 @p0 $0x1  }
0x13: {  	[smem:$0x3FB4] =	sst s0;
	s0 =	simm.s32 @!p1 $0x0  }
0x14: {  	s2 =	sld [smem:$0x3F98];
	s0 =	simm.s32 @p1 $0x1  }
0x15: {  	[smem:$0x3FB5] =	sst s0;
	s0 =	simm.s32 @!p2 $0x0  }
0x16: {  	s3 =	sld [smem:$0x3FDB];
	s0 =	simm.s32 @p2 $0x1  }
0x17: {  	s4 =	simm.s32 $0x1BF5;
	[smem:$0x3FB7] =	sst s0  }
0x18: {  	s0 =	sld [smem:$0x3F9A];
	_ =	swait.ge [sflag:s4], $0x0  }
0x19: {  	s7 =	sld [smem:$0x3F9B]  }
0x1a: {  	s8 =	sadd.s32 $0xFFFFE003, lr  }
0x1b: {  	s9 =	sadd.s32 $0xFFFFFEF7, lr;
	s5 =	simm.s32 $0xFFFFFFFF;
	p2 =	slt.u32 s8, $0xFFFFF086  }
0x1c: {  	p1 =	slt.u32 s9, $0xF7A;
	s5 =	simm.s32 @!p2 $0x0  }
0x1d: {  	s5 =	simm.s32 @p1 $0x1;
	p0 =	seq.s32 s7, s2  }
0x1e: {  	s7 =	smul.u32 @!p0 $0xF7A, s2;
	p2 =	seq.s32 @!p0 s5, $0x0  }
0x1f: {  	s9 =	smul.u32 $0xF7A, s1;
	s8 =	simm.s32 @!p0 $0x1BF5;
	p2 =	por !p2, p0  }
0x20: {  	[sflag:s8] =	ssyncset.s32 @!p0 $0xFFFFF086;
	s6 =	sadd.s32 @!p0 s3, s7;
	s7 =	simm.s32 @!p0 $0x108  }
0x21: {  	s3 =	sadd.s32 s3, s9;
	s6 =	sadd.s32 @!p0 $0x88, s6;
	s7 =	simm.s32 @p2 $0x1082  }
0x22: {  	[simem:s7], [sflag:s8] =	dma.local @!p0 [hbm:s6], $0xF7A  }
0x23: {  	s9 =	sor.u32 $0xD0000000, s2;
	s6 =	simm.s32 $0x108;
	_ =	swait.ge @!p0 [sflag:s8], $0x0  }
0x24: {  	s3 =	sadd.s32 $0x88, s3;
	s6 =	simm.s32 @!p1 $0x1082;
	[sflag:s4] =	ssyncset.s32 $0xFFFFF086  }
0x25: {  	[simem:s6], [sflag:s4] =	dma.local [hbm:s3], $0xF7A  }
0x26: {  	[smem:$0x3F9B] =	sst s1;
	(tag) =	ssettag s2;
	_ =	strace s9  }
0x27: {  	s1 =	sld [smem:$0x3FAB]  }
0x28: {  	s2 =	sld [smem:$0x3FAC]  }
0x29: {  	s4 =	sld [smem:$0x3FAE]  }
0x2a: {  	p0 =	seq.s32 s5, $0x0;
	s5 =	sld [smem:$0x3FAF]  }
0x2b: {  	s6 =	sld [smem:$0x3FB0]  }
0x2c: {  	s7 =	sld [smem:$0x3FB1]  }
0x2d: {  	s3 =	simm.s32 $0x108;
	s8 =	sld [smem:$0x3FB2]  }
0x2e: {  	s3 =	simm.s32 @!p0 $0x1082;
	s9 =	sld [smem:$0x3FB3]  }
0x2f: {  	lr =	sadd.s32 s0, s3;
	s0 =	sld [smem:$0x3FAA]  }
0x30: {  	s3 =	sld [smem:$0x3FAD]  }
0x31: {  	[smem:$0x3FB6] =	sst s10  }
0x32: {  	s10 =	sld [smem:$0x3FB4];
	_ =	sdelay $0x3  }
0x33: {  	p0 =	seq.s32 s10, $0x1;
	s10 =	sld [smem:$0x3FB6];
	_ =	sdelay $0x3  }
0x34: {  	[smem:$0x3FB6] =	sst s10  }
0x35: {  	s10 =	sld [smem:$0x3FB5];
	_ =	sdelay $0x3  }
0x36: {  	p1 =	seq.s32 s10, $0x1;
	s10 =	sld [smem:$0x3FB6];
	_ =	sdelay $0x3  }
0x37: {  	[smem:$0x3FB6] =	sst s10  }
0x38: {  	s10 =	sld [smem:$0x3FB7]  }
0x39: {  	_ = 	snop;
	(pc) =	sbr.ind lr, $3  }
0x3a: {  	_ = 	snop  }
0x3b: {  	_ = 	snop  }
0x3c: {  	p2 =	seq.s32 s10, $0x1;
	s10 =	sld [smem:$0x3FB6]  }
0x3d: {  	_ =	shalt  }
0x3e: {  	_ =	shalt  }
0x3f: {  	_ =	shalt  }
0x40: {  	_ =	shalt  }
0x41: {  	_ =	shalt  }
0x42: {  	_ =	shalt  }
0x43: {  	_ =	shalt  }
0x44: {  	_ =	shalt  }
0x45: {  	_ =	shalt  }
0x46: {  	_ =	shalt  }
0x47: {  	_ =	shalt  }
0x48: {  	_ =	shalt  }
0x49: {  	_ =	shalt  }
0x4a: {  	_ =	shalt  }
0x4b: {  	_ =	shalt  }
0x4c: {  	_ =	shalt  }
0x4d: {  	_ =	shalt  }
0x4e: {  	_ =	shalt  }
0x4f: {  	_ =	shalt  }
0x50: {  	_ =	shalt  }
0x51: {  	_ =	shalt  }
0x52: {  	_ =	shalt  }
0x53: {  	_ =	shalt  }
0x54: {  	_ =	shalt  }
0x55: {  	_ =	shalt  }
0x56: {  	_ =	shalt  }
0x57: {  	_ =	shalt  }
0x58: {  	_ =	shalt  }
0x59: {  	_ =	shalt  }
0x5a: {  	_ =	shalt  }
0x5b: {  	_ =	shalt  }
0x5c: {  	_ =	shalt  }
0x5d: {  	_ =	shalt  }
0x5e: {  	_ =	shalt  }
0x5f: {  	_ =	shalt  }
0x60: {  	_ =	shalt  }
0x61: {  	_ =	shalt  }
0x62: {  	_ =	shalt  }
0x63: {  	_ =	shalt  }
0x64: {  	_ =	shalt  }
0x65: {  	_ =	shalt  }
0x66: {  	_ =	shalt  }
0x67: {  	_ =	shalt  }
0x68: {  	_ =	shalt  }
0x69: {  	_ =	shalt  }
0x6a: {  	_ =	shalt  }
0x6b: {  	_ =	shalt  }
0x6c: {  	_ =	shalt  }
0x6d: {  	_ =	shalt  }
0x6e: {  	_ =	shalt  }
0x6f: {  	_ =	shalt  }
0x70: {  	_ =	shalt  }
0x71: {  	_ =	shalt  }
0x72: {  	_ =	shalt  }
0x73: {  	_ =	shalt  }
0x74: {  	_ =	shalt  }
0x75: {  	_ =	shalt  }
0x76: {  	_ =	shalt  }
0x77: {  	_ =	shalt  }
0x78: {  	_ =	shalt  }
0x79: {  	_ =	shalt  }
0x7a: {  	_ =	shalt  }
0x7b: {  	_ =	shalt  }
0x7c: {  	_ =	shalt  }
0x7d: {  	_ =	shalt  }
0x7e: {  	_ =	shalt  }
0x7f: {  	_ =	shalt  }
0x80: {  	_ =	shalt  }
0x81: {  	_ =	shalt  }
0x82: {  	_ =	shalt  }
0x83: {  	_ =	shalt  }
0x84: {  	_ =	shalt  }
0x85: {  	_ =	shalt  }
0x86: {  	_ =	shalt  }
0x87: {  	_ =	shalt  }
.Lfunc_end0:
.L_simem_size_0:
called_computation_lowered:
.L_overlay_start_0:
0x88: {  	s2 =	sld [smem:$0x3FD9]  }
0x89: {  	s3 =	sld [smem:$0x3FFE];
	_ =	sdelay $0x1  }
0x8a: {  	s1 =	srdreg.scid  }
0x8b: {  	s0 =	sand.u32 $0x1, s1  }
0x8c: {  	s17 =	sshll.u32 s0, $0xA;
	s2 =	sadd.s32 s3, s2  }
0x8d: {  	s2 =	sadd.s32 s2, s17  }
0x8e: {  	[smem:$0x3FC2] =	sst s2  }
0x8f: {  	_ = 	snop  }
0x90: {  	s2 =	sld [smem:$0x3FC9]  }
0x91: {  	s18 =	sld [smem:$0x3FC8]  }
0x92: {  	s4 =	sld [smem:$0x3FC5]  }
0x93: {  	s5 =	sld [smem:$0x3FD0];
	(tm) =	ssettm $0x1  }
0x94: {  	s6 =	sld [smem:$0x3FFB];
	_ =	sdelay $0x3  }
0x95: {  	_ =	strace s6  }
0x96: {  	s6 =	sld [smem:$0x3FFC];
	_ =	sdelay $0x3  }
0x97: {  	_ =	strace s6  }
0x98: {  	s6 =	sld [smem:$0x3FFD];
	_ =	sdelay $0x3  }
0x99: {  	_ =	strace s6  }
0x9a: {  	_ =	strace $0x8FFFFFFF  }
0x9b: {  	s19 =	sld [smem:$0x3FDB];
	_ =	sdelay $0x1  }
0x9c: {  	s7 =	simm.s32 $_scs_section_size  }
0x9d: {  	s8 =	simm.s32 $_size__tile_overlayer_lowered;
	s9 =	simm.s32 $_tile_overlayer_lowered  }
0x9e: {  	s22 =	simm.s32 $0x1BFF;
	s21 =	sshll.u32 s9, $0x1;
	s6 =	sadd.s32 s7, s19  }
0x9f: {  	s10 =	simm.s32 $0x0;
	s20 =	sshll.u32 s8, $0x1;
	s8 =	sadd.s32 s21, s6  }
0xa0: {  	[timem:s10], [sflag:s22] =	dma.local [hbm:s8], s20  }
0xa1: {  	_ =	swait.ge [sflag:s22], s20  }
0xa2: {  	s7 =	ssub.s32 $0x0, s20;
	[sflag:s22] =	ssyncset.done $0x0  }
0xa3: {  	[sflag:s22] =	ssyncadd.s32 s7;
	_ =	sdelay $0x1  }
0xa4: {  	s23 =	simm.s32 $0x1B8B  }
0xa5: {  	_ =	swait.ge [sflag:s23], $0x1  }
0xa6: {  	[sflag:s23] =	ssyncset.done $0x0  }
0xa7: {  	s25 =	simm.s32 $0x1B8E;
	s24 =	sld [smem:$0x3FFE];
	[sflag:s23] =	ssyncadd.s32 $0xFFFFFFFF  }
0xa8: {  	s26 =	simm.s32 $execute0_lowered;
	[smem:$0x3FD2] =	sst s25  }
0xa9: {  	s8 =	sshll.u32 s26, $0x1;
	_ =	strace $0x80000046;
	[dreg:$0x1] =	wrdreg $0xFFFFFFFF  }
0xaa: {  	s28 =	simm.s32 $_size_execute0_lowered;
	s6 =	sadd.s32 s6, s8;
	[dreg:$0x0] =	wrdreg $0x0  }
0xab: {  	s8 =	sshll.u32 s28, $0x1;
	[dreg:$0x2] =	wrdreg s6  }
0xac: {  	[dreg:$0x3] =	wrdreg s8  }
0xad: {  	[dreg:$0x4] =	wrdreg $0xC0  }
0xae: {  	_ =	task [dreg:s10], $0x5FFFF  }
0xaf: {  	[dreg:$0x1] =	wrdreg $0xFFFFFFFF  }
0xb0: {  	[dreg:$0x0] =	wrdreg $0x60  }
0xb1: {  	[dreg:$0x2] =	wrdreg s2  }
0xb2: {  	[dreg:$0x3] =	wrdreg s18  }
0xb3: {  	[dreg:$0x4] =	wrdreg s24  }
0xb4: {  	[dreg:$0x5] =	wrdreg s4  }
0xb5: {  	[dreg:$0x6] =	wrdreg s5  }
0xb6: {  	[dreg:$0x7] =	wrdreg $0x9  }
0xb7: {  	_ =	task.clear_ibuf [dreg:s10], $0x8FFFF;
	_ =	strace $0x90000046  }
0xb8: {  	s29 =	simm.s32 $0x9;
	_ =	strace $0x80000048  }
0xb9: {  	_ =	swait.ge [sflag:s29], $0x1  }
0xba: {  	[sflag:s29] =	ssyncadd.s32 $0xFFFFFFFF  }
0xbb: {  	_ =	strace $0x90000048  }
0xbc: {  	_ =	sfence  }
0xbd: {  	s30 =	sld [smem:$0x0];
	_ =	sdelay $0x2  }
0xbe: {  	s31 =	sshll.u32 s1, $0xD;
	s1 =	sshrl.u32 s1, $0x2  }
0xbf: {  	s3 =	sand.u32 $0x4000, s31;
	s1 =	sadd.s32 s1, s30  }
0xc0: {  	s0 =	sor.u32 s3, s0;
	s1 =	sshll.u32 s1, $0x11  }
0xc1: {  	s0 =	sor.u32 s1, s0  }
0xc2: {  	s0 =	sadd.s32 $0x8F2B, s0  }
0xc3: {  	[sflag:s0] =	ssyncadd.remote.s32 $0x1  }
0xc4: {  	_ =	sfence.sel $0xFFFF  }
0xc5: {  	[dreg:$0x0] =	wrdreg $0xFFFFFFFF;
	(pc) =	sbr.abs _section_cstart, $3  }
0xc6: {  	[dreg:$0x1] =	wrdreg $0xFFFFFFFF  }
0xc7: {  	_ =	task.clear_ibuf [dreg:s10], $0x2FFFF;
	_ =	strace $0x9FFFFFFF  }
0xc8: {  	(tm) =	ssettm $0x7FFFFFFF  }
0xc9: {  	_ =	shalt  }
tec
execute0_lowered:
.L_overlay_start_1:
0x0: {  	(tag) =	ssettag $0x1  }
0x1: {  	s0 =	rddreg [dreg:$0x0]  }
0x2: {  	s1 =	rddreg [dreg:$0x1]  }
0x3: {  	s3 =	rddreg [dreg:$0x2]  }
0x4: {  	s9 =	rddreg [dreg:$0x4];
	s2 =	simm.s32 $0x0  }
0x5: {  	s5 =	srdreg.scid;
	s6 =	stileid.u32;
	s15 =	simm.s32 $0x800  }
0x6: {  	s16 =	simm.s32 $0xC800;
	s12 =	simm.s32 $0x13C00;
	s13 =	simm.s32 $0x8000  }
0x7: {  	s14 =	simm.s32 $0x14000;
	s17 =	simm.s32 $0x8400;
	s18 =	simm.s32 $0x14400  }
0x8: {  	s19 =	simm.s32 $0x1;
	s20 =	simm.s32 $0x2;
	s21 =	simm.s32 $0x18800  }
0x9: {  	s22 =	simm.s32 $0x0;
	[smem:$0x7FF] =	sst s2;
	s4 =	sadd.s32 $0x186E00, s3  }
0xa: {  	s5 =	sand.u32 $0x1, s5;
	s6 =	sshll.u32 s6, $0x7;
	_ =	strace $0x80000047  }
.Ltmp0:
0xb: {  	s7 =	ssub.s32 $0x2, s5;
	s8 =	sshll.u32 s5, $0x6;
	(pc) =	sbr.rel .LBB2_1-.Ltmp0, $4  }
0xc: {  	s5 =	sadd.s32 $0x400, s3;
	s10 =	sshrl.u32 s7, $0x1;
	s11 =	sor.u32 s8, s6  }
0xd: {  	s6 =	sadd.s32 $0x10C9200, s3;
	s3 =	simm.s32 $0x13800;
	s31 =	ssub.s32 s7, s10  }
0xe: {  	v0 =	vlaneseq.u32;
	s7 =	sadd.s32 s0, s11;
	s8 =	sadd.s32 s1, s11;
	s9 =	sadd.s32 s9, s11  }
0xf: {  	v0 =	vmul.u32 $0x400, v0;
	s11 =	simm.s32 $0x3;
	s1 =	simm.s32 $0x7C00;
	s10 =	smax.u32 s31, $0x1  }
.LBB2_7:
0x10: {  	s22 =	sadd.s32 $0x1, s22  }
0x11: {  	p0 =	sne.s32 s22, s10  }
.Ltmp1:
0x12: {  	_ = 	snop;
	(pc) =	sbr.rel @!p0 .LBB2_8-.Ltmp1, $4  }
0x13: {  	[hbm4b:s9+s2] =	stream.linear.scatter [tilespmem:s21], [sflag:$0x3], $0x200, $0x38;
	[tilespmem:$0x18B00] =	vst v63  }
0x14: {  	_ =	swait.ge [sflag:s11], $0x200  }
0x15: {  	[sflag:s11] =	ssyncset.done $0x0  }
0x16: {  	[sflag:s11] =	ssyncadd.s32 $0xFFFFFE00  }
.LBB2_1:
0x17: {  	[tilespmem:s2], [sflag:$0x3] =	stream.linear.gather [hbm4b:s7+s2], $0x200, $0x38;
	[tilespmem:$0x18B00] =	vst v63  }
0x18: {  	_ =	swait.ge [sflag:s11], $0x200  }
0x19: {  	[sflag:s11] =	ssyncset.done $0x0  }
0x1a: {  	s0 =	simm.s32 $0x200;
	[sflag:s11] =	ssyncadd.s32 $0xFFFFFE00  }
0x1b: {  	[tilespmem:s0], [sflag:$0x3] =	stream.linear.gather [hbm4b:s8+s2], $0x200, $0x38;
	[tilespmem:$0x18B00] =	vst v63  }
0x1c: {  	_ =	swait.ge [sflag:s11], $0x200  }
0x1d: {  	[sflag:s11] =	ssyncset.done $0x0  }
0x1e: {  	[sflag:s11] =	ssyncadd.s32 $0xFFFFFE00  }
0x1f: {  	s23 =	simm.s32 $0x18A00;
	s30 =	rddreg [dreg:$0x3]  }
0x20: {  	[tilespmem:s23], [sflag:$0x3] =	stream.linear.gather [hbm4b:s30+s2], $0x80, $0x38;
	[tilespmem:$0x18B00] =	vst v63  }
0x21: {  	_ =	swait.ge [sflag:s11], $0x80  }
0x22: {  	[sflag:s11] =	ssyncset.done $0x0  }
0x23: {  	s31 =	simm.s32 $0x18A80;
	[sflag:s11] =	ssyncadd.s32 $0xFFFFFF80  }
0x24: {  	[tilespmem:s31], [sflag:$0x3] =	stream.linear.gather [hbm4b:s6+s2], $0x80, $0x38;
	[tilespmem:$0x18B00] =	vst v63  }
0x25: {  	_ =	swait.ge [sflag:s11], $0x80  }
0x26: {  	[sflag:s11] =	ssyncset.done $0x0  }
0x27: {  	s25 =	simm.s32 $0x10;
	[sflag:s11] =	ssyncadd.s32 $0xFFFFFF80  }
0x28: {  	v1 =	vld [tilespmem:s25+$0xFFFFFFF0];
	_ =	sdelay $0x3  }
0x29: {  	v16 =	vld [tilespmem:$0x18A00]  }
0x2a: {  	s26 =	simm.s32 $0x410;
	v32 =	vld [tilespmem:$0x18A10];
	v1 =	vand.u32 $0x7, v1  }
0x2b: {  	s23 =	simm.s32 $0x210;
	v33 =	vld [tilespmem:$0x18A80];
	[tilespmem:s26+$0xFFFFFFF0] =	vst v1  }
0x2c: {  	v1 =	vld [tilespmem:s23+$0xFFFFFFF0];
	_ =	sdelay $0x4  }
0x2d: {  	s24 =	simm.s32 $0x610;
	v1 =	vand.u32 $0x7, v1  }
0x2e: {  	[tilespmem:s24+$0xFFFFFFF0] =	vst v1  }
0x2f: {  	v1 =	vld [tilespmem:s25+$0x0];
	_ =	sdelay $0x4  }
0x30: {  	v1 =	vand.u32 $0x7, v1  }
0x31: {  	[tilespmem:s26+$0x0] =	vst v1  }
0x32: {  	v1 =	vld [tilespmem:s23+$0x0];
	_ =	sdelay $0x4  }
0x33: {  	s28 =	simm.s32 $0x30;
	s25 =	simm.s32 $0x0;
	s26 =	simm.s32 $0x430;
	v1 =	vand.u32 $0x7, v1  }
.LBB2_2:
0x34: {  	s25 =	sadd.s32 $0x2, s25;
	[tilespmem:s24+$0x0] =	vst v1;
	s24 =	sadd.s32 $0x20, s24;
	s23 =	sadd.s32 $0x20, s23  }
0x35: {  	v1 =	vld [tilespmem:s28+$0xFFFFFFF0];
	p0 =	slt.u32 s25, $0x1E;
	_ =	sdelay $0x4  }
0x36: {  	v1 =	vand.u32 $0x7, v1  }
0x37: {  	[tilespmem:s26+$0xFFFFFFF0] =	vst v1  }
0x38: {  	v1 =	vld [tilespmem:s23+$0xFFFFFFF0];
	_ =	sdelay $0x4  }
0x39: {  	v1 =	vand.u32 $0x7, v1  }
0x3a: {  	[tilespmem:s24+$0xFFFFFFF0] =	vst v1  }
0x3b: {  	v1 =	vld [tilespmem:s28+$0x0];
	_ =	sdelay $0x4  }
0x3c: {  	v1 =	vand.u32 $0x7, v1  }
0x3d: {  	[tilespmem:s26+$0x0] =	vst v1  }
0x3e: {  	v1 =	vld [tilespmem:s23+$0x0]  }
.Ltmp2:
0x3f: {  	(pc) =	sbr.rel @p0 .LBB2_2-.Ltmp2, $2  }
0x40: {  	_ =	sdelay $0x2  }
0x41: {  	s28 =	sadd.s32 $0x20, s28;
	s26 =	sadd.s32 $0x20, s26;
	v1 =	vand.u32 $0x7, v1  }
0x42: {  	[tilespmem:s24+$0x0] =	vst v1  }
0x43: {  	v1 =	vld [tilespmem:$0x0];
	_ =	sdelay $0x1  }
0x44: {  	v3 =	vld [tilespmem:$0x200];
	_ =	sdelay $0x2  }
0x45: {  	v1 =	vshrl.u32 v1, $0x3  }
0x46: {  	v2 =	vshll.u32 v1, $0x7  }
0x47: {  	v1 =	vshrl.u32 v3, $0x3;
	(v2sf) =	vpush v2, $0x0  }
0x48: {  	v1 =	vshll.u32 v1, $0x7  }
0x49: {  	(v2sf) =	vpush v1, $0x0;
	_ =	sdelay $0x1  }
0x4a: {  	(v2sf) =	vpush v2, $0x1;
	_ =	sdelay $0x8  }
0x4b: {  	(v2sf) =	vpush v1, $0x1;
	_ =	sdelay $0x1  }
0x4c: {  	s23 =	spop (v2sf);
	(v2sf) =	vpush v2, $0x2;
	_ =	sdelay $0x1  }
0x4d: {  	s31 =	spop (v2sf);
	(v2sf) =	vpush v1, $0x2;
	_ =	sdelay $0x1  }
0x4e: {  	s0 =	spop (v2sf);
	(v2sf) =	vpush v2, $0x3;
	_ =	sdelay $0x2  }
0x4f: {  	s23 =	sand.u32 $0x1FFFFF80, s23;
	(v2sf) =	vpush v1, $0x3  }
0x50: {  	s30 =	sadd.s32 s4, s23;
	s23 =	simm.s32 $0x0;
	s24 =	sand.u32 $0x1FFFFF80, s31  }
0x51: {  	[tilespmem:s15], [sflag:$0x1] =	stream.linear.gather [hbm4b:s30+s23], $0x400, $0x38;
	[tilespmem:$0x18B00] =	vst v63  }
0x52: {  	s24 =	sadd.s32 s5, s24  }
0x53: {  	[tilespmem:s16], [sflag:$0x2] =	stream.linear.gather [hbm4b:s24+s23], $0x400, $0x38;
	[tilespmem:$0x18B00] =	vst v63  }
0x54: {  	s24 =	sand.u32 $0x1FFFFF80, s0  }
0x55: {  	s25 =	spop (v2sf);
	s0 =	simm.s32 $0xC00;
	s24 =	sadd.s32 s4, s24  }
0x56: {  	[tilespmem:s0], [sflag:$0x1] =	stream.linear.gather [hbm4b:s24+s23], $0x400, $0x38;
	[tilespmem:$0x18B00] =	vst v63  }
0x57: {  	s30 =	spop (v2sf);
	(v2sf) =	vpush v2, $0x4  }
0x58: {  	s24 =	sand.u32 $0x1FFFFF80, s25  }
0x59: {  	s26 =	simm.s32 $0xCC00;
	s24 =	sadd.s32 s5, s24;
	s25 =	spop (v2sf);
	(v2sf) =	vpush v1, $0x4  }
0x5a: {  	[tilespmem:s26], [sflag:$0x2] =	stream.linear.gather [hbm4b:s24+s23], $0x400, $0x38;
	[tilespmem:$0x18B00] =	vst v63  }
0x5b: {  	s24 =	sand.u32 $0x1FFFFF80, s30;
	s30 =	spop (v2sf);
	(v2sf) =	vpush v2, $0x5  }
0x5c: {  	s31 =	simm.s32 $0x1000;
	s24 =	sadd.s32 s4, s24  }
0x5d: {  	[tilespmem:s31], [sflag:$0x1] =	stream.linear.gather [hbm4b:s24+s23], $0x400, $0x38;
	[tilespmem:$0x18B00] =	vst v63  }
0x5e: {  	s24 =	sand.u32 $0x1FFFFF80, s25;
	s25 =	spop (v2sf);
	(v2sf) =	vpush v1, $0x5;
	_ =	sdelay $0x2  }
0x5f: {  	s26 =	simm.s32 $0xD000;
	s24 =	sadd.s32 s5, s24  }
0x60: {  	[tilespmem:s26], [sflag:$0x2] =	stream.linear.gather [hbm4b:s24+s23], $0x400, $0x38;
	[tilespmem:$0x18B00] =	vst v63  }
0x61: {  	s24 =	sand.u32 $0x1FFFFF80, s30  }
0x62: {  	s31 =	simm.s32 $0x1400;
	s24 =	sadd.s32 s4, s24  }
0x63: {  	[tilespmem:s31], [sflag:$0x1] =	stream.linear.gather [hbm4b:s24+s23], $0x400, $0x38;
	[tilespmem:$0x18B00] =	vst v63  }
0x64: {  	s30 =	spop (v2sf);
	(v2sf) =	vpush v2, $0x6  }
0x65: {  	s24 =	sand.u32 $0x1FFFFF80, s25  }
0x66: {  	s26 =	simm.s32 $0xD400;
	s24 =	sadd.s32 s5, s24;
	s25 =	spop (v2sf);
	(v2sf) =	vpush v1, $0x6  }
0x67: {  	[tilespmem:s26], [sflag:$0x2] =	stream.linear.gather [hbm4b:s24+s23], $0x400, $0x38;
	[tilespmem:$0x18B00] =	vst v63  }
0x68: {  	s24 =	sand.u32 $0x1FFFFF80, s30;
	s30 =	spop (v2sf);
	(v2sf) =	vpush v2, $0x7  }
0x69: {  	s31 =	simm.s32 $0x1800;
	s24 =	sadd.s32 s4, s24  }
0x6a: {  	[tilespmem:s31], [sflag:$0x1] =	stream.linear.gather [hbm4b:s24+s23], $0x400, $0x38;
	[tilespmem:$0x18B00] =	vst v63  }
0x6b: {  	s24 =	sand.u32 $0x1FFFFF80, s25;
	s25 =	spop (v2sf);
	(v2sf) =	vpush v1, $0x7;
	_ =	sdelay $0x2  }
0x6c: {  	s26 =	simm.s32 $0xD800;
	s24 =	sadd.s32 s5, s24  }
0x6d: {  	[tilespmem:s26], [sflag:$0x2] =	stream.linear.gather [hbm4b:s24+s23], $0x400, $0x38;
	[tilespmem:$0x18B00] =	vst v63  }
0x6e: {  	s24 =	sand.u32 $0x1FFFFF80, s30  }
0x6f: {  	s31 =	simm.s32 $0x1C00;
	s24 =	sadd.s32 s4, s24  }
0x70: {  	[tilespmem:s31], [sflag:$0x1] =	stream.linear.gather [hbm4b:s24+s23], $0x400, $0x38;
	[tilespmem:$0x18B00] =	vst v63  }
0x71: {  	s30 =	spop (v2sf);
	(v2sf) =	vpush v2, $0x8  }
0x72: {  	s24 =	sand.u32 $0x1FFFFF80, s25  }
0x73: {  	s26 =	simm.s32 $0xDC00;
	s24 =	sadd.s32 s5, s24;
	s25 =	spop (v2sf);
	(v2sf) =	vpush v1, $0x8  }
0x74: {  	[tilespmem:s26], [sflag:$0x2] =	stream.linear.gather [hbm4b:s24+s23], $0x400, $0x38;
	[tilespmem:$0x18B00] =	vst v63  }
0x75: {  	s24 =	sand.u32 $0x1FFFFF80, s30;
	s30 =	spop (v2sf);
	(v2sf) =	vpush v2, $0x9  }
0x76: {  	s31 =	simm.s32 $0x2000;
	s24 =	sadd.s32 s4, s24  }
0x77: {  	[tilespmem:s31], [sflag:$0x1] =	stream.linear.gather [hbm4b:s24+s23], $0x400, $0x38;
	[tilespmem:$0x18B00] =	vst v63  }
0x78: {  	s24 =	sand.u32 $0x1FFFFF80, s25;
	s25 =	spop (v2sf);
	(v2sf) =	vpush v1, $0x9;
	_ =	sdelay $0x2  }
0x79: {  	s26 =	simm.s32 $0xE000;
	s24 =	sadd.s32 s5, s24  }
0x7a: {  	[tilespmem:s26], [sflag:$0x2] =	stream.linear.gather [hbm4b:s24+s23], $0x400, $0x38;
	[tilespmem:$0x18B00] =	vst v63  }
0x7b: {  	s24 =	sand.u32 $0x1FFFFF80, s30  }
0x7c: {  	s31 =	simm.s32 $0x2400;
	s24 =	sadd.s32 s4, s24  }
0x7d: {  	[tilespmem:s31], [sflag:$0x1] =	stream.linear.gather [hbm4b:s24+s23], $0x400, $0x38;
	[tilespmem:$0x18B00] =	vst v63  }
0x7e: {  	s30 =	spop (v2sf);
	(v2sf) =	vpush v2, $0xA  }
0x7f: {  	s24 =	sand.u32 $0x1FFFFF80, s25  }
0x80: {  	s26 =	simm.s32 $0xE400;
	s24 =	sadd.s32 s5, s24;
	s25 =	spop (v2sf);
	(v2sf) =	vpush v1, $0xA  }
0x81: {  	[tilespmem:s26], [sflag:$0x2] =	stream.linear.gather [hbm4b:s24+s23], $0x400, $0x38;
	[tilespmem:$0x18B00] =	vst v63  }
0x82: {  	s24 =	sand.u32 $0x1FFFFF80, s30;
	s30 =	spop (v2sf);
	(v2sf) =	vpush v2, $0xB  }
0x83: {  	s31 =	simm.s32 $0x2800;
	s24 =	sadd.s32 s4, s24  }
0x84: {  	[tilespmem:s31], [sflag:$0x1] =	stream.linear.gather [hbm4b:s24+s23], $0x400, $0x38;
	[tilespmem:$0x18B00] =	vst v63  }
0x85: {  	s24 =	sand.u32 $0x1FFFFF80, s25;
	s25 =	spop (v2sf);
	(v2sf) =	vpush v1, $0xB;
	_ =	sdelay $0x2  }
0x86: {  	s26 =	simm.s32 $0xE800;
	s24 =	sadd.s32 s5, s24  }
0x87: {  	[tilespmem:s26], [sflag:$0x2] =	stream.linear.gather [hbm4b:s24+s23], $0x400, $0x38;
	[tilespmem:$0x18B00] =	vst v63  }
0x88: {  	s24 =	sand.u32 $0x1FFFFF80, s30  }
0x89: {  	s31 =	simm.s32 $0x2C00;
	s24 =	sadd.s32 s4, s24  }
0x8a: {  	[tilespmem:s31], [sflag:$0x1] =	stream.linear.gather [hbm4b:s24+s23], $0x400, $0x38;
	[tilespmem:$0x18B00] =	vst v63  }
0x8b: {  	s30 =	spop (v2sf);
	(v2sf) =	vpush v2, $0xC  }
0x8c: {  	s24 =	sand.u32 $0x1FFFFF80, s25  }
0x8d: {  	s26 =	simm.s32 $0xEC00;
	s24 =	sadd.s32 s5, s24;
	s25 =	spop (v2sf);
	(v2sf) =	vpush v1, $0xC  }
0x8e: {  	[tilespmem:s26], [sflag:$0x2] =	stream.linear.gather [hbm4b:s24+s23], $0x400, $0x38;
	[tilespmem:$0x18B00] =	vst v63  }
0x8f: {  	s24 =	sand.u32 $0x1FFFFF80, s30;
	s30 =	spop (v2sf);
	(v2sf) =	vpush v2, $0xD  }
0x90: {  	s31 =	simm.s32 $0x3000;
	s24 =	sadd.s32 s4, s24  }
0x91: {  	[tilespmem:s31], [sflag:$0x1] =	stream.linear.gather [hbm4b:s24+s23], $0x400, $0x38;
	[tilespmem:$0x18B00] =	vst v63  }
0x92: {  	s24 =	sand.u32 $0x1FFFFF80, s25;
	s25 =	spop (v2sf);
	(v2sf) =	vpush v1, $0xD;
	_ =	sdelay $0x1  }
0x93: {  	s26 =	simm.s32 $0xF000;
	s24 =	sadd.s32 s5, s24  }
0x94: {  	[tilespmem:s26], [sflag:$0x2] =	stream.linear.gather [hbm4b:s24+s23], $0x400, $0x38;
	[tilespmem:$0x18B00] =	vst v63  }
0x95: {  	s24 =	sand.u32 $0x1FFFFF80, s30  }
0x96: {  	s31 =	simm.s32 $0x3400;
	s24 =	sadd.s32 s4, s24  }
0x97: {  	[tilespmem:s31], [sflag:$0x1] =	stream.linear.gather [hbm4b:s24+s23], $0x400, $0x38;
	[tilespmem:$0x18B00] =	vst v63  }
0x98: {  	s24 =	sand.u32 $0x1FFFFF80, s25  }
0x99: {  	s26 =	simm.s32 $0xF400;
	s24 =	sadd.s32 s5, s24;
	s30 =	spop (v2sf);
	(v2sf) =	vpush v2, $0xE  }
0x9a: {  	[tilespmem:s26], [sflag:$0x2] =	stream.linear.gather [hbm4b:s24+s23], $0x400, $0x38;
	[tilespmem:$0x18B00] =	vst v63  }
0x9b: {  	s25 =	spop (v2sf);
	(v2sf) =	vpush v1, $0xE  }
0x9c: {  	s24 =	sand.u32 $0x1FFFFF80, s30  }
0x9d: {  	s31 =	simm.s32 $0x3800;
	s24 =	sadd.s32 s4, s24;
	s30 =	spop (v2sf)  }
0x9e: {  	(v2sf) =	vpush v2, $0xF;
	[tilespmem:s31], [sflag:$0x1] =	stream.linear.gather [hbm4b:s24+s23], $0x400, $0x38;
	[tilespmem:$0x18B00] =	vst v63  }
0x9f: {  	s24 =	sand.u32 $0x1FFFFF80, s25  }
0xa0: {  	s26 =	simm.s32 $0xF800;
	s25 =	spop (v2sf);
	s24 =	sadd.s32 s5, s24  }
0xa1: {  	(v2sf) =	vpush v1, $0xF;
	[tilespmem:s26], [sflag:$0x2] =	stream.linear.gather [hbm4b:s24+s23], $0x400, $0x38;
	[tilespmem:$0x18B00] =	vst v63  }
0xa2: {  	s24 =	sand.u32 $0x1FFFFF80, s30  }
0xa3: {  	s31 =	simm.s32 $0x3C00;
	s24 =	sadd.s32 s4, s24  }
0xa4: {  	[tilespmem:s31], [sflag:$0x1] =	stream.linear.gather [hbm4b:s24+s23], $0x400, $0x38;
	[tilespmem:$0x18B00] =	vst v63  }
0xa5: {  	s24 =	sand.u32 $0x1FFFFF80, s25  }
0xa6: {  	s26 =	simm.s32 $0xFC00;
	s24 =	sadd.s32 s5, s24  }
0xa7: {  	[tilespmem:s26], [sflag:$0x2] =	stream.linear.gather [hbm4b:s24+s23], $0x400, $0x38;
	[tilespmem:$0x18B00] =	vst v63  }
0xa8: {  	s30 =	spop (v2sf)  }
0xa9: {  	s24 =	sand.u32 $0x1FFFFF80, s30  }
0xaa: {  	s31 =	simm.s32 $0x4000;
	s25 =	spop (v2sf);
	s24 =	sadd.s32 s4, s24  }
0xab: {  	[tilespmem:s31], [sflag:$0x1] =	stream.linear.gather [hbm4b:s24+s23], $0x400, $0x38;
	[tilespmem:$0x18B00] =	vst v63  }
0xac: {  	s24 =	sand.u32 $0x1FFFFF80, s25  }
0xad: {  	s26 =	simm.s32 $0x10000;
	s30 =	spop (v2sf);
	s24 =	sadd.s32 s5, s24  }
0xae: {  	[tilespmem:s26], [sflag:$0x2] =	stream.linear.gather [hbm4b:s24+s23], $0x400, $0x38;
	[tilespmem:$0x18B00] =	vst v63  }
0xaf: {  	s24 =	sand.u32 $0x1FFFFF80, s30  }
0xb0: {  	s31 =	simm.s32 $0x4400;
	s25 =	spop (v2sf);
	s24 =	sadd.s32 s4, s24  }
0xb1: {  	[tilespmem:s31], [sflag:$0x1] =	stream.linear.gather [hbm4b:s24+s23], $0x400, $0x38;
	[tilespmem:$0x18B00] =	vst v63  }
0xb2: {  	s24 =	sand.u32 $0x1FFFFF80, s25  }
0xb3: {  	s26 =	simm.s32 $0x10400;
	s24 =	sadd.s32 s5, s24  }
0xb4: {  	[tilespmem:s26], [sflag:$0x2] =	stream.linear.gather [hbm4b:s24+s23], $0x400, $0x38;
	[tilespmem:$0x18B00] =	vst v63  }
0xb5: {  	v1 =	vld [tilespmem:$0x10];
	_ =	sdelay $0x3  }
0xb6: {  	v3 =	vld [tilespmem:$0x210]  }
0xb7: {  	v1 =	vshrl.u32 v1, $0x3  }
0xb8: {  	v2 =	vshll.u32 v1, $0x7  }
0xb9: {  	(v2sf) =	vpush v2, $0x0;
	_ =	sdelay $0x1  }
0xba: {  	v1 =	vshrl.u32 v3, $0x3  }
0xbb: {  	v1 =	vshll.u32 v1, $0x7  }
0xbc: {  	(v2sf) =	vpush v1, $0x0;
	_ =	sdelay $0x1  }
0xbd: {  	(v2sf) =	vpush v2, $0x1  }
0xbe: {  	(v2sf) =	vpush v1, $0x1;
	_ =	sdelay $0x1  }
0xbf: {  	(v2sf) =	vpush v2, $0x2;
	_ =	sdelay $0x5  }
0xc0: {  	s30 =	spop (v2sf);
	(v2sf) =	vpush v1, $0x2;
	_ =	sdelay $0x2  }
0xc1: {  	s24 =	sand.u32 $0x1FFFFF80, s30  }
0xc2: {  	s31 =	simm.s32 $0x4800;
	s25 =	spop (v2sf);
	s24 =	sadd.s32 s4, s24  }
0xc3: {  	[tilespmem:s31], [sflag:$0x1] =	stream.linear.gather [hbm4b:s24+s23], $0x400, $0x38;
	[tilespmem:$0x18B00] =	vst v63  }
0xc4: {  	s30 =	spop (v2sf);
	(v2sf) =	vpush v2, $0x3;
	s24 =	sand.u32 $0x1FFFFF80, s25  }
0xc5: {  	s26 =	simm.s32 $0x10800;
	s25 =	spop (v2sf);
	(v2sf) =	vpush v1, $0x3;
	s24 =	sadd.s32 s5, s24  }
0xc6: {  	[tilespmem:s26], [sflag:$0x2] =	stream.linear.gather [hbm4b:s24+s23], $0x400, $0x38;
	[tilespmem:$0x18B00] =	vst v63  }
0xc7: {  	s24 =	sand.u32 $0x1FFFFF80, s30;
	s30 =	spop (v2sf);
	(v2sf) =	vpush v2, $0x4;
	_ =	sdelay $0x3  }
0xc8: {  	s31 =	simm.s32 $0x4C00;
	s24 =	sadd.s32 s4, s24  }
0xc9: {  	[tilespmem:s31], [sflag:$0x1] =	stream.linear.gather [hbm4b:s24+s23], $0x400, $0x38;
	[tilespmem:$0x18B00] =	vst v63  }
0xca: {  	s24 =	sand.u32 $0x1FFFFF80, s25;
	s25 =	spop (v2sf);
	(v2sf) =	vpush v1, $0x4  }
0xcb: {  	s26 =	simm.s32 $0x10C00;
	s24 =	sadd.s32 s5, s24  }
0xcc: {  	[tilespmem:s26], [sflag:$0x2] =	stream.linear.gather [hbm4b:s24+s23], $0x400, $0x38;
	[tilespmem:$0x18B00] =	vst v63  }
0xcd: {  	s24 =	sand.u32 $0x1FFFFF80, s30  }
0xce: {  	s31 =	simm.s32 $0x5000;
	s24 =	sadd.s32 s4, s24  }
0xcf: {  	[tilespmem:s31], [sflag:$0x1] =	stream.linear.gather [hbm4b:s24+s23], $0x400, $0x38;
	[tilespmem:$0x18B00] =	vst v63  }
0xd0: {  	s24 =	sand.u32 $0x1FFFFF80, s25;
	s30 =	spop (v2sf);
	(v2sf) =	vpush v2, $0x5  }
0xd1: {  	s26 =	simm.s32 $0x11000;
	s24 =	sadd.s32 s5, s24;
	s25 =	spop (v2sf);
	(v2sf) =	vpush v1, $0x5  }
0xd2: {  	[tilespmem:s26], [sflag:$0x2] =	stream.linear.gather [hbm4b:s24+s23], $0x400, $0x38;
	[tilespmem:$0x18B00] =	vst v63  }
0xd3: {  	s24 =	sand.u32 $0x1FFFFF80, s30;
	s30 =	spop (v2sf);
	(v2sf) =	vpush v2, $0x6;
	_ =	sdelay $0x3  }
0xd4: {  	s31 =	simm.s32 $0x5400;
	s24 =	sadd.s32 s4, s24  }
0xd5: {  	[tilespmem:s31], [sflag:$0x1] =	stream.linear.gather [hbm4b:s24+s23], $0x400, $0x38;
	[tilespmem:$0x18B00] =	vst v63  }
0xd6: {  	s24 =	sand.u32 $0x1FFFFF80, s25;
	s25 =	spop (v2sf);
	(v2sf) =	vpush v1, $0x6  }
0xd7: {  	s26 =	simm.s32 $0x11400;
	s24 =	sadd.s32 s5, s24  }
0xd8: {  	[tilespmem:s26], [sflag:$0x2] =	stream.linear.gather [hbm4b:s24+s23], $0x400, $0x38;
	[tilespmem:$0x18B00] =	vst v63  }
0xd9: {  	s24 =	sand.u32 $0x1FFFFF80, s30  }
0xda: {  	s31 =	simm.s32 $0x5800;
	s24 =	sadd.s32 s4, s24  }
0xdb: {  	[tilespmem:s31], [sflag:$0x1] =	stream.linear.gather [hbm4b:s24+s23], $0x400, $0x38;
	[tilespmem:$0x18B00] =	vst v63  }
0xdc: {  	s24 =	sand.u32 $0x1FFFFF80, s25;
	s30 =	spop (v2sf);
	(v2sf) =	vpush v2, $0x7  }
0xdd: {  	s26 =	simm.s32 $0x11800;
	s24 =	sadd.s32 s5, s24;
	s25 =	spop (v2sf);
	(v2sf) =	vpush v1, $0x7  }
0xde: {  	[tilespmem:s26], [sflag:$0x2] =	stream.linear.gather [hbm4b:s24+s23], $0x400, $0x38;
	[tilespmem:$0x18B00] =	vst v63  }
0xdf: {  	s24 =	sand.u32 $0x1FFFFF80, s30;
	s30 =	spop (v2sf);
	(v2sf) =	vpush v2, $0x8;
	_ =	sdelay $0x3  }
0xe0: {  	s31 =	simm.s32 $0x5C00;
	s24 =	sadd.s32 s4, s24  }
0xe1: {  	[tilespmem:s31], [sflag:$0x1] =	stream.linear.gather [hbm4b:s24+s23], $0x400, $0x38;
	[tilespmem:$0x18B00] =	vst v63  }
0xe2: {  	s24 =	sand.u32 $0x1FFFFF80, s25;
	s25 =	spop (v2sf);
	(v2sf) =	vpush v1, $0x8  }
0xe3: {  	s26 =	simm.s32 $0x11C00;
	s24 =	sadd.s32 s5, s24  }
0xe4: {  	[tilespmem:s26], [sflag:$0x2] =	stream.linear.gather [hbm4b:s24+s23], $0x400, $0x38;
	[tilespmem:$0x18B00] =	vst v63  }
0xe5: {  	s24 =	sand.u32 $0x1FFFFF80, s30  }
0xe6: {  	s31 =	simm.s32 $0x6000;
	s24 =	sadd.s32 s4, s24  }
0xe7: {  	[tilespmem:s31], [sflag:$0x1] =	stream.linear.gather [hbm4b:s24+s23], $0x400, $0x38;
	[tilespmem:$0x18B00] =	vst v63  }
0xe8: {  	s24 =	sand.u32 $0x1FFFFF80, s25;
	s30 =	spop (v2sf);
	(v2sf) =	vpush v2, $0x9  }
0xe9: {  	s26 =	simm.s32 $0x12000;
	s24 =	sadd.s32 s5, s24;
	s25 =	spop (v2sf);
	(v2sf) =	vpush v1, $0x9  }
0xea: {  	[tilespmem:s26], [sflag:$0x2] =	stream.linear.gather [hbm4b:s24+s23], $0x400, $0x38;
	[tilespmem:$0x18B00] =	vst v63  }
0xeb: {  	s24 =	sand.u32 $0x1FFFFF80, s30;
	s30 =	spop (v2sf);
	(v2sf) =	vpush v2, $0xA;
	_ =	sdelay $0x3  }
0xec: {  	s31 =	simm.s32 $0x6400;
	s24 =	sadd.s32 s4, s24  }
0xed: {  	[tilespmem:s31], [sflag:$0x1] =	stream.linear.gather [hbm4b:s24+s23], $0x400, $0x38;
	[tilespmem:$0x18B00] =	vst v63  }
0xee: {  	s24 =	sand.u32 $0x1FFFFF80, s25;
	s25 =	spop (v2sf);
	(v2sf) =	vpush v1, $0xA  }
0xef: {  	s26 =	simm.s32 $0x12400;
	s24 =	sadd.s32 s5, s24  }
0xf0: {  	[tilespmem:s26], [sflag:$0x2] =	stream.linear.gather [hbm4b:s24+s23], $0x400, $0x38;
	[tilespmem:$0x18B00] =	vst v63  }
0xf1: {  	s24 =	sand.u32 $0x1FFFFF80, s30  }
0xf2: {  	s31 =	simm.s32 $0x6800;
	s24 =	sadd.s32 s4, s24  }
0xf3: {  	[tilespmem:s31], [sflag:$0x1] =	stream.linear.gather [hbm4b:s24+s23], $0x400, $0x38;
	[tilespmem:$0x18B00] =	vst v63  }
0xf4: {  	s24 =	sand.u32 $0x1FFFFF80, s25;
	s30 =	spop (v2sf);
	(v2sf) =	vpush v2, $0xB  }
0xf5: {  	s26 =	simm.s32 $0x12800;
	s24 =	sadd.s32 s5, s24;
	s25 =	spop (v2sf);
	(v2sf) =	vpush v1, $0xB  }
0xf6: {  	[tilespmem:s26], [sflag:$0x2] =	stream.linear.gather [hbm4b:s24+s23], $0x400, $0x38;
	[tilespmem:$0x18B00] =	vst v63  }
0xf7: {  	s24 =	sand.u32 $0x1FFFFF80, s30;
	s30 =	spop (v2sf);
	(v2sf) =	vpush v2, $0xC;
	_ =	sdelay $0x3  }
0xf8: {  	s31 =	simm.s32 $0x6C00;
	s24 =	sadd.s32 s4, s24  }
0xf9: {  	[tilespmem:s31], [sflag:$0x1] =	stream.linear.gather [hbm4b:s24+s23], $0x400, $0x38;
	[tilespmem:$0x18B00] =	vst v63  }
0xfa: {  	s24 =	sand.u32 $0x1FFFFF80, s25;
	s25 =	spop (v2sf);
	(v2sf) =	vpush v1, $0xC  }
0xfb: {  	s26 =	simm.s32 $0x12C00;
	s24 =	sadd.s32 s5, s24  }
0xfc: {  	[tilespmem:s26], [sflag:$0x2] =	stream.linear.gather [hbm4b:s24+s23], $0x400, $0x38;
	[tilespmem:$0x18B00] =	vst v63  }
0xfd: {  	s24 =	sand.u32 $0x1FFFFF80, s30  }
0xfe: {  	s31 =	simm.s32 $0x7000;
	s24 =	sadd.s32 s4, s24;
	(v2sf) =	vpush v2, $0xD  }
0xff: {  	[tilespmem:s31], [sflag:$0x1] =	stream.linear.gather [hbm4b:s24+s23], $0x400, $0x38;
	[tilespmem:$0x18B00] =	vst v63  }
0x100: {  	s24 =	sand.u32 $0x1FFFFF80, s25;
	s30 =	spop (v2sf);
	(v2sf) =	vpush v1, $0xD  }
0x101: {  	s26 =	simm.s32 $0x13000;
	s24 =	sadd.s32 s5, s24;
	s25 =	spop (v2sf);
	(v2sf) =	vpush v2, $0xE  }
0x102: {  	[tilespmem:s26], [sflag:$0x2] =	stream.linear.gather [hbm4b:s24+s23], $0x400, $0x38;
	[tilespmem:$0x18B00] =	vst v63  }
0x103: {  	s24 =	sand.u32 $0x1FFFFF80, s30;
	s30 =	spop (v2sf);
	(v2sf) =	vpush v1, $0xE  }
0x104: {  	s31 =	simm.s32 $0x7400;
	s24 =	sadd.s32 s4, s24  }
0x105: {  	[tilespmem:s31], [sflag:$0x1] =	stream.linear.gather [hbm4b:s24+s23], $0x400, $0x38;
	[tilespmem:$0x18B00] =	vst v63  }
0x106: {  	s24 =	sand.u32 $0x1FFFFF80, s25  }
0x107: {  	s26 =	simm.s32 $0x13400;
	s24 =	sadd.s32 s5, s24  }
0x108: {  	[tilespmem:s26], [sflag:$0x2] =	stream.linear.gather [hbm4b:s24+s23], $0x400, $0x38;
	[tilespmem:$0x18B00] =	vst v63  }
0x109: {  	s24 =	sand.u32 $0x1FFFFF80, s30;
	s0 =	spop (v2sf);
	(v2sf) =	vpush v2, $0xF  }
0x10a: {  	s31 =	simm.s32 $0x7800;
	s24 =	sadd.s32 s4, s24  }
0x10b: {  	[tilespmem:s31], [sflag:$0x1] =	stream.linear.gather [hbm4b:s24+s23], $0x400, $0x38;
	[tilespmem:$0x18B00] =	vst v63  }
0x10c: {  	s24 =	sand.u32 $0x1FFFFF80, s0  }
0x10d: {  	s25 =	spop (v2sf);
	(v2sf) =	vpush v1, $0xF;
	s24 =	sadd.s32 s5, s24  }
0x10e: {  	[tilespmem:s3], [sflag:$0x2] =	stream.linear.gather [hbm4b:s24+s23], $0x400, $0x38;
	[tilespmem:$0x18B00] =	vst v63  }
0x10f: {  	s24 =	sand.u32 $0x1FFFFF80, s25;
	s25 =	spop (v2sf)  }
0x110: {  	v4 =	vbroadcast v16, $0x3;
	s24 =	sadd.s32 s4, s24;
	s26 =	sand.u32 $0x1FFFFF80, s25;
	s30 =	spop (v2sf)  }
0x111: {  	v5 =	vbroadcast v16, $0x4;
	v6 =	vbroadcast v16, $0x5;
	[tilespmem:s1], [sflag:$0x1] =	stream.linear.gather [hbm4b:s24+s23], $0x400, $0x38;
	[tilespmem:$0x18B00] =	vst v63  }
0x112: {  	v7 =	vbroadcast v16, $0x6;
	v8 =	vbroadcast v16, $0x7;
	s24 =	sadd.s32 s5, s26;
	s31 =	sand.u32 $0x1FFFFF80, s30;
	s0 =	spop (v2sf)  }
0x113: {  	v9 =	vbroadcast v16, $0x8;
	v10 =	vbroadcast v16, $0x9;
	[tilespmem:s12], [sflag:$0x2] =	stream.linear.gather [hbm4b:s24+s23], $0x400, $0x38;
	[tilespmem:$0x18B00] =	vst v63  }
0x114: {  	v11 =	vbroadcast v16, $0xA;
	v12 =	vbroadcast v16, $0xB;
	s25 =	sand.u32 $0x1FFFFF80, s0;
	s24 =	sadd.s32 s4, s31  }
0x115: {  	v13 =	vbroadcast v16, $0xC;
	v14 =	vbroadcast v16, $0xD;
	[tilespmem:s13], [sflag:$0x1] =	stream.linear.gather [hbm4b:s24+s23], $0x400, $0x38;
	[tilespmem:$0x18B00] =	vst v63  }
0x116: {  	v15 =	vbroadcast v16, $0xE;
	v17 =	vbroadcast v32, $0x0;
	s24 =	sadd.s32 s5, s25  }
0x117: {  	v18 =	vbroadcast v32, $0x1;
	v19 =	vbroadcast v32, $0x2;
	[tilespmem:s14], [sflag:$0x2] =	stream.linear.gather [hbm4b:s24+s23], $0x400, $0x38;
	[tilespmem:$0x18B00] =	vst v63  }
0x118: {  	v20 =	vbroadcast v32, $0x3;
	v21 =	vbroadcast v32, $0x4;
	s26 =	spop (v2sf)  }
0x119: {  	v22 =	vbroadcast v32, $0x5;
	v23 =	vbroadcast v32, $0x6;
	s30 =	sand.u32 $0x1FFFFF80, s26  }
0x11a: {  	v24 =	vbroadcast v32, $0x7;
	v25 =	vbroadcast v32, $0x8;
	s24 =	sadd.s32 s4, s30  }
0x11b: {  	v26 =	vbroadcast v32, $0x9;
	v27 =	vbroadcast v32, $0xA;
	[tilespmem:s17], [sflag:$0x1] =	stream.linear.gather [hbm4b:s24+s23], $0x400, $0x38;
	[tilespmem:$0x18B00] =	vst v63  }
.Ltmp3:
0x11c: {  	v28 =	vbroadcast v32, $0xB;
	v29 =	vbroadcast v32, $0xC;
	s31 =	spop (v2sf);
	(pc) =	sbr.rel .LBB2_4-.Ltmp3, $4  }
0x11d: {  	v30 =	vbroadcast v32, $0xD;
	v31 =	vbroadcast v32, $0xE;
	s24 =	sand.u32 $0x1FFFFF80, s31  }
0x11e: {  	v32 =	vbroadcast v32, $0xF;
	v33 =	vbroadcast v33, $0x0;
	s28 =	simm.s32 $0x600;
	s29 =	simm.s32 $0x18800;
	s24 =	sadd.s32 s5, s24  }
0x11f: {  	v3 =	vbroadcast v16, $0x2;
	v2 =	vbroadcast v16, $0x1;
	[tilespmem:s18], [sflag:$0x2] =	stream.linear.gather [hbm4b:s24+s23], $0x400, $0x38;
	[tilespmem:$0x18B00] =	vst v63  }
0x120: {  	v1 =	vbroadcast v16, $0x0;
	v16 =	vbroadcast v16, $0xF;
	s25 =	simm.s32 $0x220;
	s26 =	simm.s32 $0x400;
	s24 =	simm.s32 $0x20  }
.LBB2_6:
0x121: {  	_ =	swait.ge [sflag:s19], $0x4000  }
0x122: {  	[sflag:s19] =	ssyncset.done $0x0  }
0x123: {  	s0 =	smul.u32 $0xAB, s23;
	[sflag:s19] =	ssyncadd.s32 $0xFFFFC000  }
0x124: {  	_ =	swait.ge [sflag:s20], $0x4000  }
0x125: {  	s0 =	sshrl.u32 s0, $0x9;
	[sflag:s20] =	ssyncset.done $0x0  }
0x126: {  	s0 =	sand.u32 $0x7F, s0;
	[sflag:s20] =	ssyncadd.s32 $0xFFFFC000  }
0x127: {  	s0 =	smul.u32 $0x3, s0;
	v34 =	vld [tilespmem:s26+$0x0]  }
0x128: {  	v36 =	vld [tilespmem:s28+$0x0]  }
0x129: {  	s0 =	ssub.s32 s23, s0  }
0x12a: {  	s0 =	sand.u32 $0xFF, s0  }
0x12b: {  	s0 =	sshll.u32 s0, $0xE  }
0x12c: {  	v37 =	vor.u32 s0, v0;
	v34 =	vshll.u32 v34, $0x7  }
0x12d: {  	v47 =	vshll.u32 v36, $0x7;
	v35 =	vadd.s32 v37, v34  }
0x12e: {  	v34 =	vadd.s32 v37, v47  }
0x12f: {  	v48 =	vor.u32 $0x1, v35  }
0x130: {  	v37 =	vor.u32 $0x1, v34  }
0x131: {  	v39 =	vor.u32 $0x2, v35  }
0x132: {  	v41 =	vor.u32 $0x2, v34;
	v38 =	vld.idx.msk [tilespmem:v35+s15+$0x0], $0xffff  }
0x133: {  	v42 =	vor.u32 $0x3, v35;
	v40 =	vld.idx.msk [tilespmem:v34+s16+$0x0], $0xffff  }
0x134: {  	v43 =	vor.u32 $0x3, v34;
	v36 =	vld.idx.msk [tilespmem:v48+s15+$0x0], $0xffff  }
0x135: {  	v44 =	vor.u32 $0x4, v35;
	v37 =	vld.idx.msk [tilespmem:v37+s16+$0x0], $0xffff  }
0x136: {  	v50 =	vor.u32 $0x4, v34;
	v39 =	vld.idx.msk [tilespmem:v39+s15+$0x0], $0xffff  }
0x137: {  	v45 =	vor.u32 $0x5, v35;
	v49 =	vld.idx.msk [tilespmem:v41+s16+$0x0], $0xffff  }
0x138: {  	v52 =	vor.u32 $0x5, v34;
	v42 =	vld.idx.msk [tilespmem:v42+s15+$0x0], $0xffff  }
0x139: {  	v46 =	vor.u32 $0x6, v35;
	v51 =	vld.idx.msk [tilespmem:v43+s16+$0x0], $0xffff;
	v38 =	vmul.f32 v40, v38  }
0x13a: {  	v54 =	vor.u32 $0x6, v34;
	v44 =	vld.idx.msk [tilespmem:v44+s15+$0x0], $0xffff  }
0x13b: {  	v57 =	vor.u32 $0x7, v35;
	v53 =	vld.idx.msk [tilespmem:v50+s16+$0x0], $0xffff;
	v36 =	vmul.f32 v37, v36;
	v38 =	vmul.f32 v38, v1  }
0x13c: {  	v59 =	vor.u32 $0x7, v34;
	v61 =	vor.u32 $0x8, v35;
	v56 =	vld.idx.msk [tilespmem:v45+s15+$0x0], $0xffff  }
0x13d: {  	v58 =	vld.idx.msk [tilespmem:v52+s16+$0x0], $0xffff;
	v39 =	vmul.f32 v49, v39;
	v36 =	vmul.f32 v36, v2;
	v38 =	vadd.f32 $0.0e+00, v38  }
0x13e: {  	v62 =	vor.u32 $0x8, v34;
	v60 =	vld.idx.msk [tilespmem:v46+s15+$0x0], $0xffff  }
0x13f: {  	v41 =	vld.idx.msk [tilespmem:v54+s16+$0x0], $0xffff;
	v37 =	vmul.f32 v51, v42;
	v55 =	vmul.f32 v39, v3;
	v36 =	vadd.f32 v36, v38  }
0x140: {  	v48 =	vld.idx.msk [tilespmem:v57+s15+$0x0], $0xffff;
	v40 =	vmul.f32 v53, v44;
	v49 =	vor.u32 $0x9, v35  }
0x141: {  	v50 =	vld.idx.msk [tilespmem:v59+s16+$0x0], $0xffff;
	v51 =	vor.u32 $0x9, v34;
	v37 =	vmul.f32 v37, v4;
	v36 =	vadd.f32 v55, v36  }
0x142: {  	v52 =	vld.idx.msk [tilespmem:v61+s15+$0x0], $0xffff;
	v53 =	vor.u32 $0xA, v35;
	v63 =	vmul.f32 v40, v5  }
0x143: {  	v54 =	vld.idx.msk [tilespmem:v62+s16+$0x0], $0xffff;
	v39 =	vmul.f32 v58, v56;
	v55 =	vor.u32 $0xA, v34;
	v36 =	vadd.f32 v37, v36  }
0x144: {  	v57 =	vor.u32 $0xB, v35;
	v59 =	vor.u32 $0xB, v34  }
0x145: {  	v39 =	vmul.f32 v39, v6;
	v38 =	vmul.f32 v41, v60;
	v56 =	vld.idx.msk [tilespmem:v49+s15+$0x0], $0xffff;
	v36 =	vadd.f32 v63, v36  }
0x146: {  	v61 =	vor.u32 $0xC, v35;
	v40 =	vmul.f32 v50, v48;
	v58 =	vld.idx.msk [tilespmem:v51+s16+$0x0], $0xffff  }
0x147: {  	v60 =	vld.idx.msk [tilespmem:v53+s15+$0x0], $0xffff;
	v38 =	vmul.f32 v38, v7;
	v63 =	vor.u32 $0xC, v34;
	v36 =	vadd.f32 v39, v36  }
0x148: {  	v49 =	vor.u32 $0xD, v35;
	v37 =	vmul.f32 v54, v52;
	v62 =	vld.idx.msk [tilespmem:v55+s16+$0x0], $0xffff  }
0x149: {  	v48 =	vld.idx.msk [tilespmem:v57+s15+$0x0], $0xffff;
	v40 =	vmul.f32 v40, v8;
	v51 =	vor.u32 $0xD, v34;
	v36 =	vadd.f32 v38, v36  }
0x14a: {  	v50 =	vld.idx.msk [tilespmem:v59+s16+$0x0], $0xffff;
	v53 =	vor.u32 $0xE, v35;
	v37 =	vmul.f32 v37, v9  }
0x14b: {  	v52 =	vld.idx.msk [tilespmem:v61+s15+$0x0], $0xffff;
	v55 =	vor.u32 $0xE, v34;
	v39 =	vmul.f32 v58, v56;
	v36 =	vadd.f32 v40, v36  }
0x14c: {  	v57 =	vor.u32 $0xF, v35;
	v59 =	vor.u32 $0xF, v34;
	v54 =	vld.idx.msk [tilespmem:v63+s16+$0x0], $0xffff  }
0x14d: {  	v56 =	vld.idx.msk [tilespmem:v49+s15+$0x0], $0xffff;
	v39 =	vmul.f32 v39, v10;
	v38 =	vmul.f32 v62, v60;
	v36 =	vadd.f32 v37, v36  }
0x14e: {  	v61 =	vor.u32 $0x10, v35;
	v58 =	vld.idx.msk [tilespmem:v51+s16+$0x0], $0xffff;
	v63 =	vor.u32 $0x10, v34  }
0x14f: {  	v40 =	vmul.f32 v50, v48;
	v60 =	vld.idx.msk [tilespmem:v53+s15+$0x0], $0xffff;
	v38 =	vmul.f32 v38, v11;
	v36 =	vadd.f32 v39, v36  }
0x150: {  	v49 =	vor.u32 $0x11, v35;
	v51 =	vor.u32 $0x11, v34;
	v62 =	vld.idx.msk [tilespmem:v55+s16+$0x0], $0xffff  }
0x151: {  	v48 =	vld.idx.msk [tilespmem:v57+s15+$0x0], $0xffff;
	v40 =	vmul.f32 v40, v12;
	v37 =	vmul.f32 v54, v52;
	v36 =	vadd.f32 v38, v36  }
0x152: {  	v50 =	vld.idx.msk [tilespmem:v59+s16+$0x0], $0xffff;
	v53 =	vor.u32 $0x12, v35;
	v55 =	vor.u32 $0x12, v34  }
0x153: {  	v39 =	vmul.f32 v58, v56;
	v52 =	vld.idx.msk [tilespmem:v61+s15+$0x0], $0xffff;
	v37 =	vmul.f32 v37, v13;
	v36 =	vadd.f32 v40, v36  }
0x154: {  	v57 =	vor.u32 $0x13, v35;
	v59 =	vor.u32 $0x13, v34;
	v54 =	vld.idx.msk [tilespmem:v63+s16+$0x0], $0xffff  }
0x155: {  	v56 =	vld.idx.msk [tilespmem:v49+s15+$0x0], $0xffff;
	v39 =	vmul.f32 v39, v14;
	v38 =	vmul.f32 v62, v60;
	v36 =	vadd.f32 v37, v36  }
0x156: {  	v58 =	vld.idx.msk [tilespmem:v51+s16+$0x0], $0xffff;
	v61 =	vor.u32 $0x14, v35;
	v63 =	vor.u32 $0x14, v34  }
0x157: {  	v60 =	vld.idx.msk [tilespmem:v53+s15+$0x0], $0xffff;
	v38 =	vmul.f32 v38, v15;
	v40 =	vmul.f32 v50, v48;
	v36 =	vadd.f32 v39, v36  }
0x158: {  	v49 =	vor.u32 $0x15, v35;
	v51 =	vor.u32 $0x15, v34;
	v62 =	vld.idx.msk [tilespmem:v55+s16+$0x0], $0xffff  }
0x159: {  	v48 =	vld.idx.msk [tilespmem:v57+s15+$0x0], $0xffff;
	v40 =	vmul.f32 v40, v16;
	v37 =	vmul.f32 v54, v52;
	v36 =	vadd.f32 v38, v36  }
0x15a: {  	v53 =	vor.u32 $0x16, v35;
	v55 =	vor.u32 $0x16, v34;
	v50 =	vld.idx.msk [tilespmem:v59+s16+$0x0], $0xffff  }
0x15b: {  	v52 =	vld.idx.msk [tilespmem:v61+s15+$0x0], $0xffff;
	v37 =	vmul.f32 v37, v17;
	v39 =	vmul.f32 v58, v56;
	v36 =	vadd.f32 v40, v36  }
0x15c: {  	v57 =	vor.u32 $0x17, v35;
	v59 =	vor.u32 $0x17, v34;
	v54 =	vld.idx.msk [tilespmem:v63+s16+$0x0], $0xffff  }
0x15d: {  	v56 =	vld.idx.msk [tilespmem:v49+s15+$0x0], $0xffff;
	v39 =	vmul.f32 v39, v18;
	v38 =	vmul.f32 v62, v60;
	v36 =	vadd.f32 v37, v36  }
0x15e: {  	v61 =	vor.u32 $0x18, v35;
	v63 =	vor.u32 $0x18, v34;
	v58 =	vld.idx.msk [tilespmem:v51+s16+$0x0], $0xffff  }
0x15f: {  	v60 =	vld.idx.msk [tilespmem:v53+s15+$0x0], $0xffff;
	v38 =	vmul.f32 v38, v19;
	v40 =	vmul.f32 v50, v48;
	v36 =	vadd.f32 v39, v36  }
0x160: {  	v49 =	vor.u32 $0x19, v35;
	v51 =	vor.u32 $0x19, v34;
	v62 =	vld.idx.msk [tilespmem:v55+s16+$0x0], $0xffff  }
0x161: {  	v48 =	vld.idx.msk [tilespmem:v57+s15+$0x0], $0xffff;
	v40 =	vmul.f32 v40, v20;
	v37 =	vmul.f32 v54, v52;
	v36 =	vadd.f32 v38, v36  }
0x162: {  	v53 =	vor.u32 $0x1A, v35;
	v55 =	vor.u32 $0x1A, v34;
	v50 =	vld.idx.msk [tilespmem:v59+s16+$0x0], $0xffff  }
0x163: {  	v52 =	vld.idx.msk [tilespmem:v61+s15+$0x0], $0xffff;
	v37 =	vmul.f32 v37, v21;
	v39 =	vmul.f32 v58, v56;
	v36 =	vadd.f32 v40, v36  }
0x164: {  	v47 =	vor.u32 $0x1B, v35;
	v57 =	vor.u32 $0x1B, v34;
	v54 =	vld.idx.msk [tilespmem:v63+s16+$0x0], $0xffff  }
0x165: {  	v56 =	vld.idx.msk [tilespmem:v49+s15+$0x0], $0xffff;
	v39 =	vmul.f32 v39, v22;
	v38 =	vmul.f32 v62, v60;
	v36 =	vadd.f32 v37, v36  }
0x166: {  	v59 =	vor.u32 $0x1C, v35;
	v61 =	vor.u32 $0x1C, v34;
	v58 =	vld.idx.msk [tilespmem:v51+s16+$0x0], $0xffff  }
0x167: {  	v60 =	vld.idx.msk [tilespmem:v53+s15+$0x0], $0xffff;
	v38 =	vmul.f32 v38, v23;
	v40 =	vmul.f32 v50, v48;
	v36 =	vadd.f32 v39, v36  }
0x168: {  	v63 =	vor.u32 $0x1D, v35;
	v62 =	vld.idx.msk [tilespmem:v55+s16+$0x0], $0xffff;
	v48 =	vor.u32 $0x1D, v34  }
0x169: {  	v47 =	vld.idx.msk [tilespmem:v47+s15+$0x0], $0xffff;
	v40 =	vmul.f32 v40, v24;
	v37 =	vmul.f32 v54, v52;
	v36 =	vadd.f32 v38, v36  }
0x16a: {  	v51 =	vld.idx.msk [tilespmem:v57+s16+$0x0], $0xffff;
	v52 =	vor.u32 $0x1E, v35;
	v54 =	vor.u32 $0x1E, v34  }
0x16b: {  	v53 =	vld.idx.msk [tilespmem:v59+s15+$0x0], $0xffff;
	v37 =	vmul.f32 v37, v25;
	v39 =	vmul.f32 v58, v56;
	v36 =	vadd.f32 v40, v36  }
0x16c: {  	v55 =	vld.idx.msk [tilespmem:v61+s16+$0x0], $0xffff;
	v35 =	vor.u32 $0x1F, v35;
	v34 =	vor.u32 $0x1F, v34  }
0x16d: {  	v56 =	vld.idx.msk [tilespmem:v63+s15+$0x0], $0xffff;
	v38 =	vmul.f32 v62, v60;
	v39 =	vmul.f32 v39, v26;
	v36 =	vadd.f32 v37, v36  }
0x16e: {  	v57 =	vld.idx.msk [tilespmem:v48+s16+$0x0], $0xffff  }
0x16f: {  	v58 =	vmul.f32 v51, v47;
	v59 =	vld.idx.msk [tilespmem:v52+s15+$0x0], $0xffff;
	v38 =	vmul.f32 v38, v27;
	v36 =	vadd.f32 v39, v36  }
0x170: {  	v43 =	vld.idx.msk [tilespmem:v54+s16+$0x0], $0xffff  }
0x171: {  	v60 =	vmul.f32 v58, v28;
	v35 =	vld.idx.msk [tilespmem:v35+s15+$0x0], $0xffff;
	v37 =	vmul.f32 v55, v53;
	v36 =	vadd.f32 v38, v36  }
0x172: {  	v34 =	vld.idx.msk [tilespmem:v34+s16+$0x0], $0xffff  }
0x173: {  	v61 =	vmul.f32 v57, v56;
	v37 =	vmul.f32 v37, v29;
	v36 =	vadd.f32 v60, v36;
	_ =	sdelay $0x1  }
0x174: {  	v62 =	vmul.f32 v43, v59;
	v38 =	vmul.f32 v61, v30;
	v36 =	vadd.f32 v37, v36;
	_ =	sdelay $0x1  }
0x175: {  	v34 =	vmul.f32 v34, v35;
	v37 =	vmul.f32 v62, v31;
	v36 =	vadd.f32 v38, v36;
	_ =	sdelay $0x1  }
0x176: {  	v34 =	vmul.f32 v34, v32;
	v63 =	vadd.f32 v37, v36  }
0x177: {  	s23 =	sadd.s32 $0x1, s23  }
0x178: {  	p0 =	sne.s32 s23, $0x20;
	v34 =	vadd.f32 v34, v63  }
.Ltmp4:
0x179: {  	_ = 	snop;
	(pc) =	sbr.rel @!p0 .LBB2_7-.Ltmp4, $3  }
0x17a: {  	v34 =	vadd.f32 v34, v33;
	_ =	sdelay $0x1  }
0x17b: {  	s24 =	sadd.s32 $0x10, s24;
	s25 =	sadd.s32 $0x10, s25;
	v34 =	vmax.f32 v34, $0.0e+00  }
0x17c: {  	s26 =	sadd.s32 $0x10, s26;
	s28 =	sadd.s32 $0x10, s28;
	[tilespmem:s29+$0x0] =	vst v34;
	s29 =	sadd.s32 $0x10, s29  }
.LBB2_4:
0x17d: {  	p0 =	sgt.u32 s23, $0x1D  }
.Ltmp5:
0x17e: {  	_ = 	snop;
	(pc) =	sbr.rel @p0 .LBB2_6-.Ltmp5, $1  }
0x17f: {  	_ =	sdelay $0x3  }
0x180: {  	v34 =	vld [tilespmem:s24+$0x0];
	_ =	sdelay $0x3  }
0x181: {  	v36 =	vld [tilespmem:s25+$0x0]  }
0x182: {  	v34 =	vshrl.u32 v34, $0x3  }
0x183: {  	v35 =	vshll.u32 v34, $0x7  }
0x184: {  	(v2sf) =	vpush v35, $0x0;
	_ =	sdelay $0x1  }
0x185: {  	v63 =	vshrl.u32 v36, $0x3  }
0x186: {  	v34 =	vshll.u32 v63, $0x7  }
0x187: {  	(v2sf) =	vpush v34, $0x0;
	_ =	sdelay $0x2  }
0x188: {  	s30 =	sadd.s32 $0x2, s23  }
0x189: {  	s31 =	smul.u32 $0xAB, s30;
	(v2sf) =	vpush v35, $0x1;
	_ =	sdelay $0x1  }
0x18a: {  	s31 =	sshrl.u32 s31, $0x9  }
0x18b: {  	s31 =	sand.u32 $0x7F, s31  }
0x18c: {  	s31 =	smul.u32 $0x3, s31;
	(v2sf) =	vpush v34, $0x1;
	_ =	sdelay $0x1  }
0x18d: {  	s30 =	ssub.s32 s30, s31  }
0x18e: {  	s30 =	sand.u32 $0xFF, s30;
	s0 =	spop (v2sf)  }
0x18f: {  	s30 =	sshll.u32 s30, $0xE;
	(v2sf) =	vpush v35, $0x2;
	s31 =	sand.u32 $0x1FFFFF80, s0  }
0x190: {  	s0 =	sor.u32 $0x800, s30;
	s31 =	sadd.s32 s4, s31  }
0x191: {  	[tilespmem:s0], [sflag:$0x1] =	stream.linear.gather [hbm4b:s31+s2], $0x400, $0x38;
	[tilespmem:$0x18B00] =	vst v63  }
0x192: {  	s31 =	spop (v2sf)  }
0x193: {  	(v2sf) =	vpush v34, $0x2;
	s0 =	sand.u32 $0x1FFFFF80, s31  }
0x194: {  	s31 =	sadd.s32 $0xC800, s30;
	s0 =	sadd.s32 s5, s0  }
0x195: {  	[tilespmem:s31], [sflag:$0x2] =	stream.linear.gather [hbm4b:s0+s2], $0x400, $0x38;
	[tilespmem:$0x18B00] =	vst v63  }
0x196: {  	s31 =	spop (v2sf)  }
0x197: {  	(v2sf) =	vpush v35, $0x3;
	s0 =	sand.u32 $0x1FFFFF80, s31  }
0x198: {  	s31 =	sor.u32 $0xC00, s30;
	s0 =	sadd.s32 s4, s0  }
0x199: {  	[tilespmem:s31], [sflag:$0x1] =	stream.linear.gather [hbm4b:s0+s2], $0x400, $0x38;
	[tilespmem:$0x18B00] =	vst v63  }
0x19a: {  	s31 =	spop (v2sf)  }
0x19b: {  	(v2sf) =	vpush v34, $0x3;
	s0 =	sand.u32 $0x1FFFFF80, s31  }
0x19c: {  	s31 =	sadd.s32 $0xCC00, s30;
	s0 =	sadd.s32 s5, s0  }
0x19d: {  	[tilespmem:s31], [sflag:$0x2] =	stream.linear.gather [hbm4b:s0+s2], $0x400, $0x38;
	[tilespmem:$0x18B00] =	vst v63  }
0x19e: {  	s31 =	spop (v2sf)  }
0x19f: {  	(v2sf) =	vpush v35, $0x4;
	s0 =	sand.u32 $0x1FFFFF80, s31  }
0x1a0: {  	s31 =	sor.u32 $0x1000, s30;
	s0 =	sadd.s32 s4, s0  }
0x1a1: {  	[tilespmem:s31], [sflag:$0x1] =	stream.linear.gather [hbm4b:s0+s2], $0x400, $0x38;
	[tilespmem:$0x18B00] =	vst v63  }
0x1a2: {  	s31 =	spop (v2sf)  }
0x1a3: {  	(v2sf) =	vpush v34, $0x4;
	s0 =	sand.u32 $0x1FFFFF80, s31  }
0x1a4: {  	s31 =	sadd.s32 $0xD000, s30;
	s0 =	sadd.s32 s5, s0  }
0x1a5: {  	[tilespmem:s31], [sflag:$0x2] =	stream.linear.gather [hbm4b:s0+s2], $0x400, $0x38;
	[tilespmem:$0x18B00] =	vst v63  }
0x1a6: {  	s31 =	spop (v2sf)  }
0x1a7: {  	(v2sf) =	vpush v35, $0x5;
	s0 =	sand.u32 $0x1FFFFF80, s31  }
0x1a8: {  	s31 =	sor.u32 $0x1400, s30;
	s0 =	sadd.s32 s4, s0  }
0x1a9: {  	[tilespmem:s31], [sflag:$0x1] =	stream.linear.gather [hbm4b:s0+s2], $0x400, $0x38;
	[tilespmem:$0x18B00] =	vst v63  }
0x1aa: {  	s31 =	spop (v2sf)  }
0x1ab: {  	(v2sf) =	vpush v34, $0x5;
	s0 =	sand.u32 $0x1FFFFF80, s31  }
0x1ac: {  	s31 =	sadd.s32 $0xD400, s30;
	s0 =	sadd.s32 s5, s0  }
0x1ad: {  	[tilespmem:s31], [sflag:$0x2] =	stream.linear.gather [hbm4b:s0+s2], $0x400, $0x38;
	[tilespmem:$0x18B00] =	vst v63  }
0x1ae: {  	s31 =	spop (v2sf)  }
0x1af: {  	(v2sf) =	vpush v35, $0x6;
	s0 =	sand.u32 $0x1FFFFF80, s31  }
0x1b0: {  	s31 =	sor.u32 $0x1800, s30;
	s0 =	sadd.s32 s4, s0  }
0x1b1: {  	[tilespmem:s31], [sflag:$0x1] =	stream.linear.gather [hbm4b:s0+s2], $0x400, $0x38;
	[tilespmem:$0x18B00] =	vst v63  }
0x1b2: {  	s31 =	spop (v2sf)  }
0x1b3: {  	(v2sf) =	vpush v34, $0x6;
	s0 =	sand.u32 $0x1FFFFF80, s31  }
0x1b4: {  	s31 =	sadd.s32 $0xD800, s30;
	s0 =	sadd.s32 s5, s0  }
0x1b5: {  	[tilespmem:s31], [sflag:$0x2] =	stream.linear.gather [hbm4b:s0+s2], $0x400, $0x38;
	[tilespmem:$0x18B00] =	vst v63  }
0x1b6: {  	s31 =	spop (v2sf)  }
0x1b7: {  	(v2sf) =	vpush v35, $0x7;
	s0 =	sand.u32 $0x1FFFFF80, s31  }
0x1b8: {  	s31 =	sor.u32 $0x1C00, s30;
	s0 =	sadd.s32 s4, s0  }
0x1b9: {  	[tilespmem:s31], [sflag:$0x1] =	stream.linear.gather [hbm4b:s0+s2], $0x400, $0x38;
	[tilespmem:$0x18B00] =	vst v63  }
0x1ba: {  	s31 =	spop (v2sf)  }
0x1bb: {  	(v2sf) =	vpush v34, $0x7;
	s0 =	sand.u32 $0x1FFFFF80, s31  }
0x1bc: {  	s31 =	sadd.s32 $0xDC00, s30;
	s0 =	sadd.s32 s5, s0  }
0x1bd: {  	[tilespmem:s31], [sflag:$0x2] =	stream.linear.gather [hbm4b:s0+s2], $0x400, $0x38;
	[tilespmem:$0x18B00] =	vst v63  }
0x1be: {  	s31 =	spop (v2sf)  }
0x1bf: {  	(v2sf) =	vpush v35, $0x8;
	s0 =	sand.u32 $0x1FFFFF80, s31  }
0x1c0: {  	s31 =	sor.u32 $0x2000, s30;
	s0 =	sadd.s32 s4, s0  }
0x1c1: {  	[tilespmem:s31], [sflag:$0x1] =	stream.linear.gather [hbm4b:s0+s2], $0x400, $0x38;
	[tilespmem:$0x18B00] =	vst v63  }
0x1c2: {  	s31 =	spop (v2sf)  }
0x1c3: {  	(v2sf) =	vpush v34, $0x8;
	s0 =	sand.u32 $0x1FFFFF80, s31  }
0x1c4: {  	s31 =	sadd.s32 $0xE000, s30;
	s0 =	sadd.s32 s5, s0  }
0x1c5: {  	[tilespmem:s31], [sflag:$0x2] =	stream.linear.gather [hbm4b:s0+s2], $0x400, $0x38;
	[tilespmem:$0x18B00] =	vst v63  }
0x1c6: {  	s31 =	spop (v2sf)  }
0x1c7: {  	(v2sf) =	vpush v35, $0x9;
	s0 =	sand.u32 $0x1FFFFF80, s31  }
0x1c8: {  	s31 =	sor.u32 $0x2400, s30;
	s0 =	sadd.s32 s4, s0  }
0x1c9: {  	[tilespmem:s31], [sflag:$0x1] =	stream.linear.gather [hbm4b:s0+s2], $0x400, $0x38;
	[tilespmem:$0x18B00] =	vst v63  }
0x1ca: {  	s31 =	spop (v2sf)  }
0x1cb: {  	(v2sf) =	vpush v34, $0x9;
	s0 =	sand.u32 $0x1FFFFF80, s31  }
0x1cc: {  	s31 =	sadd.s32 $0xE400, s30;
	s0 =	sadd.s32 s5, s0  }
0x1cd: {  	[tilespmem:s31], [sflag:$0x2] =	stream.linear.gather [hbm4b:s0+s2], $0x400, $0x38;
	[tilespmem:$0x18B00] =	vst v63  }
0x1ce: {  	s31 =	spop (v2sf)  }
0x1cf: {  	(v2sf) =	vpush v35, $0xA;
	s0 =	sand.u32 $0x1FFFFF80, s31  }
0x1d0: {  	s31 =	sor.u32 $0x2800, s30;
	s0 =	sadd.s32 s4, s0  }
0x1d1: {  	[tilespmem:s31], [sflag:$0x1] =	stream.linear.gather [hbm4b:s0+s2], $0x400, $0x38;
	[tilespmem:$0x18B00] =	vst v63  }
0x1d2: {  	s31 =	spop (v2sf)  }
0x1d3: {  	(v2sf) =	vpush v34, $0xA;
	s0 =	sand.u32 $0x1FFFFF80, s31  }
0x1d4: {  	s31 =	sadd.s32 $0xE800, s30;
	s0 =	sadd.s32 s5, s0  }
0x1d5: {  	[tilespmem:s31], [sflag:$0x2] =	stream.linear.gather [hbm4b:s0+s2], $0x400, $0x38;
	[tilespmem:$0x18B00] =	vst v63  }
0x1d6: {  	s31 =	spop (v2sf)  }
0x1d7: {  	(v2sf) =	vpush v35, $0xB;
	s0 =	sand.u32 $0x1FFFFF80, s31  }
0x1d8: {  	s31 =	sor.u32 $0x2C00, s30;
	s0 =	sadd.s32 s4, s0  }
0x1d9: {  	[tilespmem:s31], [sflag:$0x1] =	stream.linear.gather [hbm4b:s0+s2], $0x400, $0x38;
	[tilespmem:$0x18B00] =	vst v63  }
0x1da: {  	s31 =	spop (v2sf)  }
0x1db: {  	(v2sf) =	vpush v34, $0xB;
	s0 =	sand.u32 $0x1FFFFF80, s31  }
0x1dc: {  	s31 =	sadd.s32 $0xEC00, s30;
	s0 =	sadd.s32 s5, s0  }
0x1dd: {  	[tilespmem:s31], [sflag:$0x2] =	stream.linear.gather [hbm4b:s0+s2], $0x400, $0x38;
	[tilespmem:$0x18B00] =	vst v63  }
0x1de: {  	s31 =	spop (v2sf)  }
0x1df: {  	(v2sf) =	vpush v35, $0xC;
	s0 =	sand.u32 $0x1FFFFF80, s31  }
0x1e0: {  	s31 =	sor.u32 $0x3000, s30;
	s0 =	sadd.s32 s4, s0  }
0x1e1: {  	[tilespmem:s31], [sflag:$0x1] =	stream.linear.gather [hbm4b:s0+s2], $0x400, $0x38;
	[tilespmem:$0x18B00] =	vst v63  }
0x1e2: {  	s31 =	spop (v2sf)  }
0x1e3: {  	(v2sf) =	vpush v34, $0xC;
	s0 =	sand.u32 $0x1FFFFF80, s31  }
0x1e4: {  	s31 =	sadd.s32 $0xF000, s30;
	s0 =	sadd.s32 s5, s0  }
0x1e5: {  	[tilespmem:s31], [sflag:$0x2] =	stream.linear.gather [hbm4b:s0+s2], $0x400, $0x38;
	[tilespmem:$0x18B00] =	vst v63  }
0x1e6: {  	s31 =	spop (v2sf)  }
0x1e7: {  	(v2sf) =	vpush v35, $0xD;
	s0 =	sand.u32 $0x1FFFFF80, s31  }
0x1e8: {  	s31 =	sor.u32 $0x3400, s30;
	s0 =	sadd.s32 s4, s0  }
0x1e9: {  	[tilespmem:s31], [sflag:$0x1] =	stream.linear.gather [hbm4b:s0+s2], $0x400, $0x38;
	[tilespmem:$0x18B00] =	vst v63  }
0x1ea: {  	s31 =	spop (v2sf)  }
0x1eb: {  	(v2sf) =	vpush v34, $0xD;
	s0 =	sand.u32 $0x1FFFFF80, s31  }
0x1ec: {  	s31 =	sadd.s32 $0xF400, s30;
	s0 =	sadd.s32 s5, s0  }
0x1ed: {  	[tilespmem:s31], [sflag:$0x2] =	stream.linear.gather [hbm4b:s0+s2], $0x400, $0x38;
	[tilespmem:$0x18B00] =	vst v63  }
0x1ee: {  	s31 =	spop (v2sf)  }
0x1ef: {  	(v2sf) =	vpush v35, $0xE;
	s0 =	sand.u32 $0x1FFFFF80, s31  }
0x1f0: {  	s31 =	sor.u32 $0x3800, s30;
	s0 =	sadd.s32 s4, s0  }
0x1f1: {  	[tilespmem:s31], [sflag:$0x1] =	stream.linear.gather [hbm4b:s0+s2], $0x400, $0x38;
	[tilespmem:$0x18B00] =	vst v63  }
0x1f2: {  	s31 =	spop (v2sf)  }
0x1f3: {  	(v2sf) =	vpush v34, $0xE;
	s0 =	sand.u32 $0x1FFFFF80, s31  }
0x1f4: {  	s31 =	sadd.s32 $0xF800, s30;
	s0 =	sadd.s32 s5, s0  }
0x1f5: {  	[tilespmem:s31], [sflag:$0x2] =	stream.linear.gather [hbm4b:s0+s2], $0x400, $0x38;
	[tilespmem:$0x18B00] =	vst v63  }
0x1f6: {  	s31 =	spop (v2sf)  }
0x1f7: {  	(v2sf) =	vpush v35, $0xF;
	s0 =	sand.u32 $0x1FFFFF80, s31  }
0x1f8: {  	s31 =	sor.u32 $0x3C00, s30;
	s0 =	sadd.s32 s4, s0  }
0x1f9: {  	[tilespmem:s31], [sflag:$0x1] =	stream.linear.gather [hbm4b:s0+s2], $0x400, $0x38;
	[tilespmem:$0x18B00] =	vst v63  }
0x1fa: {  	s31 =	spop (v2sf)  }
0x1fb: {  	s0 =	sand.u32 $0x1FFFFF80, s31  }
0x1fc: {  	(v2sf) =	vpush v34, $0xF;
	s31 =	sadd.s32 $0xFC00, s30;
	s0 =	sadd.s32 s5, s0  }
0x1fd: {  	[tilespmem:s31], [sflag:$0x2] =	stream.linear.gather [hbm4b:s0+s2], $0x400, $0x38;
	[tilespmem:$0x18B00] =	vst v63  }
0x1fe: {  	s31 =	spop (v2sf)  }
0x1ff: {  	s0 =	sand.u32 $0x1FFFFF80, s31  }
0x200: {  	s31 =	sadd.s32 $0x4000, s30;
	s0 =	sadd.s32 s4, s0  }
0x201: {  	[tilespmem:s31], [sflag:$0x1] =	stream.linear.gather [hbm4b:s0+s2], $0x400, $0x38;
	[tilespmem:$0x18B00] =	vst v63  }
0x202: {  	s31 =	spop (v2sf)  }
0x203: {  	s0 =	sand.u32 $0x1FFFFF80, s31  }
0x204: {  	s31 =	sor.u32 $0x10000, s30;
	s0 =	sadd.s32 s5, s0  }
0x205: {  	[tilespmem:s31], [sflag:$0x2] =	stream.linear.gather [hbm4b:s0+s2], $0x400, $0x38;
	[tilespmem:$0x18B00] =	vst v63  }
0x206: {  	s31 =	spop (v2sf)  }
0x207: {  	s0 =	sand.u32 $0x1FFFFF80, s31  }
0x208: {  	s31 =	sadd.s32 $0x4400, s30;
	s0 =	sadd.s32 s4, s0  }
0x209: {  	[tilespmem:s31], [sflag:$0x1] =	stream.linear.gather [hbm4b:s0+s2], $0x400, $0x38;
	[tilespmem:$0x18B00] =	vst v63  }
.Ltmp6:
0x20a: {  	_ = 	snop;
	(pc) =	sbr.rel .LBB2_6-.Ltmp6, $4  }
0x20b: {  	s31 =	spop (v2sf)  }
0x20c: {  	s0 =	sand.u32 $0x1FFFFF80, s31  }
0x20d: {  	s30 =	sor.u32 $0x10400, s30;
	s0 =	sadd.s32 s5, s0  }
0x20e: {  	[tilespmem:s30], [sflag:$0x2] =	stream.linear.gather [hbm4b:s0+s2], $0x400, $0x38;
	[tilespmem:$0x18B00] =	vst v63  }
.LBB2_8:
0x20f: {  	_ =	sfence.sel $0x180000  }
0x210: {  	[bflag:$0x0] =	sbarrier.arrive $0xFFFF  }
0x211: {  	_ =	strace $0x90000047  }
0x212: {  	s0 =	stileid.u32;
	[bflag:$0x2] =	sbarrier.arrive $0xFFFF  }
0x213: {  	p0 =	sne.s32 s0, $0x0;
	s0 =	rddreg [dreg:$0x5]  }
0x214: {  	s0 =	sadd.s32 @!p0 $0x100000, s0  }
0x215: {  	[sflag:s0] =	ssyncadd.tile.s32 @!p0 $0x1;
	_ =	shalt  }
.Lfunc_end2:
_tile_overlayer_lowered:
.L_overlay_start_2:
0x216: {  	(tag) =	ssettag $0x2  }
0x217: {  	s0 =	rddreg [dreg:$0x0];
	s2 =	stileid.u32  }
0x218: {  	s1 =	rddreg [dreg:$0x1];
	p0 =	sne.s32 s2, $0x0  }
0x219: {  	s3 =	rddreg [dreg:$0x2];
	[bflag:$0x3] =	sbarrier.arrive $0xFFFF;
	s2 =	simm.s32 @!p0 $0x1C03  }
0x21a: {  	[timem:s3], [sflag:s2] =	dma.local @!p0 [hbm:s0], s1  }
0x21b: {  	s0 =	simm.s32 @!p0 $0x3  }
0x21c: {  	_ =	swait.ge @!p0 [sflag:s0], s1  }
0x21d: {  	s1 =	ssub.s32 @!p0 $0x0, s1;
	[sflag:s0] =	ssyncset.done @!p0 $0x0  }
0x21e: {  	[sflag:s0] =	ssyncadd.s32 @!p0 s1  }
0x21f: {  	[bflag:$0x3] =	sbarrier.arrive $0xFFFF  }
0x220: {  	_ =	shalt  }

</sc_bundles>
